<compile_context>
chip_gen: v7x
topology: tpu7x:2x2x1
jax: 0.10.2.dev20260603
libtpu: 0.0.44.dev20260713+nightly
codegen_flags: <defaults>
</compile_context>

<pallas_src>
import numpy as np
import jax
import jax.numpy as jnp
from jax import lax
from jax.experimental import pallas as pl
from jax.experimental.pallas import tpu as pltpu
from jax.experimental.pallas import tpu_sc as plsc

B = 8
Y_LEN = 2048
X_LEN = 512
D = 1024
T = 1536
OUT_T = X_LEN + T
NW = 32
TPW = T // NW
LANES = 16


def _sin_pe_np(Tn, d):
    position = np.arange(Tn, dtype=np.float32)[:, None]
    div_term = np.exp(np.arange(0, d, 2, dtype=np.float32) * -(np.log(10000.0) / d))
    pe = np.zeros((Tn, d), dtype=np.float32)
    pe[:, 0::2] = np.sin(position * div_term)
    pe[:, 1::2] = np.cos(position * div_term)
    return pe


_PE = _sin_pe_np(T, D)


CH = 24
GPB = TPW // CH


RING = 3


def _sc_body(y_hbm, x_hbm, pe_hbm, table_hbm, alpha_hbm, out_hbm,
             idx_v, pe_v, buf0, buf1, buf2, alpha_v,
             sem_i0, sem_i1, sem_i2,
             sem_o0, sem_o1, sem_o2):
    c = lax.axis_index("c")
    s = lax.axis_index("s")
    w = s * 2 + c
    t0 = w * TPW
    xb = w // 4
    xr = (w % 4) * 128


    chunks = []
    xoffs = [(i * CH, CH) for i in range(128 // CH)] + [(120, 8)]
    for b in range(B):
        chunks.append(("g", b, 0, CH))
        if b < len(xoffs):
            xo, xrows = xoffs[b]
            chunks.append(("x", xo, 0, xrows))
        chunks.append(("g", b, 1, CH))
    N = len(chunks)

    bufs = (buf0, buf1, buf2)
    si = (sem_i0, sem_i1, sem_i2)
    so = (sem_o0, sem_o1, sem_o2)

    def start_in(k):
        kind, b, h, rows = chunks[k]
        if kind == "g":
            src = table_hbm.at[idx_v.at[b, pl.ds(h * CH, CH)]]
        else:
            src = x_hbm.at[xb, pl.ds(xr + b, rows)]
        return pltpu.async_copy(src, bufs[k % RING].at[pl.ds(0, rows)],
                                si[k % RING])

    def start_out(k):
        kind, b, h, rows = chunks[k]
        if kind == "g":
            dst = out_hbm.at[b, pl.ds(X_LEN + t0 + h * CH, CH)]
        else:
            dst = out_hbm.at[xb, pl.ds(xr + b, rows)]
        return pltpu.async_copy(bufs[k % RING].at[pl.ds(0, rows)], dst,
                                so[k % RING])

    pltpu.sync_copy(y_hbm.at[w], idx_v)
    ins = {}
    outs = {}
    for k in range(RING - 1):
        ins[k] = start_in(k)

    pltpu.sync_copy(alpha_hbm, alpha_v)
    pltpu.sync_copy(pe_hbm.at[pl.ds(t0, TPW)], pe_v)
    alpha_vec = alpha_v[...]

    def scale_row(r, _):
        def _scale(cc):
            sl = pl.ds(cc * LANES, LANES)
            pe_v[r, sl] = alpha_vec * pe_v[r, sl]
        plsc.parallel_loop(0, D // LANES, unroll=8)(_scale)
        return 0

    lax.fori_loop(0, TPW, scale_row, 0)

    for k in range(N):
        kind, b, h, rows = chunks[k]
        if k + RING - 1 < N:
            if k - 1 >= 0:
                outs[k - 1].wait()
            ins[k + RING - 1] = start_in(k + RING - 1)
        ins[k].wait()
        if kind == "g":
            buf = bufs[k % RING]

            def row_body(r, _, buf=buf, h=h):
                def _add(cc, buf=buf, h=h, r=r):
                    sl = pl.ds(cc * LANES, LANES)
                    plsc.addupdate(buf.at[r, sl], pe_v[h * CH + r, sl])
                plsc.parallel_loop(0, D // LANES, unroll=8)(_add)
                return 0

            lax.fori_loop(0, CH, row_body, 0)
        outs[k] = start_out(k)

    for k in range(N - RING, N):
        outs[k].wait()


def kernel(y, x, prefix_len, idx, emb_table, alpha):
    start = (jnp.asarray(prefix_len, dtype=jnp.int32)
             + jnp.asarray(idx, dtype=jnp.int32)) - T
    y_sl = lax.dynamic_slice(y, (jnp.zeros((), dtype=jnp.int32), start), (B, T))
    y_w = jnp.transpose(y_sl.reshape(B, NW, TPW), (1, 0, 2))
    pe = jnp.asarray(_PE)
    alpha16 = jnp.broadcast_to(jnp.asarray(alpha, dtype=jnp.float32).reshape(()),
                               (LANES,))

    mesh = plsc.VectorSubcoreMesh(core_axis_name="c", subcore_axis_name="s")
    run = pl.kernel(
        _sc_body,
        mesh=mesh,
        out_type=jax.ShapeDtypeStruct((B, OUT_T, D), jnp.float32),
        scratch_types=[
            pltpu.VMEM((B, TPW), jnp.int32),
            pltpu.VMEM((TPW, D), jnp.float32),
            pltpu.VMEM((CH, D), jnp.float32),
            pltpu.VMEM((CH, D), jnp.float32),
            pltpu.VMEM((CH, D), jnp.float32),
            pltpu.VMEM((LANES,), jnp.float32),
        ] + [pltpu.SemaphoreType.DMA] * 6,
    )
    return run(y_w, x, pe, emb_table, alpha16)

# --- scband reference (transcript-rebuilt; emitter-appended) ---
"""Pipeline reference for scband-embedding-71966472012564 (READ-ONLY COPY).

The authoritative reference and input builder live on the scoring server;
editing this copy changes nothing except your own understanding.
"""

import jax, jax.numpy as jnp
import numpy as np

B = 8
Y_LEN = 2048
X_LEN = 512
D_MODEL = 1024
VOCAB = 1025


def _sin_pe(T, d):
    position = np.arange(T, dtype=np.float32)[:, None]
    div_term = np.exp(np.arange(0, d, 2, dtype=np.float32) * -(np.log(10000.0) / d))
    pe = np.zeros((T, d), dtype=np.float32)
    pe[:, 0::2] = np.sin(position * div_term)
    pe[:, 1::2] = np.cos(position * div_term)
    return jnp.asarray(pe)


def setup_inputs(seed: int = 0) -> dict:
    key = jax.random.key(seed)
    k1, k2, k3 = jax.random.split(key, 3)
    y = jax.random.randint(k1, (B, Y_LEN), 0, VOCAB, dtype=jnp.int32)
    x = jax.random.normal(k2, (B, X_LEN, D_MODEL), dtype=jnp.float32)
    emb_table = jax.random.normal(k3, (VOCAB, D_MODEL), dtype=jnp.float32) * 0.02
    alpha = jnp.ones((), dtype=jnp.float32)  # learnable scale of SinePositionalEmbedding
    return {"y": y, "x": x, "prefix_len": 512, "idx": 1024, "emb_table": emb_table, "alpha": alpha}


def reference(y, x, prefix_len, idx, emb_table, alpha):
    # y_emb = ar_audio_embedding(y[:, :idx + prefix_len])
    T = 512 + 1024
    start = (jnp.asarray(prefix_len, dtype=jnp.int32) + jnp.asarray(idx, dtype=jnp.int32)) - T
    y_sl = jax.lax.dynamic_slice(y, (jnp.zeros((), dtype=jnp.int32), start), (B, T))
    y_emb = jnp.take(emb_table, y_sl, axis=0)  # [B, T, D]
    # y_pos = ar_audio_position(y_emb): x * x_scale + alpha * pe ; scale=False -> x_scale=1
    pe = _sin_pe(T, D_MODEL)
    y_pos = y_emb + alpha * pe[None, :, :]
    # xy_pos = concat([x, y_pos], dim=1)
    xy_pos = jnp.concatenate([x, y_pos], axis=1)
    return xy_pos

if __name__ == "__main__":
    import jax
    _d = setup_inputs()
    print(jax.jit(kernel)(*tuple(_d.values())))

</pallas_src>

<mosaic_0001>
#map = affine_map<(d0, d1) -> (0, 0, 0)>
#map1 = affine_map<(d0, d1) -> (0, 0)>
#map2 = affine_map<(d0, d1) -> (0)>
module attributes {stable_mosaic.version = 14 : i64} {
  func.func @_sc_body(%arg0: i32, %arg1: i32, %arg2: memref<32x8x48xi32, #tpu.memory_space<hbm>>, %arg3: memref<8x512x1024xf32, #tpu.memory_space<hbm>>, %arg4: memref<1536x1024xf32, #tpu.memory_space<hbm>>, %arg5: memref<1025x1024xf32, #tpu.memory_space<hbm>>, %arg6: memref<16xf32, #tpu.memory_space<hbm>>, %arg7: memref<8x2048x1024xf32, #tpu.memory_space<hbm>>, %arg8: memref<8x48xi32, #tpu.memory_space<vmem>>, %arg9: memref<48x1024xf32, #tpu.memory_space<vmem>>, %arg10: memref<24x1024xf32, #tpu.memory_space<vmem>>, %arg11: memref<24x1024xf32, #tpu.memory_space<vmem>>, %arg12: memref<24x1024xf32, #tpu.memory_space<vmem>>, %arg13: memref<16xf32, #tpu.memory_space<vmem>>, %arg14: memref<!tpu.dma_semaphore, #tpu.memory_space<semaphore_mem>>, %arg15: memref<!tpu.dma_semaphore, #tpu.memory_space<semaphore_mem>>, %arg16: memref<!tpu.dma_semaphore, #tpu.memory_space<semaphore_mem>>, %arg17: memref<!tpu.dma_semaphore, #tpu.memory_space<semaphore_mem>>, %arg18: memref<!tpu.dma_semaphore, #tpu.memory_space<semaphore_mem>>, %arg19: memref<!tpu.dma_semaphore, #tpu.memory_space<semaphore_mem>>) attributes {dimension_semantics = [#tpu.dimension_semantics<core_parallel>, #tpu.dimension_semantics<subcore_parallel>], iteration_bounds = array<i64: 2, 16>, scalar_prefetch = 0 : i64, scratch_operands = 12 : i64, tpu.core_type = #tpu.core_type<sc_vector_subcore>, window_params = [{transform_indices = #map}, {transform_indices = #map}, {transform_indices = #map1}, {transform_indices = #map1}, {transform_indices = #map2}, {transform_indices = #map}]} {
    %mul3A = arith.constant 2 : i32
    %mul3A_0 = arith.muli %arg1, %mul3A : i32
    %add3A = arith.addi %mul3A_0, %arg0 : i32
    %mul3A_1 = arith.constant 48 : i32
    %mul3A_2 = arith.muli %add3A, %mul3A_1 : i32
    %jit3A = arith.constant 4 : i32
    %div3A = arith.divsi %add3A, %jit3A : i32
    %sign3A = arith.constant 0 : i32
    %sign3A_3 = arith.cmpi sgt, %add3A, %sign3A : i32
    %sign3A_4 = arith.extui %sign3A_3 : i1 to i32
    %sign3A_5 = arith.constant 0 : i32
    %sign3A_6 = arith.cmpi slt, %add3A, %sign3A_5 : i32
    %sign3A_7 = arith.extui %sign3A_6 : i1 to i32
    %sign3A_8 = arith.subi %sign3A_4, %sign3A_7 : i32
    %sign3A_9 = arith.constant 0 : i32
    %sign3A_10 = arith.cmpi sgt, %jit3A, %sign3A_9 : i32
    %sign3A_11 = arith.extui %sign3A_10 : i1 to i32
    %sign3A_12 = arith.constant 0 : i32
    %sign3A_13 = arith.cmpi slt, %jit3A, %sign3A_12 : i32
    %sign3A_14 = arith.extui %sign3A_13 : i1 to i32
    %sign3A_15 = arith.subi %sign3A_11, %sign3A_14 : i32
    %ne3A = arith.cmpi ne, %sign3A_8, %sign3A_15 : i32
    %rem3A = arith.remsi %add3A, %jit3A : i32
    %ne3A_16 = arith.constant 0 : i32
    %ne3A_17 = arith.cmpi ne, %rem3A, %ne3A_16 : i32
    %and3A = arith.andi %ne3A, %ne3A_17 : i1
    %sub3A = arith.constant 1 : i32
    %sub3A_18 = arith.subi %div3A, %sub3A : i32
    %select_n3A = arith.select %and3A, %sub3A_18, %div3A : i32
    %jit3A_19 = arith.constant 4 : i32
    %eq3A = arith.constant 0 : i32
    %eq3A_20 = arith.cmpi eq, %jit3A_19, %eq3A : i32
    %jit3A_21 = arith.constant 1 : i32
    %select_n3A_22 = arith.select %eq3A_20, %jit3A_21, %jit3A_19 : i32
    %rem3A_23 = arith.remsi %add3A, %select_n3A_22 : i32
    %ne3A_24 = arith.constant 0 : i32
    %ne3A_25 = arith.cmpi ne, %rem3A_23, %ne3A_24 : i32
    %lt3A = arith.constant 0 : i32
    %lt3A_26 = arith.cmpi slt, %rem3A_23, %lt3A : i32
    %lt3A_27 = arith.constant 0 : i32
    %lt3A_28 = arith.cmpi slt, %select_n3A_22, %lt3A_27 : i32
    %ne3A_29 = arith.xori %lt3A_26, %lt3A_28 : i1
    %and3A_30 = arith.andi %ne3A_29, %ne3A_25 : i1
    %add3A_31 = arith.addi %rem3A_23, %select_n3A_22 : i32
    %select_n3A_32 = arith.select %and3A_30, %add3A_31, %rem3A_23 : i32
    %mul3A_33 = arith.constant 128 : i32
    %mul3A_34 = arith.muli %select_n3A_32, %mul3A_33 : i32
    "tpu.region"() ({
      %run_scoped3A = tpu.sem_alloc : memref<!tpu.dma_semaphore, #tpu.memory_space<semaphore_mem>>
      %dma_start3A_1265 = arith.constant 0 : i32
      %dma_start3A_1266 = arith.constant 0 : i32
      %dma_start3A_1267 = tpu.memref_slice %arg2[%add3A, %dma_start3A_1265, %dma_start3A_1266] : memref<32x8x48xi32, #tpu.memory_space<hbm>> -> memref<1x8x48xi32, #tpu.memory_space<hbm>>
      %dma_start3A_1268 = tpu.memref_squeeze %dma_start3A_1267 : memref<1x8x48xi32, #tpu.memory_space<hbm>> -> memref<8x48xi32, #tpu.memory_space<hbm>>
      %dma_start3A_1269 = arith.constant 0 : i32
      %dma_start3A_1270 = arith.constant 0 : i32
      %dma_start3A_1271 = tpu.memref_slice %arg2[%add3A, %dma_start3A_1269, %dma_start3A_1270] : memref<32x8x48xi32, #tpu.memory_space<hbm>> -> memref<1x8x48xi32, #tpu.memory_space<hbm>>
      %dma_start3A_1272 = tpu.memref_squeeze %dma_start3A_1271 : memref<1x8x48xi32, #tpu.memory_space<hbm>> -> memref<8x48xi32, #tpu.memory_space<hbm>>
      tpu.enqueue_dma source(%dma_start3A_1272 : memref<8x48xi32, #tpu.memory_space<hbm>>) target(%arg8 : memref<8x48xi32, #tpu.memory_space<vmem>>) target_semaphore(%run_scoped3A : memref<!tpu.dma_semaphore, #tpu.memory_space<semaphore_mem>>)
      %dma_wait3A_1273 = arith.constant 0 : i32
      %dma_wait3A_1274 = arith.constant 0 : i32
      %dma_wait3A_1275 = tpu.memref_slice %arg2[%add3A, %dma_wait3A_1273, %dma_wait3A_1274] : memref<32x8x48xi32, #tpu.memory_space<hbm>> -> memref<1x8x48xi32, #tpu.memory_space<hbm>>
      %dma_wait3A_1276 = tpu.memref_squeeze %dma_wait3A_1275 : memref<1x8x48xi32, #tpu.memory_space<hbm>> -> memref<8x48xi32, #tpu.memory_space<hbm>>
      %dma_wait3A_1277 = arith.constant 0 : i32
      %dma_wait3A_1278 = arith.constant 0 : i32
      %dma_wait3A_1279 = tpu.memref_slice %arg2[%add3A, %dma_wait3A_1277, %dma_wait3A_1278] : memref<32x8x48xi32, #tpu.memory_space<hbm>> -> memref<1x8x48xi32, #tpu.memory_space<hbm>>
      %dma_wait3A_1280 = tpu.memref_squeeze %dma_wait3A_1279 : memref<1x8x48xi32, #tpu.memory_space<hbm>> -> memref<8x48xi32, #tpu.memory_space<hbm>>
      tpu.wait_dma2 semaphore(%run_scoped3A : memref<!tpu.dma_semaphore, #tpu.memory_space<semaphore_mem>>) src(%dma_wait3A_1280 : memref<8x48xi32, #tpu.memory_space<hbm>>) dst(%arg8 : memref<8x48xi32, #tpu.memory_space<vmem>>)
      tpu.yield
    }) : () -> ()
    %dma_start3A = arith.constant 0 : i32
    %dma_start3A_35 = arith.constant 0 : i32
    %dma_start3A_36 = arith.constant 0 : i32
    %dma_start3A_37 = tpu.memref_slice %arg10[%dma_start3A_35, %dma_start3A_36] : memref<24x1024xf32, #tpu.memory_space<vmem>> -> memref<24x1024xf32, #tpu.memory_space<vmem>>
    %dma_start3A_38 = arith.constant 0 : i32
    %dma_start3A_39 = tpu.memref_slice %arg8[%dma_start3A, %dma_start3A_38] : memref<8x48xi32, #tpu.memory_space<vmem>> -> memref<1x24xi32, #tpu.memory_space<vmem>>
    %dma_start3A_40 = tpu.memref_squeeze %dma_start3A_39 : memref<1x24xi32, #tpu.memory_space<vmem>> -> memref<24xi32, #tpu.memory_space<vmem>>
    %dma_start3A_41 = arith.constant 0 : i32
    %dma_start3A_42 = arith.constant 0 : i32
    %dma_start3A_43 = tpu.memref_slice %arg5[%dma_start3A_41, %dma_start3A_42] : memref<1025x1024xf32, #tpu.memory_space<hbm>> -> memref<1025x1024xf32, #tpu.memory_space<hbm>>
    tpu.enqueue_indirect_dma source(%dma_start3A_43 : memref<1025x1024xf32, #tpu.memory_space<hbm>>) target(%dma_start3A_37 : memref<24x1024xf32, #tpu.memory_space<vmem>>) offsets(%dma_start3A_40 : memref<24xi32, #tpu.memory_space<vmem>>) semaphore(%arg14 : memref<!tpu.dma_semaphore, #tpu.memory_space<semaphore_mem>>)
    %add3A_44 = arith.constant 0 : i32
    %add3A_45 = arith.addi %mul3A_34, %add3A_44 : i32
    %dma_start3A_46 = arith.constant 0 : i32
    %dma_start3A_47 = arith.constant 0 : i32
    %dma_start3A_48 = tpu.memref_slice %arg11[%dma_start3A_46, %dma_start3A_47] : memref<24x1024xf32, #tpu.memory_space<vmem>> -> memref<24x1024xf32, #tpu.memory_space<vmem>>
    %dma_start3A_49 = arith.constant 0 : i32
    %dma_start3A_50 = tpu.memref_slice %arg3[%select_n3A, %add3A_45, %dma_start3A_49] : memref<8x512x1024xf32, #tpu.memory_space<hbm>> -> memref<1x24x1024xf32, #tpu.memory_space<hbm>>
    %dma_start3A_51 = tpu.memref_squeeze %dma_start3A_50 : memref<1x24x1024xf32, #tpu.memory_space<hbm>> -> memref<24x1024xf32, #tpu.memory_space<hbm>>
    %dma_start3A_52 = arith.constant 0 : i32
    %dma_start3A_53 = arith.constant 0 : i32
    %dma_start3A_54 = tpu.memref_slice %arg11[%dma_start3A_52, %dma_start3A_53] : memref<24x1024xf32, #tpu.memory_space<vmem>> -> memref<24x1024xf32, #tpu.memory_space<vmem>>
    %dma_start3A_55 = arith.constant 0 : i32
    %dma_start3A_56 = tpu.memref_slice %arg3[%select_n3A, %add3A_45, %dma_start3A_55] : memref<8x512x1024xf32, #tpu.memory_space<hbm>> -> memref<1x24x1024xf32, #tpu.memory_space<hbm>>
    %dma_start3A_57 = tpu.memref_squeeze %dma_start3A_56 : memref<1x24x1024xf32, #tpu.memory_space<hbm>> -> memref<24x1024xf32, #tpu.memory_space<hbm>>
    tpu.enqueue_dma source(%dma_start3A_57 : memref<24x1024xf32, #tpu.memory_space<hbm>>) target(%dma_start3A_54 : memref<24x1024xf32, #tpu.memory_space<vmem>>) target_semaphore(%arg15 : memref<!tpu.dma_semaphore, #tpu.memory_space<semaphore_mem>>)
    "tpu.region"() ({
      %run_scoped3A = tpu.sem_alloc : memref<!tpu.dma_semaphore, #tpu.memory_space<semaphore_mem>>
      tpu.enqueue_dma source(%arg6 : memref<16xf32, #tpu.memory_space<hbm>>) target(%arg13 : memref<16xf32, #tpu.memory_space<vmem>>) target_semaphore(%run_scoped3A : memref<!tpu.dma_semaphore, #tpu.memory_space<semaphore_mem>>)
      tpu.wait_dma2 semaphore(%run_scoped3A : memref<!tpu.dma_semaphore, #tpu.memory_space<semaphore_mem>>) src(%arg6 : memref<16xf32, #tpu.memory_space<hbm>>) dst(%arg13 : memref<16xf32, #tpu.memory_space<vmem>>)
      tpu.yield
    }) : () -> ()
    "tpu.region"() ({
      %run_scoped3A = tpu.sem_alloc : memref<!tpu.dma_semaphore, #tpu.memory_space<semaphore_mem>>
      %dma_start3A_1265 = arith.constant 0 : i32
      %dma_start3A_1266 = tpu.memref_slice %arg4[%mul3A_2, %dma_start3A_1265] : memref<1536x1024xf32, #tpu.memory_space<hbm>> -> memref<48x1024xf32, #tpu.memory_space<hbm>>
      %dma_start3A_1267 = arith.constant 0 : i32
      %dma_start3A_1268 = tpu.memref_slice %arg4[%mul3A_2, %dma_start3A_1267] : memref<1536x1024xf32, #tpu.memory_space<hbm>> -> memref<48x1024xf32, #tpu.memory_space<hbm>>
      tpu.enqueue_dma source(%dma_start3A_1268 : memref<48x1024xf32, #tpu.memory_space<hbm>>) target(%arg9 : memref<48x1024xf32, #tpu.memory_space<vmem>>) target_semaphore(%run_scoped3A : memref<!tpu.dma_semaphore, #tpu.memory_space<semaphore_mem>>)
      %dma_wait3A_1269 = arith.constant 0 : i32
      %dma_wait3A_1270 = tpu.memref_slice %arg4[%mul3A_2, %dma_wait3A_1269] : memref<1536x1024xf32, #tpu.memory_space<hbm>> -> memref<48x1024xf32, #tpu.memory_space<hbm>>
      %dma_wait3A_1271 = arith.constant 0 : i32
      %dma_wait3A_1272 = tpu.memref_slice %arg4[%mul3A_2, %dma_wait3A_1271] : memref<1536x1024xf32, #tpu.memory_space<hbm>> -> memref<48x1024xf32, #tpu.memory_space<hbm>>
      tpu.wait_dma2 semaphore(%run_scoped3A : memref<!tpu.dma_semaphore, #tpu.memory_space<semaphore_mem>>) src(%dma_wait3A_1272 : memref<48x1024xf32, #tpu.memory_space<hbm>>) dst(%arg9 : memref<48x1024xf32, #tpu.memory_space<vmem>>)
      tpu.yield
    }) : () -> ()
    %get3A = arith.constant 0 : index
    %get3A_58 = tpu.vector_load %arg13[%get3A] {strides = array<i32>} : memref<16xf32, #tpu.memory_space<vmem>>, vector<16xf32>,
    %get3A_59 = vector.shape_cast %get3A_58 : vector<16xf32> to vector<16xf32>
    %scan3A = arith.constant 0 : i32
    %scan3A_60 = arith.constant 0 : i32
    %scan3A_61 = arith.constant 48 : i32
    %scan3A_62 = arith.addi %scan3A_60, %scan3A_61 : i32
    %scan3A_63 = arith.constant 1 : i32
    %scan3A_64 = scf.for %scan3A_1265 = %scan3A_60 to %scan3A_62 step %scan3A_63 iter_args(%scan3A_1266 = %scan3A) -> (i32)  : i32 {
      %parallel_loop3A = arith.constant 0 : i32
      %parallel_loop3A_1267 = arith.constant 64 : i32
      %parallel_loop3A_1268 = arith.constant 1 : i32
      scf.for %parallel_loop3A_1270 = %parallel_loop3A to %parallel_loop3A_1267 step %parallel_loop3A_1268  : i32 {
        %parallel_loop3A_1271 = arith.constant 16 : i32
        %parallel_loop3A_1272 = arith.muli %parallel_loop3A_1270, %parallel_loop3A_1271 : i32
        %parallel_loop3A_1273 = arith.index_cast %scan3A_1265 : i32 to index
        %parallel_loop3A_1274 = arith.index_cast %parallel_loop3A_1272 : i32 to index
        %parallel_loop3A_1275 = tpu.vector_load %arg9[%parallel_loop3A_1273, %parallel_loop3A_1274] {strides = array<i32>} : memref<48x1024xf32, #tpu.memory_space<vmem>>, vector<1x16xf32>,
        %parallel_loop3A_1276 = vector.shape_cast %parallel_loop3A_1275 : vector<1x16xf32> to vector<16xf32>
        %parallel_loop3A_1277 = arith.mulf %get3A_59, %parallel_loop3A_1276 : vector<16xf32>
        %parallel_loop3A_1278 = arith.index_cast %scan3A_1265 : i32 to index
        %parallel_loop3A_1279 = arith.index_cast %parallel_loop3A_1272 : i32 to index
        %parallel_loop3A_1280 = tpu.vector_load %arg9[%parallel_loop3A_1278, %parallel_loop3A_1279] {strides = array<i32>} : memref<48x1024xf32, #tpu.memory_space<vmem>>, vector<1x16xf32>,
        %parallel_loop3A_1281 = vector.shape_cast %parallel_loop3A_1280 : vector<1x16xf32> to vector<16xf32>
        %parallel_loop3A_1282 = vector.shape_cast %parallel_loop3A_1277 : vector<16xf32> to vector<1x16xf32>
        tpu.vector_store %arg9[%parallel_loop3A_1278, %parallel_loop3A_1279], %parallel_loop3A_1282 {strides = array<i32>} : memref<48x1024xf32, #tpu.memory_space<vmem>>, vector<1x16xf32>,
      } {sc.loop_unroll_factor = 8 : i64, sc.parallel_access}
      %scan3A_1269 = arith.constant 0 : i32
      scf.yield %scan3A_1269 : i32
    }
    %scan3A_65 = arith.constant 48 : i32
    %dma_start3A_66 = arith.constant 0 : i32
    %dma_start3A_67 = arith.constant 0 : i32
    %dma_start3A_68 = arith.constant 0 : i32
    %dma_start3A_69 = tpu.memref_slice %arg12[%dma_start3A_67, %dma_start3A_68] : memref<24x1024xf32, #tpu.memory_space<vmem>> -> memref<24x1024xf32, #tpu.memory_space<vmem>>
    %dma_start3A_70 = arith.constant 24 : i32
    %dma_start3A_71 = tpu.memref_slice %arg8[%dma_start3A_66, %dma_start3A_70] : memref<8x48xi32, #tpu.memory_space<vmem>> -> memref<1x24xi32, #tpu.memory_space<vmem>>
    %dma_start3A_72 = tpu.memref_squeeze %dma_start3A_71 : memref<1x24xi32, #tpu.memory_space<vmem>> -> memref<24xi32, #tpu.memory_space<vmem>>
    %dma_start3A_73 = arith.constant 0 : i32
    %dma_start3A_74 = arith.constant 0 : i32
    %dma_start3A_75 = tpu.memref_slice %arg5[%dma_start3A_73, %dma_start3A_74] : memref<1025x1024xf32, #tpu.memory_space<hbm>> -> memref<1025x1024xf32, #tpu.memory_space<hbm>>
    tpu.enqueue_indirect_dma source(%dma_start3A_75 : memref<1025x1024xf32, #tpu.memory_space<hbm>>) target(%dma_start3A_69 : memref<24x1024xf32, #tpu.memory_space<vmem>>) offsets(%dma_start3A_72 : memref<24xi32, #tpu.memory_space<vmem>>) semaphore(%arg16 : memref<!tpu.dma_semaphore, #tpu.memory_space<semaphore_mem>>)
    %dma_wait3A = arith.constant 0 : i32
    %dma_wait3A_76 = arith.constant 0 : i32
    %dma_wait3A_77 = arith.constant 0 : i32
    %dma_wait3A_78 = tpu.memref_slice %arg10[%dma_wait3A_76, %dma_wait3A_77] : memref<24x1024xf32, #tpu.memory_space<vmem>> -> memref<24x1024xf32, #tpu.memory_space<vmem>>
    %dma_wait3A_79 = arith.constant 0 : i32
    %dma_wait3A_80 = tpu.memref_slice %arg8[%dma_wait3A, %dma_wait3A_79] : memref<8x48xi32, #tpu.memory_space<vmem>> -> memref<1x24xi32, #tpu.memory_space<vmem>>
    %dma_wait3A_81 = tpu.memref_squeeze %dma_wait3A_80 : memref<1x24xi32, #tpu.memory_space<vmem>> -> memref<24xi32, #tpu.memory_space<vmem>>
    %dma_wait3A_82 = arith.constant 0 : i32
    %dma_wait3A_83 = arith.constant 0 : i32
    %dma_wait3A_84 = tpu.memref_slice %arg5[%dma_wait3A_82, %dma_wait3A_83] : memref<1025x1024xf32, #tpu.memory_space<hbm>> -> memref<1025x1024xf32, #tpu.memory_space<hbm>>
    tpu.wait_indirect_dma semaphore(%arg14 : memref<!tpu.dma_semaphore, #tpu.memory_space<semaphore_mem>>) src(%dma_wait3A_84 : memref<1025x1024xf32, #tpu.memory_space<hbm>>) dst(%dma_wait3A_78 : memref<24x1024xf32, #tpu.memory_space<vmem>>)
    %scan3A_85 = arith.constant 0 : i32
    %scan3A_86 = arith.constant 0 : i32
    %scan3A_87 = arith.constant 24 : i32
    %scan3A_88 = arith.addi %scan3A_86, %scan3A_87 : i32
    %scan3A_89 = arith.constant 1 : i32
    %scan3A_90 = scf.for %scan3A_1265 = %scan3A_86 to %scan3A_88 step %scan3A_89 iter_args(%scan3A_1266 = %scan3A_85) -> (i32)  : i32 {
      %parallel_loop3A = arith.constant 0 : i32
      %parallel_loop3A_1267 = arith.constant 64 : i32
      %parallel_loop3A_1268 = arith.constant 1 : i32
      scf.for %parallel_loop3A_1270 = %parallel_loop3A to %parallel_loop3A_1267 step %parallel_loop3A_1268  : i32 {
        %parallel_loop3A_1271 = arith.constant 16 : i32
        %parallel_loop3A_1272 = arith.muli %parallel_loop3A_1270, %parallel_loop3A_1271 : i32
        %parallel_loop3A_1273 = arith.constant 0 : i32
        %parallel_loop3A_1274 = arith.addi %parallel_loop3A_1273, %scan3A_1265 : i32
        %parallel_loop3A_1275 = arith.index_cast %parallel_loop3A_1274 : i32 to index
        %parallel_loop3A_1276 = arith.index_cast %parallel_loop3A_1272 : i32 to index
        %parallel_loop3A_1277 = tpu.vector_load %arg9[%parallel_loop3A_1275, %parallel_loop3A_1276] {strides = array<i32>} : memref<48x1024xf32, #tpu.memory_space<vmem>>, vector<1x16xf32>,
        %parallel_loop3A_1278 = vector.shape_cast %parallel_loop3A_1277 : vector<1x16xf32> to vector<16xf32>
        %parallel_loop3A_1279 = arith.index_cast %scan3A_1265 : i32 to index
        %parallel_loop3A_1280 = arith.index_cast %parallel_loop3A_1272 : i32 to index
        %parallel_loop3A_1281 = tpu.vector_load %arg10[%parallel_loop3A_1279, %parallel_loop3A_1280] {strides = array<i32>} : memref<24x1024xf32, #tpu.memory_space<vmem>>, vector<1x16xf32>,
        %parallel_loop3A_1282 = vector.shape_cast %parallel_loop3A_1281 : vector<1x16xf32> to vector<16xf32>
        %parallel_loop3A_1283 = vector.shape_cast %parallel_loop3A_1278 : vector<16xf32> to vector<1x16xf32>
        tpu.vector_store %arg10[%parallel_loop3A_1279, %parallel_loop3A_1280], %parallel_loop3A_1283 {add = true, strides = array<i32>} : memref<24x1024xf32, #tpu.memory_space<vmem>>, vector<1x16xf32>,
      } {sc.loop_unroll_factor = 8 : i64, sc.parallel_access}
      %scan3A_1269 = arith.constant 0 : i32
      scf.yield %scan3A_1269 : i32
    }
    %scan3A_91 = arith.constant 24 : i32
    %add3A_92 = arith.constant 512 : i32
    %add3A_93 = arith.addi %add3A_92, %mul3A_2 : i32
    %add3A_94 = arith.constant 0 : i32
    %add3A_95 = arith.addi %add3A_93, %add3A_94 : i32
    %dma_start3A_96 = arith.constant 0 : i32
    %dma_start3A_97 = arith.constant 0 : i32
    %dma_start3A_98 = arith.constant 0 : i32
    %dma_start3A_99 = tpu.memref_slice %arg10[%dma_start3A_97, %dma_start3A_98] : memref<24x1024xf32, #tpu.memory_space<vmem>> -> memref<24x1024xf32, #tpu.memory_space<vmem>>
    %dma_start3A_100 = arith.constant 0 : i32
    %dma_start3A_101 = tpu.memref_slice %arg7[%dma_start3A_96, %add3A_95, %dma_start3A_100] : memref<8x2048x1024xf32, #tpu.memory_space<hbm>> -> memref<1x24x1024xf32, #tpu.memory_space<hbm>>
    %dma_start3A_102 = tpu.memref_squeeze %dma_start3A_101 : memref<1x24x1024xf32, #tpu.memory_space<hbm>> -> memref<24x1024xf32, #tpu.memory_space<hbm>>
    %dma_start3A_103 = arith.constant 0 : i32
    %dma_start3A_104 = tpu.memref_slice %arg7[%dma_start3A_96, %add3A_95, %dma_start3A_103] : memref<8x2048x1024xf32, #tpu.memory_space<hbm>> -> memref<1x24x1024xf32, #tpu.memory_space<hbm>>
    %dma_start3A_105 = tpu.memref_squeeze %dma_start3A_104 : memref<1x24x1024xf32, #tpu.memory_space<hbm>> -> memref<24x1024xf32, #tpu.memory_space<hbm>>
    %dma_start3A_106 = arith.constant 0 : i32
    %dma_start3A_107 = arith.constant 0 : i32
    %dma_start3A_108 = tpu.memref_slice %arg10[%dma_start3A_106, %dma_start3A_107] : memref<24x1024xf32, #tpu.memory_space<vmem>> -> memref<24x1024xf32, #tpu.memory_space<vmem>>
    tpu.enqueue_dma source(%dma_start3A_108 : memref<24x1024xf32, #tpu.memory_space<vmem>>) target(%dma_start3A_105 : memref<24x1024xf32, #tpu.memory_space<hbm>>) target_semaphore(%arg17 : memref<!tpu.dma_semaphore, #tpu.memory_space<semaphore_mem>>)
    %dma_wait3A_109 = arith.constant 0 : i32
    %dma_wait3A_110 = arith.constant 0 : i32
    %dma_wait3A_111 = arith.constant 0 : i32
    %dma_wait3A_112 = tpu.memref_slice %arg10[%dma_wait3A_110, %dma_wait3A_111] : memref<24x1024xf32, #tpu.memory_space<vmem>> -> memref<24x1024xf32, #tpu.memory_space<vmem>>
    %dma_wait3A_113 = arith.constant 0 : i32
    %dma_wait3A_114 = tpu.memref_slice %arg7[%dma_wait3A_109, %add3A_95, %dma_wait3A_113] : memref<8x2048x1024xf32, #tpu.memory_space<hbm>> -> memref<1x24x1024xf32, #tpu.memory_space<hbm>>
    %dma_wait3A_115 = tpu.memref_squeeze %dma_wait3A_114 : memref<1x24x1024xf32, #tpu.memory_space<hbm>> -> memref<24x1024xf32, #tpu.memory_space<hbm>>
    %dma_wait3A_116 = arith.constant 0 : i32
    %dma_wait3A_117 = tpu.memref_slice %arg7[%dma_wait3A_109, %add3A_95, %dma_wait3A_116] : memref<8x2048x1024xf32, #tpu.memory_space<hbm>> -> memref<1x24x1024xf32, #tpu.memory_space<hbm>>
    %dma_wait3A_118 = tpu.memref_squeeze %dma_wait3A_117 : memref<1x24x1024xf32, #tpu.memory_space<hbm>> -> memref<24x1024xf32, #tpu.memory_space<hbm>>
    %dma_wait3A_119 = arith.constant 0 : i32
    %dma_wait3A_120 = arith.constant 0 : i32
    %dma_wait3A_121 = tpu.memref_slice %arg10[%dma_wait3A_119, %dma_wait3A_120] : memref<24x1024xf32, #tpu.memory_space<vmem>> -> memref<24x1024xf32, #tpu.memory_space<vmem>>
    tpu.wait_dma2 semaphore(%arg17 : memref<!tpu.dma_semaphore, #tpu.memory_space<semaphore_mem>>) src(%dma_wait3A_121 : memref<24x1024xf32, #tpu.memory_space<vmem>>) dst(%dma_wait3A_118 : memref<24x1024xf32, #tpu.memory_space<hbm>>)
    %dma_start3A_122 = arith.constant 1 : i32
    %dma_start3A_123 = arith.constant 0 : i32
    %dma_start3A_124 = arith.constant 0 : i32
    %dma_start3A_125 = tpu.memref_slice %arg10[%dma_start3A_123, %dma_start3A_124] : memref<24x1024xf32, #tpu.memory_space<vmem>> -> memref<24x1024xf32, #tpu.memory_space<vmem>>
    %dma_start3A_126 = arith.constant 0 : i32
    %dma_start3A_127 = tpu.memref_slice %arg8[%dma_start3A_122, %dma_start3A_126] : memref<8x48xi32, #tpu.memory_space<vmem>> -> memref<1x24xi32, #tpu.memory_space<vmem>>
    %dma_start3A_128 = tpu.memref_squeeze %dma_start3A_127 : memref<1x24xi32, #tpu.memory_space<vmem>> -> memref<24xi32, #tpu.memory_space<vmem>>
    %dma_start3A_129 = arith.constant 0 : i32
    %dma_start3A_130 = arith.constant 0 : i32
    %dma_start3A_131 = tpu.memref_slice %arg5[%dma_start3A_129, %dma_start3A_130] : memref<1025x1024xf32, #tpu.memory_space<hbm>> -> memref<1025x1024xf32, #tpu.memory_space<hbm>>
    tpu.enqueue_indirect_dma source(%dma_start3A_131 : memref<1025x1024xf32, #tpu.memory_space<hbm>>) target(%dma_start3A_125 : memref<24x1024xf32, #tpu.memory_space<vmem>>) offsets(%dma_start3A_128 : memref<24xi32, #tpu.memory_space<vmem>>) semaphore(%arg14 : memref<!tpu.dma_semaphore, #tpu.memory_space<semaphore_mem>>)
    %dma_wait3A_132 = arith.constant 0 : i32
    %dma_wait3A_133 = arith.constant 0 : i32
    %dma_wait3A_134 = tpu.memref_slice %arg11[%dma_wait3A_132, %dma_wait3A_133] : memref<24x1024xf32, #tpu.memory_space<vmem>> -> memref<24x1024xf32, #tpu.memory_space<vmem>>
    %dma_wait3A_135 = arith.constant 0 : i32
    %dma_wait3A_136 = tpu.memref_slice %arg3[%select_n3A, %add3A_45, %dma_wait3A_135] : memref<8x512x1024xf32, #tpu.memory_space<hbm>> -> memref<1x24x1024xf32, #tpu.memory_space<hbm>>
    %dma_wait3A_137 = tpu.memref_squeeze %dma_wait3A_136 : memref<1x24x1024xf32, #tpu.memory_space<hbm>> -> memref<24x1024xf32, #tpu.memory_space<hbm>>
    %dma_wait3A_138 = arith.constant 0 : i32
    %dma_wait3A_139 = arith.constant 0 : i32
    %dma_wait3A_140 = tpu.memref_slice %arg11[%dma_wait3A_138, %dma_wait3A_139] : memref<24x1024xf32, #tpu.memory_space<vmem>> -> memref<24x1024xf32, #tpu.memory_space<vmem>>
    %dma_wait3A_141 = arith.constant 0 : i32
    %dma_wait3A_142 = tpu.memref_slice %arg3[%select_n3A, %add3A_45, %dma_wait3A_141] : memref<8x512x1024xf32, #tpu.memory_space<hbm>> -> memref<1x24x1024xf32, #tpu.memory_space<hbm>>
    %dma_wait3A_143 = tpu.memref_squeeze %dma_wait3A_142 : memref<1x24x1024xf32, #tpu.memory_space<hbm>> -> memref<24x1024xf32, #tpu.memory_space<hbm>>
    tpu.wait_dma2 semaphore(%arg15 : memref<!tpu.dma_semaphore, #tpu.memory_space<semaphore_mem>>) src(%dma_wait3A_143 : memref<24x1024xf32, #tpu.memory_space<hbm>>) dst(%dma_wait3A_140 : memref<24x1024xf32, #tpu.memory_space<vmem>>)
    %add3A_144 = arith.constant 0 : i32
    %add3A_145 = arith.addi %mul3A_34, %add3A_144 : i32
    %dma_start3A_146 = arith.constant 0 : i32
    %dma_start3A_147 = arith.constant 0 : i32
    %dma_start3A_148 = tpu.memref_slice %arg11[%dma_start3A_146, %dma_start3A_147] : memref<24x1024xf32, #tpu.memory_space<vmem>> -> memref<24x1024xf32, #tpu.memory_space<vmem>>
    %dma_start3A_149 = arith.constant 0 : i32
    %dma_start3A_150 = tpu.memref_slice %arg7[%select_n3A, %add3A_145, %dma_start3A_149] : memref<8x2048x1024xf32, #tpu.memory_space<hbm>> -> memref<1x24x1024xf32, #tpu.memory_space<hbm>>
    %dma_start3A_151 = tpu.memref_squeeze %dma_start3A_150 : memref<1x24x1024xf32, #tpu.memory_space<hbm>> -> memref<24x1024xf32, #tpu.memory_space<hbm>>
    %dma_start3A_152 = arith.constant 0 : i32
    %dma_start3A_153 = tpu.memref_slice %arg7[%select_n3A, %add3A_145, %dma_start3A_152] : memref<8x2048x1024xf32, #tpu.memory_space<hbm>> -> memref<1x24x1024xf32, #tpu.memory_space<hbm>>
    %dma_start3A_154 = tpu.memref_squeeze %dma_start3A_153 : memref<1x24x1024xf32, #tpu.memory_space<hbm>> -> memref<24x1024xf32, #tpu.memory_space<hbm>>
    %dma_start3A_155 = arith.constant 0 : i32
    %dma_start3A_156 = arith.constant 0 : i32
    %dma_start3A_157 = tpu.memref_slice %arg11[%dma_start3A_155, %dma_start3A_156] : memref<24x1024xf32, #tpu.memory_space<vmem>> -> memref<24x1024xf32, #tpu.memory_space<vmem>>
    tpu.enqueue_dma source(%dma_start3A_157 : memref<24x1024xf32, #tpu.memory_space<vmem>>) target(%dma_start3A_154 : memref<24x1024xf32, #tpu.memory_space<hbm>>) target_semaphore(%arg18 : memref<!tpu.dma_semaphore, #tpu.memory_space<semaphore_mem>>)
    %dma_wait3A_158 = arith.constant 0 : i32
    %dma_wait3A_159 = arith.constant 0 : i32
    %dma_wait3A_160 = tpu.memref_slice %arg11[%dma_wait3A_158, %dma_wait3A_159] : memref<24x1024xf32, #tpu.memory_space<vmem>> -> memref<24x1024xf32, #tpu.memory_space<vmem>>
    %dma_wait3A_161 = arith.constant 0 : i32
    %dma_wait3A_162 = tpu.memref_slice %arg7[%select_n3A, %add3A_145, %dma_wait3A_161] : memref<8x2048x1024xf32, #tpu.memory_space<hbm>> -> memref<1x24x1024xf32, #tpu.memory_space<hbm>>
    %dma_wait3A_163 = tpu.memref_squeeze %dma_wait3A_162 : memref<1x24x1024xf32, #tpu.memory_space<hbm>> -> memref<24x1024xf32, #tpu.memory_space<hbm>>
    %dma_wait3A_164 = arith.constant 0 : i32
    %dma_wait3A_165 = tpu.memref_slice %arg7[%select_n3A, %add3A_145, %dma_wait3A_164] : memref<8x2048x1024xf32, #tpu.memory_space<hbm>> -> memref<1x24x1024xf32, #tpu.memory_space<hbm>>
    %dma_wait3A_166 = tpu.memref_squeeze %dma_wait3A_165 : memref<1x24x1024xf32, #tpu.memory_space<hbm>> -> memref<24x1024xf32, #tpu.memory_space<hbm>>
    %dma_wait3A_167 = arith.constant 0 : i32
    %dma_wait3A_168 = arith.constant 0 : i32
    %dma_wait3A_169 = tpu.memref_slice %arg11[%dma_wait3A_167, %dma_wait3A_168] : memref<24x1024xf32, #tpu.memory_space<vmem>> -> memref<24x1024xf32, #tpu.memory_space<vmem>>
    tpu.wait_dma2 semaphore(%arg18 : memref<!tpu.dma_semaphore, #tpu.memory_space<semaphore_mem>>) src(%dma_wait3A_169 : memref<24x1024xf32, #tpu.memory_space<vmem>>) dst(%dma_wait3A_166 : memref<24x1024xf32, #tpu.memory_space<hbm>>)
    %add3A_170 = arith.constant 24 : i32
    %add3A_171 = arith.addi %mul3A_34, %add3A_170 : i32
    %dma_start3A_172 = arith.constant 0 : i32
    %dma_start3A_173 = arith.constant 0 : i32
    %dma_start3A_174 = tpu.memref_slice %arg11[%dma_start3A_172, %dma_start3A_173] : memref<24x1024xf32, #tpu.memory_space<vmem>> -> memref<24x1024xf32, #tpu.memory_space<vmem>>
    %dma_start3A_175 = arith.constant 0 : i32
    %dma_start3A_176 = tpu.memref_slice %arg3[%select_n3A, %add3A_171, %dma_start3A_175] : memref<8x512x1024xf32, #tpu.memory_space<hbm>> -> memref<1x24x1024xf32, #tpu.memory_space<hbm>>
    %dma_start3A_177 = tpu.memref_squeeze %dma_start3A_176 : memref<1x24x1024xf32, #tpu.memory_space<hbm>> -> memref<24x1024xf32, #tpu.memory_space<hbm>>
    %dma_start3A_178 = arith.constant 0 : i32
    %dma_start3A_179 = arith.constant 0 : i32
    %dma_start3A_180 = tpu.memref_slice %arg11[%dma_start3A_178, %dma_start3A_179] : memref<24x1024xf32, #tpu.memory_space<vmem>> -> memref<24x1024xf32, #tpu.memory_space<vmem>>
    %dma_start3A_181 = arith.constant 0 : i32
    %dma_start3A_182 = tpu.memref_slice %arg3[%select_n3A, %add3A_171, %dma_start3A_181] : memref<8x512x1024xf32, #tpu.memory_space<hbm>> -> memref<1x24x1024xf32, #tpu.memory_space<hbm>>
    %dma_start3A_183 = tpu.memref_squeeze %dma_start3A_182 : memref<1x24x1024xf32, #tpu.memory_space<hbm>> -> memref<24x1024xf32, #tpu.memory_space<hbm>>
    tpu.enqueue_dma source(%dma_start3A_183 : memref<24x1024xf32, #tpu.memory_space<hbm>>) target(%dma_start3A_180 : memref<24x1024xf32, #tpu.memory_space<vmem>>) target_semaphore(%arg15 : memref<!tpu.dma_semaphore, #tpu.memory_space<semaphore_mem>>)
    %dma_wait3A_184 = arith.constant 0 : i32
    %dma_wait3A_185 = arith.constant 0 : i32
    %dma_wait3A_186 = arith.constant 0 : i32
    %dma_wait3A_187 = tpu.memref_slice %arg12[%dma_wait3A_185, %dma_wait3A_186] : memref<24x1024xf32, #tpu.memory_space<vmem>> -> memref<24x1024xf32, #tpu.memory_space<vmem>>
    %dma_wait3A_188 = arith.constant 24 : i32
    %dma_wait3A_189 = tpu.memref_slice %arg8[%dma_wait3A_184, %dma_wait3A_188] : memref<8x48xi32, #tpu.memory_space<vmem>> -> memref<1x24xi32, #tpu.memory_space<vmem>>
    %dma_wait3A_190 = tpu.memref_squeeze %dma_wait3A_189 : memref<1x24xi32, #tpu.memory_space<vmem>> -> memref<24xi32, #tpu.memory_space<vmem>>
    %dma_wait3A_191 = arith.constant 0 : i32
    %dma_wait3A_192 = arith.constant 0 : i32
    %dma_wait3A_193 = tpu.memref_slice %arg5[%dma_wait3A_191, %dma_wait3A_192] : memref<1025x1024xf32, #tpu.memory_space<hbm>> -> memref<1025x1024xf32, #tpu.memory_space<hbm>>
    tpu.wait_indirect_dma semaphore(%arg16 : memref<!tpu.dma_semaphore, #tpu.memory_space<semaphore_mem>>) src(%dma_wait3A_193 : memref<1025x1024xf32, #tpu.memory_space<hbm>>) dst(%dma_wait3A_187 : memref<24x1024xf32, #tpu.memory_space<vmem>>)
    %scan3A_194 = arith.constant 0 : i32
    %scan3A_195 = arith.constant 0 : i32
    %scan3A_196 = arith.constant 24 : i32
    %scan3A_197 = arith.addi %scan3A_195, %scan3A_196 : i32
    %scan3A_198 = arith.constant 1 : i32
    %scan3A_199 = scf.for %scan3A_1265 = %scan3A_195 to %scan3A_197 step %scan3A_198 iter_args(%scan3A_1266 = %scan3A_194) -> (i32)  : i32 {
      %parallel_loop3A = arith.constant 0 : i32
      %parallel_loop3A_1267 = arith.constant 64 : i32
      %parallel_loop3A_1268 = arith.constant 1 : i32
      scf.for %parallel_loop3A_1270 = %parallel_loop3A to %parallel_loop3A_1267 step %parallel_loop3A_1268  : i32 {
        %parallel_loop3A_1271 = arith.constant 16 : i32
        %parallel_loop3A_1272 = arith.muli %parallel_loop3A_1270, %parallel_loop3A_1271 : i32
        %parallel_loop3A_1273 = arith.constant 24 : i32
        %parallel_loop3A_1274 = arith.addi %parallel_loop3A_1273, %scan3A_1265 : i32
        %parallel_loop3A_1275 = arith.index_cast %parallel_loop3A_1274 : i32 to index
        %parallel_loop3A_1276 = arith.index_cast %parallel_loop3A_1272 : i32 to index
        %parallel_loop3A_1277 = tpu.vector_load %arg9[%parallel_loop3A_1275, %parallel_loop3A_1276] {strides = array<i32>} : memref<48x1024xf32, #tpu.memory_space<vmem>>, vector<1x16xf32>,
        %parallel_loop3A_1278 = vector.shape_cast %parallel_loop3A_1277 : vector<1x16xf32> to vector<16xf32>
        %parallel_loop3A_1279 = arith.index_cast %scan3A_1265 : i32 to index
        %parallel_loop3A_1280 = arith.index_cast %parallel_loop3A_1272 : i32 to index
        %parallel_loop3A_1281 = tpu.vector_load %arg12[%parallel_loop3A_1279, %parallel_loop3A_1280] {strides = array<i32>} : memref<24x1024xf32, #tpu.memory_space<vmem>>, vector<1x16xf32>,
        %parallel_loop3A_1282 = vector.shape_cast %parallel_loop3A_1281 : vector<1x16xf32> to vector<16xf32>
        %parallel_loop3A_1283 = vector.shape_cast %parallel_loop3A_1278 : vector<16xf32> to vector<1x16xf32>
        tpu.vector_store %arg12[%parallel_loop3A_1279, %parallel_loop3A_1280], %parallel_loop3A_1283 {add = true, strides = array<i32>} : memref<24x1024xf32, #tpu.memory_space<vmem>>, vector<1x16xf32>,
      } {sc.loop_unroll_factor = 8 : i64, sc.parallel_access}
      %scan3A_1269 = arith.constant 0 : i32
      scf.yield %scan3A_1269 : i32
    }
    %scan3A_200 = arith.constant 24 : i32
    %add3A_201 = arith.constant 512 : i32
    %add3A_202 = arith.addi %add3A_201, %mul3A_2 : i32
    %add3A_203 = arith.constant 24 : i32
    %add3A_204 = arith.addi %add3A_202, %add3A_203 : i32
    %dma_start3A_205 = arith.constant 0 : i32
    %dma_start3A_206 = arith.constant 0 : i32
    %dma_start3A_207 = arith.constant 0 : i32
    %dma_start3A_208 = tpu.memref_slice %arg12[%dma_start3A_206, %dma_start3A_207] : memref<24x1024xf32, #tpu.memory_space<vmem>> -> memref<24x1024xf32, #tpu.memory_space<vmem>>
    %dma_start3A_209 = arith.constant 0 : i32
    %dma_start3A_210 = tpu.memref_slice %arg7[%dma_start3A_205, %add3A_204, %dma_start3A_209] : memref<8x2048x1024xf32, #tpu.memory_space<hbm>> -> memref<1x24x1024xf32, #tpu.memory_space<hbm>>
    %dma_start3A_211 = tpu.memref_squeeze %dma_start3A_210 : memref<1x24x1024xf32, #tpu.memory_space<hbm>> -> memref<24x1024xf32, #tpu.memory_space<hbm>>
    %dma_start3A_212 = arith.constant 0 : i32
    %dma_start3A_213 = tpu.memref_slice %arg7[%dma_start3A_205, %add3A_204, %dma_start3A_212] : memref<8x2048x1024xf32, #tpu.memory_space<hbm>> -> memref<1x24x1024xf32, #tpu.memory_space<hbm>>
    %dma_start3A_214 = tpu.memref_squeeze %dma_start3A_213 : memref<1x24x1024xf32, #tpu.memory_space<hbm>> -> memref<24x1024xf32, #tpu.memory_space<hbm>>
    %dma_start3A_215 = arith.constant 0 : i32
    %dma_start3A_216 = arith.constant 0 : i32
    %dma_start3A_217 = tpu.memref_slice %arg12[%dma_start3A_215, %dma_start3A_216] : memref<24x1024xf32, #tpu.memory_space<vmem>> -> memref<24x1024xf32, #tpu.memory_space<vmem>>
    tpu.enqueue_dma source(%dma_start3A_217 : memref<24x1024xf32, #tpu.memory_space<vmem>>) target(%dma_start3A_214 : memref<24x1024xf32, #tpu.memory_space<hbm>>) target_semaphore(%arg19 : memref<!tpu.dma_semaphore, #tpu.memory_space<semaphore_mem>>)
    %dma_wait3A_218 = arith.constant 0 : i32
    %dma_wait3A_219 = arith.constant 0 : i32
    %dma_wait3A_220 = arith.constant 0 : i32
    %dma_wait3A_221 = tpu.memref_slice %arg12[%dma_wait3A_219, %dma_wait3A_220] : memref<24x1024xf32, #tpu.memory_space<vmem>> -> memref<24x1024xf32, #tpu.memory_space<vmem>>
    %dma_wait3A_222 = arith.constant 0 : i32
    %dma_wait3A_223 = tpu.memref_slice %arg7[%dma_wait3A_218, %add3A_204, %dma_wait3A_222] : memref<8x2048x1024xf32, #tpu.memory_space<hbm>> -> memref<1x24x1024xf32, #tpu.memory_space<hbm>>
    %dma_wait3A_224 = tpu.memref_squeeze %dma_wait3A_223 : memref<1x24x1024xf32, #tpu.memory_space<hbm>> -> memref<24x1024xf32, #tpu.memory_space<hbm>>
    %dma_wait3A_225 = arith.constant 0 : i32
    %dma_wait3A_226 = tpu.memref_slice %arg7[%dma_wait3A_218, %add3A_204, %dma_wait3A_225] : memref<8x2048x1024xf32, #tpu.memory_space<hbm>> -> memref<1x24x1024xf32, #tpu.memory_space<hbm>>
    %dma_wait3A_227 = tpu.memref_squeeze %dma_wait3A_226 : memref<1x24x1024xf32, #tpu.memory_space<hbm>> -> memref<24x1024xf32, #tpu.memory_space<hbm>>
    %dma_wait3A_228 = arith.constant 0 : i32
    %dma_wait3A_229 = arith.constant 0 : i32
    %dma_wait3A_230 = tpu.memref_slice %arg12[%dma_wait3A_228, %dma_wait3A_229] : memref<24x1024xf32, #tpu.memory_space<vmem>> -> memref<24x1024xf32, #tpu.memory_space<vmem>>
    tpu.wait_dma2 semaphore(%arg19 : memref<!tpu.dma_semaphore, #tpu.memory_space<semaphore_mem>>) src(%dma_wait3A_230 : memref<24x1024xf32, #tpu.memory_space<vmem>>) dst(%dma_wait3A_227 : memref<24x1024xf32, #tpu.memory_space<hbm>>)
    %dma_start3A_231 = arith.constant 1 : i32
    %dma_start3A_232 = arith.constant 0 : i32
    %dma_start3A_233 = arith.constant 0 : i32
    %dma_start3A_234 = tpu.memref_slice %arg12[%dma_start3A_232, %dma_start3A_233] : memref<24x1024xf32, #tpu.memory_space<vmem>> -> memref<24x1024xf32, #tpu.memory_space<vmem>>
    %dma_start3A_235 = arith.constant 24 : i32
    %dma_start3A_236 = tpu.memref_slice %arg8[%dma_start3A_231, %dma_start3A_235] : memref<8x48xi32, #tpu.memory_space<vmem>> -> memref<1x24xi32, #tpu.memory_space<vmem>>
    %dma_start3A_237 = tpu.memref_squeeze %dma_start3A_236 : memref<1x24xi32, #tpu.memory_space<vmem>> -> memref<24xi32, #tpu.memory_space<vmem>>
    %dma_start3A_238 = arith.constant 0 : i32
    %dma_start3A_239 = arith.constant 0 : i32
    %dma_start3A_240 = tpu.memref_slice %arg5[%dma_start3A_238, %dma_start3A_239] : memref<1025x1024xf32, #tpu.memory_space<hbm>> -> memref<1025x1024xf32, #tpu.memory_space<hbm>>
    tpu.enqueue_indirect_dma source(%dma_start3A_240 : memref<1025x1024xf32, #tpu.memory_space<hbm>>) target(%dma_start3A_234 : memref<24x1024xf32, #tpu.memory_space<vmem>>) offsets(%dma_start3A_237 : memref<24xi32, #tpu.memory_space<vmem>>) semaphore(%arg16 : memref<!tpu.dma_semaphore, #tpu.memory_space<semaphore_mem>>)
    %dma_wait3A_241 = arith.constant 1 : i32
    %dma_wait3A_242 = arith.constant 0 : i32
    %dma_wait3A_243 = arith.constant 0 : i32
    %dma_wait3A_244 = tpu.memref_slice %arg10[%dma_wait3A_242, %dma_wait3A_243] : memref<24x1024xf32, #tpu.memory_space<vmem>> -> memref<24x1024xf32, #tpu.memory_space<vmem>>
    %dma_wait3A_245 = arith.constant 0 : i32
    %dma_wait3A_246 = tpu.memref_slice %arg8[%dma_wait3A_241, %dma_wait3A_245] : memref<8x48xi32, #tpu.memory_space<vmem>> -> memref<1x24xi32, #tpu.memory_space<vmem>>
    %dma_wait3A_247 = tpu.memref_squeeze %dma_wait3A_246 : memref<1x24xi32, #tpu.memory_space<vmem>> -> memref<24xi32, #tpu.memory_space<vmem>>
    %dma_wait3A_248 = arith.constant 0 : i32
    %dma_wait3A_249 = arith.constant 0 : i32
    %dma_wait3A_250 = tpu.memref_slice %arg5[%dma_wait3A_248, %dma_wait3A_249] : memref<1025x1024xf32, #tpu.memory_space<hbm>> -> memref<1025x1024xf32, #tpu.memory_space<hbm>>
    tpu.wait_indirect_dma semaphore(%arg14 : memref<!tpu.dma_semaphore, #tpu.memory_space<semaphore_mem>>) src(%dma_wait3A_250 : memref<1025x1024xf32, #tpu.memory_space<hbm>>) dst(%dma_wait3A_244 : memref<24x1024xf32, #tpu.memory_space<vmem>>)
    %scan3A_251 = arith.constant 0 : i32
    %scan3A_252 = arith.constant 0 : i32
    %scan3A_253 = arith.constant 24 : i32
    %scan3A_254 = arith.addi %scan3A_252, %scan3A_253 : i32
    %scan3A_255 = arith.constant 1 : i32
    %scan3A_256 = scf.for %scan3A_1265 = %scan3A_252 to %scan3A_254 step %scan3A_255 iter_args(%scan3A_1266 = %scan3A_251) -> (i32)  : i32 {
      %parallel_loop3A = arith.constant 0 : i32
      %parallel_loop3A_1267 = arith.constant 64 : i32
      %parallel_loop3A_1268 = arith.constant 1 : i32
      scf.for %parallel_loop3A_1270 = %parallel_loop3A to %parallel_loop3A_1267 step %parallel_loop3A_1268  : i32 {
        %parallel_loop3A_1271 = arith.constant 16 : i32
        %parallel_loop3A_1272 = arith.muli %parallel_loop3A_1270, %parallel_loop3A_1271 : i32
        %parallel_loop3A_1273 = arith.constant 0 : i32
        %parallel_loop3A_1274 = arith.addi %parallel_loop3A_1273, %scan3A_1265 : i32
        %parallel_loop3A_1275 = arith.index_cast %parallel_loop3A_1274 : i32 to index
        %parallel_loop3A_1276 = arith.index_cast %parallel_loop3A_1272 : i32 to index
        %parallel_loop3A_1277 = tpu.vector_load %arg9[%parallel_loop3A_1275, %parallel_loop3A_1276] {strides = array<i32>} : memref<48x1024xf32, #tpu.memory_space<vmem>>, vector<1x16xf32>,
        %parallel_loop3A_1278 = vector.shape_cast %parallel_loop3A_1277 : vector<1x16xf32> to vector<16xf32>
        %parallel_loop3A_1279 = arith.index_cast %scan3A_1265 : i32 to index
        %parallel_loop3A_1280 = arith.index_cast %parallel_loop3A_1272 : i32 to index
        %parallel_loop3A_1281 = tpu.vector_load %arg10[%parallel_loop3A_1279, %parallel_loop3A_1280] {strides = array<i32>} : memref<24x1024xf32, #tpu.memory_space<vmem>>, vector<1x16xf32>,
        %parallel_loop3A_1282 = vector.shape_cast %parallel_loop3A_1281 : vector<1x16xf32> to vector<16xf32>
        %parallel_loop3A_1283 = vector.shape_cast %parallel_loop3A_1278 : vector<16xf32> to vector<1x16xf32>
        tpu.vector_store %arg10[%parallel_loop3A_1279, %parallel_loop3A_1280], %parallel_loop3A_1283 {add = true, strides = array<i32>} : memref<24x1024xf32, #tpu.memory_space<vmem>>, vector<1x16xf32>,
      } {sc.loop_unroll_factor = 8 : i64, sc.parallel_access}
      %scan3A_1269 = arith.constant 0 : i32
      scf.yield %scan3A_1269 : i32
    }
    %scan3A_257 = arith.constant 24 : i32
    %add3A_258 = arith.constant 512 : i32
    %add3A_259 = arith.addi %add3A_258, %mul3A_2 : i32
    %add3A_260 = arith.constant 0 : i32
    %add3A_261 = arith.addi %add3A_259, %add3A_260 : i32
    %dma_start3A_262 = arith.constant 1 : i32
    %dma_start3A_263 = arith.constant 0 : i32
    %dma_start3A_264 = arith.constant 0 : i32
    %dma_start3A_265 = tpu.memref_slice %arg10[%dma_start3A_263, %dma_start3A_264] : memref<24x1024xf32, #tpu.memory_space<vmem>> -> memref<24x1024xf32, #tpu.memory_space<vmem>>
    %dma_start3A_266 = arith.constant 0 : i32
    %dma_start3A_267 = tpu.memref_slice %arg7[%dma_start3A_262, %add3A_261, %dma_start3A_266] : memref<8x2048x1024xf32, #tpu.memory_space<hbm>> -> memref<1x24x1024xf32, #tpu.memory_space<hbm>>
    %dma_start3A_268 = tpu.memref_squeeze %dma_start3A_267 : memref<1x24x1024xf32, #tpu.memory_space<hbm>> -> memref<24x1024xf32, #tpu.memory_space<hbm>>
    %dma_start3A_269 = arith.constant 0 : i32
    %dma_start3A_270 = tpu.memref_slice %arg7[%dma_start3A_262, %add3A_261, %dma_start3A_269] : memref<8x2048x1024xf32, #tpu.memory_space<hbm>> -> memref<1x24x1024xf32, #tpu.memory_space<hbm>>
    %dma_start3A_271 = tpu.memref_squeeze %dma_start3A_270 : memref<1x24x1024xf32, #tpu.memory_space<hbm>> -> memref<24x1024xf32, #tpu.memory_space<hbm>>
    %dma_start3A_272 = arith.constant 0 : i32
    %dma_start3A_273 = arith.constant 0 : i32
    %dma_start3A_274 = tpu.memref_slice %arg10[%dma_start3A_272, %dma_start3A_273] : memref<24x1024xf32, #tpu.memory_space<vmem>> -> memref<24x1024xf32, #tpu.memory_space<vmem>>
    tpu.enqueue_dma source(%dma_start3A_274 : memref<24x1024xf32, #tpu.memory_space<vmem>>) target(%dma_start3A_271 : memref<24x1024xf32, #tpu.memory_space<hbm>>) target_semaphore(%arg17 : memref<!tpu.dma_semaphore, #tpu.memory_space<semaphore_mem>>)
    %dma_wait3A_275 = arith.constant 1 : i32
    %dma_wait3A_276 = arith.constant 0 : i32
    %dma_wait3A_277 = arith.constant 0 : i32
    %dma_wait3A_278 = tpu.memref_slice %arg10[%dma_wait3A_276, %dma_wait3A_277] : memref<24x1024xf32, #tpu.memory_space<vmem>> -> memref<24x1024xf32, #tpu.memory_space<vmem>>
    %dma_wait3A_279 = arith.constant 0 : i32
    %dma_wait3A_280 = tpu.memref_slice %arg7[%dma_wait3A_275, %add3A_261, %dma_wait3A_279] : memref<8x2048x1024xf32, #tpu.memory_space<hbm>> -> memref<1x24x1024xf32, #tpu.memory_space<hbm>>
    %dma_wait3A_281 = tpu.memref_squeeze %dma_wait3A_280 : memref<1x24x1024xf32, #tpu.memory_space<hbm>> -> memref<24x1024xf32, #tpu.memory_space<hbm>>
    %dma_wait3A_282 = arith.constant 0 : i32
    %dma_wait3A_283 = tpu.memref_slice %arg7[%dma_wait3A_275, %add3A_261, %dma_wait3A_282] : memref<8x2048x1024xf32, #tpu.memory_space<hbm>> -> memref<1x24x1024xf32, #tpu.memory_space<hbm>>
    %dma_wait3A_284 = tpu.memref_squeeze %dma_wait3A_283 : memref<1x24x1024xf32, #tpu.memory_space<hbm>> -> memref<24x1024xf32, #tpu.memory_space<hbm>>
    %dma_wait3A_285 = arith.constant 0 : i32
    %dma_wait3A_286 = arith.constant 0 : i32
    %dma_wait3A_287 = tpu.memref_slice %arg10[%dma_wait3A_285, %dma_wait3A_286] : memref<24x1024xf32, #tpu.memory_space<vmem>> -> memref<24x1024xf32, #tpu.memory_space<vmem>>
    tpu.wait_dma2 semaphore(%arg17 : memref<!tpu.dma_semaphore, #tpu.memory_space<semaphore_mem>>) src(%dma_wait3A_287 : memref<24x1024xf32, #tpu.memory_space<vmem>>) dst(%dma_wait3A_284 : memref<24x1024xf32, #tpu.memory_space<hbm>>)
    %dma_start3A_288 = arith.constant 2 : i32
    %dma_start3A_289 = arith.constant 0 : i32
    %dma_start3A_290 = arith.constant 0 : i32
    %dma_start3A_291 = tpu.memref_slice %arg10[%dma_start3A_289, %dma_start3A_290] : memref<24x1024xf32, #tpu.memory_space<vmem>> -> memref<24x1024xf32, #tpu.memory_space<vmem>>
    %dma_start3A_292 = arith.constant 0 : i32
    %dma_start3A_293 = tpu.memref_slice %arg8[%dma_start3A_288, %dma_start3A_292] : memref<8x48xi32, #tpu.memory_space<vmem>> -> memref<1x24xi32, #tpu.memory_space<vmem>>
    %dma_start3A_294 = tpu.memref_squeeze %dma_start3A_293 : memref<1x24xi32, #tpu.memory_space<vmem>> -> memref<24xi32, #tpu.memory_space<vmem>>
    %dma_start3A_295 = arith.constant 0 : i32
    %dma_start3A_296 = arith.constant 0 : i32
    %dma_start3A_297 = tpu.memref_slice %arg5[%dma_start3A_295, %dma_start3A_296] : memref<1025x1024xf32, #tpu.memory_space<hbm>> -> memref<1025x1024xf32, #tpu.memory_space<hbm>>
    tpu.enqueue_indirect_dma source(%dma_start3A_297 : memref<1025x1024xf32, #tpu.memory_space<hbm>>) target(%dma_start3A_291 : memref<24x1024xf32, #tpu.memory_space<vmem>>) offsets(%dma_start3A_294 : memref<24xi32, #tpu.memory_space<vmem>>) semaphore(%arg14 : memref<!tpu.dma_semaphore, #tpu.memory_space<semaphore_mem>>)
    %dma_wait3A_298 = arith.constant 0 : i32
    %dma_wait3A_299 = arith.constant 0 : i32
    %dma_wait3A_300 = tpu.memref_slice %arg11[%dma_wait3A_298, %dma_wait3A_299] : memref<24x1024xf32, #tpu.memory_space<vmem>> -> memref<24x1024xf32, #tpu.memory_space<vmem>>
    %dma_wait3A_301 = arith.constant 0 : i32
    %dma_wait3A_302 = tpu.memref_slice %arg3[%select_n3A, %add3A_171, %dma_wait3A_301] : memref<8x512x1024xf32, #tpu.memory_space<hbm>> -> memref<1x24x1024xf32, #tpu.memory_space<hbm>>
    %dma_wait3A_303 = tpu.memref_squeeze %dma_wait3A_302 : memref<1x24x1024xf32, #tpu.memory_space<hbm>> -> memref<24x1024xf32, #tpu.memory_space<hbm>>
    %dma_wait3A_304 = arith.constant 0 : i32
    %dma_wait3A_305 = arith.constant 0 : i32
    %dma_wait3A_306 = tpu.memref_slice %arg11[%dma_wait3A_304, %dma_wait3A_305] : memref<24x1024xf32, #tpu.memory_space<vmem>> -> memref<24x1024xf32, #tpu.memory_space<vmem>>
    %dma_wait3A_307 = arith.constant 0 : i32
    %dma_wait3A_308 = tpu.memref_slice %arg3[%select_n3A, %add3A_171, %dma_wait3A_307] : memref<8x512x1024xf32, #tpu.memory_space<hbm>> -> memref<1x24x1024xf32, #tpu.memory_space<hbm>>
    %dma_wait3A_309 = tpu.memref_squeeze %dma_wait3A_308 : memref<1x24x1024xf32, #tpu.memory_space<hbm>> -> memref<24x1024xf32, #tpu.memory_space<hbm>>
    tpu.wait_dma2 semaphore(%arg15 : memref<!tpu.dma_semaphore, #tpu.memory_space<semaphore_mem>>) src(%dma_wait3A_309 : memref<24x1024xf32, #tpu.memory_space<hbm>>) dst(%dma_wait3A_306 : memref<24x1024xf32, #tpu.memory_space<vmem>>)
    %add3A_310 = arith.constant 24 : i32
    %add3A_311 = arith.addi %mul3A_34, %add3A_310 : i32
    %dma_start3A_312 = arith.constant 0 : i32
    %dma_start3A_313 = arith.constant 0 : i32
    %dma_start3A_314 = tpu.memref_slice %arg11[%dma_start3A_312, %dma_start3A_313] : memref<24x1024xf32, #tpu.memory_space<vmem>> -> memref<24x1024xf32, #tpu.memory_space<vmem>>
    %dma_start3A_315 = arith.constant 0 : i32
    %dma_start3A_316 = tpu.memref_slice %arg7[%select_n3A, %add3A_311, %dma_start3A_315] : memref<8x2048x1024xf32, #tpu.memory_space<hbm>> -> memref<1x24x1024xf32, #tpu.memory_space<hbm>>
    %dma_start3A_317 = tpu.memref_squeeze %dma_start3A_316 : memref<1x24x1024xf32, #tpu.memory_space<hbm>> -> memref<24x1024xf32, #tpu.memory_space<hbm>>
    %dma_start3A_318 = arith.constant 0 : i32
    %dma_start3A_319 = tpu.memref_slice %arg7[%select_n3A, %add3A_311, %dma_start3A_318] : memref<8x2048x1024xf32, #tpu.memory_space<hbm>> -> memref<1x24x1024xf32, #tpu.memory_space<hbm>>
    %dma_start3A_320 = tpu.memref_squeeze %dma_start3A_319 : memref<1x24x1024xf32, #tpu.memory_space<hbm>> -> memref<24x1024xf32, #tpu.memory_space<hbm>>
    %dma_start3A_321 = arith.constant 0 : i32
    %dma_start3A_322 = arith.constant 0 : i32
    %dma_start3A_323 = tpu.memref_slice %arg11[%dma_start3A_321, %dma_start3A_322] : memref<24x1024xf32, #tpu.memory_space<vmem>> -> memref<24x1024xf32, #tpu.memory_space<vmem>>
    tpu.enqueue_dma source(%dma_start3A_323 : memref<24x1024xf32, #tpu.memory_space<vmem>>) target(%dma_start3A_320 : memref<24x1024xf32, #tpu.memory_space<hbm>>) target_semaphore(%arg18 : memref<!tpu.dma_semaphore, #tpu.memory_space<semaphore_mem>>)
    %dma_wait3A_324 = arith.constant 0 : i32
    %dma_wait3A_325 = arith.constant 0 : i32
    %dma_wait3A_326 = tpu.memref_slice %arg11[%dma_wait3A_324, %dma_wait3A_325] : memref<24x1024xf32, #tpu.memory_space<vmem>> -> memref<24x1024xf32, #tpu.memory_space<vmem>>
    %dma_wait3A_327 = arith.constant 0 : i32
    %dma_wait3A_328 = tpu.memref_slice %arg7[%select_n3A, %add3A_311, %dma_wait3A_327] : memref<8x2048x1024xf32, #tpu.memory_space<hbm>> -> memref<1x24x1024xf32, #tpu.memory_space<hbm>>
    %dma_wait3A_329 = tpu.memref_squeeze %dma_wait3A_328 : memref<1x24x1024xf32, #tpu.memory_space<hbm>> -> memref<24x1024xf32, #tpu.memory_space<hbm>>
    %dma_wait3A_330 = arith.constant 0 : i32
    %dma_wait3A_331 = tpu.memref_slice %arg7[%select_n3A, %add3A_311, %dma_wait3A_330] : memref<8x2048x1024xf32, #tpu.memory_space<hbm>> -> memref<1x24x1024xf32, #tpu.memory_space<hbm>>
    %dma_wait3A_332 = tpu.memref_squeeze %dma_wait3A_331 : memref<1x24x1024xf32, #tpu.memory_space<hbm>> -> memref<24x1024xf32, #tpu.memory_space<hbm>>
    %dma_wait3A_333 = arith.constant 0 : i32
    %dma_wait3A_334 = arith.constant 0 : i32
    %dma_wait3A_335 = tpu.memref_slice %arg11[%dma_wait3A_333, %dma_wait3A_334] : memref<24x1024xf32, #tpu.memory_space<vmem>> -> memref<24x1024xf32, #tpu.memory_space<vmem>>
    tpu.wait_dma2 semaphore(%arg18 : memref<!tpu.dma_semaphore, #tpu.memory_space<semaphore_mem>>) src(%dma_wait3A_335 : memref<24x1024xf32, #tpu.memory_space<vmem>>) dst(%dma_wait3A_332 : memref<24x1024xf32, #tpu.memory_space<hbm>>)
    %add3A_336 = arith.constant 48 : i32
    %add3A_337 = arith.addi %mul3A_34, %add3A_336 : i32
    %dma_start3A_338 = arith.constant 0 : i32
    %dma_start3A_339 = arith.constant 0 : i32
    %dma_start3A_340 = tpu.memref_slice %arg11[%dma_start3A_338, %dma_start3A_339] : memref<24x1024xf32, #tpu.memory_space<vmem>> -> memref<24x1024xf32, #tpu.memory_space<vmem>>
    %dma_start3A_341 = arith.constant 0 : i32
    %dma_start3A_342 = tpu.memref_slice %arg3[%select_n3A, %add3A_337, %dma_start3A_341] : memref<8x512x1024xf32, #tpu.memory_space<hbm>> -> memref<1x24x1024xf32, #tpu.memory_space<hbm>>
    %dma_start3A_343 = tpu.memref_squeeze %dma_start3A_342 : memref<1x24x1024xf32, #tpu.memory_space<hbm>> -> memref<24x1024xf32, #tpu.memory_space<hbm>>
    %dma_start3A_344 = arith.constant 0 : i32
    %dma_start3A_345 = arith.constant 0 : i32
    %dma_start3A_346 = tpu.memref_slice %arg11[%dma_start3A_344, %dma_start3A_345] : memref<24x1024xf32, #tpu.memory_space<vmem>> -> memref<24x1024xf32, #tpu.memory_space<vmem>>
    %dma_start3A_347 = arith.constant 0 : i32
    %dma_start3A_348 = tpu.memref_slice %arg3[%select_n3A, %add3A_337, %dma_start3A_347] : memref<8x512x1024xf32, #tpu.memory_space<hbm>> -> memref<1x24x1024xf32, #tpu.memory_space<hbm>>
    %dma_start3A_349 = tpu.memref_squeeze %dma_start3A_348 : memref<1x24x1024xf32, #tpu.memory_space<hbm>> -> memref<24x1024xf32, #tpu.memory_space<hbm>>
    tpu.enqueue_dma source(%dma_start3A_349 : memref<24x1024xf32, #tpu.memory_space<hbm>>) target(%dma_start3A_346 : memref<24x1024xf32, #tpu.memory_space<vmem>>) target_semaphore(%arg15 : memref<!tpu.dma_semaphore, #tpu.memory_space<semaphore_mem>>)
    %dma_wait3A_350 = arith.constant 1 : i32
    %dma_wait3A_351 = arith.constant 0 : i32
    %dma_wait3A_352 = arith.constant 0 : i32
    %dma_wait3A_353 = tpu.memref_slice %arg12[%dma_wait3A_351, %dma_wait3A_352] : memref<24x1024xf32, #tpu.memory_space<vmem>> -> memref<24x1024xf32, #tpu.memory_space<vmem>>
    %dma_wait3A_354 = arith.constant 24 : i32
    %dma_wait3A_355 = tpu.memref_slice %arg8[%dma_wait3A_350, %dma_wait3A_354] : memref<8x48xi32, #tpu.memory_space<vmem>> -> memref<1x24xi32, #tpu.memory_space<vmem>>
    %dma_wait3A_356 = tpu.memref_squeeze %dma_wait3A_355 : memref<1x24xi32, #tpu.memory_space<vmem>> -> memref<24xi32, #tpu.memory_space<vmem>>
    %dma_wait3A_357 = arith.constant 0 : i32
    %dma_wait3A_358 = arith.constant 0 : i32
    %dma_wait3A_359 = tpu.memref_slice %arg5[%dma_wait3A_357, %dma_wait3A_358] : memref<1025x1024xf32, #tpu.memory_space<hbm>> -> memref<1025x1024xf32, #tpu.memory_space<hbm>>
    tpu.wait_indirect_dma semaphore(%arg16 : memref<!tpu.dma_semaphore, #tpu.memory_space<semaphore_mem>>) src(%dma_wait3A_359 : memref<1025x1024xf32, #tpu.memory_space<hbm>>) dst(%dma_wait3A_353 : memref<24x1024xf32, #tpu.memory_space<vmem>>)
    %scan3A_360 = arith.constant 0 : i32
    %scan3A_361 = arith.constant 0 : i32
    %scan3A_362 = arith.constant 24 : i32
    %scan3A_363 = arith.addi %scan3A_361, %scan3A_362 : i32
    %scan3A_364 = arith.constant 1 : i32
    %scan3A_365 = scf.for %scan3A_1265 = %scan3A_361 to %scan3A_363 step %scan3A_364 iter_args(%scan3A_1266 = %scan3A_360) -> (i32)  : i32 {
      %parallel_loop3A = arith.constant 0 : i32
      %parallel_loop3A_1267 = arith.constant 64 : i32
      %parallel_loop3A_1268 = arith.constant 1 : i32
      scf.for %parallel_loop3A_1270 = %parallel_loop3A to %parallel_loop3A_1267 step %parallel_loop3A_1268  : i32 {
        %parallel_loop3A_1271 = arith.constant 16 : i32
        %parallel_loop3A_1272 = arith.muli %parallel_loop3A_1270, %parallel_loop3A_1271 : i32
        %parallel_loop3A_1273 = arith.constant 24 : i32
        %parallel_loop3A_1274 = arith.addi %parallel_loop3A_1273, %scan3A_1265 : i32
        %parallel_loop3A_1275 = arith.index_cast %parallel_loop3A_1274 : i32 to index
        %parallel_loop3A_1276 = arith.index_cast %parallel_loop3A_1272 : i32 to index
        %parallel_loop3A_1277 = tpu.vector_load %arg9[%parallel_loop3A_1275, %parallel_loop3A_1276] {strides = array<i32>} : memref<48x1024xf32, #tpu.memory_space<vmem>>, vector<1x16xf32>,
        %parallel_loop3A_1278 = vector.shape_cast %parallel_loop3A_1277 : vector<1x16xf32> to vector<16xf32>
        %parallel_loop3A_1279 = arith.index_cast %scan3A_1265 : i32 to index
        %parallel_loop3A_1280 = arith.index_cast %parallel_loop3A_1272 : i32 to index
        %parallel_loop3A_1281 = tpu.vector_load %arg12[%parallel_loop3A_1279, %parallel_loop3A_1280] {strides = array<i32>} : memref<24x1024xf32, #tpu.memory_space<vmem>>, vector<1x16xf32>,
        %parallel_loop3A_1282 = vector.shape_cast %parallel_loop3A_1281 : vector<1x16xf32> to vector<16xf32>
        %parallel_loop3A_1283 = vector.shape_cast %parallel_loop3A_1278 : vector<16xf32> to vector<1x16xf32>
        tpu.vector_store %arg12[%parallel_loop3A_1279, %parallel_loop3A_1280], %parallel_loop3A_1283 {add = true, strides = array<i32>} : memref<24x1024xf32, #tpu.memory_space<vmem>>, vector<1x16xf32>,
      } {sc.loop_unroll_factor = 8 : i64, sc.parallel_access}
      %scan3A_1269 = arith.constant 0 : i32
      scf.yield %scan3A_1269 : i32
    }
    %scan3A_366 = arith.constant 24 : i32
    %add3A_367 = arith.constant 512 : i32
    %add3A_368 = arith.addi %add3A_367, %mul3A_2 : i32
    %add3A_369 = arith.constant 24 : i32
    %add3A_370 = arith.addi %add3A_368, %add3A_369 : i32
    %dma_start3A_371 = arith.constant 1 : i32
    %dma_start3A_372 = arith.constant 0 : i32
    %dma_start3A_373 = arith.constant 0 : i32
    %dma_start3A_374 = tpu.memref_slice %arg12[%dma_start3A_372, %dma_start3A_373] : memref<24x1024xf32, #tpu.memory_space<vmem>> -> memref<24x1024xf32, #tpu.memory_space<vmem>>
    %dma_start3A_375 = arith.constant 0 : i32
    %dma_start3A_376 = tpu.memref_slice %arg7[%dma_start3A_371, %add3A_370, %dma_start3A_375] : memref<8x2048x1024xf32, #tpu.memory_space<hbm>> -> memref<1x24x1024xf32, #tpu.memory_space<hbm>>
    %dma_start3A_377 = tpu.memref_squeeze %dma_start3A_376 : memref<1x24x1024xf32, #tpu.memory_space<hbm>> -> memref<24x1024xf32, #tpu.memory_space<hbm>>
    %dma_start3A_378 = arith.constant 0 : i32
    %dma_start3A_379 = tpu.memref_slice %arg7[%dma_start3A_371, %add3A_370, %dma_start3A_378] : memref<8x2048x1024xf32, #tpu.memory_space<hbm>> -> memref<1x24x1024xf32, #tpu.memory_space<hbm>>
    %dma_start3A_380 = tpu.memref_squeeze %dma_start3A_379 : memref<1x24x1024xf32, #tpu.memory_space<hbm>> -> memref<24x1024xf32, #tpu.memory_space<hbm>>
    %dma_start3A_381 = arith.constant 0 : i32
    %dma_start3A_382 = arith.constant 0 : i32
    %dma_start3A_383 = tpu.memref_slice %arg12[%dma_start3A_381, %dma_start3A_382] : memref<24x1024xf32, #tpu.memory_space<vmem>> -> memref<24x1024xf32, #tpu.memory_space<vmem>>
    tpu.enqueue_dma source(%dma_start3A_383 : memref<24x1024xf32, #tpu.memory_space<vmem>>) target(%dma_start3A_380 : memref<24x1024xf32, #tpu.memory_space<hbm>>) target_semaphore(%arg19 : memref<!tpu.dma_semaphore, #tpu.memory_space<semaphore_mem>>)
    %dma_wait3A_384 = arith.constant 1 : i32
    %dma_wait3A_385 = arith.constant 0 : i32
    %dma_wait3A_386 = arith.constant 0 : i32
    %dma_wait3A_387 = tpu.memref_slice %arg12[%dma_wait3A_385, %dma_wait3A_386] : memref<24x1024xf32, #tpu.memory_space<vmem>> -> memref<24x1024xf32, #tpu.memory_space<vmem>>
    %dma_wait3A_388 = arith.constant 0 : i32
    %dma_wait3A_389 = tpu.memref_slice %arg7[%dma_wait3A_384, %add3A_370, %dma_wait3A_388] : memref<8x2048x1024xf32, #tpu.memory_space<hbm>> -> memref<1x24x1024xf32, #tpu.memory_space<hbm>>
    %dma_wait3A_390 = tpu.memref_squeeze %dma_wait3A_389 : memref<1x24x1024xf32, #tpu.memory_space<hbm>> -> memref<24x1024xf32, #tpu.memory_space<hbm>>
    %dma_wait3A_391 = arith.constant 0 : i32
    %dma_wait3A_392 = tpu.memref_slice %arg7[%dma_wait3A_384, %add3A_370, %dma_wait3A_391] : memref<8x2048x1024xf32, #tpu.memory_space<hbm>> -> memref<1x24x1024xf32, #tpu.memory_space<hbm>>
    %dma_wait3A_393 = tpu.memref_squeeze %dma_wait3A_392 : memref<1x24x1024xf32, #tpu.memory_space<hbm>> -> memref<24x1024xf32, #tpu.memory_space<hbm>>
    %dma_wait3A_394 = arith.constant 0 : i32
    %dma_wait3A_395 = arith.constant 0 : i32
    %dma_wait3A_396 = tpu.memref_slice %arg12[%dma_wait3A_394, %dma_wait3A_395] : memref<24x1024xf32, #tpu.memory_space<vmem>> -> memref<24x1024xf32, #tpu.memory_space<vmem>>
    tpu.wait_dma2 semaphore(%arg19 : memref<!tpu.dma_semaphore, #tpu.memory_space<semaphore_mem>>) src(%dma_wait3A_396 : memref<24x1024xf32, #tpu.memory_space<vmem>>) dst(%dma_wait3A_393 : memref<24x1024xf32, #tpu.memory_space<hbm>>)
    %dma_start3A_397 = arith.constant 2 : i32
    %dma_start3A_398 = arith.constant 0 : i32
    %dma_start3A_399 = arith.constant 0 : i32
    %dma_start3A_400 = tpu.memref_slice %arg12[%dma_start3A_398, %dma_start3A_399] : memref<24x1024xf32, #tpu.memory_space<vmem>> -> memref<24x1024xf32, #tpu.memory_space<vmem>>
    %dma_start3A_401 = arith.constant 24 : i32
    %dma_start3A_402 = tpu.memref_slice %arg8[%dma_start3A_397, %dma_start3A_401] : memref<8x48xi32, #tpu.memory_space<vmem>> -> memref<1x24xi32, #tpu.memory_space<vmem>>
    %dma_start3A_403 = tpu.memref_squeeze %dma_start3A_402 : memref<1x24xi32, #tpu.memory_space<vmem>> -> memref<24xi32, #tpu.memory_space<vmem>>
    %dma_start3A_404 = arith.constant 0 : i32
    %dma_start3A_405 = arith.constant 0 : i32
    %dma_start3A_406 = tpu.memref_slice %arg5[%dma_start3A_404, %dma_start3A_405] : memref<1025x1024xf32, #tpu.memory_space<hbm>> -> memref<1025x1024xf32, #tpu.memory_space<hbm>>
    tpu.enqueue_indirect_dma source(%dma_start3A_406 : memref<1025x1024xf32, #tpu.memory_space<hbm>>) target(%dma_start3A_400 : memref<24x1024xf32, #tpu.memory_space<vmem>>) offsets(%dma_start3A_403 : memref<24xi32, #tpu.memory_space<vmem>>) semaphore(%arg16 : memref<!tpu.dma_semaphore, #tpu.memory_space<semaphore_mem>>)
    %dma_wait3A_407 = arith.constant 2 : i32
    %dma_wait3A_408 = arith.constant 0 : i32
    %dma_wait3A_409 = arith.constant 0 : i32
    %dma_wait3A_410 = tpu.memref_slice %arg10[%dma_wait3A_408, %dma_wait3A_409] : memref<24x1024xf32, #tpu.memory_space<vmem>> -> memref<24x1024xf32, #tpu.memory_space<vmem>>
    %dma_wait3A_411 = arith.constant 0 : i32
    %dma_wait3A_412 = tpu.memref_slice %arg8[%dma_wait3A_407, %dma_wait3A_411] : memref<8x48xi32, #tpu.memory_space<vmem>> -> memref<1x24xi32, #tpu.memory_space<vmem>>
    %dma_wait3A_413 = tpu.memref_squeeze %dma_wait3A_412 : memref<1x24xi32, #tpu.memory_space<vmem>> -> memref<24xi32, #tpu.memory_space<vmem>>
    %dma_wait3A_414 = arith.constant 0 : i32
    %dma_wait3A_415 = arith.constant 0 : i32
    %dma_wait3A_416 = tpu.memref_slice %arg5[%dma_wait3A_414, %dma_wait3A_415] : memref<1025x1024xf32, #tpu.memory_space<hbm>> -> memref<1025x1024xf32, #tpu.memory_space<hbm>>
    tpu.wait_indirect_dma semaphore(%arg14 : memref<!tpu.dma_semaphore, #tpu.memory_space<semaphore_mem>>) src(%dma_wait3A_416 : memref<1025x1024xf32, #tpu.memory_space<hbm>>) dst(%dma_wait3A_410 : memref<24x1024xf32, #tpu.memory_space<vmem>>)
    %scan3A_417 = arith.constant 0 : i32
    %scan3A_418 = arith.constant 0 : i32
    %scan3A_419 = arith.constant 24 : i32
    %scan3A_420 = arith.addi %scan3A_418, %scan3A_419 : i32
    %scan3A_421 = arith.constant 1 : i32
    %scan3A_422 = scf.for %scan3A_1265 = %scan3A_418 to %scan3A_420 step %scan3A_421 iter_args(%scan3A_1266 = %scan3A_417) -> (i32)  : i32 {
      %parallel_loop3A = arith.constant 0 : i32
      %parallel_loop3A_1267 = arith.constant 64 : i32
      %parallel_loop3A_1268 = arith.constant 1 : i32
      scf.for %parallel_loop3A_1270 = %parallel_loop3A to %parallel_loop3A_1267 step %parallel_loop3A_1268  : i32 {
        %parallel_loop3A_1271 = arith.constant 16 : i32
        %parallel_loop3A_1272 = arith.muli %parallel_loop3A_1270, %parallel_loop3A_1271 : i32
        %parallel_loop3A_1273 = arith.constant 0 : i32
        %parallel_loop3A_1274 = arith.addi %parallel_loop3A_1273, %scan3A_1265 : i32
        %parallel_loop3A_1275 = arith.index_cast %parallel_loop3A_1274 : i32 to index
        %parallel_loop3A_1276 = arith.index_cast %parallel_loop3A_1272 : i32 to index
        %parallel_loop3A_1277 = tpu.vector_load %arg9[%parallel_loop3A_1275, %parallel_loop3A_1276] {strides = array<i32>} : memref<48x1024xf32, #tpu.memory_space<vmem>>, vector<1x16xf32>,
        %parallel_loop3A_1278 = vector.shape_cast %parallel_loop3A_1277 : vector<1x16xf32> to vector<16xf32>
        %parallel_loop3A_1279 = arith.index_cast %scan3A_1265 : i32 to index
        %parallel_loop3A_1280 = arith.index_cast %parallel_loop3A_1272 : i32 to index
        %parallel_loop3A_1281 = tpu.vector_load %arg10[%parallel_loop3A_1279, %parallel_loop3A_1280] {strides = array<i32>} : memref<24x1024xf32, #tpu.memory_space<vmem>>, vector<1x16xf32>,
        %parallel_loop3A_1282 = vector.shape_cast %parallel_loop3A_1281 : vector<1x16xf32> to vector<16xf32>
        %parallel_loop3A_1283 = vector.shape_cast %parallel_loop3A_1278 : vector<16xf32> to vector<1x16xf32>
        tpu.vector_store %arg10[%parallel_loop3A_1279, %parallel_loop3A_1280], %parallel_loop3A_1283 {add = true, strides = array<i32>} : memref<24x1024xf32, #tpu.memory_space<vmem>>, vector<1x16xf32>,
      } {sc.loop_unroll_factor = 8 : i64, sc.parallel_access}
      %scan3A_1269 = arith.constant 0 : i32
      scf.yield %scan3A_1269 : i32
    }
    %scan3A_423 = arith.constant 24 : i32
    %add3A_424 = arith.constant 512 : i32
    %add3A_425 = arith.addi %add3A_424, %mul3A_2 : i32
    %add3A_426 = arith.constant 0 : i32
    %add3A_427 = arith.addi %add3A_425, %add3A_426 : i32
    %dma_start3A_428 = arith.constant 2 : i32
    %dma_start3A_429 = arith.constant 0 : i32
    %dma_start3A_430 = arith.constant 0 : i32
    %dma_start3A_431 = tpu.memref_slice %arg10[%dma_start3A_429, %dma_start3A_430] : memref<24x1024xf32, #tpu.memory_space<vmem>> -> memref<24x1024xf32, #tpu.memory_space<vmem>>
    %dma_start3A_432 = arith.constant 0 : i32
    %dma_start3A_433 = tpu.memref_slice %arg7[%dma_start3A_428, %add3A_427, %dma_start3A_432] : memref<8x2048x1024xf32, #tpu.memory_space<hbm>> -> memref<1x24x1024xf32, #tpu.memory_space<hbm>>
    %dma_start3A_434 = tpu.memref_squeeze %dma_start3A_433 : memref<1x24x1024xf32, #tpu.memory_space<hbm>> -> memref<24x1024xf32, #tpu.memory_space<hbm>>
    %dma_start3A_435 = arith.constant 0 : i32
    %dma_start3A_436 = tpu.memref_slice %arg7[%dma_start3A_428, %add3A_427, %dma_start3A_435] : memref<8x2048x1024xf32, #tpu.memory_space<hbm>> -> memref<1x24x1024xf32, #tpu.memory_space<hbm>>
    %dma_start3A_437 = tpu.memref_squeeze %dma_start3A_436 : memref<1x24x1024xf32, #tpu.memory_space<hbm>> -> memref<24x1024xf32, #tpu.memory_space<hbm>>
    %dma_start3A_438 = arith.constant 0 : i32
    %dma_start3A_439 = arith.constant 0 : i32
    %dma_start3A_440 = tpu.memref_slice %arg10[%dma_start3A_438, %dma_start3A_439] : memref<24x1024xf32, #tpu.memory_space<vmem>> -> memref<24x1024xf32, #tpu.memory_space<vmem>>
    tpu.enqueue_dma source(%dma_start3A_440 : memref<24x1024xf32, #tpu.memory_space<vmem>>) target(%dma_start3A_437 : memref<24x1024xf32, #tpu.memory_space<hbm>>) target_semaphore(%arg17 : memref<!tpu.dma_semaphore, #tpu.memory_space<semaphore_mem>>)
    %dma_wait3A_441 = arith.constant 2 : i32
    %dma_wait3A_442 = arith.constant 0 : i32
    %dma_wait3A_443 = arith.constant 0 : i32
    %dma_wait3A_444 = tpu.memref_slice %arg10[%dma_wait3A_442, %dma_wait3A_443] : memref<24x1024xf32, #tpu.memory_space<vmem>> -> memref<24x1024xf32, #tpu.memory_space<vmem>>
    %dma_wait3A_445 = arith.constant 0 : i32
    %dma_wait3A_446 = tpu.memref_slice %arg7[%dma_wait3A_441, %add3A_427, %dma_wait3A_445] : memref<8x2048x1024xf32, #tpu.memory_space<hbm>> -> memref<1x24x1024xf32, #tpu.memory_space<hbm>>
    %dma_wait3A_447 = tpu.memref_squeeze %dma_wait3A_446 : memref<1x24x1024xf32, #tpu.memory_space<hbm>> -> memref<24x1024xf32, #tpu.memory_space<hbm>>
    %dma_wait3A_448 = arith.constant 0 : i32
    %dma_wait3A_449 = tpu.memref_slice %arg7[%dma_wait3A_441, %add3A_427, %dma_wait3A_448] : memref<8x2048x1024xf32, #tpu.memory_space<hbm>> -> memref<1x24x1024xf32, #tpu.memory_space<hbm>>
    %dma_wait3A_450 = tpu.memref_squeeze %dma_wait3A_449 : memref<1x24x1024xf32, #tpu.memory_space<hbm>> -> memref<24x1024xf32, #tpu.memory_space<hbm>>
    %dma_wait3A_451 = arith.constant 0 : i32
    %dma_wait3A_452 = arith.constant 0 : i32
    %dma_wait3A_453 = tpu.memref_slice %arg10[%dma_wait3A_451, %dma_wait3A_452] : memref<24x1024xf32, #tpu.memory_space<vmem>> -> memref<24x1024xf32, #tpu.memory_space<vmem>>
    tpu.wait_dma2 semaphore(%arg17 : memref<!tpu.dma_semaphore, #tpu.memory_space<semaphore_mem>>) src(%dma_wait3A_453 : memref<24x1024xf32, #tpu.memory_space<vmem>>) dst(%dma_wait3A_450 : memref<24x1024xf32, #tpu.memory_space<hbm>>)
    %dma_start3A_454 = arith.constant 3 : i32
    %dma_start3A_455 = arith.constant 0 : i32
    %dma_start3A_456 = arith.constant 0 : i32
    %dma_start3A_457 = tpu.memref_slice %arg10[%dma_start3A_455, %dma_start3A_456] : memref<24x1024xf32, #tpu.memory_space<vmem>> -> memref<24x1024xf32, #tpu.memory_space<vmem>>
    %dma_start3A_458 = arith.constant 0 : i32
    %dma_start3A_459 = tpu.memref_slice %arg8[%dma_start3A_454, %dma_start3A_458] : memref<8x48xi32, #tpu.memory_space<vmem>> -> memref<1x24xi32, #tpu.memory_space<vmem>>
    %dma_start3A_460 = tpu.memref_squeeze %dma_start3A_459 : memref<1x24xi32, #tpu.memory_space<vmem>> -> memref<24xi32, #tpu.memory_space<vmem>>
    %dma_start3A_461 = arith.constant 0 : i32
    %dma_start3A_462 = arith.constant 0 : i32
    %dma_start3A_463 = tpu.memref_slice %arg5[%dma_start3A_461, %dma_start3A_462] : memref<1025x1024xf32, #tpu.memory_space<hbm>> -> memref<1025x1024xf32, #tpu.memory_space<hbm>>
    tpu.enqueue_indirect_dma source(%dma_start3A_463 : memref<1025x1024xf32, #tpu.memory_space<hbm>>) target(%dma_start3A_457 : memref<24x1024xf32, #tpu.memory_space<vmem>>) offsets(%dma_start3A_460 : memref<24xi32, #tpu.memory_space<vmem>>) semaphore(%arg14 : memref<!tpu.dma_semaphore, #tpu.memory_space<semaphore_mem>>)
    %dma_wait3A_464 = arith.constant 0 : i32
    %dma_wait3A_465 = arith.constant 0 : i32
    %dma_wait3A_466 = tpu.memref_slice %arg11[%dma_wait3A_464, %dma_wait3A_465] : memref<24x1024xf32, #tpu.memory_space<vmem>> -> memref<24x1024xf32, #tpu.memory_space<vmem>>
    %dma_wait3A_467 = arith.constant 0 : i32
    %dma_wait3A_468 = tpu.memref_slice %arg3[%select_n3A, %add3A_337, %dma_wait3A_467] : memref<8x512x1024xf32, #tpu.memory_space<hbm>> -> memref<1x24x1024xf32, #tpu.memory_space<hbm>>
    %dma_wait3A_469 = tpu.memref_squeeze %dma_wait3A_468 : memref<1x24x1024xf32, #tpu.memory_space<hbm>> -> memref<24x1024xf32, #tpu.memory_space<hbm>>
    %dma_wait3A_470 = arith.constant 0 : i32
    %dma_wait3A_471 = arith.constant 0 : i32
    %dma_wait3A_472 = tpu.memref_slice %arg11[%dma_wait3A_470, %dma_wait3A_471] : memref<24x1024xf32, #tpu.memory_space<vmem>> -> memref<24x1024xf32, #tpu.memory_space<vmem>>
    %dma_wait3A_473 = arith.constant 0 : i32
    %dma_wait3A_474 = tpu.memref_slice %arg3[%select_n3A, %add3A_337, %dma_wait3A_473] : memref<8x512x1024xf32, #tpu.memory_space<hbm>> -> memref<1x24x1024xf32, #tpu.memory_space<hbm>>
    %dma_wait3A_475 = tpu.memref_squeeze %dma_wait3A_474 : memref<1x24x1024xf32, #tpu.memory_space<hbm>> -> memref<24x1024xf32, #tpu.memory_space<hbm>>
    tpu.wait_dma2 semaphore(%arg15 : memref<!tpu.dma_semaphore, #tpu.memory_space<semaphore_mem>>) src(%dma_wait3A_475 : memref<24x1024xf32, #tpu.memory_space<hbm>>) dst(%dma_wait3A_472 : memref<24x1024xf32, #tpu.memory_space<vmem>>)
    %add3A_476 = arith.constant 48 : i32
    %add3A_477 = arith.addi %mul3A_34, %add3A_476 : i32
    %dma_start3A_478 = arith.constant 0 : i32
    %dma_start3A_479 = arith.constant 0 : i32
    %dma_start3A_480 = tpu.memref_slice %arg11[%dma_start3A_478, %dma_start3A_479] : memref<24x1024xf32, #tpu.memory_space<vmem>> -> memref<24x1024xf32, #tpu.memory_space<vmem>>
    %dma_start3A_481 = arith.constant 0 : i32
    %dma_start3A_482 = tpu.memref_slice %arg7[%select_n3A, %add3A_477, %dma_start3A_481] : memref<8x2048x1024xf32, #tpu.memory_space<hbm>> -> memref<1x24x1024xf32, #tpu.memory_space<hbm>>
    %dma_start3A_483 = tpu.memref_squeeze %dma_start3A_482 : memref<1x24x1024xf32, #tpu.memory_space<hbm>> -> memref<24x1024xf32, #tpu.memory_space<hbm>>
    %dma_start3A_484 = arith.constant 0 : i32
    %dma_start3A_485 = tpu.memref_slice %arg7[%select_n3A, %add3A_477, %dma_start3A_484] : memref<8x2048x1024xf32, #tpu.memory_space<hbm>> -> memref<1x24x1024xf32, #tpu.memory_space<hbm>>
    %dma_start3A_486 = tpu.memref_squeeze %dma_start3A_485 : memref<1x24x1024xf32, #tpu.memory_space<hbm>> -> memref<24x1024xf32, #tpu.memory_space<hbm>>
    %dma_start3A_487 = arith.constant 0 : i32
    %dma_start3A_488 = arith.constant 0 : i32
    %dma_start3A_489 = tpu.memref_slice %arg11[%dma_start3A_487, %dma_start3A_488] : memref<24x1024xf32, #tpu.memory_space<vmem>> -> memref<24x1024xf32, #tpu.memory_space<vmem>>
    tpu.enqueue_dma source(%dma_start3A_489 : memref<24x1024xf32, #tpu.memory_space<vmem>>) target(%dma_start3A_486 : memref<24x1024xf32, #tpu.memory_space<hbm>>) target_semaphore(%arg18 : memref<!tpu.dma_semaphore, #tpu.memory_space<semaphore_mem>>)
    %dma_wait3A_490 = arith.constant 0 : i32
    %dma_wait3A_491 = arith.constant 0 : i32
    %dma_wait3A_492 = tpu.memref_slice %arg11[%dma_wait3A_490, %dma_wait3A_491] : memref<24x1024xf32, #tpu.memory_space<vmem>> -> memref<24x1024xf32, #tpu.memory_space<vmem>>
    %dma_wait3A_493 = arith.constant 0 : i32
    %dma_wait3A_494 = tpu.memref_slice %arg7[%select_n3A, %add3A_477, %dma_wait3A_493] : memref<8x2048x1024xf32, #tpu.memory_space<hbm>> -> memref<1x24x1024xf32, #tpu.memory_space<hbm>>
    %dma_wait3A_495 = tpu.memref_squeeze %dma_wait3A_494 : memref<1x24x1024xf32, #tpu.memory_space<hbm>> -> memref<24x1024xf32, #tpu.memory_space<hbm>>
    %dma_wait3A_496 = arith.constant 0 : i32
    %dma_wait3A_497 = tpu.memref_slice %arg7[%select_n3A, %add3A_477, %dma_wait3A_496] : memref<8x2048x1024xf32, #tpu.memory_space<hbm>> -> memref<1x24x1024xf32, #tpu.memory_space<hbm>>
    %dma_wait3A_498 = tpu.memref_squeeze %dma_wait3A_497 : memref<1x24x1024xf32, #tpu.memory_space<hbm>> -> memref<24x1024xf32, #tpu.memory_space<hbm>>
    %dma_wait3A_499 = arith.constant 0 : i32
    %dma_wait3A_500 = arith.constant 0 : i32
    %dma_wait3A_501 = tpu.memref_slice %arg11[%dma_wait3A_499, %dma_wait3A_500] : memref<24x1024xf32, #tpu.memory_space<vmem>> -> memref<24x1024xf32, #tpu.memory_space<vmem>>
    tpu.wait_dma2 semaphore(%arg18 : memref<!tpu.dma_semaphore, #tpu.memory_space<semaphore_mem>>) src(%dma_wait3A_501 : memref<24x1024xf32, #tpu.memory_space<vmem>>) dst(%dma_wait3A_498 : memref<24x1024xf32, #tpu.memory_space<hbm>>)
    %add3A_502 = arith.constant 72 : i32
    %add3A_503 = arith.addi %mul3A_34, %add3A_502 : i32
    %dma_start3A_504 = arith.constant 0 : i32
    %dma_start3A_505 = arith.constant 0 : i32
    %dma_start3A_506 = tpu.memref_slice %arg11[%dma_start3A_504, %dma_start3A_505] : memref<24x1024xf32, #tpu.memory_space<vmem>> -> memref<24x1024xf32, #tpu.memory_space<vmem>>
    %dma_start3A_507 = arith.constant 0 : i32
    %dma_start3A_508 = tpu.memref_slice %arg3[%select_n3A, %add3A_503, %dma_start3A_507] : memref<8x512x1024xf32, #tpu.memory_space<hbm>> -> memref<1x24x1024xf32, #tpu.memory_space<hbm>>
    %dma_start3A_509 = tpu.memref_squeeze %dma_start3A_508 : memref<1x24x1024xf32, #tpu.memory_space<hbm>> -> memref<24x1024xf32, #tpu.memory_space<hbm>>
    %dma_start3A_510 = arith.constant 0 : i32
    %dma_start3A_511 = arith.constant 0 : i32
    %dma_start3A_512 = tpu.memref_slice %arg11[%dma_start3A_510, %dma_start3A_511] : memref<24x1024xf32, #tpu.memory_space<vmem>> -> memref<24x1024xf32, #tpu.memory_space<vmem>>
    %dma_start3A_513 = arith.constant 0 : i32
    %dma_start3A_514 = tpu.memref_slice %arg3[%select_n3A, %add3A_503, %dma_start3A_513] : memref<8x512x1024xf32, #tpu.memory_space<hbm>> -> memref<1x24x1024xf32, #tpu.memory_space<hbm>>
    %dma_start3A_515 = tpu.memref_squeeze %dma_start3A_514 : memref<1x24x1024xf32, #tpu.memory_space<hbm>> -> memref<24x1024xf32, #tpu.memory_space<hbm>>
    tpu.enqueue_dma source(%dma_start3A_515 : memref<24x1024xf32, #tpu.memory_space<hbm>>) target(%dma_start3A_512 : memref<24x1024xf32, #tpu.memory_space<vmem>>) target_semaphore(%arg15 : memref<!tpu.dma_semaphore, #tpu.memory_space<semaphore_mem>>)
    %dma_wait3A_516 = arith.constant 2 : i32
    %dma_wait3A_517 = arith.constant 0 : i32
    %dma_wait3A_518 = arith.constant 0 : i32
    %dma_wait3A_519 = tpu.memref_slice %arg12[%dma_wait3A_517, %dma_wait3A_518] : memref<24x1024xf32, #tpu.memory_space<vmem>> -> memref<24x1024xf32, #tpu.memory_space<vmem>>
    %dma_wait3A_520 = arith.constant 24 : i32
    %dma_wait3A_521 = tpu.memref_slice %arg8[%dma_wait3A_516, %dma_wait3A_520] : memref<8x48xi32, #tpu.memory_space<vmem>> -> memref<1x24xi32, #tpu.memory_space<vmem>>
    %dma_wait3A_522 = tpu.memref_squeeze %dma_wait3A_521 : memref<1x24xi32, #tpu.memory_space<vmem>> -> memref<24xi32, #tpu.memory_space<vmem>>
    %dma_wait3A_523 = arith.constant 0 : i32
    %dma_wait3A_524 = arith.constant 0 : i32
    %dma_wait3A_525 = tpu.memref_slice %arg5[%dma_wait3A_523, %dma_wait3A_524] : memref<1025x1024xf32, #tpu.memory_space<hbm>> -> memref<1025x1024xf32, #tpu.memory_space<hbm>>
    tpu.wait_indirect_dma semaphore(%arg16 : memref<!tpu.dma_semaphore, #tpu.memory_space<semaphore_mem>>) src(%dma_wait3A_525 : memref<1025x1024xf32, #tpu.memory_space<hbm>>) dst(%dma_wait3A_519 : memref<24x1024xf32, #tpu.memory_space<vmem>>)
    %scan3A_526 = arith.constant 0 : i32
    %scan3A_527 = arith.constant 0 : i32
    %scan3A_528 = arith.constant 24 : i32
    %scan3A_529 = arith.addi %scan3A_527, %scan3A_528 : i32
    %scan3A_530 = arith.constant 1 : i32
    %scan3A_531 = scf.for %scan3A_1265 = %scan3A_527 to %scan3A_529 step %scan3A_530 iter_args(%scan3A_1266 = %scan3A_526) -> (i32)  : i32 {
      %parallel_loop3A = arith.constant 0 : i32
      %parallel_loop3A_1267 = arith.constant 64 : i32
      %parallel_loop3A_1268 = arith.constant 1 : i32
      scf.for %parallel_loop3A_1270 = %parallel_loop3A to %parallel_loop3A_1267 step %parallel_loop3A_1268  : i32 {
        %parallel_loop3A_1271 = arith.constant 16 : i32
        %parallel_loop3A_1272 = arith.muli %parallel_loop3A_1270, %parallel_loop3A_1271 : i32
        %parallel_loop3A_1273 = arith.constant 24 : i32
        %parallel_loop3A_1274 = arith.addi %parallel_loop3A_1273, %scan3A_1265 : i32
        %parallel_loop3A_1275 = arith.index_cast %parallel_loop3A_1274 : i32 to index
        %parallel_loop3A_1276 = arith.index_cast %parallel_loop3A_1272 : i32 to index
        %parallel_loop3A_1277 = tpu.vector_load %arg9[%parallel_loop3A_1275, %parallel_loop3A_1276] {strides = array<i32>} : memref<48x1024xf32, #tpu.memory_space<vmem>>, vector<1x16xf32>,
        %parallel_loop3A_1278 = vector.shape_cast %parallel_loop3A_1277 : vector<1x16xf32> to vector<16xf32>
        %parallel_loop3A_1279 = arith.index_cast %scan3A_1265 : i32 to index
        %parallel_loop3A_1280 = arith.index_cast %parallel_loop3A_1272 : i32 to index
        %parallel_loop3A_1281 = tpu.vector_load %arg12[%parallel_loop3A_1279, %parallel_loop3A_1280] {strides = array<i32>} : memref<24x1024xf32, #tpu.memory_space<vmem>>, vector<1x16xf32>,
        %parallel_loop3A_1282 = vector.shape_cast %parallel_loop3A_1281 : vector<1x16xf32> to vector<16xf32>
        %parallel_loop3A_1283 = vector.shape_cast %parallel_loop3A_1278 : vector<16xf32> to vector<1x16xf32>
        tpu.vector_store %arg12[%parallel_loop3A_1279, %parallel_loop3A_1280], %parallel_loop3A_1283 {add = true, strides = array<i32>} : memref<24x1024xf32, #tpu.memory_space<vmem>>, vector<1x16xf32>,
      } {sc.loop_unroll_factor = 8 : i64, sc.parallel_access}
      %scan3A_1269 = arith.constant 0 : i32
      scf.yield %scan3A_1269 : i32
    }
    %scan3A_532 = arith.constant 24 : i32
    %add3A_533 = arith.constant 512 : i32
    %add3A_534 = arith.addi %add3A_533, %mul3A_2 : i32
    %add3A_535 = arith.constant 24 : i32
    %add3A_536 = arith.addi %add3A_534, %add3A_535 : i32
    %dma_start3A_537 = arith.constant 2 : i32
    %dma_start3A_538 = arith.constant 0 : i32
    %dma_start3A_539 = arith.constant 0 : i32
    %dma_start3A_540 = tpu.memref_slice %arg12[%dma_start3A_538, %dma_start3A_539] : memref<24x1024xf32, #tpu.memory_space<vmem>> -> memref<24x1024xf32, #tpu.memory_space<vmem>>
    %dma_start3A_541 = arith.constant 0 : i32
    %dma_start3A_542 = tpu.memref_slice %arg7[%dma_start3A_537, %add3A_536, %dma_start3A_541] : memref<8x2048x1024xf32, #tpu.memory_space<hbm>> -> memref<1x24x1024xf32, #tpu.memory_space<hbm>>
    %dma_start3A_543 = tpu.memref_squeeze %dma_start3A_542 : memref<1x24x1024xf32, #tpu.memory_space<hbm>> -> memref<24x1024xf32, #tpu.memory_space<hbm>>
    %dma_start3A_544 = arith.constant 0 : i32
    %dma_start3A_545 = tpu.memref_slice %arg7[%dma_start3A_537, %add3A_536, %dma_start3A_544] : memref<8x2048x1024xf32, #tpu.memory_space<hbm>> -> memref<1x24x1024xf32, #tpu.memory_space<hbm>>
    %dma_start3A_546 = tpu.memref_squeeze %dma_start3A_545 : memref<1x24x1024xf32, #tpu.memory_space<hbm>> -> memref<24x1024xf32, #tpu.memory_space<hbm>>
    %dma_start3A_547 = arith.constant 0 : i32
    %dma_start3A_548 = arith.constant 0 : i32
    %dma_start3A_549 = tpu.memref_slice %arg12[%dma_start3A_547, %dma_start3A_548] : memref<24x1024xf32, #tpu.memory_space<vmem>> -> memref<24x1024xf32, #tpu.memory_space<vmem>>
    tpu.enqueue_dma source(%dma_start3A_549 : memref<24x1024xf32, #tpu.memory_space<vmem>>) target(%dma_start3A_546 : memref<24x1024xf32, #tpu.memory_space<hbm>>) target_semaphore(%arg19 : memref<!tpu.dma_semaphore, #tpu.memory_space<semaphore_mem>>)
    %dma_wait3A_550 = arith.constant 2 : i32
    %dma_wait3A_551 = arith.constant 0 : i32
    %dma_wait3A_552 = arith.constant 0 : i32
    %dma_wait3A_553 = tpu.memref_slice %arg12[%dma_wait3A_551, %dma_wait3A_552] : memref<24x1024xf32, #tpu.memory_space<vmem>> -> memref<24x1024xf32, #tpu.memory_space<vmem>>
    %dma_wait3A_554 = arith.constant 0 : i32
    %dma_wait3A_555 = tpu.memref_slice %arg7[%dma_wait3A_550, %add3A_536, %dma_wait3A_554] : memref<8x2048x1024xf32, #tpu.memory_space<hbm>> -> memref<1x24x1024xf32, #tpu.memory_space<hbm>>
    %dma_wait3A_556 = tpu.memref_squeeze %dma_wait3A_555 : memref<1x24x1024xf32, #tpu.memory_space<hbm>> -> memref<24x1024xf32, #tpu.memory_space<hbm>>
    %dma_wait3A_557 = arith.constant 0 : i32
    %dma_wait3A_558 = tpu.memref_slice %arg7[%dma_wait3A_550, %add3A_536, %dma_wait3A_557] : memref<8x2048x1024xf32, #tpu.memory_space<hbm>> -> memref<1x24x1024xf32, #tpu.memory_space<hbm>>
    %dma_wait3A_559 = tpu.memref_squeeze %dma_wait3A_558 : memref<1x24x1024xf32, #tpu.memory_space<hbm>> -> memref<24x1024xf32, #tpu.memory_space<hbm>>
    %dma_wait3A_560 = arith.constant 0 : i32
    %dma_wait3A_561 = arith.constant 0 : i32
    %dma_wait3A_562 = tpu.memref_slice %arg12[%dma_wait3A_560, %dma_wait3A_561] : memref<24x1024xf32, #tpu.memory_space<vmem>> -> memref<24x1024xf32, #tpu.memory_space<vmem>>
    tpu.wait_dma2 semaphore(%arg19 : memref<!tpu.dma_semaphore, #tpu.memory_space<semaphore_mem>>) src(%dma_wait3A_562 : memref<24x1024xf32, #tpu.memory_space<vmem>>) dst(%dma_wait3A_559 : memref<24x1024xf32, #tpu.memory_space<hbm>>)
    %dma_start3A_563 = arith.constant 3 : i32
    %dma_start3A_564 = arith.constant 0 : i32
    %dma_start3A_565 = arith.constant 0 : i32
    %dma_start3A_566 = tpu.memref_slice %arg12[%dma_start3A_564, %dma_start3A_565] : memref<24x1024xf32, #tpu.memory_space<vmem>> -> memref<24x1024xf32, #tpu.memory_space<vmem>>
    %dma_start3A_567 = arith.constant 24 : i32
    %dma_start3A_568 = tpu.memref_slice %arg8[%dma_start3A_563, %dma_start3A_567] : memref<8x48xi32, #tpu.memory_space<vmem>> -> memref<1x24xi32, #tpu.memory_space<vmem>>
    %dma_start3A_569 = tpu.memref_squeeze %dma_start3A_568 : memref<1x24xi32, #tpu.memory_space<vmem>> -> memref<24xi32, #tpu.memory_space<vmem>>
    %dma_start3A_570 = arith.constant 0 : i32
    %dma_start3A_571 = arith.constant 0 : i32
    %dma_start3A_572 = tpu.memref_slice %arg5[%dma_start3A_570, %dma_start3A_571] : memref<1025x1024xf32, #tpu.memory_space<hbm>> -> memref<1025x1024xf32, #tpu.memory_space<hbm>>
    tpu.enqueue_indirect_dma source(%dma_start3A_572 : memref<1025x1024xf32, #tpu.memory_space<hbm>>) target(%dma_start3A_566 : memref<24x1024xf32, #tpu.memory_space<vmem>>) offsets(%dma_start3A_569 : memref<24xi32, #tpu.memory_space<vmem>>) semaphore(%arg16 : memref<!tpu.dma_semaphore, #tpu.memory_space<semaphore_mem>>)
    %dma_wait3A_573 = arith.constant 3 : i32
    %dma_wait3A_574 = arith.constant 0 : i32
    %dma_wait3A_575 = arith.constant 0 : i32
    %dma_wait3A_576 = tpu.memref_slice %arg10[%dma_wait3A_574, %dma_wait3A_575] : memref<24x1024xf32, #tpu.memory_space<vmem>> -> memref<24x1024xf32, #tpu.memory_space<vmem>>
    %dma_wait3A_577 = arith.constant 0 : i32
    %dma_wait3A_578 = tpu.memref_slice %arg8[%dma_wait3A_573, %dma_wait3A_577] : memref<8x48xi32, #tpu.memory_space<vmem>> -> memref<1x24xi32, #tpu.memory_space<vmem>>
    %dma_wait3A_579 = tpu.memref_squeeze %dma_wait3A_578 : memref<1x24xi32, #tpu.memory_space<vmem>> -> memref<24xi32, #tpu.memory_space<vmem>>
    %dma_wait3A_580 = arith.constant 0 : i32
    %dma_wait3A_581 = arith.constant 0 : i32
    %dma_wait3A_582 = tpu.memref_slice %arg5[%dma_wait3A_580, %dma_wait3A_581] : memref<1025x1024xf32, #tpu.memory_space<hbm>> -> memref<1025x1024xf32, #tpu.memory_space<hbm>>
    tpu.wait_indirect_dma semaphore(%arg14 : memref<!tpu.dma_semaphore, #tpu.memory_space<semaphore_mem>>) src(%dma_wait3A_582 : memref<1025x1024xf32, #tpu.memory_space<hbm>>) dst(%dma_wait3A_576 : memref<24x1024xf32, #tpu.memory_space<vmem>>)
    %scan3A_583 = arith.constant 0 : i32
    %scan3A_584 = arith.constant 0 : i32
    %scan3A_585 = arith.constant 24 : i32
    %scan3A_586 = arith.addi %scan3A_584, %scan3A_585 : i32
    %scan3A_587 = arith.constant 1 : i32
    %scan3A_588 = scf.for %scan3A_1265 = %scan3A_584 to %scan3A_586 step %scan3A_587 iter_args(%scan3A_1266 = %scan3A_583) -> (i32)  : i32 {
      %parallel_loop3A = arith.constant 0 : i32
      %parallel_loop3A_1267 = arith.constant 64 : i32
      %parallel_loop3A_1268 = arith.constant 1 : i32
      scf.for %parallel_loop3A_1270 = %parallel_loop3A to %parallel_loop3A_1267 step %parallel_loop3A_1268  : i32 {
        %parallel_loop3A_1271 = arith.constant 16 : i32
        %parallel_loop3A_1272 = arith.muli %parallel_loop3A_1270, %parallel_loop3A_1271 : i32
        %parallel_loop3A_1273 = arith.constant 0 : i32
        %parallel_loop3A_1274 = arith.addi %parallel_loop3A_1273, %scan3A_1265 : i32
        %parallel_loop3A_1275 = arith.index_cast %parallel_loop3A_1274 : i32 to index
        %parallel_loop3A_1276 = arith.index_cast %parallel_loop3A_1272 : i32 to index
        %parallel_loop3A_1277 = tpu.vector_load %arg9[%parallel_loop3A_1275, %parallel_loop3A_1276] {strides = array<i32>} : memref<48x1024xf32, #tpu.memory_space<vmem>>, vector<1x16xf32>,
        %parallel_loop3A_1278 = vector.shape_cast %parallel_loop3A_1277 : vector<1x16xf32> to vector<16xf32>
        %parallel_loop3A_1279 = arith.index_cast %scan3A_1265 : i32 to index
        %parallel_loop3A_1280 = arith.index_cast %parallel_loop3A_1272 : i32 to index
        %parallel_loop3A_1281 = tpu.vector_load %arg10[%parallel_loop3A_1279, %parallel_loop3A_1280] {strides = array<i32>} : memref<24x1024xf32, #tpu.memory_space<vmem>>, vector<1x16xf32>,
        %parallel_loop3A_1282 = vector.shape_cast %parallel_loop3A_1281 : vector<1x16xf32> to vector<16xf32>
        %parallel_loop3A_1283 = vector.shape_cast %parallel_loop3A_1278 : vector<16xf32> to vector<1x16xf32>
        tpu.vector_store %arg10[%parallel_loop3A_1279, %parallel_loop3A_1280], %parallel_loop3A_1283 {add = true, strides = array<i32>} : memref<24x1024xf32, #tpu.memory_space<vmem>>, vector<1x16xf32>,
      } {sc.loop_unroll_factor = 8 : i64, sc.parallel_access}
      %scan3A_1269 = arith.constant 0 : i32
      scf.yield %scan3A_1269 : i32
    }
    %scan3A_589 = arith.constant 24 : i32
    %add3A_590 = arith.constant 512 : i32
    %add3A_591 = arith.addi %add3A_590, %mul3A_2 : i32
    %add3A_592 = arith.constant 0 : i32
    %add3A_593 = arith.addi %add3A_591, %add3A_592 : i32
    %dma_start3A_594 = arith.constant 3 : i32
    %dma_start3A_595 = arith.constant 0 : i32
    %dma_start3A_596 = arith.constant 0 : i32
    %dma_start3A_597 = tpu.memref_slice %arg10[%dma_start3A_595, %dma_start3A_596] : memref<24x1024xf32, #tpu.memory_space<vmem>> -> memref<24x1024xf32, #tpu.memory_space<vmem>>
    %dma_start3A_598 = arith.constant 0 : i32
    %dma_start3A_599 = tpu.memref_slice %arg7[%dma_start3A_594, %add3A_593, %dma_start3A_598] : memref<8x2048x1024xf32, #tpu.memory_space<hbm>> -> memref<1x24x1024xf32, #tpu.memory_space<hbm>>
    %dma_start3A_600 = tpu.memref_squeeze %dma_start3A_599 : memref<1x24x1024xf32, #tpu.memory_space<hbm>> -> memref<24x1024xf32, #tpu.memory_space<hbm>>
    %dma_start3A_601 = arith.constant 0 : i32
    %dma_start3A_602 = tpu.memref_slice %arg7[%dma_start3A_594, %add3A_593, %dma_start3A_601] : memref<8x2048x1024xf32, #tpu.memory_space<hbm>> -> memref<1x24x1024xf32, #tpu.memory_space<hbm>>
    %dma_start3A_603 = tpu.memref_squeeze %dma_start3A_602 : memref<1x24x1024xf32, #tpu.memory_space<hbm>> -> memref<24x1024xf32, #tpu.memory_space<hbm>>
    %dma_start3A_604 = arith.constant 0 : i32
    %dma_start3A_605 = arith.constant 0 : i32
    %dma_start3A_606 = tpu.memref_slice %arg10[%dma_start3A_604, %dma_start3A_605] : memref<24x1024xf32, #tpu.memory_space<vmem>> -> memref<24x1024xf32, #tpu.memory_space<vmem>>
    tpu.enqueue_dma source(%dma_start3A_606 : memref<24x1024xf32, #tpu.memory_space<vmem>>) target(%dma_start3A_603 : memref<24x1024xf32, #tpu.memory_space<hbm>>) target_semaphore(%arg17 : memref<!tpu.dma_semaphore, #tpu.memory_space<semaphore_mem>>)
    %dma_wait3A_607 = arith.constant 3 : i32
    %dma_wait3A_608 = arith.constant 0 : i32
    %dma_wait3A_609 = arith.constant 0 : i32
    %dma_wait3A_610 = tpu.memref_slice %arg10[%dma_wait3A_608, %dma_wait3A_609] : memref<24x1024xf32, #tpu.memory_space<vmem>> -> memref<24x1024xf32, #tpu.memory_space<vmem>>
    %dma_wait3A_611 = arith.constant 0 : i32
    %dma_wait3A_612 = tpu.memref_slice %arg7[%dma_wait3A_607, %add3A_593, %dma_wait3A_611] : memref<8x2048x1024xf32, #tpu.memory_space<hbm>> -> memref<1x24x1024xf32, #tpu.memory_space<hbm>>
    %dma_wait3A_613 = tpu.memref_squeeze %dma_wait3A_612 : memref<1x24x1024xf32, #tpu.memory_space<hbm>> -> memref<24x1024xf32, #tpu.memory_space<hbm>>
    %dma_wait3A_614 = arith.constant 0 : i32
    %dma_wait3A_615 = tpu.memref_slice %arg7[%dma_wait3A_607, %add3A_593, %dma_wait3A_614] : memref<8x2048x1024xf32, #tpu.memory_space<hbm>> -> memref<1x24x1024xf32, #tpu.memory_space<hbm>>
    %dma_wait3A_616 = tpu.memref_squeeze %dma_wait3A_615 : memref<1x24x1024xf32, #tpu.memory_space<hbm>> -> memref<24x1024xf32, #tpu.memory_space<hbm>>
    %dma_wait3A_617 = arith.constant 0 : i32
    %dma_wait3A_618 = arith.constant 0 : i32
    %dma_wait3A_619 = tpu.memref_slice %arg10[%dma_wait3A_617, %dma_wait3A_618] : memref<24x1024xf32, #tpu.memory_space<vmem>> -> memref<24x1024xf32, #tpu.memory_space<vmem>>
    tpu.wait_dma2 semaphore(%arg17 : memref<!tpu.dma_semaphore, #tpu.memory_space<semaphore_mem>>) src(%dma_wait3A_619 : memref<24x1024xf32, #tpu.memory_space<vmem>>) dst(%dma_wait3A_616 : memref<24x1024xf32, #tpu.memory_space<hbm>>)
    %dma_start3A_620 = arith.constant 4 : i32
    %dma_start3A_621 = arith.constant 0 : i32
    %dma_start3A_622 = arith.constant 0 : i32
    %dma_start3A_623 = tpu.memref_slice %arg10[%dma_start3A_621, %dma_start3A_622] : memref<24x1024xf32, #tpu.memory_space<vmem>> -> memref<24x1024xf32, #tpu.memory_space<vmem>>
    %dma_start3A_624 = arith.constant 0 : i32
    %dma_start3A_625 = tpu.memref_slice %arg8[%dma_start3A_620, %dma_start3A_624] : memref<8x48xi32, #tpu.memory_space<vmem>> -> memref<1x24xi32, #tpu.memory_space<vmem>>
    %dma_start3A_626 = tpu.memref_squeeze %dma_start3A_625 : memref<1x24xi32, #tpu.memory_space<vmem>> -> memref<24xi32, #tpu.memory_space<vmem>>
    %dma_start3A_627 = arith.constant 0 : i32
    %dma_start3A_628 = arith.constant 0 : i32
    %dma_start3A_629 = tpu.memref_slice %arg5[%dma_start3A_627, %dma_start3A_628] : memref<1025x1024xf32, #tpu.memory_space<hbm>> -> memref<1025x1024xf32, #tpu.memory_space<hbm>>
    tpu.enqueue_indirect_dma source(%dma_start3A_629 : memref<1025x1024xf32, #tpu.memory_space<hbm>>) target(%dma_start3A_623 : memref<24x1024xf32, #tpu.memory_space<vmem>>) offsets(%dma_start3A_626 : memref<24xi32, #tpu.memory_space<vmem>>) semaphore(%arg14 : memref<!tpu.dma_semaphore, #tpu.memory_space<semaphore_mem>>)
    %dma_wait3A_630 = arith.constant 0 : i32
    %dma_wait3A_631 = arith.constant 0 : i32
    %dma_wait3A_632 = tpu.memref_slice %arg11[%dma_wait3A_630, %dma_wait3A_631] : memref<24x1024xf32, #tpu.memory_space<vmem>> -> memref<24x1024xf32, #tpu.memory_space<vmem>>
    %dma_wait3A_633 = arith.constant 0 : i32
    %dma_wait3A_634 = tpu.memref_slice %arg3[%select_n3A, %add3A_503, %dma_wait3A_633] : memref<8x512x1024xf32, #tpu.memory_space<hbm>> -> memref<1x24x1024xf32, #tpu.memory_space<hbm>>
    %dma_wait3A_635 = tpu.memref_squeeze %dma_wait3A_634 : memref<1x24x1024xf32, #tpu.memory_space<hbm>> -> memref<24x1024xf32, #tpu.memory_space<hbm>>
    %dma_wait3A_636 = arith.constant 0 : i32
    %dma_wait3A_637 = arith.constant 0 : i32
    %dma_wait3A_638 = tpu.memref_slice %arg11[%dma_wait3A_636, %dma_wait3A_637] : memref<24x1024xf32, #tpu.memory_space<vmem>> -> memref<24x1024xf32, #tpu.memory_space<vmem>>
    %dma_wait3A_639 = arith.constant 0 : i32
    %dma_wait3A_640 = tpu.memref_slice %arg3[%select_n3A, %add3A_503, %dma_wait3A_639] : memref<8x512x1024xf32, #tpu.memory_space<hbm>> -> memref<1x24x1024xf32, #tpu.memory_space<hbm>>
    %dma_wait3A_641 = tpu.memref_squeeze %dma_wait3A_640 : memref<1x24x1024xf32, #tpu.memory_space<hbm>> -> memref<24x1024xf32, #tpu.memory_space<hbm>>
    tpu.wait_dma2 semaphore(%arg15 : memref<!tpu.dma_semaphore, #tpu.memory_space<semaphore_mem>>) src(%dma_wait3A_641 : memref<24x1024xf32, #tpu.memory_space<hbm>>) dst(%dma_wait3A_638 : memref<24x1024xf32, #tpu.memory_space<vmem>>)
    %add3A_642 = arith.constant 72 : i32
    %add3A_643 = arith.addi %mul3A_34, %add3A_642 : i32
    %dma_start3A_644 = arith.constant 0 : i32
    %dma_start3A_645 = arith.constant 0 : i32
    %dma_start3A_646 = tpu.memref_slice %arg11[%dma_start3A_644, %dma_start3A_645] : memref<24x1024xf32, #tpu.memory_space<vmem>> -> memref<24x1024xf32, #tpu.memory_space<vmem>>
    %dma_start3A_647 = arith.constant 0 : i32
    %dma_start3A_648 = tpu.memref_slice %arg7[%select_n3A, %add3A_643, %dma_start3A_647] : memref<8x2048x1024xf32, #tpu.memory_space<hbm>> -> memref<1x24x1024xf32, #tpu.memory_space<hbm>>
    %dma_start3A_649 = tpu.memref_squeeze %dma_start3A_648 : memref<1x24x1024xf32, #tpu.memory_space<hbm>> -> memref<24x1024xf32, #tpu.memory_space<hbm>>
    %dma_start3A_650 = arith.constant 0 : i32
    %dma_start3A_651 = tpu.memref_slice %arg7[%select_n3A, %add3A_643, %dma_start3A_650] : memref<8x2048x1024xf32, #tpu.memory_space<hbm>> -> memref<1x24x1024xf32, #tpu.memory_space<hbm>>
    %dma_start3A_652 = tpu.memref_squeeze %dma_start3A_651 : memref<1x24x1024xf32, #tpu.memory_space<hbm>> -> memref<24x1024xf32, #tpu.memory_space<hbm>>
    %dma_start3A_653 = arith.constant 0 : i32
    %dma_start3A_654 = arith.constant 0 : i32
    %dma_start3A_655 = tpu.memref_slice %arg11[%dma_start3A_653, %dma_start3A_654] : memref<24x1024xf32, #tpu.memory_space<vmem>> -> memref<24x1024xf32, #tpu.memory_space<vmem>>
    tpu.enqueue_dma source(%dma_start3A_655 : memref<24x1024xf32, #tpu.memory_space<vmem>>) target(%dma_start3A_652 : memref<24x1024xf32, #tpu.memory_space<hbm>>) target_semaphore(%arg18 : memref<!tpu.dma_semaphore, #tpu.memory_space<semaphore_mem>>)
    %dma_wait3A_656 = arith.constant 0 : i32
    %dma_wait3A_657 = arith.constant 0 : i32
    %dma_wait3A_658 = tpu.memref_slice %arg11[%dma_wait3A_656, %dma_wait3A_657] : memref<24x1024xf32, #tpu.memory_space<vmem>> -> memref<24x1024xf32, #tpu.memory_space<vmem>>
    %dma_wait3A_659 = arith.constant 0 : i32
    %dma_wait3A_660 = tpu.memref_slice %arg7[%select_n3A, %add3A_643, %dma_wait3A_659] : memref<8x2048x1024xf32, #tpu.memory_space<hbm>> -> memref<1x24x1024xf32, #tpu.memory_space<hbm>>
    %dma_wait3A_661 = tpu.memref_squeeze %dma_wait3A_660 : memref<1x24x1024xf32, #tpu.memory_space<hbm>> -> memref<24x1024xf32, #tpu.memory_space<hbm>>
    %dma_wait3A_662 = arith.constant 0 : i32
    %dma_wait3A_663 = tpu.memref_slice %arg7[%select_n3A, %add3A_643, %dma_wait3A_662] : memref<8x2048x1024xf32, #tpu.memory_space<hbm>> -> memref<1x24x1024xf32, #tpu.memory_space<hbm>>
    %dma_wait3A_664 = tpu.memref_squeeze %dma_wait3A_663 : memref<1x24x1024xf32, #tpu.memory_space<hbm>> -> memref<24x1024xf32, #tpu.memory_space<hbm>>
    %dma_wait3A_665 = arith.constant 0 : i32
    %dma_wait3A_666 = arith.constant 0 : i32
    %dma_wait3A_667 = tpu.memref_slice %arg11[%dma_wait3A_665, %dma_wait3A_666] : memref<24x1024xf32, #tpu.memory_space<vmem>> -> memref<24x1024xf32, #tpu.memory_space<vmem>>
    tpu.wait_dma2 semaphore(%arg18 : memref<!tpu.dma_semaphore, #tpu.memory_space<semaphore_mem>>) src(%dma_wait3A_667 : memref<24x1024xf32, #tpu.memory_space<vmem>>) dst(%dma_wait3A_664 : memref<24x1024xf32, #tpu.memory_space<hbm>>)
    %add3A_668 = arith.constant 96 : i32
    %add3A_669 = arith.addi %mul3A_34, %add3A_668 : i32
    %dma_start3A_670 = arith.constant 0 : i32
    %dma_start3A_671 = arith.constant 0 : i32
    %dma_start3A_672 = tpu.memref_slice %arg11[%dma_start3A_670, %dma_start3A_671] : memref<24x1024xf32, #tpu.memory_space<vmem>> -> memref<24x1024xf32, #tpu.memory_space<vmem>>
    %dma_start3A_673 = arith.constant 0 : i32
    %dma_start3A_674 = tpu.memref_slice %arg3[%select_n3A, %add3A_669, %dma_start3A_673] : memref<8x512x1024xf32, #tpu.memory_space<hbm>> -> memref<1x24x1024xf32, #tpu.memory_space<hbm>>
    %dma_start3A_675 = tpu.memref_squeeze %dma_start3A_674 : memref<1x24x1024xf32, #tpu.memory_space<hbm>> -> memref<24x1024xf32, #tpu.memory_space<hbm>>
    %dma_start3A_676 = arith.constant 0 : i32
    %dma_start3A_677 = arith.constant 0 : i32
    %dma_start3A_678 = tpu.memref_slice %arg11[%dma_start3A_676, %dma_start3A_677] : memref<24x1024xf32, #tpu.memory_space<vmem>> -> memref<24x1024xf32, #tpu.memory_space<vmem>>
    %dma_start3A_679 = arith.constant 0 : i32
    %dma_start3A_680 = tpu.memref_slice %arg3[%select_n3A, %add3A_669, %dma_start3A_679] : memref<8x512x1024xf32, #tpu.memory_space<hbm>> -> memref<1x24x1024xf32, #tpu.memory_space<hbm>>
    %dma_start3A_681 = tpu.memref_squeeze %dma_start3A_680 : memref<1x24x1024xf32, #tpu.memory_space<hbm>> -> memref<24x1024xf32, #tpu.memory_space<hbm>>
    tpu.enqueue_dma source(%dma_start3A_681 : memref<24x1024xf32, #tpu.memory_space<hbm>>) target(%dma_start3A_678 : memref<24x1024xf32, #tpu.memory_space<vmem>>) target_semaphore(%arg15 : memref<!tpu.dma_semaphore, #tpu.memory_space<semaphore_mem>>)
    %dma_wait3A_682 = arith.constant 3 : i32
    %dma_wait3A_683 = arith.constant 0 : i32
    %dma_wait3A_684 = arith.constant 0 : i32
    %dma_wait3A_685 = tpu.memref_slice %arg12[%dma_wait3A_683, %dma_wait3A_684] : memref<24x1024xf32, #tpu.memory_space<vmem>> -> memref<24x1024xf32, #tpu.memory_space<vmem>>
    %dma_wait3A_686 = arith.constant 24 : i32
    %dma_wait3A_687 = tpu.memref_slice %arg8[%dma_wait3A_682, %dma_wait3A_686] : memref<8x48xi32, #tpu.memory_space<vmem>> -> memref<1x24xi32, #tpu.memory_space<vmem>>
    %dma_wait3A_688 = tpu.memref_squeeze %dma_wait3A_687 : memref<1x24xi32, #tpu.memory_space<vmem>> -> memref<24xi32, #tpu.memory_space<vmem>>
    %dma_wait3A_689 = arith.constant 0 : i32
    %dma_wait3A_690 = arith.constant 0 : i32
    %dma_wait3A_691 = tpu.memref_slice %arg5[%dma_wait3A_689, %dma_wait3A_690] : memref<1025x1024xf32, #tpu.memory_space<hbm>> -> memref<1025x1024xf32, #tpu.memory_space<hbm>>
    tpu.wait_indirect_dma semaphore(%arg16 : memref<!tpu.dma_semaphore, #tpu.memory_space<semaphore_mem>>) src(%dma_wait3A_691 : memref<1025x1024xf32, #tpu.memory_space<hbm>>) dst(%dma_wait3A_685 : memref<24x1024xf32, #tpu.memory_space<vmem>>)
    %scan3A_692 = arith.constant 0 : i32
    %scan3A_693 = arith.constant 0 : i32
    %scan3A_694 = arith.constant 24 : i32
    %scan3A_695 = arith.addi %scan3A_693, %scan3A_694 : i32
    %scan3A_696 = arith.constant 1 : i32
    %scan3A_697 = scf.for %scan3A_1265 = %scan3A_693 to %scan3A_695 step %scan3A_696 iter_args(%scan3A_1266 = %scan3A_692) -> (i32)  : i32 {
      %parallel_loop3A = arith.constant 0 : i32
      %parallel_loop3A_1267 = arith.constant 64 : i32
      %parallel_loop3A_1268 = arith.constant 1 : i32
      scf.for %parallel_loop3A_1270 = %parallel_loop3A to %parallel_loop3A_1267 step %parallel_loop3A_1268  : i32 {
        %parallel_loop3A_1271 = arith.constant 16 : i32
        %parallel_loop3A_1272 = arith.muli %parallel_loop3A_1270, %parallel_loop3A_1271 : i32
        %parallel_loop3A_1273 = arith.constant 24 : i32
        %parallel_loop3A_1274 = arith.addi %parallel_loop3A_1273, %scan3A_1265 : i32
        %parallel_loop3A_1275 = arith.index_cast %parallel_loop3A_1274 : i32 to index
        %parallel_loop3A_1276 = arith.index_cast %parallel_loop3A_1272 : i32 to index
        %parallel_loop3A_1277 = tpu.vector_load %arg9[%parallel_loop3A_1275, %parallel_loop3A_1276] {strides = array<i32>} : memref<48x1024xf32, #tpu.memory_space<vmem>>, vector<1x16xf32>,
        %parallel_loop3A_1278 = vector.shape_cast %parallel_loop3A_1277 : vector<1x16xf32> to vector<16xf32>
        %parallel_loop3A_1279 = arith.index_cast %scan3A_1265 : i32 to index
        %parallel_loop3A_1280 = arith.index_cast %parallel_loop3A_1272 : i32 to index
        %parallel_loop3A_1281 = tpu.vector_load %arg12[%parallel_loop3A_1279, %parallel_loop3A_1280] {strides = array<i32>} : memref<24x1024xf32, #tpu.memory_space<vmem>>, vector<1x16xf32>,
        %parallel_loop3A_1282 = vector.shape_cast %parallel_loop3A_1281 : vector<1x16xf32> to vector<16xf32>
        %parallel_loop3A_1283 = vector.shape_cast %parallel_loop3A_1278 : vector<16xf32> to vector<1x16xf32>
        tpu.vector_store %arg12[%parallel_loop3A_1279, %parallel_loop3A_1280], %parallel_loop3A_1283 {add = true, strides = array<i32>} : memref<24x1024xf32, #tpu.memory_space<vmem>>, vector<1x16xf32>,
      } {sc.loop_unroll_factor = 8 : i64, sc.parallel_access}
      %scan3A_1269 = arith.constant 0 : i32
      scf.yield %scan3A_1269 : i32
    }
    %scan3A_698 = arith.constant 24 : i32
    %add3A_699 = arith.constant 512 : i32
    %add3A_700 = arith.addi %add3A_699, %mul3A_2 : i32
    %add3A_701 = arith.constant 24 : i32
    %add3A_702 = arith.addi %add3A_700, %add3A_701 : i32
    %dma_start3A_703 = arith.constant 3 : i32
    %dma_start3A_704 = arith.constant 0 : i32
    %dma_start3A_705 = arith.constant 0 : i32
    %dma_start3A_706 = tpu.memref_slice %arg12[%dma_start3A_704, %dma_start3A_705] : memref<24x1024xf32, #tpu.memory_space<vmem>> -> memref<24x1024xf32, #tpu.memory_space<vmem>>
    %dma_start3A_707 = arith.constant 0 : i32
    %dma_start3A_708 = tpu.memref_slice %arg7[%dma_start3A_703, %add3A_702, %dma_start3A_707] : memref<8x2048x1024xf32, #tpu.memory_space<hbm>> -> memref<1x24x1024xf32, #tpu.memory_space<hbm>>
    %dma_start3A_709 = tpu.memref_squeeze %dma_start3A_708 : memref<1x24x1024xf32, #tpu.memory_space<hbm>> -> memref<24x1024xf32, #tpu.memory_space<hbm>>
    %dma_start3A_710 = arith.constant 0 : i32
    %dma_start3A_711 = tpu.memref_slice %arg7[%dma_start3A_703, %add3A_702, %dma_start3A_710] : memref<8x2048x1024xf32, #tpu.memory_space<hbm>> -> memref<1x24x1024xf32, #tpu.memory_space<hbm>>
    %dma_start3A_712 = tpu.memref_squeeze %dma_start3A_711 : memref<1x24x1024xf32, #tpu.memory_space<hbm>> -> memref<24x1024xf32, #tpu.memory_space<hbm>>
    %dma_start3A_713 = arith.constant 0 : i32
    %dma_start3A_714 = arith.constant 0 : i32
    %dma_start3A_715 = tpu.memref_slice %arg12[%dma_start3A_713, %dma_start3A_714] : memref<24x1024xf32, #tpu.memory_space<vmem>> -> memref<24x1024xf32, #tpu.memory_space<vmem>>
    tpu.enqueue_dma source(%dma_start3A_715 : memref<24x1024xf32, #tpu.memory_space<vmem>>) target(%dma_start3A_712 : memref<24x1024xf32, #tpu.memory_space<hbm>>) target_semaphore(%arg19 : memref<!tpu.dma_semaphore, #tpu.memory_space<semaphore_mem>>)
    %dma_wait3A_716 = arith.constant 3 : i32
    %dma_wait3A_717 = arith.constant 0 : i32
    %dma_wait3A_718 = arith.constant 0 : i32
    %dma_wait3A_719 = tpu.memref_slice %arg12[%dma_wait3A_717, %dma_wait3A_718] : memref<24x1024xf32, #tpu.memory_space<vmem>> -> memref<24x1024xf32, #tpu.memory_space<vmem>>
    %dma_wait3A_720 = arith.constant 0 : i32
    %dma_wait3A_721 = tpu.memref_slice %arg7[%dma_wait3A_716, %add3A_702, %dma_wait3A_720] : memref<8x2048x1024xf32, #tpu.memory_space<hbm>> -> memref<1x24x1024xf32, #tpu.memory_space<hbm>>
    %dma_wait3A_722 = tpu.memref_squeeze %dma_wait3A_721 : memref<1x24x1024xf32, #tpu.memory_space<hbm>> -> memref<24x1024xf32, #tpu.memory_space<hbm>>
    %dma_wait3A_723 = arith.constant 0 : i32
    %dma_wait3A_724 = tpu.memref_slice %arg7[%dma_wait3A_716, %add3A_702, %dma_wait3A_723] : memref<8x2048x1024xf32, #tpu.memory_space<hbm>> -> memref<1x24x1024xf32, #tpu.memory_space<hbm>>
    %dma_wait3A_725 = tpu.memref_squeeze %dma_wait3A_724 : memref<1x24x1024xf32, #tpu.memory_space<hbm>> -> memref<24x1024xf32, #tpu.memory_space<hbm>>
    %dma_wait3A_726 = arith.constant 0 : i32
    %dma_wait3A_727 = arith.constant 0 : i32
    %dma_wait3A_728 = tpu.memref_slice %arg12[%dma_wait3A_726, %dma_wait3A_727] : memref<24x1024xf32, #tpu.memory_space<vmem>> -> memref<24x1024xf32, #tpu.memory_space<vmem>>
    tpu.wait_dma2 semaphore(%arg19 : memref<!tpu.dma_semaphore, #tpu.memory_space<semaphore_mem>>) src(%dma_wait3A_728 : memref<24x1024xf32, #tpu.memory_space<vmem>>) dst(%dma_wait3A_725 : memref<24x1024xf32, #tpu.memory_space<hbm>>)
    %dma_start3A_729 = arith.constant 4 : i32
    %dma_start3A_730 = arith.constant 0 : i32
    %dma_start3A_731 = arith.constant 0 : i32
    %dma_start3A_732 = tpu.memref_slice %arg12[%dma_start3A_730, %dma_start3A_731] : memref<24x1024xf32, #tpu.memory_space<vmem>> -> memref<24x1024xf32, #tpu.memory_space<vmem>>
    %dma_start3A_733 = arith.constant 24 : i32
    %dma_start3A_734 = tpu.memref_slice %arg8[%dma_start3A_729, %dma_start3A_733] : memref<8x48xi32, #tpu.memory_space<vmem>> -> memref<1x24xi32, #tpu.memory_space<vmem>>
    %dma_start3A_735 = tpu.memref_squeeze %dma_start3A_734 : memref<1x24xi32, #tpu.memory_space<vmem>> -> memref<24xi32, #tpu.memory_space<vmem>>
    %dma_start3A_736 = arith.constant 0 : i32
    %dma_start3A_737 = arith.constant 0 : i32
    %dma_start3A_738 = tpu.memref_slice %arg5[%dma_start3A_736, %dma_start3A_737] : memref<1025x1024xf32, #tpu.memory_space<hbm>> -> memref<1025x1024xf32, #tpu.memory_space<hbm>>
    tpu.enqueue_indirect_dma source(%dma_start3A_738 : memref<1025x1024xf32, #tpu.memory_space<hbm>>) target(%dma_start3A_732 : memref<24x1024xf32, #tpu.memory_space<vmem>>) offsets(%dma_start3A_735 : memref<24xi32, #tpu.memory_space<vmem>>) semaphore(%arg16 : memref<!tpu.dma_semaphore, #tpu.memory_space<semaphore_mem>>)
    %dma_wait3A_739 = arith.constant 4 : i32
    %dma_wait3A_740 = arith.constant 0 : i32
    %dma_wait3A_741 = arith.constant 0 : i32
    %dma_wait3A_742 = tpu.memref_slice %arg10[%dma_wait3A_740, %dma_wait3A_741] : memref<24x1024xf32, #tpu.memory_space<vmem>> -> memref<24x1024xf32, #tpu.memory_space<vmem>>
    %dma_wait3A_743 = arith.constant 0 : i32
    %dma_wait3A_744 = tpu.memref_slice %arg8[%dma_wait3A_739, %dma_wait3A_743] : memref<8x48xi32, #tpu.memory_space<vmem>> -> memref<1x24xi32, #tpu.memory_space<vmem>>
    %dma_wait3A_745 = tpu.memref_squeeze %dma_wait3A_744 : memref<1x24xi32, #tpu.memory_space<vmem>> -> memref<24xi32, #tpu.memory_space<vmem>>
    %dma_wait3A_746 = arith.constant 0 : i32
    %dma_wait3A_747 = arith.constant 0 : i32
    %dma_wait3A_748 = tpu.memref_slice %arg5[%dma_wait3A_746, %dma_wait3A_747] : memref<1025x1024xf32, #tpu.memory_space<hbm>> -> memref<1025x1024xf32, #tpu.memory_space<hbm>>
    tpu.wait_indirect_dma semaphore(%arg14 : memref<!tpu.dma_semaphore, #tpu.memory_space<semaphore_mem>>) src(%dma_wait3A_748 : memref<1025x1024xf32, #tpu.memory_space<hbm>>) dst(%dma_wait3A_742 : memref<24x1024xf32, #tpu.memory_space<vmem>>)
    %scan3A_749 = arith.constant 0 : i32
    %scan3A_750 = arith.constant 0 : i32
    %scan3A_751 = arith.constant 24 : i32
    %scan3A_752 = arith.addi %scan3A_750, %scan3A_751 : i32
    %scan3A_753 = arith.constant 1 : i32
    %scan3A_754 = scf.for %scan3A_1265 = %scan3A_750 to %scan3A_752 step %scan3A_753 iter_args(%scan3A_1266 = %scan3A_749) -> (i32)  : i32 {
      %parallel_loop3A = arith.constant 0 : i32
      %parallel_loop3A_1267 = arith.constant 64 : i32
      %parallel_loop3A_1268 = arith.constant 1 : i32
      scf.for %parallel_loop3A_1270 = %parallel_loop3A to %parallel_loop3A_1267 step %parallel_loop3A_1268  : i32 {
        %parallel_loop3A_1271 = arith.constant 16 : i32
        %parallel_loop3A_1272 = arith.muli %parallel_loop3A_1270, %parallel_loop3A_1271 : i32
        %parallel_loop3A_1273 = arith.constant 0 : i32
        %parallel_loop3A_1274 = arith.addi %parallel_loop3A_1273, %scan3A_1265 : i32
        %parallel_loop3A_1275 = arith.index_cast %parallel_loop3A_1274 : i32 to index
        %parallel_loop3A_1276 = arith.index_cast %parallel_loop3A_1272 : i32 to index
        %parallel_loop3A_1277 = tpu.vector_load %arg9[%parallel_loop3A_1275, %parallel_loop3A_1276] {strides = array<i32>} : memref<48x1024xf32, #tpu.memory_space<vmem>>, vector<1x16xf32>,
        %parallel_loop3A_1278 = vector.shape_cast %parallel_loop3A_1277 : vector<1x16xf32> to vector<16xf32>
        %parallel_loop3A_1279 = arith.index_cast %scan3A_1265 : i32 to index
        %parallel_loop3A_1280 = arith.index_cast %parallel_loop3A_1272 : i32 to index
        %parallel_loop3A_1281 = tpu.vector_load %arg10[%parallel_loop3A_1279, %parallel_loop3A_1280] {strides = array<i32>} : memref<24x1024xf32, #tpu.memory_space<vmem>>, vector<1x16xf32>,
        %parallel_loop3A_1282 = vector.shape_cast %parallel_loop3A_1281 : vector<1x16xf32> to vector<16xf32>
        %parallel_loop3A_1283 = vector.shape_cast %parallel_loop3A_1278 : vector<16xf32> to vector<1x16xf32>
        tpu.vector_store %arg10[%parallel_loop3A_1279, %parallel_loop3A_1280], %parallel_loop3A_1283 {add = true, strides = array<i32>} : memref<24x1024xf32, #tpu.memory_space<vmem>>, vector<1x16xf32>,
      } {sc.loop_unroll_factor = 8 : i64, sc.parallel_access}
      %scan3A_1269 = arith.constant 0 : i32
      scf.yield %scan3A_1269 : i32
    }
    %scan3A_755 = arith.constant 24 : i32
    %add3A_756 = arith.constant 512 : i32
    %add3A_757 = arith.addi %add3A_756, %mul3A_2 : i32
    %add3A_758 = arith.constant 0 : i32
    %add3A_759 = arith.addi %add3A_757, %add3A_758 : i32
    %dma_start3A_760 = arith.constant 4 : i32
    %dma_start3A_761 = arith.constant 0 : i32
    %dma_start3A_762 = arith.constant 0 : i32
    %dma_start3A_763 = tpu.memref_slice %arg10[%dma_start3A_761, %dma_start3A_762] : memref<24x1024xf32, #tpu.memory_space<vmem>> -> memref<24x1024xf32, #tpu.memory_space<vmem>>
    %dma_start3A_764 = arith.constant 0 : i32
    %dma_start3A_765 = tpu.memref_slice %arg7[%dma_start3A_760, %add3A_759, %dma_start3A_764] : memref<8x2048x1024xf32, #tpu.memory_space<hbm>> -> memref<1x24x1024xf32, #tpu.memory_space<hbm>>
    %dma_start3A_766 = tpu.memref_squeeze %dma_start3A_765 : memref<1x24x1024xf32, #tpu.memory_space<hbm>> -> memref<24x1024xf32, #tpu.memory_space<hbm>>
    %dma_start3A_767 = arith.constant 0 : i32
    %dma_start3A_768 = tpu.memref_slice %arg7[%dma_start3A_760, %add3A_759, %dma_start3A_767] : memref<8x2048x1024xf32, #tpu.memory_space<hbm>> -> memref<1x24x1024xf32, #tpu.memory_space<hbm>>
    %dma_start3A_769 = tpu.memref_squeeze %dma_start3A_768 : memref<1x24x1024xf32, #tpu.memory_space<hbm>> -> memref<24x1024xf32, #tpu.memory_space<hbm>>
    %dma_start3A_770 = arith.constant 0 : i32
    %dma_start3A_771 = arith.constant 0 : i32
    %dma_start3A_772 = tpu.memref_slice %arg10[%dma_start3A_770, %dma_start3A_771] : memref<24x1024xf32, #tpu.memory_space<vmem>> -> memref<24x1024xf32, #tpu.memory_space<vmem>>
    tpu.enqueue_dma source(%dma_start3A_772 : memref<24x1024xf32, #tpu.memory_space<vmem>>) target(%dma_start3A_769 : memref<24x1024xf32, #tpu.memory_space<hbm>>) target_semaphore(%arg17 : memref<!tpu.dma_semaphore, #tpu.memory_space<semaphore_mem>>)
    %dma_wait3A_773 = arith.constant 4 : i32
    %dma_wait3A_774 = arith.constant 0 : i32
    %dma_wait3A_775 = arith.constant 0 : i32
    %dma_wait3A_776 = tpu.memref_slice %arg10[%dma_wait3A_774, %dma_wait3A_775] : memref<24x1024xf32, #tpu.memory_space<vmem>> -> memref<24x1024xf32, #tpu.memory_space<vmem>>
    %dma_wait3A_777 = arith.constant 0 : i32
    %dma_wait3A_778 = tpu.memref_slice %arg7[%dma_wait3A_773, %add3A_759, %dma_wait3A_777] : memref<8x2048x1024xf32, #tpu.memory_space<hbm>> -> memref<1x24x1024xf32, #tpu.memory_space<hbm>>
    %dma_wait3A_779 = tpu.memref_squeeze %dma_wait3A_778 : memref<1x24x1024xf32, #tpu.memory_space<hbm>> -> memref<24x1024xf32, #tpu.memory_space<hbm>>
    %dma_wait3A_780 = arith.constant 0 : i32
    %dma_wait3A_781 = tpu.memref_slice %arg7[%dma_wait3A_773, %add3A_759, %dma_wait3A_780] : memref<8x2048x1024xf32, #tpu.memory_space<hbm>> -> memref<1x24x1024xf32, #tpu.memory_space<hbm>>
    %dma_wait3A_782 = tpu.memref_squeeze %dma_wait3A_781 : memref<1x24x1024xf32, #tpu.memory_space<hbm>> -> memref<24x1024xf32, #tpu.memory_space<hbm>>
    %dma_wait3A_783 = arith.constant 0 : i32
    %dma_wait3A_784 = arith.constant 0 : i32
    %dma_wait3A_785 = tpu.memref_slice %arg10[%dma_wait3A_783, %dma_wait3A_784] : memref<24x1024xf32, #tpu.memory_space<vmem>> -> memref<24x1024xf32, #tpu.memory_space<vmem>>
    tpu.wait_dma2 semaphore(%arg17 : memref<!tpu.dma_semaphore, #tpu.memory_space<semaphore_mem>>) src(%dma_wait3A_785 : memref<24x1024xf32, #tpu.memory_space<vmem>>) dst(%dma_wait3A_782 : memref<24x1024xf32, #tpu.memory_space<hbm>>)
    %dma_start3A_786 = arith.constant 5 : i32
    %dma_start3A_787 = arith.constant 0 : i32
    %dma_start3A_788 = arith.constant 0 : i32
    %dma_start3A_789 = tpu.memref_slice %arg10[%dma_start3A_787, %dma_start3A_788] : memref<24x1024xf32, #tpu.memory_space<vmem>> -> memref<24x1024xf32, #tpu.memory_space<vmem>>
    %dma_start3A_790 = arith.constant 0 : i32
    %dma_start3A_791 = tpu.memref_slice %arg8[%dma_start3A_786, %dma_start3A_790] : memref<8x48xi32, #tpu.memory_space<vmem>> -> memref<1x24xi32, #tpu.memory_space<vmem>>
    %dma_start3A_792 = tpu.memref_squeeze %dma_start3A_791 : memref<1x24xi32, #tpu.memory_space<vmem>> -> memref<24xi32, #tpu.memory_space<vmem>>
    %dma_start3A_793 = arith.constant 0 : i32
    %dma_start3A_794 = arith.constant 0 : i32
    %dma_start3A_795 = tpu.memref_slice %arg5[%dma_start3A_793, %dma_start3A_794] : memref<1025x1024xf32, #tpu.memory_space<hbm>> -> memref<1025x1024xf32, #tpu.memory_space<hbm>>
    tpu.enqueue_indirect_dma source(%dma_start3A_795 : memref<1025x1024xf32, #tpu.memory_space<hbm>>) target(%dma_start3A_789 : memref<24x1024xf32, #tpu.memory_space<vmem>>) offsets(%dma_start3A_792 : memref<24xi32, #tpu.memory_space<vmem>>) semaphore(%arg14 : memref<!tpu.dma_semaphore, #tpu.memory_space<semaphore_mem>>)
    %dma_wait3A_796 = arith.constant 0 : i32
    %dma_wait3A_797 = arith.constant 0 : i32
    %dma_wait3A_798 = tpu.memref_slice %arg11[%dma_wait3A_796, %dma_wait3A_797] : memref<24x1024xf32, #tpu.memory_space<vmem>> -> memref<24x1024xf32, #tpu.memory_space<vmem>>
    %dma_wait3A_799 = arith.constant 0 : i32
    %dma_wait3A_800 = tpu.memref_slice %arg3[%select_n3A, %add3A_669, %dma_wait3A_799] : memref<8x512x1024xf32, #tpu.memory_space<hbm>> -> memref<1x24x1024xf32, #tpu.memory_space<hbm>>
    %dma_wait3A_801 = tpu.memref_squeeze %dma_wait3A_800 : memref<1x24x1024xf32, #tpu.memory_space<hbm>> -> memref<24x1024xf32, #tpu.memory_space<hbm>>
    %dma_wait3A_802 = arith.constant 0 : i32
    %dma_wait3A_803 = arith.constant 0 : i32
    %dma_wait3A_804 = tpu.memref_slice %arg11[%dma_wait3A_802, %dma_wait3A_803] : memref<24x1024xf32, #tpu.memory_space<vmem>> -> memref<24x1024xf32, #tpu.memory_space<vmem>>
    %dma_wait3A_805 = arith.constant 0 : i32
    %dma_wait3A_806 = tpu.memref_slice %arg3[%select_n3A, %add3A_669, %dma_wait3A_805] : memref<8x512x1024xf32, #tpu.memory_space<hbm>> -> memref<1x24x1024xf32, #tpu.memory_space<hbm>>
    %dma_wait3A_807 = tpu.memref_squeeze %dma_wait3A_806 : memref<1x24x1024xf32, #tpu.memory_space<hbm>> -> memref<24x1024xf32, #tpu.memory_space<hbm>>
    tpu.wait_dma2 semaphore(%arg15 : memref<!tpu.dma_semaphore, #tpu.memory_space<semaphore_mem>>) src(%dma_wait3A_807 : memref<24x1024xf32, #tpu.memory_space<hbm>>) dst(%dma_wait3A_804 : memref<24x1024xf32, #tpu.memory_space<vmem>>)
    %add3A_808 = arith.constant 96 : i32
    %add3A_809 = arith.addi %mul3A_34, %add3A_808 : i32
    %dma_start3A_810 = arith.constant 0 : i32
    %dma_start3A_811 = arith.constant 0 : i32
    %dma_start3A_812 = tpu.memref_slice %arg11[%dma_start3A_810, %dma_start3A_811] : memref<24x1024xf32, #tpu.memory_space<vmem>> -> memref<24x1024xf32, #tpu.memory_space<vmem>>
    %dma_start3A_813 = arith.constant 0 : i32
    %dma_start3A_814 = tpu.memref_slice %arg7[%select_n3A, %add3A_809, %dma_start3A_813] : memref<8x2048x1024xf32, #tpu.memory_space<hbm>> -> memref<1x24x1024xf32, #tpu.memory_space<hbm>>
    %dma_start3A_815 = tpu.memref_squeeze %dma_start3A_814 : memref<1x24x1024xf32, #tpu.memory_space<hbm>> -> memref<24x1024xf32, #tpu.memory_space<hbm>>
    %dma_start3A_816 = arith.constant 0 : i32
    %dma_start3A_817 = tpu.memref_slice %arg7[%select_n3A, %add3A_809, %dma_start3A_816] : memref<8x2048x1024xf32, #tpu.memory_space<hbm>> -> memref<1x24x1024xf32, #tpu.memory_space<hbm>>
    %dma_start3A_818 = tpu.memref_squeeze %dma_start3A_817 : memref<1x24x1024xf32, #tpu.memory_space<hbm>> -> memref<24x1024xf32, #tpu.memory_space<hbm>>
    %dma_start3A_819 = arith.constant 0 : i32
    %dma_start3A_820 = arith.constant 0 : i32
    %dma_start3A_821 = tpu.memref_slice %arg11[%dma_start3A_819, %dma_start3A_820] : memref<24x1024xf32, #tpu.memory_space<vmem>> -> memref<24x1024xf32, #tpu.memory_space<vmem>>
    tpu.enqueue_dma source(%dma_start3A_821 : memref<24x1024xf32, #tpu.memory_space<vmem>>) target(%dma_start3A_818 : memref<24x1024xf32, #tpu.memory_space<hbm>>) target_semaphore(%arg18 : memref<!tpu.dma_semaphore, #tpu.memory_space<semaphore_mem>>)
    %dma_wait3A_822 = arith.constant 0 : i32
    %dma_wait3A_823 = arith.constant 0 : i32
    %dma_wait3A_824 = tpu.memref_slice %arg11[%dma_wait3A_822, %dma_wait3A_823] : memref<24x1024xf32, #tpu.memory_space<vmem>> -> memref<24x1024xf32, #tpu.memory_space<vmem>>
    %dma_wait3A_825 = arith.constant 0 : i32
    %dma_wait3A_826 = tpu.memref_slice %arg7[%select_n3A, %add3A_809, %dma_wait3A_825] : memref<8x2048x1024xf32, #tpu.memory_space<hbm>> -> memref<1x24x1024xf32, #tpu.memory_space<hbm>>
    %dma_wait3A_827 = tpu.memref_squeeze %dma_wait3A_826 : memref<1x24x1024xf32, #tpu.memory_space<hbm>> -> memref<24x1024xf32, #tpu.memory_space<hbm>>
    %dma_wait3A_828 = arith.constant 0 : i32
    %dma_wait3A_829 = tpu.memref_slice %arg7[%select_n3A, %add3A_809, %dma_wait3A_828] : memref<8x2048x1024xf32, #tpu.memory_space<hbm>> -> memref<1x24x1024xf32, #tpu.memory_space<hbm>>
    %dma_wait3A_830 = tpu.memref_squeeze %dma_wait3A_829 : memref<1x24x1024xf32, #tpu.memory_space<hbm>> -> memref<24x1024xf32, #tpu.memory_space<hbm>>
    %dma_wait3A_831 = arith.constant 0 : i32
    %dma_wait3A_832 = arith.constant 0 : i32
    %dma_wait3A_833 = tpu.memref_slice %arg11[%dma_wait3A_831, %dma_wait3A_832] : memref<24x1024xf32, #tpu.memory_space<vmem>> -> memref<24x1024xf32, #tpu.memory_space<vmem>>
    tpu.wait_dma2 semaphore(%arg18 : memref<!tpu.dma_semaphore, #tpu.memory_space<semaphore_mem>>) src(%dma_wait3A_833 : memref<24x1024xf32, #tpu.memory_space<vmem>>) dst(%dma_wait3A_830 : memref<24x1024xf32, #tpu.memory_space<hbm>>)
    %add3A_834 = arith.constant 120 : i32
    %add3A_835 = arith.addi %mul3A_34, %add3A_834 : i32
    %dma_start3A_836 = arith.constant 0 : i32
    %dma_start3A_837 = arith.constant 0 : i32
    %dma_start3A_838 = tpu.memref_slice %arg11[%dma_start3A_836, %dma_start3A_837] : memref<24x1024xf32, #tpu.memory_space<vmem>> -> memref<8x1024xf32, #tpu.memory_space<vmem>>
    %dma_start3A_839 = arith.constant 0 : i32
    %dma_start3A_840 = tpu.memref_slice %arg3[%select_n3A, %add3A_835, %dma_start3A_839] : memref<8x512x1024xf32, #tpu.memory_space<hbm>> -> memref<1x8x1024xf32, #tpu.memory_space<hbm>>
    %dma_start3A_841 = tpu.memref_squeeze %dma_start3A_840 : memref<1x8x1024xf32, #tpu.memory_space<hbm>> -> memref<8x1024xf32, #tpu.memory_space<hbm>>
    %dma_start3A_842 = arith.constant 0 : i32
    %dma_start3A_843 = arith.constant 0 : i32
    %dma_start3A_844 = tpu.memref_slice %arg11[%dma_start3A_842, %dma_start3A_843] : memref<24x1024xf32, #tpu.memory_space<vmem>> -> memref<8x1024xf32, #tpu.memory_space<vmem>>
    %dma_start3A_845 = arith.constant 0 : i32
    %dma_start3A_846 = tpu.memref_slice %arg3[%select_n3A, %add3A_835, %dma_start3A_845] : memref<8x512x1024xf32, #tpu.memory_space<hbm>> -> memref<1x8x1024xf32, #tpu.memory_space<hbm>>
    %dma_start3A_847 = tpu.memref_squeeze %dma_start3A_846 : memref<1x8x1024xf32, #tpu.memory_space<hbm>> -> memref<8x1024xf32, #tpu.memory_space<hbm>>
    tpu.enqueue_dma source(%dma_start3A_847 : memref<8x1024xf32, #tpu.memory_space<hbm>>) target(%dma_start3A_844 : memref<8x1024xf32, #tpu.memory_space<vmem>>) target_semaphore(%arg15 : memref<!tpu.dma_semaphore, #tpu.memory_space<semaphore_mem>>)
    %dma_wait3A_848 = arith.constant 4 : i32
    %dma_wait3A_849 = arith.constant 0 : i32
    %dma_wait3A_850 = arith.constant 0 : i32
    %dma_wait3A_851 = tpu.memref_slice %arg12[%dma_wait3A_849, %dma_wait3A_850] : memref<24x1024xf32, #tpu.memory_space<vmem>> -> memref<24x1024xf32, #tpu.memory_space<vmem>>
    %dma_wait3A_852 = arith.constant 24 : i32
    %dma_wait3A_853 = tpu.memref_slice %arg8[%dma_wait3A_848, %dma_wait3A_852] : memref<8x48xi32, #tpu.memory_space<vmem>> -> memref<1x24xi32, #tpu.memory_space<vmem>>
    %dma_wait3A_854 = tpu.memref_squeeze %dma_wait3A_853 : memref<1x24xi32, #tpu.memory_space<vmem>> -> memref<24xi32, #tpu.memory_space<vmem>>
    %dma_wait3A_855 = arith.constant 0 : i32
    %dma_wait3A_856 = arith.constant 0 : i32
    %dma_wait3A_857 = tpu.memref_slice %arg5[%dma_wait3A_855, %dma_wait3A_856] : memref<1025x1024xf32, #tpu.memory_space<hbm>> -> memref<1025x1024xf32, #tpu.memory_space<hbm>>
    tpu.wait_indirect_dma semaphore(%arg16 : memref<!tpu.dma_semaphore, #tpu.memory_space<semaphore_mem>>) src(%dma_wait3A_857 : memref<1025x1024xf32, #tpu.memory_space<hbm>>) dst(%dma_wait3A_851 : memref<24x1024xf32, #tpu.memory_space<vmem>>)
    %scan3A_858 = arith.constant 0 : i32
    %scan3A_859 = arith.constant 0 : i32
    %scan3A_860 = arith.constant 24 : i32
    %scan3A_861 = arith.addi %scan3A_859, %scan3A_860 : i32
    %scan3A_862 = arith.constant 1 : i32
    %scan3A_863 = scf.for %scan3A_1265 = %scan3A_859 to %scan3A_861 step %scan3A_862 iter_args(%scan3A_1266 = %scan3A_858) -> (i32)  : i32 {
      %parallel_loop3A = arith.constant 0 : i32
      %parallel_loop3A_1267 = arith.constant 64 : i32
      %parallel_loop3A_1268 = arith.constant 1 : i32
      scf.for %parallel_loop3A_1270 = %parallel_loop3A to %parallel_loop3A_1267 step %parallel_loop3A_1268  : i32 {
        %parallel_loop3A_1271 = arith.constant 16 : i32
        %parallel_loop3A_1272 = arith.muli %parallel_loop3A_1270, %parallel_loop3A_1271 : i32
        %parallel_loop3A_1273 = arith.constant 24 : i32
        %parallel_loop3A_1274 = arith.addi %parallel_loop3A_1273, %scan3A_1265 : i32
        %parallel_loop3A_1275 = arith.index_cast %parallel_loop3A_1274 : i32 to index
        %parallel_loop3A_1276 = arith.index_cast %parallel_loop3A_1272 : i32 to index
        %parallel_loop3A_1277 = tpu.vector_load %arg9[%parallel_loop3A_1275, %parallel_loop3A_1276] {strides = array<i32>} : memref<48x1024xf32, #tpu.memory_space<vmem>>, vector<1x16xf32>,
        %parallel_loop3A_1278 = vector.shape_cast %parallel_loop3A_1277 : vector<1x16xf32> to vector<16xf32>
        %parallel_loop3A_1279 = arith.index_cast %scan3A_1265 : i32 to index
        %parallel_loop3A_1280 = arith.index_cast %parallel_loop3A_1272 : i32 to index
        %parallel_loop3A_1281 = tpu.vector_load %arg12[%parallel_loop3A_1279, %parallel_loop3A_1280] {strides = array<i32>} : memref<24x1024xf32, #tpu.memory_space<vmem>>, vector<1x16xf32>,
        %parallel_loop3A_1282 = vector.shape_cast %parallel_loop3A_1281 : vector<1x16xf32> to vector<16xf32>
        %parallel_loop3A_1283 = vector.shape_cast %parallel_loop3A_1278 : vector<16xf32> to vector<1x16xf32>
        tpu.vector_store %arg12[%parallel_loop3A_1279, %parallel_loop3A_1280], %parallel_loop3A_1283 {add = true, strides = array<i32>} : memref<24x1024xf32, #tpu.memory_space<vmem>>, vector<1x16xf32>,
      } {sc.loop_unroll_factor = 8 : i64, sc.parallel_access}
      %scan3A_1269 = arith.constant 0 : i32
      scf.yield %scan3A_1269 : i32
    }
    %scan3A_864 = arith.constant 24 : i32
    %add3A_865 = arith.constant 512 : i32
    %add3A_866 = arith.addi %add3A_865, %mul3A_2 : i32
    %add3A_867 = arith.constant 24 : i32
    %add3A_868 = arith.addi %add3A_866, %add3A_867 : i32
    %dma_start3A_869 = arith.constant 4 : i32
    %dma_start3A_870 = arith.constant 0 : i32
    %dma_start3A_871 = arith.constant 0 : i32
    %dma_start3A_872 = tpu.memref_slice %arg12[%dma_start3A_870, %dma_start3A_871] : memref<24x1024xf32, #tpu.memory_space<vmem>> -> memref<24x1024xf32, #tpu.memory_space<vmem>>
    %dma_start3A_873 = arith.constant 0 : i32
    %dma_start3A_874 = tpu.memref_slice %arg7[%dma_start3A_869, %add3A_868, %dma_start3A_873] : memref<8x2048x1024xf32, #tpu.memory_space<hbm>> -> memref<1x24x1024xf32, #tpu.memory_space<hbm>>
    %dma_start3A_875 = tpu.memref_squeeze %dma_start3A_874 : memref<1x24x1024xf32, #tpu.memory_space<hbm>> -> memref<24x1024xf32, #tpu.memory_space<hbm>>
    %dma_start3A_876 = arith.constant 0 : i32
    %dma_start3A_877 = tpu.memref_slice %arg7[%dma_start3A_869, %add3A_868, %dma_start3A_876] : memref<8x2048x1024xf32, #tpu.memory_space<hbm>> -> memref<1x24x1024xf32, #tpu.memory_space<hbm>>
    %dma_start3A_878 = tpu.memref_squeeze %dma_start3A_877 : memref<1x24x1024xf32, #tpu.memory_space<hbm>> -> memref<24x1024xf32, #tpu.memory_space<hbm>>
    %dma_start3A_879 = arith.constant 0 : i32
    %dma_start3A_880 = arith.constant 0 : i32
    %dma_start3A_881 = tpu.memref_slice %arg12[%dma_start3A_879, %dma_start3A_880] : memref<24x1024xf32, #tpu.memory_space<vmem>> -> memref<24x1024xf32, #tpu.memory_space<vmem>>
    tpu.enqueue_dma source(%dma_start3A_881 : memref<24x1024xf32, #tpu.memory_space<vmem>>) target(%dma_start3A_878 : memref<24x1024xf32, #tpu.memory_space<hbm>>) target_semaphore(%arg19 : memref<!tpu.dma_semaphore, #tpu.memory_space<semaphore_mem>>)
    %dma_wait3A_882 = arith.constant 4 : i32
    %dma_wait3A_883 = arith.constant 0 : i32
    %dma_wait3A_884 = arith.constant 0 : i32
    %dma_wait3A_885 = tpu.memref_slice %arg12[%dma_wait3A_883, %dma_wait3A_884] : memref<24x1024xf32, #tpu.memory_space<vmem>> -> memref<24x1024xf32, #tpu.memory_space<vmem>>
    %dma_wait3A_886 = arith.constant 0 : i32
    %dma_wait3A_887 = tpu.memref_slice %arg7[%dma_wait3A_882, %add3A_868, %dma_wait3A_886] : memref<8x2048x1024xf32, #tpu.memory_space<hbm>> -> memref<1x24x1024xf32, #tpu.memory_space<hbm>>
    %dma_wait3A_888 = tpu.memref_squeeze %dma_wait3A_887 : memref<1x24x1024xf32, #tpu.memory_space<hbm>> -> memref<24x1024xf32, #tpu.memory_space<hbm>>
    %dma_wait3A_889 = arith.constant 0 : i32
    %dma_wait3A_890 = tpu.memref_slice %arg7[%dma_wait3A_882, %add3A_868, %dma_wait3A_889] : memref<8x2048x1024xf32, #tpu.memory_space<hbm>> -> memref<1x24x1024xf32, #tpu.memory_space<hbm>>
    %dma_wait3A_891 = tpu.memref_squeeze %dma_wait3A_890 : memref<1x24x1024xf32, #tpu.memory_space<hbm>> -> memref<24x1024xf32, #tpu.memory_space<hbm>>
    %dma_wait3A_892 = arith.constant 0 : i32
    %dma_wait3A_893 = arith.constant 0 : i32
    %dma_wait3A_894 = tpu.memref_slice %arg12[%dma_wait3A_892, %dma_wait3A_893] : memref<24x1024xf32, #tpu.memory_space<vmem>> -> memref<24x1024xf32, #tpu.memory_space<vmem>>
    tpu.wait_dma2 semaphore(%arg19 : memref<!tpu.dma_semaphore, #tpu.memory_space<semaphore_mem>>) src(%dma_wait3A_894 : memref<24x1024xf32, #tpu.memory_space<vmem>>) dst(%dma_wait3A_891 : memref<24x1024xf32, #tpu.memory_space<hbm>>)
    %dma_start3A_895 = arith.constant 5 : i32
    %dma_start3A_896 = arith.constant 0 : i32
    %dma_start3A_897 = arith.constant 0 : i32
    %dma_start3A_898 = tpu.memref_slice %arg12[%dma_start3A_896, %dma_start3A_897] : memref<24x1024xf32, #tpu.memory_space<vmem>> -> memref<24x1024xf32, #tpu.memory_space<vmem>>
    %dma_start3A_899 = arith.constant 24 : i32
    %dma_start3A_900 = tpu.memref_slice %arg8[%dma_start3A_895, %dma_start3A_899] : memref<8x48xi32, #tpu.memory_space<vmem>> -> memref<1x24xi32, #tpu.memory_space<vmem>>
    %dma_start3A_901 = tpu.memref_squeeze %dma_start3A_900 : memref<1x24xi32, #tpu.memory_space<vmem>> -> memref<24xi32, #tpu.memory_space<vmem>>
    %dma_start3A_902 = arith.constant 0 : i32
    %dma_start3A_903 = arith.constant 0 : i32
    %dma_start3A_904 = tpu.memref_slice %arg5[%dma_start3A_902, %dma_start3A_903] : memref<1025x1024xf32, #tpu.memory_space<hbm>> -> memref<1025x1024xf32, #tpu.memory_space<hbm>>
    tpu.enqueue_indirect_dma source(%dma_start3A_904 : memref<1025x1024xf32, #tpu.memory_space<hbm>>) target(%dma_start3A_898 : memref<24x1024xf32, #tpu.memory_space<vmem>>) offsets(%dma_start3A_901 : memref<24xi32, #tpu.memory_space<vmem>>) semaphore(%arg16 : memref<!tpu.dma_semaphore, #tpu.memory_space<semaphore_mem>>)
    %dma_wait3A_905 = arith.constant 5 : i32
    %dma_wait3A_906 = arith.constant 0 : i32
    %dma_wait3A_907 = arith.constant 0 : i32
    %dma_wait3A_908 = tpu.memref_slice %arg10[%dma_wait3A_906, %dma_wait3A_907] : memref<24x1024xf32, #tpu.memory_space<vmem>> -> memref<24x1024xf32, #tpu.memory_space<vmem>>
    %dma_wait3A_909 = arith.constant 0 : i32
    %dma_wait3A_910 = tpu.memref_slice %arg8[%dma_wait3A_905, %dma_wait3A_909] : memref<8x48xi32, #tpu.memory_space<vmem>> -> memref<1x24xi32, #tpu.memory_space<vmem>>
    %dma_wait3A_911 = tpu.memref_squeeze %dma_wait3A_910 : memref<1x24xi32, #tpu.memory_space<vmem>> -> memref<24xi32, #tpu.memory_space<vmem>>
    %dma_wait3A_912 = arith.constant 0 : i32
    %dma_wait3A_913 = arith.constant 0 : i32
    %dma_wait3A_914 = tpu.memref_slice %arg5[%dma_wait3A_912, %dma_wait3A_913] : memref<1025x1024xf32, #tpu.memory_space<hbm>> -> memref<1025x1024xf32, #tpu.memory_space<hbm>>
    tpu.wait_indirect_dma semaphore(%arg14 : memref<!tpu.dma_semaphore, #tpu.memory_space<semaphore_mem>>) src(%dma_wait3A_914 : memref<1025x1024xf32, #tpu.memory_space<hbm>>) dst(%dma_wait3A_908 : memref<24x1024xf32, #tpu.memory_space<vmem>>)
    %scan3A_915 = arith.constant 0 : i32
    %scan3A_916 = arith.constant 0 : i32
    %scan3A_917 = arith.constant 24 : i32
    %scan3A_918 = arith.addi %scan3A_916, %scan3A_917 : i32
    %scan3A_919 = arith.constant 1 : i32
    %scan3A_920 = scf.for %scan3A_1265 = %scan3A_916 to %scan3A_918 step %scan3A_919 iter_args(%scan3A_1266 = %scan3A_915) -> (i32)  : i32 {
      %parallel_loop3A = arith.constant 0 : i32
      %parallel_loop3A_1267 = arith.constant 64 : i32
      %parallel_loop3A_1268 = arith.constant 1 : i32
      scf.for %parallel_loop3A_1270 = %parallel_loop3A to %parallel_loop3A_1267 step %parallel_loop3A_1268  : i32 {
        %parallel_loop3A_1271 = arith.constant 16 : i32
        %parallel_loop3A_1272 = arith.muli %parallel_loop3A_1270, %parallel_loop3A_1271 : i32
        %parallel_loop3A_1273 = arith.constant 0 : i32
        %parallel_loop3A_1274 = arith.addi %parallel_loop3A_1273, %scan3A_1265 : i32
        %parallel_loop3A_1275 = arith.index_cast %parallel_loop3A_1274 : i32 to index
        %parallel_loop3A_1276 = arith.index_cast %parallel_loop3A_1272 : i32 to index
        %parallel_loop3A_1277 = tpu.vector_load %arg9[%parallel_loop3A_1275, %parallel_loop3A_1276] {strides = array<i32>} : memref<48x1024xf32, #tpu.memory_space<vmem>>, vector<1x16xf32>,
        %parallel_loop3A_1278 = vector.shape_cast %parallel_loop3A_1277 : vector<1x16xf32> to vector<16xf32>
        %parallel_loop3A_1279 = arith.index_cast %scan3A_1265 : i32 to index
        %parallel_loop3A_1280 = arith.index_cast %parallel_loop3A_1272 : i32 to index
        %parallel_loop3A_1281 = tpu.vector_load %arg10[%parallel_loop3A_1279, %parallel_loop3A_1280] {strides = array<i32>} : memref<24x1024xf32, #tpu.memory_space<vmem>>, vector<1x16xf32>,
        %parallel_loop3A_1282 = vector.shape_cast %parallel_loop3A_1281 : vector<1x16xf32> to vector<16xf32>
        %parallel_loop3A_1283 = vector.shape_cast %parallel_loop3A_1278 : vector<16xf32> to vector<1x16xf32>
        tpu.vector_store %arg10[%parallel_loop3A_1279, %parallel_loop3A_1280], %parallel_loop3A_1283 {add = true, strides = array<i32>} : memref<24x1024xf32, #tpu.memory_space<vmem>>, vector<1x16xf32>,
      } {sc.loop_unroll_factor = 8 : i64, sc.parallel_access}
      %scan3A_1269 = arith.constant 0 : i32
      scf.yield %scan3A_1269 : i32
    }
    %scan3A_921 = arith.constant 24 : i32
    %add3A_922 = arith.constant 512 : i32
    %add3A_923 = arith.addi %add3A_922, %mul3A_2 : i32
    %add3A_924 = arith.constant 0 : i32
    %add3A_925 = arith.addi %add3A_923, %add3A_924 : i32
    %dma_start3A_926 = arith.constant 5 : i32
    %dma_start3A_927 = arith.constant 0 : i32
    %dma_start3A_928 = arith.constant 0 : i32
    %dma_start3A_929 = tpu.memref_slice %arg10[%dma_start3A_927, %dma_start3A_928] : memref<24x1024xf32, #tpu.memory_space<vmem>> -> memref<24x1024xf32, #tpu.memory_space<vmem>>
    %dma_start3A_930 = arith.constant 0 : i32
    %dma_start3A_931 = tpu.memref_slice %arg7[%dma_start3A_926, %add3A_925, %dma_start3A_930] : memref<8x2048x1024xf32, #tpu.memory_space<hbm>> -> memref<1x24x1024xf32, #tpu.memory_space<hbm>>
    %dma_start3A_932 = tpu.memref_squeeze %dma_start3A_931 : memref<1x24x1024xf32, #tpu.memory_space<hbm>> -> memref<24x1024xf32, #tpu.memory_space<hbm>>
    %dma_start3A_933 = arith.constant 0 : i32
    %dma_start3A_934 = tpu.memref_slice %arg7[%dma_start3A_926, %add3A_925, %dma_start3A_933] : memref<8x2048x1024xf32, #tpu.memory_space<hbm>> -> memref<1x24x1024xf32, #tpu.memory_space<hbm>>
    %dma_start3A_935 = tpu.memref_squeeze %dma_start3A_934 : memref<1x24x1024xf32, #tpu.memory_space<hbm>> -> memref<24x1024xf32, #tpu.memory_space<hbm>>
    %dma_start3A_936 = arith.constant 0 : i32
    %dma_start3A_937 = arith.constant 0 : i32
    %dma_start3A_938 = tpu.memref_slice %arg10[%dma_start3A_936, %dma_start3A_937] : memref<24x1024xf32, #tpu.memory_space<vmem>> -> memref<24x1024xf32, #tpu.memory_space<vmem>>
    tpu.enqueue_dma source(%dma_start3A_938 : memref<24x1024xf32, #tpu.memory_space<vmem>>) target(%dma_start3A_935 : memref<24x1024xf32, #tpu.memory_space<hbm>>) target_semaphore(%arg17 : memref<!tpu.dma_semaphore, #tpu.memory_space<semaphore_mem>>)
    %dma_wait3A_939 = arith.constant 5 : i32
    %dma_wait3A_940 = arith.constant 0 : i32
    %dma_wait3A_941 = arith.constant 0 : i32
    %dma_wait3A_942 = tpu.memref_slice %arg10[%dma_wait3A_940, %dma_wait3A_941] : memref<24x1024xf32, #tpu.memory_space<vmem>> -> memref<24x1024xf32, #tpu.memory_space<vmem>>
    %dma_wait3A_943 = arith.constant 0 : i32
    %dma_wait3A_944 = tpu.memref_slice %arg7[%dma_wait3A_939, %add3A_925, %dma_wait3A_943] : memref<8x2048x1024xf32, #tpu.memory_space<hbm>> -> memref<1x24x1024xf32, #tpu.memory_space<hbm>>
    %dma_wait3A_945 = tpu.memref_squeeze %dma_wait3A_944 : memref<1x24x1024xf32, #tpu.memory_space<hbm>> -> memref<24x1024xf32, #tpu.memory_space<hbm>>
    %dma_wait3A_946 = arith.constant 0 : i32
    %dma_wait3A_947 = tpu.memref_slice %arg7[%dma_wait3A_939, %add3A_925, %dma_wait3A_946] : memref<8x2048x1024xf32, #tpu.memory_space<hbm>> -> memref<1x24x1024xf32, #tpu.memory_space<hbm>>
    %dma_wait3A_948 = tpu.memref_squeeze %dma_wait3A_947 : memref<1x24x1024xf32, #tpu.memory_space<hbm>> -> memref<24x1024xf32, #tpu.memory_space<hbm>>
    %dma_wait3A_949 = arith.constant 0 : i32
    %dma_wait3A_950 = arith.constant 0 : i32
    %dma_wait3A_951 = tpu.memref_slice %arg10[%dma_wait3A_949, %dma_wait3A_950] : memref<24x1024xf32, #tpu.memory_space<vmem>> -> memref<24x1024xf32, #tpu.memory_space<vmem>>
    tpu.wait_dma2 semaphore(%arg17 : memref<!tpu.dma_semaphore, #tpu.memory_space<semaphore_mem>>) src(%dma_wait3A_951 : memref<24x1024xf32, #tpu.memory_space<vmem>>) dst(%dma_wait3A_948 : memref<24x1024xf32, #tpu.memory_space<hbm>>)
    %dma_start3A_952 = arith.constant 6 : i32
    %dma_start3A_953 = arith.constant 0 : i32
    %dma_start3A_954 = arith.constant 0 : i32
    %dma_start3A_955 = tpu.memref_slice %arg10[%dma_start3A_953, %dma_start3A_954] : memref<24x1024xf32, #tpu.memory_space<vmem>> -> memref<24x1024xf32, #tpu.memory_space<vmem>>
    %dma_start3A_956 = arith.constant 0 : i32
    %dma_start3A_957 = tpu.memref_slice %arg8[%dma_start3A_952, %dma_start3A_956] : memref<8x48xi32, #tpu.memory_space<vmem>> -> memref<1x24xi32, #tpu.memory_space<vmem>>
    %dma_start3A_958 = tpu.memref_squeeze %dma_start3A_957 : memref<1x24xi32, #tpu.memory_space<vmem>> -> memref<24xi32, #tpu.memory_space<vmem>>
    %dma_start3A_959 = arith.constant 0 : i32
    %dma_start3A_960 = arith.constant 0 : i32
    %dma_start3A_961 = tpu.memref_slice %arg5[%dma_start3A_959, %dma_start3A_960] : memref<1025x1024xf32, #tpu.memory_space<hbm>> -> memref<1025x1024xf32, #tpu.memory_space<hbm>>
    tpu.enqueue_indirect_dma source(%dma_start3A_961 : memref<1025x1024xf32, #tpu.memory_space<hbm>>) target(%dma_start3A_955 : memref<24x1024xf32, #tpu.memory_space<vmem>>) offsets(%dma_start3A_958 : memref<24xi32, #tpu.memory_space<vmem>>) semaphore(%arg14 : memref<!tpu.dma_semaphore, #tpu.memory_space<semaphore_mem>>)
    %dma_wait3A_962 = arith.constant 0 : i32
    %dma_wait3A_963 = arith.constant 0 : i32
    %dma_wait3A_964 = tpu.memref_slice %arg11[%dma_wait3A_962, %dma_wait3A_963] : memref<24x1024xf32, #tpu.memory_space<vmem>> -> memref<8x1024xf32, #tpu.memory_space<vmem>>
    %dma_wait3A_965 = arith.constant 0 : i32
    %dma_wait3A_966 = tpu.memref_slice %arg3[%select_n3A, %add3A_835, %dma_wait3A_965] : memref<8x512x1024xf32, #tpu.memory_space<hbm>> -> memref<1x8x1024xf32, #tpu.memory_space<hbm>>
    %dma_wait3A_967 = tpu.memref_squeeze %dma_wait3A_966 : memref<1x8x1024xf32, #tpu.memory_space<hbm>> -> memref<8x1024xf32, #tpu.memory_space<hbm>>
    %dma_wait3A_968 = arith.constant 0 : i32
    %dma_wait3A_969 = arith.constant 0 : i32
    %dma_wait3A_970 = tpu.memref_slice %arg11[%dma_wait3A_968, %dma_wait3A_969] : memref<24x1024xf32, #tpu.memory_space<vmem>> -> memref<8x1024xf32, #tpu.memory_space<vmem>>
    %dma_wait3A_971 = arith.constant 0 : i32
    %dma_wait3A_972 = tpu.memref_slice %arg3[%select_n3A, %add3A_835, %dma_wait3A_971] : memref<8x512x1024xf32, #tpu.memory_space<hbm>> -> memref<1x8x1024xf32, #tpu.memory_space<hbm>>
    %dma_wait3A_973 = tpu.memref_squeeze %dma_wait3A_972 : memref<1x8x1024xf32, #tpu.memory_space<hbm>> -> memref<8x1024xf32, #tpu.memory_space<hbm>>
    tpu.wait_dma2 semaphore(%arg15 : memref<!tpu.dma_semaphore, #tpu.memory_space<semaphore_mem>>) src(%dma_wait3A_973 : memref<8x1024xf32, #tpu.memory_space<hbm>>) dst(%dma_wait3A_970 : memref<8x1024xf32, #tpu.memory_space<vmem>>)
    %add3A_974 = arith.constant 120 : i32
    %add3A_975 = arith.addi %mul3A_34, %add3A_974 : i32
    %dma_start3A_976 = arith.constant 0 : i32
    %dma_start3A_977 = arith.constant 0 : i32
    %dma_start3A_978 = tpu.memref_slice %arg11[%dma_start3A_976, %dma_start3A_977] : memref<24x1024xf32, #tpu.memory_space<vmem>> -> memref<8x1024xf32, #tpu.memory_space<vmem>>
    %dma_start3A_979 = arith.constant 0 : i32
    %dma_start3A_980 = tpu.memref_slice %arg7[%select_n3A, %add3A_975, %dma_start3A_979] : memref<8x2048x1024xf32, #tpu.memory_space<hbm>> -> memref<1x8x1024xf32, #tpu.memory_space<hbm>>
    %dma_start3A_981 = tpu.memref_squeeze %dma_start3A_980 : memref<1x8x1024xf32, #tpu.memory_space<hbm>> -> memref<8x1024xf32, #tpu.memory_space<hbm>>
    %dma_start3A_982 = arith.constant 0 : i32
    %dma_start3A_983 = tpu.memref_slice %arg7[%select_n3A, %add3A_975, %dma_start3A_982] : memref<8x2048x1024xf32, #tpu.memory_space<hbm>> -> memref<1x8x1024xf32, #tpu.memory_space<hbm>>
    %dma_start3A_984 = tpu.memref_squeeze %dma_start3A_983 : memref<1x8x1024xf32, #tpu.memory_space<hbm>> -> memref<8x1024xf32, #tpu.memory_space<hbm>>
    %dma_start3A_985 = arith.constant 0 : i32
    %dma_start3A_986 = arith.constant 0 : i32
    %dma_start3A_987 = tpu.memref_slice %arg11[%dma_start3A_985, %dma_start3A_986] : memref<24x1024xf32, #tpu.memory_space<vmem>> -> memref<8x1024xf32, #tpu.memory_space<vmem>>
    tpu.enqueue_dma source(%dma_start3A_987 : memref<8x1024xf32, #tpu.memory_space<vmem>>) target(%dma_start3A_984 : memref<8x1024xf32, #tpu.memory_space<hbm>>) target_semaphore(%arg18 : memref<!tpu.dma_semaphore, #tpu.memory_space<semaphore_mem>>)
    %dma_wait3A_988 = arith.constant 0 : i32
    %dma_wait3A_989 = arith.constant 0 : i32
    %dma_wait3A_990 = tpu.memref_slice %arg11[%dma_wait3A_988, %dma_wait3A_989] : memref<24x1024xf32, #tpu.memory_space<vmem>> -> memref<8x1024xf32, #tpu.memory_space<vmem>>
    %dma_wait3A_991 = arith.constant 0 : i32
    %dma_wait3A_992 = tpu.memref_slice %arg7[%select_n3A, %add3A_975, %dma_wait3A_991] : memref<8x2048x1024xf32, #tpu.memory_space<hbm>> -> memref<1x8x1024xf32, #tpu.memory_space<hbm>>
    %dma_wait3A_993 = tpu.memref_squeeze %dma_wait3A_992 : memref<1x8x1024xf32, #tpu.memory_space<hbm>> -> memref<8x1024xf32, #tpu.memory_space<hbm>>
    %dma_wait3A_994 = arith.constant 0 : i32
    %dma_wait3A_995 = tpu.memref_slice %arg7[%select_n3A, %add3A_975, %dma_wait3A_994] : memref<8x2048x1024xf32, #tpu.memory_space<hbm>> -> memref<1x8x1024xf32, #tpu.memory_space<hbm>>
    %dma_wait3A_996 = tpu.memref_squeeze %dma_wait3A_995 : memref<1x8x1024xf32, #tpu.memory_space<hbm>> -> memref<8x1024xf32, #tpu.memory_space<hbm>>
    %dma_wait3A_997 = arith.constant 0 : i32
    %dma_wait3A_998 = arith.constant 0 : i32
    %dma_wait3A_999 = tpu.memref_slice %arg11[%dma_wait3A_997, %dma_wait3A_998] : memref<24x1024xf32, #tpu.memory_space<vmem>> -> memref<8x1024xf32, #tpu.memory_space<vmem>>
    tpu.wait_dma2 semaphore(%arg18 : memref<!tpu.dma_semaphore, #tpu.memory_space<semaphore_mem>>) src(%dma_wait3A_999 : memref<8x1024xf32, #tpu.memory_space<vmem>>) dst(%dma_wait3A_996 : memref<8x1024xf32, #tpu.memory_space<hbm>>)
    %dma_start3A_1000 = arith.constant 6 : i32
    %dma_start3A_1001 = arith.constant 0 : i32
    %dma_start3A_1002 = arith.constant 0 : i32
    %dma_start3A_1003 = tpu.memref_slice %arg11[%dma_start3A_1001, %dma_start3A_1002] : memref<24x1024xf32, #tpu.memory_space<vmem>> -> memref<24x1024xf32, #tpu.memory_space<vmem>>
    %dma_start3A_1004 = arith.constant 24 : i32
    %dma_start3A_1005 = tpu.memref_slice %arg8[%dma_start3A_1000, %dma_start3A_1004] : memref<8x48xi32, #tpu.memory_space<vmem>> -> memref<1x24xi32, #tpu.memory_space<vmem>>
    %dma_start3A_1006 = tpu.memref_squeeze %dma_start3A_1005 : memref<1x24xi32, #tpu.memory_space<vmem>> -> memref<24xi32, #tpu.memory_space<vmem>>
    %dma_start3A_1007 = arith.constant 0 : i32
    %dma_start3A_1008 = arith.constant 0 : i32
    %dma_start3A_1009 = tpu.memref_slice %arg5[%dma_start3A_1007, %dma_start3A_1008] : memref<1025x1024xf32, #tpu.memory_space<hbm>> -> memref<1025x1024xf32, #tpu.memory_space<hbm>>
    tpu.enqueue_indirect_dma source(%dma_start3A_1009 : memref<1025x1024xf32, #tpu.memory_space<hbm>>) target(%dma_start3A_1003 : memref<24x1024xf32, #tpu.memory_space<vmem>>) offsets(%dma_start3A_1006 : memref<24xi32, #tpu.memory_space<vmem>>) semaphore(%arg15 : memref<!tpu.dma_semaphore, #tpu.memory_space<semaphore_mem>>)
    %dma_wait3A_1010 = arith.constant 5 : i32
    %dma_wait3A_1011 = arith.constant 0 : i32
    %dma_wait3A_1012 = arith.constant 0 : i32
    %dma_wait3A_1013 = tpu.memref_slice %arg12[%dma_wait3A_1011, %dma_wait3A_1012] : memref<24x1024xf32, #tpu.memory_space<vmem>> -> memref<24x1024xf32, #tpu.memory_space<vmem>>
    %dma_wait3A_1014 = arith.constant 24 : i32
    %dma_wait3A_1015 = tpu.memref_slice %arg8[%dma_wait3A_1010, %dma_wait3A_1014] : memref<8x48xi32, #tpu.memory_space<vmem>> -> memref<1x24xi32, #tpu.memory_space<vmem>>
    %dma_wait3A_1016 = tpu.memref_squeeze %dma_wait3A_1015 : memref<1x24xi32, #tpu.memory_space<vmem>> -> memref<24xi32, #tpu.memory_space<vmem>>
    %dma_wait3A_1017 = arith.constant 0 : i32
    %dma_wait3A_1018 = arith.constant 0 : i32
    %dma_wait3A_1019 = tpu.memref_slice %arg5[%dma_wait3A_1017, %dma_wait3A_1018] : memref<1025x1024xf32, #tpu.memory_space<hbm>> -> memref<1025x1024xf32, #tpu.memory_space<hbm>>
    tpu.wait_indirect_dma semaphore(%arg16 : memref<!tpu.dma_semaphore, #tpu.memory_space<semaphore_mem>>) src(%dma_wait3A_1019 : memref<1025x1024xf32, #tpu.memory_space<hbm>>) dst(%dma_wait3A_1013 : memref<24x1024xf32, #tpu.memory_space<vmem>>)
    %scan3A_1020 = arith.constant 0 : i32
    %scan3A_1021 = arith.constant 0 : i32
    %scan3A_1022 = arith.constant 24 : i32
    %scan3A_1023 = arith.addi %scan3A_1021, %scan3A_1022 : i32
    %scan3A_1024 = arith.constant 1 : i32
    %scan3A_1025 = scf.for %scan3A_1265 = %scan3A_1021 to %scan3A_1023 step %scan3A_1024 iter_args(%scan3A_1266 = %scan3A_1020) -> (i32)  : i32 {
      %parallel_loop3A = arith.constant 0 : i32
      %parallel_loop3A_1267 = arith.constant 64 : i32
      %parallel_loop3A_1268 = arith.constant 1 : i32
      scf.for %parallel_loop3A_1270 = %parallel_loop3A to %parallel_loop3A_1267 step %parallel_loop3A_1268  : i32 {
        %parallel_loop3A_1271 = arith.constant 16 : i32
        %parallel_loop3A_1272 = arith.muli %parallel_loop3A_1270, %parallel_loop3A_1271 : i32
        %parallel_loop3A_1273 = arith.constant 24 : i32
        %parallel_loop3A_1274 = arith.addi %parallel_loop3A_1273, %scan3A_1265 : i32
        %parallel_loop3A_1275 = arith.index_cast %parallel_loop3A_1274 : i32 to index
        %parallel_loop3A_1276 = arith.index_cast %parallel_loop3A_1272 : i32 to index
        %parallel_loop3A_1277 = tpu.vector_load %arg9[%parallel_loop3A_1275, %parallel_loop3A_1276] {strides = array<i32>} : memref<48x1024xf32, #tpu.memory_space<vmem>>, vector<1x16xf32>,
        %parallel_loop3A_1278 = vector.shape_cast %parallel_loop3A_1277 : vector<1x16xf32> to vector<16xf32>
        %parallel_loop3A_1279 = arith.index_cast %scan3A_1265 : i32 to index
        %parallel_loop3A_1280 = arith.index_cast %parallel_loop3A_1272 : i32 to index
        %parallel_loop3A_1281 = tpu.vector_load %arg12[%parallel_loop3A_1279, %parallel_loop3A_1280] {strides = array<i32>} : memref<24x1024xf32, #tpu.memory_space<vmem>>, vector<1x16xf32>,
        %parallel_loop3A_1282 = vector.shape_cast %parallel_loop3A_1281 : vector<1x16xf32> to vector<16xf32>
        %parallel_loop3A_1283 = vector.shape_cast %parallel_loop3A_1278 : vector<16xf32> to vector<1x16xf32>
        tpu.vector_store %arg12[%parallel_loop3A_1279, %parallel_loop3A_1280], %parallel_loop3A_1283 {add = true, strides = array<i32>} : memref<24x1024xf32, #tpu.memory_space<vmem>>, vector<1x16xf32>,
      } {sc.loop_unroll_factor = 8 : i64, sc.parallel_access}
      %scan3A_1269 = arith.constant 0 : i32
      scf.yield %scan3A_1269 : i32
    }
    %scan3A_1026 = arith.constant 24 : i32
    %add3A_1027 = arith.constant 512 : i32
    %add3A_1028 = arith.addi %add3A_1027, %mul3A_2 : i32
    %add3A_1029 = arith.constant 24 : i32
    %add3A_1030 = arith.addi %add3A_1028, %add3A_1029 : i32
    %dma_start3A_1031 = arith.constant 5 : i32
    %dma_start3A_1032 = arith.constant 0 : i32
    %dma_start3A_1033 = arith.constant 0 : i32
    %dma_start3A_1034 = tpu.memref_slice %arg12[%dma_start3A_1032, %dma_start3A_1033] : memref<24x1024xf32, #tpu.memory_space<vmem>> -> memref<24x1024xf32, #tpu.memory_space<vmem>>
    %dma_start3A_1035 = arith.constant 0 : i32
    %dma_start3A_1036 = tpu.memref_slice %arg7[%dma_start3A_1031, %add3A_1030, %dma_start3A_1035] : memref<8x2048x1024xf32, #tpu.memory_space<hbm>> -> memref<1x24x1024xf32, #tpu.memory_space<hbm>>
    %dma_start3A_1037 = tpu.memref_squeeze %dma_start3A_1036 : memref<1x24x1024xf32, #tpu.memory_space<hbm>> -> memref<24x1024xf32, #tpu.memory_space<hbm>>
    %dma_start3A_1038 = arith.constant 0 : i32
    %dma_start3A_1039 = tpu.memref_slice %arg7[%dma_start3A_1031, %add3A_1030, %dma_start3A_1038] : memref<8x2048x1024xf32, #tpu.memory_space<hbm>> -> memref<1x24x1024xf32, #tpu.memory_space<hbm>>
    %dma_start3A_1040 = tpu.memref_squeeze %dma_start3A_1039 : memref<1x24x1024xf32, #tpu.memory_space<hbm>> -> memref<24x1024xf32, #tpu.memory_space<hbm>>
    %dma_start3A_1041 = arith.constant 0 : i32
    %dma_start3A_1042 = arith.constant 0 : i32
    %dma_start3A_1043 = tpu.memref_slice %arg12[%dma_start3A_1041, %dma_start3A_1042] : memref<24x1024xf32, #tpu.memory_space<vmem>> -> memref<24x1024xf32, #tpu.memory_space<vmem>>
    tpu.enqueue_dma source(%dma_start3A_1043 : memref<24x1024xf32, #tpu.memory_space<vmem>>) target(%dma_start3A_1040 : memref<24x1024xf32, #tpu.memory_space<hbm>>) target_semaphore(%arg19 : memref<!tpu.dma_semaphore, #tpu.memory_space<semaphore_mem>>)
    %dma_wait3A_1044 = arith.constant 5 : i32
    %dma_wait3A_1045 = arith.constant 0 : i32
    %dma_wait3A_1046 = arith.constant 0 : i32
    %dma_wait3A_1047 = tpu.memref_slice %arg12[%dma_wait3A_1045, %dma_wait3A_1046] : memref<24x1024xf32, #tpu.memory_space<vmem>> -> memref<24x1024xf32, #tpu.memory_space<vmem>>
    %dma_wait3A_1048 = arith.constant 0 : i32
    %dma_wait3A_1049 = tpu.memref_slice %arg7[%dma_wait3A_1044, %add3A_1030, %dma_wait3A_1048] : memref<8x2048x1024xf32, #tpu.memory_space<hbm>> -> memref<1x24x1024xf32, #tpu.memory_space<hbm>>
    %dma_wait3A_1050 = tpu.memref_squeeze %dma_wait3A_1049 : memref<1x24x1024xf32, #tpu.memory_space<hbm>> -> memref<24x1024xf32, #tpu.memory_space<hbm>>
    %dma_wait3A_1051 = arith.constant 0 : i32
    %dma_wait3A_1052 = tpu.memref_slice %arg7[%dma_wait3A_1044, %add3A_1030, %dma_wait3A_1051] : memref<8x2048x1024xf32, #tpu.memory_space<hbm>> -> memref<1x24x1024xf32, #tpu.memory_space<hbm>>
    %dma_wait3A_1053 = tpu.memref_squeeze %dma_wait3A_1052 : memref<1x24x1024xf32, #tpu.memory_space<hbm>> -> memref<24x1024xf32, #tpu.memory_space<hbm>>
    %dma_wait3A_1054 = arith.constant 0 : i32
    %dma_wait3A_1055 = arith.constant 0 : i32
    %dma_wait3A_1056 = tpu.memref_slice %arg12[%dma_wait3A_1054, %dma_wait3A_1055] : memref<24x1024xf32, #tpu.memory_space<vmem>> -> memref<24x1024xf32, #tpu.memory_space<vmem>>
    tpu.wait_dma2 semaphore(%arg19 : memref<!tpu.dma_semaphore, #tpu.memory_space<semaphore_mem>>) src(%dma_wait3A_1056 : memref<24x1024xf32, #tpu.memory_space<vmem>>) dst(%dma_wait3A_1053 : memref<24x1024xf32, #tpu.memory_space<hbm>>)
    %dma_start3A_1057 = arith.constant 7 : i32
    %dma_start3A_1058 = arith.constant 0 : i32
    %dma_start3A_1059 = arith.constant 0 : i32
    %dma_start3A_1060 = tpu.memref_slice %arg12[%dma_start3A_1058, %dma_start3A_1059] : memref<24x1024xf32, #tpu.memory_space<vmem>> -> memref<24x1024xf32, #tpu.memory_space<vmem>>
    %dma_start3A_1061 = arith.constant 0 : i32
    %dma_start3A_1062 = tpu.memref_slice %arg8[%dma_start3A_1057, %dma_start3A_1061] : memref<8x48xi32, #tpu.memory_space<vmem>> -> memref<1x24xi32, #tpu.memory_space<vmem>>
    %dma_start3A_1063 = tpu.memref_squeeze %dma_start3A_1062 : memref<1x24xi32, #tpu.memory_space<vmem>> -> memref<24xi32, #tpu.memory_space<vmem>>
    %dma_start3A_1064 = arith.constant 0 : i32
    %dma_start3A_1065 = arith.constant 0 : i32
    %dma_start3A_1066 = tpu.memref_slice %arg5[%dma_start3A_1064, %dma_start3A_1065] : memref<1025x1024xf32, #tpu.memory_space<hbm>> -> memref<1025x1024xf32, #tpu.memory_space<hbm>>
    tpu.enqueue_indirect_dma source(%dma_start3A_1066 : memref<1025x1024xf32, #tpu.memory_space<hbm>>) target(%dma_start3A_1060 : memref<24x1024xf32, #tpu.memory_space<vmem>>) offsets(%dma_start3A_1063 : memref<24xi32, #tpu.memory_space<vmem>>) semaphore(%arg16 : memref<!tpu.dma_semaphore, #tpu.memory_space<semaphore_mem>>)
    %dma_wait3A_1067 = arith.constant 6 : i32
    %dma_wait3A_1068 = arith.constant 0 : i32
    %dma_wait3A_1069 = arith.constant 0 : i32
    %dma_wait3A_1070 = tpu.memref_slice %arg10[%dma_wait3A_1068, %dma_wait3A_1069] : memref<24x1024xf32, #tpu.memory_space<vmem>> -> memref<24x1024xf32, #tpu.memory_space<vmem>>
    %dma_wait3A_1071 = arith.constant 0 : i32
    %dma_wait3A_1072 = tpu.memref_slice %arg8[%dma_wait3A_1067, %dma_wait3A_1071] : memref<8x48xi32, #tpu.memory_space<vmem>> -> memref<1x24xi32, #tpu.memory_space<vmem>>
    %dma_wait3A_1073 = tpu.memref_squeeze %dma_wait3A_1072 : memref<1x24xi32, #tpu.memory_space<vmem>> -> memref<24xi32, #tpu.memory_space<vmem>>
    %dma_wait3A_1074 = arith.constant 0 : i32
    %dma_wait3A_1075 = arith.constant 0 : i32
    %dma_wait3A_1076 = tpu.memref_slice %arg5[%dma_wait3A_1074, %dma_wait3A_1075] : memref<1025x1024xf32, #tpu.memory_space<hbm>> -> memref<1025x1024xf32, #tpu.memory_space<hbm>>
    tpu.wait_indirect_dma semaphore(%arg14 : memref<!tpu.dma_semaphore, #tpu.memory_space<semaphore_mem>>) src(%dma_wait3A_1076 : memref<1025x1024xf32, #tpu.memory_space<hbm>>) dst(%dma_wait3A_1070 : memref<24x1024xf32, #tpu.memory_space<vmem>>)
    %scan3A_1077 = arith.constant 0 : i32
    %scan3A_1078 = arith.constant 0 : i32
    %scan3A_1079 = arith.constant 24 : i32
    %scan3A_1080 = arith.addi %scan3A_1078, %scan3A_1079 : i32
    %scan3A_1081 = arith.constant 1 : i32
    %scan3A_1082 = scf.for %scan3A_1265 = %scan3A_1078 to %scan3A_1080 step %scan3A_1081 iter_args(%scan3A_1266 = %scan3A_1077) -> (i32)  : i32 {
      %parallel_loop3A = arith.constant 0 : i32
      %parallel_loop3A_1267 = arith.constant 64 : i32
      %parallel_loop3A_1268 = arith.constant 1 : i32
      scf.for %parallel_loop3A_1270 = %parallel_loop3A to %parallel_loop3A_1267 step %parallel_loop3A_1268  : i32 {
        %parallel_loop3A_1271 = arith.constant 16 : i32
        %parallel_loop3A_1272 = arith.muli %parallel_loop3A_1270, %parallel_loop3A_1271 : i32
        %parallel_loop3A_1273 = arith.constant 0 : i32
        %parallel_loop3A_1274 = arith.addi %parallel_loop3A_1273, %scan3A_1265 : i32
        %parallel_loop3A_1275 = arith.index_cast %parallel_loop3A_1274 : i32 to index
        %parallel_loop3A_1276 = arith.index_cast %parallel_loop3A_1272 : i32 to index
        %parallel_loop3A_1277 = tpu.vector_load %arg9[%parallel_loop3A_1275, %parallel_loop3A_1276] {strides = array<i32>} : memref<48x1024xf32, #tpu.memory_space<vmem>>, vector<1x16xf32>,
        %parallel_loop3A_1278 = vector.shape_cast %parallel_loop3A_1277 : vector<1x16xf32> to vector<16xf32>
        %parallel_loop3A_1279 = arith.index_cast %scan3A_1265 : i32 to index
        %parallel_loop3A_1280 = arith.index_cast %parallel_loop3A_1272 : i32 to index
        %parallel_loop3A_1281 = tpu.vector_load %arg10[%parallel_loop3A_1279, %parallel_loop3A_1280] {strides = array<i32>} : memref<24x1024xf32, #tpu.memory_space<vmem>>, vector<1x16xf32>,
        %parallel_loop3A_1282 = vector.shape_cast %parallel_loop3A_1281 : vector<1x16xf32> to vector<16xf32>
        %parallel_loop3A_1283 = vector.shape_cast %parallel_loop3A_1278 : vector<16xf32> to vector<1x16xf32>
        tpu.vector_store %arg10[%parallel_loop3A_1279, %parallel_loop3A_1280], %parallel_loop3A_1283 {add = true, strides = array<i32>} : memref<24x1024xf32, #tpu.memory_space<vmem>>, vector<1x16xf32>,
      } {sc.loop_unroll_factor = 8 : i64, sc.parallel_access}
      %scan3A_1269 = arith.constant 0 : i32
      scf.yield %scan3A_1269 : i32
    }
    %scan3A_1083 = arith.constant 24 : i32
    %add3A_1084 = arith.constant 512 : i32
    %add3A_1085 = arith.addi %add3A_1084, %mul3A_2 : i32
    %add3A_1086 = arith.constant 0 : i32
    %add3A_1087 = arith.addi %add3A_1085, %add3A_1086 : i32
    %dma_start3A_1088 = arith.constant 6 : i32
    %dma_start3A_1089 = arith.constant 0 : i32
    %dma_start3A_1090 = arith.constant 0 : i32
    %dma_start3A_1091 = tpu.memref_slice %arg10[%dma_start3A_1089, %dma_start3A_1090] : memref<24x1024xf32, #tpu.memory_space<vmem>> -> memref<24x1024xf32, #tpu.memory_space<vmem>>
    %dma_start3A_1092 = arith.constant 0 : i32
    %dma_start3A_1093 = tpu.memref_slice %arg7[%dma_start3A_1088, %add3A_1087, %dma_start3A_1092] : memref<8x2048x1024xf32, #tpu.memory_space<hbm>> -> memref<1x24x1024xf32, #tpu.memory_space<hbm>>
    %dma_start3A_1094 = tpu.memref_squeeze %dma_start3A_1093 : memref<1x24x1024xf32, #tpu.memory_space<hbm>> -> memref<24x1024xf32, #tpu.memory_space<hbm>>
    %dma_start3A_1095 = arith.constant 0 : i32
    %dma_start3A_1096 = tpu.memref_slice %arg7[%dma_start3A_1088, %add3A_1087, %dma_start3A_1095] : memref<8x2048x1024xf32, #tpu.memory_space<hbm>> -> memref<1x24x1024xf32, #tpu.memory_space<hbm>>
    %dma_start3A_1097 = tpu.memref_squeeze %dma_start3A_1096 : memref<1x24x1024xf32, #tpu.memory_space<hbm>> -> memref<24x1024xf32, #tpu.memory_space<hbm>>
    %dma_start3A_1098 = arith.constant 0 : i32
    %dma_start3A_1099 = arith.constant 0 : i32
    %dma_start3A_1100 = tpu.memref_slice %arg10[%dma_start3A_1098, %dma_start3A_1099] : memref<24x1024xf32, #tpu.memory_space<vmem>> -> memref<24x1024xf32, #tpu.memory_space<vmem>>
    tpu.enqueue_dma source(%dma_start3A_1100 : memref<24x1024xf32, #tpu.memory_space<vmem>>) target(%dma_start3A_1097 : memref<24x1024xf32, #tpu.memory_space<hbm>>) target_semaphore(%arg17 : memref<!tpu.dma_semaphore, #tpu.memory_space<semaphore_mem>>)
    %dma_wait3A_1101 = arith.constant 6 : i32
    %dma_wait3A_1102 = arith.constant 0 : i32
    %dma_wait3A_1103 = arith.constant 0 : i32
    %dma_wait3A_1104 = tpu.memref_slice %arg10[%dma_wait3A_1102, %dma_wait3A_1103] : memref<24x1024xf32, #tpu.memory_space<vmem>> -> memref<24x1024xf32, #tpu.memory_space<vmem>>
    %dma_wait3A_1105 = arith.constant 0 : i32
    %dma_wait3A_1106 = tpu.memref_slice %arg7[%dma_wait3A_1101, %add3A_1087, %dma_wait3A_1105] : memref<8x2048x1024xf32, #tpu.memory_space<hbm>> -> memref<1x24x1024xf32, #tpu.memory_space<hbm>>
    %dma_wait3A_1107 = tpu.memref_squeeze %dma_wait3A_1106 : memref<1x24x1024xf32, #tpu.memory_space<hbm>> -> memref<24x1024xf32, #tpu.memory_space<hbm>>
    %dma_wait3A_1108 = arith.constant 0 : i32
    %dma_wait3A_1109 = tpu.memref_slice %arg7[%dma_wait3A_1101, %add3A_1087, %dma_wait3A_1108] : memref<8x2048x1024xf32, #tpu.memory_space<hbm>> -> memref<1x24x1024xf32, #tpu.memory_space<hbm>>
    %dma_wait3A_1110 = tpu.memref_squeeze %dma_wait3A_1109 : memref<1x24x1024xf32, #tpu.memory_space<hbm>> -> memref<24x1024xf32, #tpu.memory_space<hbm>>
    %dma_wait3A_1111 = arith.constant 0 : i32
    %dma_wait3A_1112 = arith.constant 0 : i32
    %dma_wait3A_1113 = tpu.memref_slice %arg10[%dma_wait3A_1111, %dma_wait3A_1112] : memref<24x1024xf32, #tpu.memory_space<vmem>> -> memref<24x1024xf32, #tpu.memory_space<vmem>>
    tpu.wait_dma2 semaphore(%arg17 : memref<!tpu.dma_semaphore, #tpu.memory_space<semaphore_mem>>) src(%dma_wait3A_1113 : memref<24x1024xf32, #tpu.memory_space<vmem>>) dst(%dma_wait3A_1110 : memref<24x1024xf32, #tpu.memory_space<hbm>>)
    %dma_start3A_1114 = arith.constant 7 : i32
    %dma_start3A_1115 = arith.constant 0 : i32
    %dma_start3A_1116 = arith.constant 0 : i32
    %dma_start3A_1117 = tpu.memref_slice %arg10[%dma_start3A_1115, %dma_start3A_1116] : memref<24x1024xf32, #tpu.memory_space<vmem>> -> memref<24x1024xf32, #tpu.memory_space<vmem>>
    %dma_start3A_1118 = arith.constant 24 : i32
    %dma_start3A_1119 = tpu.memref_slice %arg8[%dma_start3A_1114, %dma_start3A_1118] : memref<8x48xi32, #tpu.memory_space<vmem>> -> memref<1x24xi32, #tpu.memory_space<vmem>>
    %dma_start3A_1120 = tpu.memref_squeeze %dma_start3A_1119 : memref<1x24xi32, #tpu.memory_space<vmem>> -> memref<24xi32, #tpu.memory_space<vmem>>
    %dma_start3A_1121 = arith.constant 0 : i32
    %dma_start3A_1122 = arith.constant 0 : i32
    %dma_start3A_1123 = tpu.memref_slice %arg5[%dma_start3A_1121, %dma_start3A_1122] : memref<1025x1024xf32, #tpu.memory_space<hbm>> -> memref<1025x1024xf32, #tpu.memory_space<hbm>>
    tpu.enqueue_indirect_dma source(%dma_start3A_1123 : memref<1025x1024xf32, #tpu.memory_space<hbm>>) target(%dma_start3A_1117 : memref<24x1024xf32, #tpu.memory_space<vmem>>) offsets(%dma_start3A_1120 : memref<24xi32, #tpu.memory_space<vmem>>) semaphore(%arg14 : memref<!tpu.dma_semaphore, #tpu.memory_space<semaphore_mem>>)
    %dma_wait3A_1124 = arith.constant 6 : i32
    %dma_wait3A_1125 = arith.constant 0 : i32
    %dma_wait3A_1126 = arith.constant 0 : i32
    %dma_wait3A_1127 = tpu.memref_slice %arg11[%dma_wait3A_1125, %dma_wait3A_1126] : memref<24x1024xf32, #tpu.memory_space<vmem>> -> memref<24x1024xf32, #tpu.memory_space<vmem>>
    %dma_wait3A_1128 = arith.constant 24 : i32
    %dma_wait3A_1129 = tpu.memref_slice %arg8[%dma_wait3A_1124, %dma_wait3A_1128] : memref<8x48xi32, #tpu.memory_space<vmem>> -> memref<1x24xi32, #tpu.memory_space<vmem>>
    %dma_wait3A_1130 = tpu.memref_squeeze %dma_wait3A_1129 : memref<1x24xi32, #tpu.memory_space<vmem>> -> memref<24xi32, #tpu.memory_space<vmem>>
    %dma_wait3A_1131 = arith.constant 0 : i32
    %dma_wait3A_1132 = arith.constant 0 : i32
    %dma_wait3A_1133 = tpu.memref_slice %arg5[%dma_wait3A_1131, %dma_wait3A_1132] : memref<1025x1024xf32, #tpu.memory_space<hbm>> -> memref<1025x1024xf32, #tpu.memory_space<hbm>>
    tpu.wait_indirect_dma semaphore(%arg15 : memref<!tpu.dma_semaphore, #tpu.memory_space<semaphore_mem>>) src(%dma_wait3A_1133 : memref<1025x1024xf32, #tpu.memory_space<hbm>>) dst(%dma_wait3A_1127 : memref<24x1024xf32, #tpu.memory_space<vmem>>)
    %scan3A_1134 = arith.constant 0 : i32
    %scan3A_1135 = arith.constant 0 : i32
    %scan3A_1136 = arith.constant 24 : i32
    %scan3A_1137 = arith.addi %scan3A_1135, %scan3A_1136 : i32
    %scan3A_1138 = arith.constant 1 : i32
    %scan3A_1139 = scf.for %scan3A_1265 = %scan3A_1135 to %scan3A_1137 step %scan3A_1138 iter_args(%scan3A_1266 = %scan3A_1134) -> (i32)  : i32 {
      %parallel_loop3A = arith.constant 0 : i32
      %parallel_loop3A_1267 = arith.constant 64 : i32
      %parallel_loop3A_1268 = arith.constant 1 : i32
      scf.for %parallel_loop3A_1270 = %parallel_loop3A to %parallel_loop3A_1267 step %parallel_loop3A_1268  : i32 {
        %parallel_loop3A_1271 = arith.constant 16 : i32
        %parallel_loop3A_1272 = arith.muli %parallel_loop3A_1270, %parallel_loop3A_1271 : i32
        %parallel_loop3A_1273 = arith.constant 24 : i32
        %parallel_loop3A_1274 = arith.addi %parallel_loop3A_1273, %scan3A_1265 : i32
        %parallel_loop3A_1275 = arith.index_cast %parallel_loop3A_1274 : i32 to index
        %parallel_loop3A_1276 = arith.index_cast %parallel_loop3A_1272 : i32 to index
        %parallel_loop3A_1277 = tpu.vector_load %arg9[%parallel_loop3A_1275, %parallel_loop3A_1276] {strides = array<i32>} : memref<48x1024xf32, #tpu.memory_space<vmem>>, vector<1x16xf32>,
        %parallel_loop3A_1278 = vector.shape_cast %parallel_loop3A_1277 : vector<1x16xf32> to vector<16xf32>
        %parallel_loop3A_1279 = arith.index_cast %scan3A_1265 : i32 to index
        %parallel_loop3A_1280 = arith.index_cast %parallel_loop3A_1272 : i32 to index
        %parallel_loop3A_1281 = tpu.vector_load %arg11[%parallel_loop3A_1279, %parallel_loop3A_1280] {strides = array<i32>} : memref<24x1024xf32, #tpu.memory_space<vmem>>, vector<1x16xf32>,
        %parallel_loop3A_1282 = vector.shape_cast %parallel_loop3A_1281 : vector<1x16xf32> to vector<16xf32>
        %parallel_loop3A_1283 = vector.shape_cast %parallel_loop3A_1278 : vector<16xf32> to vector<1x16xf32>
        tpu.vector_store %arg11[%parallel_loop3A_1279, %parallel_loop3A_1280], %parallel_loop3A_1283 {add = true, strides = array<i32>} : memref<24x1024xf32, #tpu.memory_space<vmem>>, vector<1x16xf32>,
      } {sc.loop_unroll_factor = 8 : i64, sc.parallel_access}
      %scan3A_1269 = arith.constant 0 : i32
      scf.yield %scan3A_1269 : i32
    }
    %scan3A_1140 = arith.constant 24 : i32
    %add3A_1141 = arith.constant 512 : i32
    %add3A_1142 = arith.addi %add3A_1141, %mul3A_2 : i32
    %add3A_1143 = arith.constant 24 : i32
    %add3A_1144 = arith.addi %add3A_1142, %add3A_1143 : i32
    %dma_start3A_1145 = arith.constant 6 : i32
    %dma_start3A_1146 = arith.constant 0 : i32
    %dma_start3A_1147 = arith.constant 0 : i32
    %dma_start3A_1148 = tpu.memref_slice %arg11[%dma_start3A_1146, %dma_start3A_1147] : memref<24x1024xf32, #tpu.memory_space<vmem>> -> memref<24x1024xf32, #tpu.memory_space<vmem>>
    %dma_start3A_1149 = arith.constant 0 : i32
    %dma_start3A_1150 = tpu.memref_slice %arg7[%dma_start3A_1145, %add3A_1144, %dma_start3A_1149] : memref<8x2048x1024xf32, #tpu.memory_space<hbm>> -> memref<1x24x1024xf32, #tpu.memory_space<hbm>>
    %dma_start3A_1151 = tpu.memref_squeeze %dma_start3A_1150 : memref<1x24x1024xf32, #tpu.memory_space<hbm>> -> memref<24x1024xf32, #tpu.memory_space<hbm>>
    %dma_start3A_1152 = arith.constant 0 : i32
    %dma_start3A_1153 = tpu.memref_slice %arg7[%dma_start3A_1145, %add3A_1144, %dma_start3A_1152] : memref<8x2048x1024xf32, #tpu.memory_space<hbm>> -> memref<1x24x1024xf32, #tpu.memory_space<hbm>>
    %dma_start3A_1154 = tpu.memref_squeeze %dma_start3A_1153 : memref<1x24x1024xf32, #tpu.memory_space<hbm>> -> memref<24x1024xf32, #tpu.memory_space<hbm>>
    %dma_start3A_1155 = arith.constant 0 : i32
    %dma_start3A_1156 = arith.constant 0 : i32
    %dma_start3A_1157 = tpu.memref_slice %arg11[%dma_start3A_1155, %dma_start3A_1156] : memref<24x1024xf32, #tpu.memory_space<vmem>> -> memref<24x1024xf32, #tpu.memory_space<vmem>>
    tpu.enqueue_dma source(%dma_start3A_1157 : memref<24x1024xf32, #tpu.memory_space<vmem>>) target(%dma_start3A_1154 : memref<24x1024xf32, #tpu.memory_space<hbm>>) target_semaphore(%arg18 : memref<!tpu.dma_semaphore, #tpu.memory_space<semaphore_mem>>)
    %dma_wait3A_1158 = arith.constant 7 : i32
    %dma_wait3A_1159 = arith.constant 0 : i32
    %dma_wait3A_1160 = arith.constant 0 : i32
    %dma_wait3A_1161 = tpu.memref_slice %arg12[%dma_wait3A_1159, %dma_wait3A_1160] : memref<24x1024xf32, #tpu.memory_space<vmem>> -> memref<24x1024xf32, #tpu.memory_space<vmem>>
    %dma_wait3A_1162 = arith.constant 0 : i32
    %dma_wait3A_1163 = tpu.memref_slice %arg8[%dma_wait3A_1158, %dma_wait3A_1162] : memref<8x48xi32, #tpu.memory_space<vmem>> -> memref<1x24xi32, #tpu.memory_space<vmem>>
    %dma_wait3A_1164 = tpu.memref_squeeze %dma_wait3A_1163 : memref<1x24xi32, #tpu.memory_space<vmem>> -> memref<24xi32, #tpu.memory_space<vmem>>
    %dma_wait3A_1165 = arith.constant 0 : i32
    %dma_wait3A_1166 = arith.constant 0 : i32
    %dma_wait3A_1167 = tpu.memref_slice %arg5[%dma_wait3A_1165, %dma_wait3A_1166] : memref<1025x1024xf32, #tpu.memory_space<hbm>> -> memref<1025x1024xf32, #tpu.memory_space<hbm>>
    tpu.wait_indirect_dma semaphore(%arg16 : memref<!tpu.dma_semaphore, #tpu.memory_space<semaphore_mem>>) src(%dma_wait3A_1167 : memref<1025x1024xf32, #tpu.memory_space<hbm>>) dst(%dma_wait3A_1161 : memref<24x1024xf32, #tpu.memory_space<vmem>>)
    %scan3A_1168 = arith.constant 0 : i32
    %scan3A_1169 = arith.constant 0 : i32
    %scan3A_1170 = arith.constant 24 : i32
    %scan3A_1171 = arith.addi %scan3A_1169, %scan3A_1170 : i32
    %scan3A_1172 = arith.constant 1 : i32
    %scan3A_1173 = scf.for %scan3A_1265 = %scan3A_1169 to %scan3A_1171 step %scan3A_1172 iter_args(%scan3A_1266 = %scan3A_1168) -> (i32)  : i32 {
      %parallel_loop3A = arith.constant 0 : i32
      %parallel_loop3A_1267 = arith.constant 64 : i32
      %parallel_loop3A_1268 = arith.constant 1 : i32
      scf.for %parallel_loop3A_1270 = %parallel_loop3A to %parallel_loop3A_1267 step %parallel_loop3A_1268  : i32 {
        %parallel_loop3A_1271 = arith.constant 16 : i32
        %parallel_loop3A_1272 = arith.muli %parallel_loop3A_1270, %parallel_loop3A_1271 : i32
        %parallel_loop3A_1273 = arith.constant 0 : i32
        %parallel_loop3A_1274 = arith.addi %parallel_loop3A_1273, %scan3A_1265 : i32
        %parallel_loop3A_1275 = arith.index_cast %parallel_loop3A_1274 : i32 to index
        %parallel_loop3A_1276 = arith.index_cast %parallel_loop3A_1272 : i32 to index
        %parallel_loop3A_1277 = tpu.vector_load %arg9[%parallel_loop3A_1275, %parallel_loop3A_1276] {strides = array<i32>} : memref<48x1024xf32, #tpu.memory_space<vmem>>, vector<1x16xf32>,
        %parallel_loop3A_1278 = vector.shape_cast %parallel_loop3A_1277 : vector<1x16xf32> to vector<16xf32>
        %parallel_loop3A_1279 = arith.index_cast %scan3A_1265 : i32 to index
        %parallel_loop3A_1280 = arith.index_cast %parallel_loop3A_1272 : i32 to index
        %parallel_loop3A_1281 = tpu.vector_load %arg12[%parallel_loop3A_1279, %parallel_loop3A_1280] {strides = array<i32>} : memref<24x1024xf32, #tpu.memory_space<vmem>>, vector<1x16xf32>,
        %parallel_loop3A_1282 = vector.shape_cast %parallel_loop3A_1281 : vector<1x16xf32> to vector<16xf32>
        %parallel_loop3A_1283 = vector.shape_cast %parallel_loop3A_1278 : vector<16xf32> to vector<1x16xf32>
        tpu.vector_store %arg12[%parallel_loop3A_1279, %parallel_loop3A_1280], %parallel_loop3A_1283 {add = true, strides = array<i32>} : memref<24x1024xf32, #tpu.memory_space<vmem>>, vector<1x16xf32>,
      } {sc.loop_unroll_factor = 8 : i64, sc.parallel_access}
      %scan3A_1269 = arith.constant 0 : i32
      scf.yield %scan3A_1269 : i32
    }
    %scan3A_1174 = arith.constant 24 : i32
    %add3A_1175 = arith.constant 512 : i32
    %add3A_1176 = arith.addi %add3A_1175, %mul3A_2 : i32
    %add3A_1177 = arith.constant 0 : i32
    %add3A_1178 = arith.addi %add3A_1176, %add3A_1177 : i32
    %dma_start3A_1179 = arith.constant 7 : i32
    %dma_start3A_1180 = arith.constant 0 : i32
    %dma_start3A_1181 = arith.constant 0 : i32
    %dma_start3A_1182 = tpu.memref_slice %arg12[%dma_start3A_1180, %dma_start3A_1181] : memref<24x1024xf32, #tpu.memory_space<vmem>> -> memref<24x1024xf32, #tpu.memory_space<vmem>>
    %dma_start3A_1183 = arith.constant 0 : i32
    %dma_start3A_1184 = tpu.memref_slice %arg7[%dma_start3A_1179, %add3A_1178, %dma_start3A_1183] : memref<8x2048x1024xf32, #tpu.memory_space<hbm>> -> memref<1x24x1024xf32, #tpu.memory_space<hbm>>
    %dma_start3A_1185 = tpu.memref_squeeze %dma_start3A_1184 : memref<1x24x1024xf32, #tpu.memory_space<hbm>> -> memref<24x1024xf32, #tpu.memory_space<hbm>>
    %dma_start3A_1186 = arith.constant 0 : i32
    %dma_start3A_1187 = tpu.memref_slice %arg7[%dma_start3A_1179, %add3A_1178, %dma_start3A_1186] : memref<8x2048x1024xf32, #tpu.memory_space<hbm>> -> memref<1x24x1024xf32, #tpu.memory_space<hbm>>
    %dma_start3A_1188 = tpu.memref_squeeze %dma_start3A_1187 : memref<1x24x1024xf32, #tpu.memory_space<hbm>> -> memref<24x1024xf32, #tpu.memory_space<hbm>>
    %dma_start3A_1189 = arith.constant 0 : i32
    %dma_start3A_1190 = arith.constant 0 : i32
    %dma_start3A_1191 = tpu.memref_slice %arg12[%dma_start3A_1189, %dma_start3A_1190] : memref<24x1024xf32, #tpu.memory_space<vmem>> -> memref<24x1024xf32, #tpu.memory_space<vmem>>
    tpu.enqueue_dma source(%dma_start3A_1191 : memref<24x1024xf32, #tpu.memory_space<vmem>>) target(%dma_start3A_1188 : memref<24x1024xf32, #tpu.memory_space<hbm>>) target_semaphore(%arg19 : memref<!tpu.dma_semaphore, #tpu.memory_space<semaphore_mem>>)
    %dma_wait3A_1192 = arith.constant 7 : i32
    %dma_wait3A_1193 = arith.constant 0 : i32
    %dma_wait3A_1194 = arith.constant 0 : i32
    %dma_wait3A_1195 = tpu.memref_slice %arg10[%dma_wait3A_1193, %dma_wait3A_1194] : memref<24x1024xf32, #tpu.memory_space<vmem>> -> memref<24x1024xf32, #tpu.memory_space<vmem>>
    %dma_wait3A_1196 = arith.constant 24 : i32
    %dma_wait3A_1197 = tpu.memref_slice %arg8[%dma_wait3A_1192, %dma_wait3A_1196] : memref<8x48xi32, #tpu.memory_space<vmem>> -> memref<1x24xi32, #tpu.memory_space<vmem>>
    %dma_wait3A_1198 = tpu.memref_squeeze %dma_wait3A_1197 : memref<1x24xi32, #tpu.memory_space<vmem>> -> memref<24xi32, #tpu.memory_space<vmem>>
    %dma_wait3A_1199 = arith.constant 0 : i32
    %dma_wait3A_1200 = arith.constant 0 : i32
    %dma_wait3A_1201 = tpu.memref_slice %arg5[%dma_wait3A_1199, %dma_wait3A_1200] : memref<1025x1024xf32, #tpu.memory_space<hbm>> -> memref<1025x1024xf32, #tpu.memory_space<hbm>>
    tpu.wait_indirect_dma semaphore(%arg14 : memref<!tpu.dma_semaphore, #tpu.memory_space<semaphore_mem>>) src(%dma_wait3A_1201 : memref<1025x1024xf32, #tpu.memory_space<hbm>>) dst(%dma_wait3A_1195 : memref<24x1024xf32, #tpu.memory_space<vmem>>)
    %scan3A_1202 = arith.constant 0 : i32
    %scan3A_1203 = arith.constant 0 : i32
    %scan3A_1204 = arith.constant 24 : i32
    %scan3A_1205 = arith.addi %scan3A_1203, %scan3A_1204 : i32
    %scan3A_1206 = arith.constant 1 : i32
    %scan3A_1207 = scf.for %scan3A_1265 = %scan3A_1203 to %scan3A_1205 step %scan3A_1206 iter_args(%scan3A_1266 = %scan3A_1202) -> (i32)  : i32 {
      %parallel_loop3A = arith.constant 0 : i32
      %parallel_loop3A_1267 = arith.constant 64 : i32
      %parallel_loop3A_1268 = arith.constant 1 : i32
      scf.for %parallel_loop3A_1270 = %parallel_loop3A to %parallel_loop3A_1267 step %parallel_loop3A_1268  : i32 {
        %parallel_loop3A_1271 = arith.constant 16 : i32
        %parallel_loop3A_1272 = arith.muli %parallel_loop3A_1270, %parallel_loop3A_1271 : i32
        %parallel_loop3A_1273 = arith.constant 24 : i32
        %parallel_loop3A_1274 = arith.addi %parallel_loop3A_1273, %scan3A_1265 : i32
        %parallel_loop3A_1275 = arith.index_cast %parallel_loop3A_1274 : i32 to index
        %parallel_loop3A_1276 = arith.index_cast %parallel_loop3A_1272 : i32 to index
        %parallel_loop3A_1277 = tpu.vector_load %arg9[%parallel_loop3A_1275, %parallel_loop3A_1276] {strides = array<i32>} : memref<48x1024xf32, #tpu.memory_space<vmem>>, vector<1x16xf32>,
        %parallel_loop3A_1278 = vector.shape_cast %parallel_loop3A_1277 : vector<1x16xf32> to vector<16xf32>
        %parallel_loop3A_1279 = arith.index_cast %scan3A_1265 : i32 to index
        %parallel_loop3A_1280 = arith.index_cast %parallel_loop3A_1272 : i32 to index
        %parallel_loop3A_1281 = tpu.vector_load %arg10[%parallel_loop3A_1279, %parallel_loop3A_1280] {strides = array<i32>} : memref<24x1024xf32, #tpu.memory_space<vmem>>, vector<1x16xf32>,
        %parallel_loop3A_1282 = vector.shape_cast %parallel_loop3A_1281 : vector<1x16xf32> to vector<16xf32>
        %parallel_loop3A_1283 = vector.shape_cast %parallel_loop3A_1278 : vector<16xf32> to vector<1x16xf32>
        tpu.vector_store %arg10[%parallel_loop3A_1279, %parallel_loop3A_1280], %parallel_loop3A_1283 {add = true, strides = array<i32>} : memref<24x1024xf32, #tpu.memory_space<vmem>>, vector<1x16xf32>,
      } {sc.loop_unroll_factor = 8 : i64, sc.parallel_access}
      %scan3A_1269 = arith.constant 0 : i32
      scf.yield %scan3A_1269 : i32
    }
    %scan3A_1208 = arith.constant 24 : i32
    %add3A_1209 = arith.constant 512 : i32
    %add3A_1210 = arith.addi %add3A_1209, %mul3A_2 : i32
    %add3A_1211 = arith.constant 24 : i32
    %add3A_1212 = arith.addi %add3A_1210, %add3A_1211 : i32
    %dma_start3A_1213 = arith.constant 7 : i32
    %dma_start3A_1214 = arith.constant 0 : i32
    %dma_start3A_1215 = arith.constant 0 : i32
    %dma_start3A_1216 = tpu.memref_slice %arg10[%dma_start3A_1214, %dma_start3A_1215] : memref<24x1024xf32, #tpu.memory_space<vmem>> -> memref<24x1024xf32, #tpu.memory_space<vmem>>
    %dma_start3A_1217 = arith.constant 0 : i32
    %dma_start3A_1218 = tpu.memref_slice %arg7[%dma_start3A_1213, %add3A_1212, %dma_start3A_1217] : memref<8x2048x1024xf32, #tpu.memory_space<hbm>> -> memref<1x24x1024xf32, #tpu.memory_space<hbm>>
    %dma_start3A_1219 = tpu.memref_squeeze %dma_start3A_1218 : memref<1x24x1024xf32, #tpu.memory_space<hbm>> -> memref<24x1024xf32, #tpu.memory_space<hbm>>
    %dma_start3A_1220 = arith.constant 0 : i32
    %dma_start3A_1221 = tpu.memref_slice %arg7[%dma_start3A_1213, %add3A_1212, %dma_start3A_1220] : memref<8x2048x1024xf32, #tpu.memory_space<hbm>> -> memref<1x24x1024xf32, #tpu.memory_space<hbm>>
    %dma_start3A_1222 = tpu.memref_squeeze %dma_start3A_1221 : memref<1x24x1024xf32, #tpu.memory_space<hbm>> -> memref<24x1024xf32, #tpu.memory_space<hbm>>
    %dma_start3A_1223 = arith.constant 0 : i32
    %dma_start3A_1224 = arith.constant 0 : i32
    %dma_start3A_1225 = tpu.memref_slice %arg10[%dma_start3A_1223, %dma_start3A_1224] : memref<24x1024xf32, #tpu.memory_space<vmem>> -> memref<24x1024xf32, #tpu.memory_space<vmem>>
    tpu.enqueue_dma source(%dma_start3A_1225 : memref<24x1024xf32, #tpu.memory_space<vmem>>) target(%dma_start3A_1222 : memref<24x1024xf32, #tpu.memory_space<hbm>>) target_semaphore(%arg17 : memref<!tpu.dma_semaphore, #tpu.memory_space<semaphore_mem>>)
    %dma_wait3A_1226 = arith.constant 6 : i32
    %dma_wait3A_1227 = arith.constant 0 : i32
    %dma_wait3A_1228 = arith.constant 0 : i32
    %dma_wait3A_1229 = tpu.memref_slice %arg11[%dma_wait3A_1227, %dma_wait3A_1228] : memref<24x1024xf32, #tpu.memory_space<vmem>> -> memref<24x1024xf32, #tpu.memory_space<vmem>>
    %dma_wait3A_1230 = arith.constant 0 : i32
    %dma_wait3A_1231 = tpu.memref_slice %arg7[%dma_wait3A_1226, %add3A_1144, %dma_wait3A_1230] : memref<8x2048x1024xf32, #tpu.memory_space<hbm>> -> memref<1x24x1024xf32, #tpu.memory_space<hbm>>
    %dma_wait3A_1232 = tpu.memref_squeeze %dma_wait3A_1231 : memref<1x24x1024xf32, #tpu.memory_space<hbm>> -> memref<24x1024xf32, #tpu.memory_space<hbm>>
    %dma_wait3A_1233 = arith.constant 0 : i32
    %dma_wait3A_1234 = tpu.memref_slice %arg7[%dma_wait3A_1226, %add3A_1144, %dma_wait3A_1233] : memref<8x2048x1024xf32, #tpu.memory_space<hbm>> -> memref<1x24x1024xf32, #tpu.memory_space<hbm>>
    %dma_wait3A_1235 = tpu.memref_squeeze %dma_wait3A_1234 : memref<1x24x1024xf32, #tpu.memory_space<hbm>> -> memref<24x1024xf32, #tpu.memory_space<hbm>>
    %dma_wait3A_1236 = arith.constant 0 : i32
    %dma_wait3A_1237 = arith.constant 0 : i32
    %dma_wait3A_1238 = tpu.memref_slice %arg11[%dma_wait3A_1236, %dma_wait3A_1237] : memref<24x1024xf32, #tpu.memory_space<vmem>> -> memref<24x1024xf32, #tpu.memory_space<vmem>>
    tpu.wait_dma2 semaphore(%arg18 : memref<!tpu.dma_semaphore, #tpu.memory_space<semaphore_mem>>) src(%dma_wait3A_1238 : memref<24x1024xf32, #tpu.memory_space<vmem>>) dst(%dma_wait3A_1235 : memref<24x1024xf32, #tpu.memory_space<hbm>>)
    %dma_wait3A_1239 = arith.constant 7 : i32
    %dma_wait3A_1240 = arith.constant 0 : i32
    %dma_wait3A_1241 = arith.constant 0 : i32
    %dma_wait3A_1242 = tpu.memref_slice %arg12[%dma_wait3A_1240, %dma_wait3A_1241] : memref<24x1024xf32, #tpu.memory_space<vmem>> -> memref<24x1024xf32, #tpu.memory_space<vmem>>
    %dma_wait3A_1243 = arith.constant 0 : i32
    %dma_wait3A_1244 = tpu.memref_slice %arg7[%dma_wait3A_1239, %add3A_1178, %dma_wait3A_1243] : memref<8x2048x1024xf32, #tpu.memory_space<hbm>> -> memref<1x24x1024xf32, #tpu.memory_space<hbm>>
    %dma_wait3A_1245 = tpu.memref_squeeze %dma_wait3A_1244 : memref<1x24x1024xf32, #tpu.memory_space<hbm>> -> memref<24x1024xf32, #tpu.memory_space<hbm>>
    %dma_wait3A_1246 = arith.constant 0 : i32
    %dma_wait3A_1247 = tpu.memref_slice %arg7[%dma_wait3A_1239, %add3A_1178, %dma_wait3A_1246] : memref<8x2048x1024xf32, #tpu.memory_space<hbm>> -> memref<1x24x1024xf32, #tpu.memory_space<hbm>>
    %dma_wait3A_1248 = tpu.memref_squeeze %dma_wait3A_1247 : memref<1x24x1024xf32, #tpu.memory_space<hbm>> -> memref<24x1024xf32, #tpu.memory_space<hbm>>
    %dma_wait3A_1249 = arith.constant 0 : i32
    %dma_wait3A_1250 = arith.constant 0 : i32
    %dma_wait3A_1251 = tpu.memref_slice %arg12[%dma_wait3A_1249, %dma_wait3A_1250] : memref<24x1024xf32, #tpu.memory_space<vmem>> -> memref<24x1024xf32, #tpu.memory_space<vmem>>
    tpu.wait_dma2 semaphore(%arg19 : memref<!tpu.dma_semaphore, #tpu.memory_space<semaphore_mem>>) src(%dma_wait3A_1251 : memref<24x1024xf32, #tpu.memory_space<vmem>>) dst(%dma_wait3A_1248 : memref<24x1024xf32, #tpu.memory_space<hbm>>)
    %dma_wait3A_1252 = arith.constant 7 : i32
    %dma_wait3A_1253 = arith.constant 0 : i32
    %dma_wait3A_1254 = arith.constant 0 : i32
    %dma_wait3A_1255 = tpu.memref_slice %arg10[%dma_wait3A_1253, %dma_wait3A_1254] : memref<24x1024xf32, #tpu.memory_space<vmem>> -> memref<24x1024xf32, #tpu.memory_space<vmem>>
    %dma_wait3A_1256 = arith.constant 0 : i32
    %dma_wait3A_1257 = tpu.memref_slice %arg7[%dma_wait3A_1252, %add3A_1212, %dma_wait3A_1256] : memref<8x2048x1024xf32, #tpu.memory_space<hbm>> -> memref<1x24x1024xf32, #tpu.memory_space<hbm>>
    %dma_wait3A_1258 = tpu.memref_squeeze %dma_wait3A_1257 : memref<1x24x1024xf32, #tpu.memory_space<hbm>> -> memref<24x1024xf32, #tpu.memory_space<hbm>>
    %dma_wait3A_1259 = arith.constant 0 : i32
    %dma_wait3A_1260 = tpu.memref_slice %arg7[%dma_wait3A_1252, %add3A_1212, %dma_wait3A_1259] : memref<8x2048x1024xf32, #tpu.memory_space<hbm>> -> memref<1x24x1024xf32, #tpu.memory_space<hbm>>
    %dma_wait3A_1261 = tpu.memref_squeeze %dma_wait3A_1260 : memref<1x24x1024xf32, #tpu.memory_space<hbm>> -> memref<24x1024xf32, #tpu.memory_space<hbm>>
    %dma_wait3A_1262 = arith.constant 0 : i32
    %dma_wait3A_1263 = arith.constant 0 : i32
    %dma_wait3A_1264 = tpu.memref_slice %arg10[%dma_wait3A_1262, %dma_wait3A_1263] : memref<24x1024xf32, #tpu.memory_space<vmem>> -> memref<24x1024xf32, #tpu.memory_space<vmem>>
    tpu.wait_dma2 semaphore(%arg17 : memref<!tpu.dma_semaphore, #tpu.memory_space<semaphore_mem>>) src(%dma_wait3A_1264 : memref<24x1024xf32, #tpu.memory_space<vmem>>) dst(%dma_wait3A_1261 : memref<24x1024xf32, #tpu.memory_space<hbm>>)
    return
  }
}

</mosaic_0001>

<sc_bundles>
// kernel: kernel.3.cloned.1.call-start
scs
__scs_entry_jumppad:
0x0: {  	(pc) =	sbr.rel $0x88, $3  }
0x1: {  	(tag) =	ssettag $0x0;
	lr =	simm.s32 $0x1  }
0x2: {  	[smem:$0x3F9B] =	sst lr;
	_ =	strace $0xD0000000  }
0x3: {  	_ = 	snop  }
0x4: {  	_ = 	snop  }
0x5: {  	_ = 	snop  }
0x6: {  	_ = 	snop  }
0x7: {  	_ = 	snop  }
__scs_overlays_trampoline_lowered:
0x8: {  	[smem:$0x3FAA] =	sst s0  }
0x9: {  	[smem:$0x3FAB] =	sst s1  }
0xa: {  	[smem:$0x3FAC] =	sst s2  }
0xb: {  	[smem:$0x3FAD] =	sst s3  }
0xc: {  	[smem:$0x3FAE] =	sst s4  }
0xd: {  	[smem:$0x3FAF] =	sst s5  }
0xe: {  	[smem:$0x3FB0] =	sst s6  }
0xf: {  	[smem:$0x3FB1] =	sst s7  }
0x10: {  	[smem:$0x3FB2] =	sst s8  }
0x11: {  	[smem:$0x3FB3] =	sst s9;
	s0 =	simm.s32 @!p0 $0x0  }
0x12: {  	s1 =	sld [smem:$0x3F99];
	s0 =	simm.s32 @p0 $0x1  }
0x13: {  	[smem:$0x3FB4] =	sst s0;
	s0 =	simm.s32 @!p1 $0x0  }
0x14: {  	s2 =	sld [smem:$0x3F98];
	s0 =	simm.s32 @p1 $0x1  }
0x15: {  	[smem:$0x3FB5] =	sst s0;
	s0 =	simm.s32 @!p2 $0x0  }
0x16: {  	s3 =	sld [smem:$0x3FDB];
	s0 =	simm.s32 @p2 $0x1  }
0x17: {  	s4 =	simm.s32 $0x1BF5;
	[smem:$0x3FB7] =	sst s0  }
0x18: {  	s0 =	sld [smem:$0x3F9A];
	_ =	swait.ge [sflag:s4], $0x0  }
0x19: {  	s7 =	sld [smem:$0x3F9B]  }
0x1a: {  	s8 =	sadd.s32 $0xFFFFE003, lr  }
0x1b: {  	s9 =	sadd.s32 $0xFFFFFEF7, lr;
	s5 =	simm.s32 $0xFFFFFFFF;
	p2 =	slt.u32 s8, $0xFFFFF086  }
0x1c: {  	p1 =	slt.u32 s9, $0xF7A;
	s5 =	simm.s32 @!p2 $0x0  }
0x1d: {  	s5 =	simm.s32 @p1 $0x1;
	p0 =	seq.s32 s7, s2  }
0x1e: {  	s7 =	smul.u32 @!p0 $0xF7A, s2;
	p2 =	seq.s32 @!p0 s5, $0x0  }
0x1f: {  	s9 =	smul.u32 $0xF7A, s1;
	s8 =	simm.s32 @!p0 $0x1BF5;
	p2 =	por !p2, p0  }
0x20: {  	[sflag:s8] =	ssyncset.s32 @!p0 $0xFFFFF086;
	s6 =	sadd.s32 @!p0 s3, s7;
	s7 =	simm.s32 @!p0 $0x108  }
0x21: {  	s3 =	sadd.s32 s3, s9;
	s6 =	sadd.s32 @!p0 $0x88, s6;
	s7 =	simm.s32 @p2 $0x1082  }
0x22: {  	[simem:s7], [sflag:s8] =	dma.local @!p0 [hbm:s6], $0xF7A  }
0x23: {  	s9 =	sor.u32 $0xD0000000, s2;
	s6 =	simm.s32 $0x108;
	_ =	swait.ge @!p0 [sflag:s8], $0x0  }
0x24: {  	s3 =	sadd.s32 $0x88, s3;
	s6 =	simm.s32 @!p1 $0x1082;
	[sflag:s4] =	ssyncset.s32 $0xFFFFF086  }
0x25: {  	[simem:s6], [sflag:s4] =	dma.local [hbm:s3], $0xF7A  }
0x26: {  	[smem:$0x3F9B] =	sst s1;
	(tag) =	ssettag s2;
	_ =	strace s9  }
0x27: {  	s1 =	sld [smem:$0x3FAB]  }
0x28: {  	s2 =	sld [smem:$0x3FAC]  }
0x29: {  	s4 =	sld [smem:$0x3FAE]  }
0x2a: {  	p0 =	seq.s32 s5, $0x0;
	s5 =	sld [smem:$0x3FAF]  }
0x2b: {  	s6 =	sld [smem:$0x3FB0]  }
0x2c: {  	s7 =	sld [smem:$0x3FB1]  }
0x2d: {  	s3 =	simm.s32 $0x108;
	s8 =	sld [smem:$0x3FB2]  }
0x2e: {  	s3 =	simm.s32 @!p0 $0x1082;
	s9 =	sld [smem:$0x3FB3]  }
0x2f: {  	lr =	sadd.s32 s0, s3;
	s0 =	sld [smem:$0x3FAA]  }
0x30: {  	s3 =	sld [smem:$0x3FAD]  }
0x31: {  	[smem:$0x3FB6] =	sst s10  }
0x32: {  	s10 =	sld [smem:$0x3FB4];
	_ =	sdelay $0x3  }
0x33: {  	p0 =	seq.s32 s10, $0x1;
	s10 =	sld [smem:$0x3FB6];
	_ =	sdelay $0x3  }
0x34: {  	[smem:$0x3FB6] =	sst s10  }
0x35: {  	s10 =	sld [smem:$0x3FB5];
	_ =	sdelay $0x3  }
0x36: {  	p1 =	seq.s32 s10, $0x1;
	s10 =	sld [smem:$0x3FB6];
	_ =	sdelay $0x3  }
0x37: {  	[smem:$0x3FB6] =	sst s10  }
0x38: {  	s10 =	sld [smem:$0x3FB7]  }
0x39: {  	_ = 	snop;
	(pc) =	sbr.ind lr, $3  }
0x3a: {  	_ = 	snop  }
0x3b: {  	_ = 	snop  }
0x3c: {  	p2 =	seq.s32 s10, $0x1;
	s10 =	sld [smem:$0x3FB6]  }
0x3d: {  	_ =	shalt  }
0x3e: {  	_ =	shalt  }
0x3f: {  	_ =	shalt  }
0x40: {  	_ =	shalt  }
0x41: {  	_ =	shalt  }
0x42: {  	_ =	shalt  }
0x43: {  	_ =	shalt  }
0x44: {  	_ =	shalt  }
0x45: {  	_ =	shalt  }
0x46: {  	_ =	shalt  }
0x47: {  	_ =	shalt  }
0x48: {  	_ =	shalt  }
0x49: {  	_ =	shalt  }
0x4a: {  	_ =	shalt  }
0x4b: {  	_ =	shalt  }
0x4c: {  	_ =	shalt  }
0x4d: {  	_ =	shalt  }
0x4e: {  	_ =	shalt  }
0x4f: {  	_ =	shalt  }
0x50: {  	_ =	shalt  }
0x51: {  	_ =	shalt  }
0x52: {  	_ =	shalt  }
0x53: {  	_ =	shalt  }
0x54: {  	_ =	shalt  }
0x55: {  	_ =	shalt  }
0x56: {  	_ =	shalt  }
0x57: {  	_ =	shalt  }
0x58: {  	_ =	shalt  }
0x59: {  	_ =	shalt  }
0x5a: {  	_ =	shalt  }
0x5b: {  	_ =	shalt  }
0x5c: {  	_ =	shalt  }
0x5d: {  	_ =	shalt  }
0x5e: {  	_ =	shalt  }
0x5f: {  	_ =	shalt  }
0x60: {  	_ =	shalt  }
0x61: {  	_ =	shalt  }
0x62: {  	_ =	shalt  }
0x63: {  	_ =	shalt  }
0x64: {  	_ =	shalt  }
0x65: {  	_ =	shalt  }
0x66: {  	_ =	shalt  }
0x67: {  	_ =	shalt  }
0x68: {  	_ =	shalt  }
0x69: {  	_ =	shalt  }
0x6a: {  	_ =	shalt  }
0x6b: {  	_ =	shalt  }
0x6c: {  	_ =	shalt  }
0x6d: {  	_ =	shalt  }
0x6e: {  	_ =	shalt  }
0x6f: {  	_ =	shalt  }
0x70: {  	_ =	shalt  }
0x71: {  	_ =	shalt  }
0x72: {  	_ =	shalt  }
0x73: {  	_ =	shalt  }
0x74: {  	_ =	shalt  }
0x75: {  	_ =	shalt  }
0x76: {  	_ =	shalt  }
0x77: {  	_ =	shalt  }
0x78: {  	_ =	shalt  }
0x79: {  	_ =	shalt  }
0x7a: {  	_ =	shalt  }
0x7b: {  	_ =	shalt  }
0x7c: {  	_ =	shalt  }
0x7d: {  	_ =	shalt  }
0x7e: {  	_ =	shalt  }
0x7f: {  	_ =	shalt  }
0x80: {  	_ =	shalt  }
0x81: {  	_ =	shalt  }
0x82: {  	_ =	shalt  }
0x83: {  	_ =	shalt  }
0x84: {  	_ =	shalt  }
0x85: {  	_ =	shalt  }
0x86: {  	_ =	shalt  }
0x87: {  	_ =	shalt  }
.Lfunc_end0:
.L_simem_size_0:
called_computation_lowered:
.L_overlay_start_0:
0x88: {  	s2 =	sld [smem:$0x3FD9]  }
0x89: {  	s3 =	sld [smem:$0x3FFE];
	_ =	sdelay $0x1  }
0x8a: {  	s1 =	srdreg.scid  }
0x8b: {  	s0 =	sand.u32 $0x1, s1  }
0x8c: {  	s17 =	sshll.u32 s0, $0xA;
	s2 =	sadd.s32 s3, s2  }
0x8d: {  	s2 =	sadd.s32 s2, s17  }
0x8e: {  	[smem:$0x3FC2] =	sst s2  }
0x8f: {  	_ = 	snop  }
0x90: {  	s2 =	sld [smem:$0x3FC8]  }
0x91: {  	s18 =	sld [smem:$0x3FC5]  }
0x92: {  	s4 =	sld [smem:$0x3FD0];
	(tm) =	ssettm $0x1  }
0x93: {  	s5 =	sld [smem:$0x3FFB];
	_ =	sdelay $0x3  }
0x94: {  	_ =	strace s5  }
0x95: {  	s5 =	sld [smem:$0x3FFC];
	_ =	sdelay $0x3  }
0x96: {  	_ =	strace s5  }
0x97: {  	s5 =	sld [smem:$0x3FFD];
	_ =	sdelay $0x3  }
0x98: {  	_ =	strace s5  }
0x99: {  	_ =	strace $0x8FFFFFFF  }
0x9a: {  	s19 =	sld [smem:$0x3FDB];
	_ =	sdelay $0x1  }
0x9b: {  	s6 =	simm.s32 $_scs_section_size  }
0x9c: {  	s7 =	simm.s32 $_size__tile_overlayer_lowered;
	s8 =	simm.s32 $_tile_overlayer_lowered  }
0x9d: {  	s22 =	simm.s32 $0x1BFF;
	s21 =	sshll.u32 s8, $0x1;
	s5 =	sadd.s32 s6, s19  }
0x9e: {  	s9 =	simm.s32 $0x0;
	s20 =	sshll.u32 s7, $0x1;
	s7 =	sadd.s32 s21, s5  }
0x9f: {  	[timem:s9], [sflag:s22] =	dma.local [hbm:s7], s20  }
0xa0: {  	_ =	swait.ge [sflag:s22], s20  }
0xa1: {  	s6 =	ssub.s32 $0x0, s20;
	[sflag:s22] =	ssyncset.done $0x0  }
0xa2: {  	[sflag:s22] =	ssyncadd.s32 s6;
	_ =	sdelay $0x1  }
0xa3: {  	s23 =	simm.s32 $0x1B8B  }
0xa4: {  	_ =	swait.ge [sflag:s23], $0x1  }
0xa5: {  	[sflag:s23] =	ssyncset.done $0x0  }
0xa6: {  	s25 =	simm.s32 $0x1B8E;
	s24 =	sld [smem:$0x3FFE];
	[sflag:s23] =	ssyncadd.s32 $0xFFFFFFFF  }
0xa7: {  	s26 =	simm.s32 $execute0_lowered;
	[smem:$0x3FD2] =	sst s25  }
0xa8: {  	s7 =	sshll.u32 s26, $0x1;
	_ =	strace $0x80000046;
	[dreg:$0x1] =	wrdreg $0xFFFFFFFF  }
0xa9: {  	s28 =	simm.s32 $_size_execute0_lowered;
	s5 =	sadd.s32 s5, s7;
	[dreg:$0x0] =	wrdreg $0x0  }
0xaa: {  	s7 =	sshll.u32 s28, $0x1;
	[dreg:$0x2] =	wrdreg s5  }
0xab: {  	[dreg:$0x3] =	wrdreg s7  }
0xac: {  	[dreg:$0x4] =	wrdreg $0xC0  }
0xad: {  	_ =	task [dreg:s9], $0x5FFFF  }
0xae: {  	[dreg:$0x1] =	wrdreg $0xFFFFFFFF  }
0xaf: {  	[dreg:$0x0] =	wrdreg $0x60  }
0xb0: {  	[dreg:$0x2] =	wrdreg s24  }
0xb1: {  	[dreg:$0x3] =	wrdreg s2  }
0xb2: {  	[dreg:$0x4] =	wrdreg s18  }
0xb3: {  	[dreg:$0x5] =	wrdreg s4  }
0xb4: {  	[dreg:$0x6] =	wrdreg $0x9  }
0xb5: {  	_ =	task.clear_ibuf [dreg:s9], $0x7FFFF;
	_ =	strace $0x90000046  }
0xb6: {  	s29 =	simm.s32 $0x9;
	_ =	strace $0x80000048  }
0xb7: {  	_ =	swait.ge [sflag:s29], $0x1  }
0xb8: {  	[sflag:s29] =	ssyncadd.s32 $0xFFFFFFFF  }
0xb9: {  	_ =	strace $0x90000048  }
0xba: {  	_ =	sfence  }
0xbb: {  	s30 =	sld [smem:$0x0];
	_ =	sdelay $0x2  }
0xbc: {  	s31 =	sshll.u32 s1, $0xD;
	s1 =	sshrl.u32 s1, $0x2  }
0xbd: {  	s3 =	sand.u32 $0x4000, s31;
	s1 =	sadd.s32 s1, s30  }
0xbe: {  	s0 =	sor.u32 s3, s0;
	s1 =	sshll.u32 s1, $0x11  }
0xbf: {  	s0 =	sor.u32 s1, s0  }
0xc0: {  	s0 =	sadd.s32 $0x8F2B, s0  }
0xc1: {  	[sflag:s0] =	ssyncadd.remote.s32 $0x1  }
0xc2: {  	_ =	sfence.sel $0xFFFF  }
0xc3: {  	[dreg:$0x0] =	wrdreg $0xFFFFFFFF;
	(pc) =	sbr.abs _section_cstart, $3  }
0xc4: {  	[dreg:$0x1] =	wrdreg $0xFFFFFFFF  }
0xc5: {  	_ =	task.clear_ibuf [dreg:s9], $0x2FFFF;
	_ =	strace $0x9FFFFFFF  }
0xc6: {  	(tm) =	ssettm $0x7FFFFFFF  }
0xc7: {  	_ =	shalt  }
tec
execute0_lowered:
.L_overlay_start_1:
0x0: {  	(tag) =	ssettag $0x1  }
0x1: {  	s1 =	rddreg [dreg:$0x0]  }
0x2: {  	s4 =	rddreg [dreg:$0x1]  }
0x3: {  	s2 =	rddreg [dreg:$0x2]  }
0x4: {  	s0 =	rddreg [dreg:$0x3]  }
0x5: {  	s5 =	srdreg.scid;
	s9 =	stileid.u32  }
0x6: {  	s3 =	simm.s32 $0x0;
	s28 =	simm.s32 $0x2;
	s29 =	simm.s32 $0x5  }
0x7: {  	s30 =	simm.s32 $0x3;
	s31 =	simm.s32 $0x6;
	s5 =	sand.u32 $0x1, s5  }
0x8: {  	s6 =	sshll.u32 s9, $0x1;
	[smem:$0x7FF] =	sst s3;
	s9 =	sshrl.u32 s9, $0x1  }
0x9: {  	s6 =	sor.u32 s5, s6;
	_ =	strace $0x80000047;
	s11 =	sshll.u32 s9, $0x13  }
0xa: {  	s17 =	ssub.s32 $0x2, s5;
	s7 =	sshll.u32 s6, $0x7;
	s8 =	smul.u32 $0x1800, s6  }
0xb: {  	s10 =	sshll.u32 s6, $0x11;
	s12 =	sshrl.u32 s17, $0x1;
	s6 =	smul.u32 $0xC000, s6  }
0xc: {  	s7 =	sadd.s32 s7, s1;
	s10 =	sand.u32 $0x60000, s10;
	s8 =	sadd.s32 s8, s1  }
0xd: {  	s1 =	sadd.s32 $0x1600, s1;
	s18 =	sor.u32 s11, s10;
	s7 =	sadd.s32 $0x600, s7  }
0xe: {  	s20 =	sshrl.u32 s6, $0x3;
	s6 =	sshll.u32 s9, $0x15;
	s22 =	sor.u32 $0x6000, s10  }
0xf: {  	s26 =	sor.u32 $0xC000, s10;
	s9 =	sadd.s32 $0x300, s2;
	[dreg:$0x5] =	wrdreg s1  }
0x10: {  	s5 =	sshrl.u32 s18, $0x3;
	s1 =	ssub.s32 s17, s12;
	[dreg:$0x6] =	wrdreg s7  }
0x11: {  	s19 =	sadd.s32 $0x1800, s8;
	s21 =	sor.u32 s6, s10;
	s24 =	sor.u32 s11, s22  }
0x12: {  	s15 =	sor.u32 s6, s22;
	s16 =	sor.u32 s11, s26;
	s18 =	sor.u32 $0x12000, s10  }
0x13: {  	s5 =	sadd.s32 s4, s5;
	[dreg:$0x8] =	wrdreg s19;
	s7 =	sshrl.u32 s21, $0x3  }
0x14: {  	s25 =	sshrl.u32 s24, $0x3;
	s8 =	sshrl.u32 s16, $0x3;
	s19 =	sor.u32 $0x18000, s10  }
0x15: {  	s13 =	sor.u32 s11, s18;
	s10 =	sor.u32 $0x1E000, s10;
	s24 =	sor.u32 s6, s18  }
0x16: {  	[dreg:$0x7] =	wrdreg s5;
	s5 =	sadd.s32 s0, s20;
	s7 =	sadd.s32 s0, s7  }
0x17: {  	s8 =	sadd.s32 s4, s8;
	s14 =	sor.u32 s11, s19;
	[dreg:$0xa] =	wrdreg s7  }
0x18: {  	s13 =	sshrl.u32 s13, $0x3;
	s23 =	sadd.s32 $0x10000, s5;
	[dreg:$0xd] =	wrdreg s8  }
0x19: {  	s11 =	sor.u32 s11, s10;
	s7 =	sadd.s32 s4, s25;
	[dreg:$0x9] =	wrdreg s23  }
0x1a: {  	s17 =	sadd.s32 $0x10C00, s5;
	s14 =	sshrl.u32 s14, $0x3;
	[dreg:$0xb] =	wrdreg s7  }
0x1b: {  	s13 =	sadd.s32 s4, s13;
	s11 =	sshrl.u32 s11, $0x3;
	[dreg:$0xc] =	wrdreg s17  }
0x1c: {  	s21 =	sadd.s32 $0x50000, s5;
	s25 =	sor.u32 s6, s19;
	[dreg:$0xe] =	wrdreg s13  }
0x1d: {  	s16 =	sadd.s32 $0xD0000, s5;
	s18 =	sadd.s32 $0x110C00, s5;
	[dreg:$0x11] =	wrdreg s21  }
0x1e: {  	s19 =	sadd.s32 $0x110000, s5;
	s8 =	sadd.s32 $0x200, s2;
	[dreg:$0x1a] =	wrdreg s16  }
0x1f: {  	s7 =	sshrl.u32 s15, $0x3;
	s20 =	sadd.s32 s4, s14;
	[dreg:$0x1c] =	wrdreg s18  }
0x20: {  	s4 =	sadd.s32 s4, s11;
	s23 =	sor.u32 s6, s26;
	[dreg:$0x1d] =	wrdreg s19  }
0x21: {  	s6 =	sor.u32 s6, s10;
	s26 =	sadd.s32 $0x50C00, s5;
	[dreg:$0xf] =	wrdreg s20  }
0x22: {  	s10 =	sshrl.u32 s24, $0x3;
	s11 =	sshrl.u32 s25, $0x3;
	[dreg:$0x10] =	wrdreg s4  }
0x23: {  	s14 =	sadd.s32 $0x90000, s5;
	s15 =	sadd.s32 $0x90C00, s5;
	[dreg:$0x13] =	wrdreg s26  }
0x24: {  	s17 =	sadd.s32 $0xD0C00, s5;
	s21 =	sadd.s32 $0x150C00, s5;
	[dreg:$0x18] =	wrdreg s14  }
0x25: {  	s24 =	sadd.s32 $0x1D0000, s5;
	s25 =	sadd.s32 $0x1D0C00, s5;
	[dreg:$0x19] =	wrdreg s15  }
0x26: {  	s16 =	simm.s32 $0xEC00;
	s18 =	simm.s32 $0xFC00;
	[dreg:$0x1b] =	wrdreg s17  }
0x27: {  	s19 =	simm.s32 $0x10400;
	s22 =	sadd.s32 s0, s7;
	[dreg:$0x1f] =	wrdreg s21  }
0x28: {  	s4 =	sshrl.u32 s23, $0x3;
	s12 =	sadd.s32 s0, s11;
	[smem:$0x7FB] =	sst s24  }
0x29: {  	s13 =	sshrl.u32 s6, $0x3;
	s20 =	sadd.s32 $0x150000, s5;
	[smem:$0x7FC] =	sst s25  }
0x2a: {  	s23 =	sadd.s32 $0x190C00, s5;
	s26 =	smax.u32 s1, $0x1;
	[dreg:$0x12] =	wrdreg s22  }
0x2b: {  	s7 =	sadd.s32 $0x100, s2;
	s11 =	simm.s32 $0xC400;
	[dreg:$0x16] =	wrdreg s12  }
0x2c: {  	s17 =	simm.s32 $0xF400;
	s21 =	simm.s32 $0x11400;
	[dreg:$0x1e] =	wrdreg s20  }
0x2d: {  	s24 =	simm.s32 $0x18400;
	s25 =	simm.s32 $0x1;
	[smem:$0x7FA] =	sst s23  }
0x2e: {  	s4 =	sadd.s32 s0, s4;
	s22 =	sadd.s32 $0x190000, s5;
	[smem:$0x7FD] =	sst s26  }
0x2f: {  	s20 =	simm.s32 $0x10C00;
	s23 =	simm.s32 $0x12400;
	[dreg:$0x14] =	wrdreg s4  }
0x30: {  	v2 =	vlaneseq.u32;
	s26 =	simm.s32 $0x4;
	s4 =	sadd.s32 s0, s10;
	[smem:$0x7F9] =	sst s22  }
0x31: {  	vm0 =	vmmov $0xffff;
	v1 =	vshrl.u32 v2, $0x3;
	s0 =	sadd.s32 s0, s13;
	s10 =	simm.s32 $0x7;
	[dreg:$0x15] =	wrdreg s4  }
0x32: {  	v0 =	vand.u32 $0x7, v2;
	v2 =	vor.u32 $0x8, v2;
	v1 =	vmul.u32 $0x8, v1;
	s22 =	simm.s32 $0x11C00;
	[dreg:$0x17] =	wrdreg s0;
	s0 =	simm.s32 $0x0  }
.LBB2_1:
0x33: {  	s1 =	rddreg [dreg:$0x6]  }
0x34: {  	[tilespmem:s3], [sflag:$0x7] =	stream.linear.gather [hbm4b:s1+s3], $0x400, $0x38;
	[tilespmem:$0x1E480] =	vst v63  }
0x35: {  	_ =	swait.ge [sflag:s10], $0x400  }
0x36: {  	[sflag:s10] =	ssyncset.done $0x0  }
0x37: {  	[sflag:s10] =	ssyncadd.s32 $0xFFFFFC00  }
0x38: {  	v3 =	vld [tilespmem:$0x0];
	_ =	sdelay $0x4  }
0x39: {  	v4 =	vshll.u32 v3, $0x3  }
0x3a: {  	v3 =	vand.u32 $0x7, v3;
	v4 =	vand.u32 $0xFFFFFFC0, v4  }
0x3b: {  	v3 =	vor.u32 v3, v4  }
0x3c: {  	v4 =	vperm.xlane v3, v0;
	_ =	sdelay $0x1  }
0x3d: {  	v4 =	vadd.s32 v1, v4;
	_ =	sdelay $0x4  }
0x3e: {  	[tilespmem:s11], [sflag:$0x1] =	stream.indirect_vreg.gather [hbm4b:s2+s3], $0x80, v4, vm0, $0xb8;
	[tilespmem:$0x1E480] =	vst v63  }
0x3f: {  	s15 =	simm.s32 $0xCC00;
	v3 =	vperm.xlane v3, v2  }
0x40: {  	[tilespmem:s15], [sflag:$0x1] =	stream.indirect_vreg.gather [hbm4b:s7+s3], $0x80, v4, vm0, $0xb8;
	[tilespmem:$0x1E480] =	vst v63  }
0x41: {  	s4 =	simm.s32 $0xD400;
	v3 =	vadd.s32 v1, v3  }
0x42: {  	[tilespmem:s4], [sflag:$0x1] =	stream.indirect_vreg.gather [hbm4b:s8+s3], $0x80, v4, vm0, $0xb8;
	[tilespmem:$0x1E480] =	vst v63  }
0x43: {  	s5 =	simm.s32 $0xDC00  }
0x44: {  	[tilespmem:s5], [sflag:$0x1] =	stream.indirect_vreg.gather [hbm4b:s9+s3], $0x80, v4, vm0, $0xb8;
	[tilespmem:$0x1E480] =	vst v63  }
0x45: {  	s6 =	simm.s32 $0xE400  }
0x46: {  	[tilespmem:s6], [sflag:$0x1] =	stream.indirect_vreg.gather [hbm4b:s2+s3], $0x80, v3, vm0, $0xb8;
	[tilespmem:$0x1E480] =	vst v63  }
0x47: {  	_ = 	snop  }
0x48: {  	[tilespmem:s16], [sflag:$0x1] =	stream.indirect_vreg.gather [hbm4b:s7+s3], $0x80, v3, vm0, $0xb8;
	[tilespmem:$0x1E480] =	vst v63  }
0x49: {  	_ = 	snop  }
0x4a: {  	[tilespmem:s17], [sflag:$0x1] =	stream.indirect_vreg.gather [hbm4b:s8+s3], $0x80, v3, vm0, $0xb8;
	[tilespmem:$0x1E480] =	vst v63  }
0x4b: {  	_ = 	snop  }
0x4c: {  	[tilespmem:s18], [sflag:$0x1] =	stream.indirect_vreg.gather [hbm4b:s9+s3], $0x80, v3, vm0, $0xb8;
	[tilespmem:$0x1E480] =	vst v63  }
0x4d: {  	v3 =	vld.msk [tilespmem:$0x10], $0xff;
	_ =	sdelay $0x4  }
0x4e: {  	v4 =	vshll.u32 v3, $0x3  }
0x4f: {  	v3 =	vand.u32 $0x7, v3;
	v4 =	vand.u32 $0xFFFFFFC0, v4  }
0x50: {  	v3 =	vor.u32 v3, v4  }
0x51: {  	v3 =	vperm.xlane v3, v0;
	_ =	sdelay $0x1  }
0x52: {  	v3 =	vadd.s32 v1, v3;
	_ =	sdelay $0x4  }
0x53: {  	[tilespmem:s19], [sflag:$0x1] =	stream.indirect_vreg.gather [hbm4b:s2+s3], $0x80, v3, vm0, $0xb8;
	[tilespmem:$0x1E480] =	vst v63  }
0x54: {  	_ = 	snop  }
0x55: {  	[tilespmem:s20], [sflag:$0x1] =	stream.indirect_vreg.gather [hbm4b:s7+s3], $0x80, v3, vm0, $0xb8;
	[tilespmem:$0x1E480] =	vst v63  }
0x56: {  	_ = 	snop  }
0x57: {  	[tilespmem:s21], [sflag:$0x1] =	stream.indirect_vreg.gather [hbm4b:s8+s3], $0x80, v3, vm0, $0xb8;
	[tilespmem:$0x1E480] =	vst v63  }
0x58: {  	_ = 	snop  }
0x59: {  	[tilespmem:s22], [sflag:$0x1] =	stream.indirect_vreg.gather [hbm4b:s9+s3], $0x80, v3, vm0, $0xb8;
	[tilespmem:$0x1E480] =	vst v63  }
0x5a: {  	s12 =	rddreg [dreg:$0x7]  }
0x5b: {  	[tilespmem:s23], [sflag:$0x2] =	stream.linear.gather [hbm4b:s12+s3], $0x6000, $0x38;
	[tilespmem:$0x1E480] =	vst v63  }
0x5c: {  	s13 =	rddreg [dreg:$0x5];
	s4 =	simm.s32 $0x1E400  }
0x5d: {  	[tilespmem:s4], [sflag:$0x7] =	stream.linear.gather [hbm4b:s13+s3], $0x80, $0x38;
	[tilespmem:$0x1E480] =	vst v63  }
0x5e: {  	_ =	swait.ge [sflag:s10], $0x80  }
0x5f: {  	[sflag:s10] =	ssyncset.done $0x0  }
0x60: {  	s15 =	simm.s32 $0x400;
	s14 =	rddreg [dreg:$0x8];
	[sflag:s10] =	ssyncadd.s32 $0xFFFFFF80  }
0x61: {  	[tilespmem:s15], [sflag:$0x7] =	stream.linear.gather [hbm4b:s14+s3], $0xC000, $0x38;
	[tilespmem:$0x1E480] =	vst v63  }
0x62: {  	_ =	swait.ge [sflag:s10], $0xC000  }
0x63: {  	[sflag:s10] =	ssyncset.done $0x0  }
0x64: {  	[sflag:s10] =	ssyncadd.s32 $0xFFFF4000  }
0x65: {  	v3 =	vld [tilespmem:$0x1E400];
	_ =	sdelay $0x3  }
0x66: {  	s1 =	simm.s32 $0x0;
	s5 =	simm.s32 $0x0;
	s4 =	simm.s32 $0x0  }
.LBB2_2:
0x67: {  	s6 =	sshll.u32 s4, $0x2;
	s12 =	sand.u32 $0x7, s1  }
0x68: {  	s6 =	sand.u32 $0xFFFF8000, s6;
	s12 =	sshll.u32 s12, $0x9  }
0x69: {  	s6 =	sor.u32 s12, s6  }
0x6a: {  	s6 =	sshrl.u32 s6, $0x2  }
0x6b: {  	s6 =	sor.u32 $0x440, s6  }
0x6c: {  	v6 =	vld [tilespmem:s6+$0x30]  }
0x6d: {  	v8 =	vld [tilespmem:s6+$0xFFFFFFD0]  }
0x6e: {  	v10 =	vld [tilespmem:s6+$0xFFFFFFE0]  }
0x6f: {  	v7 =	vld [tilespmem:s6+$0xFFFFFFF0]  }
0x70: {  	v5 =	vld [tilespmem:s6+$0x0]  }
0x71: {  	v4 =	vld [tilespmem:s6+$0x10];
	v11 =	vmul.f32 v6, v3  }
0x72: {  	v6 =	vld [tilespmem:s6+$0x20];
	v9 =	vmul.f32 v8, v3  }
0x73: {  	s12 =	simm.s32 $0x0;
	s13 =	sadd.s32 $0x400, s6;
	v8 =	vld [tilespmem:s6+$0xFFFFFFC0];
	v10 =	vmul.f32 v10, v3;
	[tilespmem:s6+$0x30] =	vst v11  }
.LBB2_3:
0x74: {  	v11 =	vld [tilespmem:s13+$0x30];
	s12 =	sadd.s32 $0x8, s12;
	[tilespmem:s6+$0xFFFFFFD0] =	vst v9;
	v7 =	vmul.f32 v7, v3  }
0x75: {  	v9 =	vld [tilespmem:s13+$0xFFFFFFD0];
	p0 =	slt.u32 s12, $0x38;
	[tilespmem:s6+$0xFFFFFFE0] =	vst v10;
	v5 =	vmul.f32 v5, v3  }
0x76: {  	v10 =	vld [tilespmem:s13+$0xFFFFFFE0];
	[tilespmem:s6+$0xFFFFFFF0] =	vst v7;
	v4 =	vmul.f32 v4, v3  }
.Ltmp0:
0x77: {  	v7 =	vld [tilespmem:s13+$0xFFFFFFF0];
	[tilespmem:s6+$0x0] =	vst v5;
	v6 =	vmul.f32 v6, v3;
	(pc) =	sbr.rel @p0 .LBB2_3-.Ltmp0, $4  }
0x78: {  	v5 =	vld [tilespmem:s13+$0x0];
	v8 =	vmul.f32 v8, v3;
	[tilespmem:s6+$0x10] =	vst v4  }
0x79: {  	v4 =	vld [tilespmem:s13+$0x10];
	v11 =	vmul.f32 v11, v3;
	[tilespmem:s6+$0x20] =	vst v6  }
0x7a: {  	v9 =	vmul.f32 v9, v3;
	v6 =	vld [tilespmem:s13+$0x20];
	[tilespmem:s6+$0xFFFFFFC0] =	vst v8;
	s6 =	smov.u32 s13  }
0x7b: {  	s13 =	sadd.s32 $0x400, s13;
	v8 =	vld [tilespmem:s6+$0xFFFFFFC0];
	v10 =	vmul.f32 v10, v3;
	[tilespmem:s6+$0x30] =	vst v11  }
0x7c: {  	[tilespmem:s6+$0xFFFFFFD0] =	vst v9;
	v7 =	vmul.f32 v7, v3;
	s5 =	sadd.s32 $0x1, s5  }
0x7d: {  	[tilespmem:s6+$0xFFFFFFE0] =	vst v10;
	v5 =	vmul.f32 v5, v3;
	p0 =	sne.s32 s5, $0x30  }
.Ltmp1:
0x7e: {  	[tilespmem:s6+$0xFFFFFFF0] =	vst v7;
	v4 =	vmul.f32 v4, v3;
	(pc) =	sbr.rel @p0 .LBB2_2-.Ltmp1, $4  }
0x7f: {  	[tilespmem:s6+$0x0] =	vst v5;
	v5 =	vmul.f32 v6, v3  }
0x80: {  	v63 =	vmul.f32 v8, v3;
	[tilespmem:s6+$0x10] =	vst v4  }
0x81: {  	[tilespmem:s6+$0x20] =	vst v5  }
0x82: {  	s4 =	sadd.s32 $0x400, s4;
	s1 =	sadd.s32 $0x1, s1;
	[tilespmem:s6+$0xFFFFFFC0] =	vst v63  }
0x83: {  	v3 =	vld [tilespmem:$0x18];
	_ =	sdelay $0x4  }
0x84: {  	v4 =	vshll.u32 v3, $0x3  }
0x85: {  	v3 =	vand.u32 $0x7, v3;
	v4 =	vand.u32 $0xFFFFFFC0, v4  }
0x86: {  	v3 =	vor.u32 v3, v4  }
0x87: {  	v4 =	vperm.xlane v3, v0;
	_ =	sdelay $0x1  }
0x88: {  	v4 =	vadd.s32 v1, v4;
	_ =	sdelay $0x3  }
0x89: {  	s1 =	simm.s32 $0x0  }
0x8a: {  	[tilespmem:s24], [sflag:$0x3] =	stream.indirect_vreg.gather [hbm4b:s2+s1], $0x80, v4, vm0, $0xb8;
	[tilespmem:$0x1E480] =	vst v63  }
0x8b: {  	s4 =	simm.s32 $0x18C00;
	v3 =	vperm.xlane v3, v2  }
0x8c: {  	[tilespmem:s4], [sflag:$0x3] =	stream.indirect_vreg.gather [hbm4b:s7+s1], $0x80, v4, vm0, $0xb8;
	[tilespmem:$0x1E480] =	vst v63  }
0x8d: {  	s12 =	simm.s32 $0x19400;
	v3 =	vadd.s32 v1, v3  }
0x8e: {  	[tilespmem:s12], [sflag:$0x3] =	stream.indirect_vreg.gather [hbm4b:s8+s1], $0x80, v4, vm0, $0xb8;
	[tilespmem:$0x1E480] =	vst v63  }
0x8f: {  	s13 =	simm.s32 $0x19C00  }
0x90: {  	[tilespmem:s13], [sflag:$0x3] =	stream.indirect_vreg.gather [hbm4b:s9+s1], $0x80, v4, vm0, $0xb8;
	[tilespmem:$0x1E480] =	vst v63  }
0x91: {  	s14 =	simm.s32 $0x1A400  }
0x92: {  	[tilespmem:s14], [sflag:$0x3] =	stream.indirect_vreg.gather [hbm4b:s2+s1], $0x80, v3, vm0, $0xb8;
	[tilespmem:$0x1E480] =	vst v63  }
0x93: {  	s15 =	simm.s32 $0x1AC00  }
0x94: {  	[tilespmem:s15], [sflag:$0x3] =	stream.indirect_vreg.gather [hbm4b:s7+s1], $0x80, v3, vm0, $0xb8;
	[tilespmem:$0x1E480] =	vst v63  }
0x95: {  	s5 =	simm.s32 $0x1B400  }
0x96: {  	[tilespmem:s5], [sflag:$0x3] =	stream.indirect_vreg.gather [hbm4b:s8+s1], $0x80, v3, vm0, $0xb8;
	[tilespmem:$0x1E480] =	vst v63  }
0x97: {  	s6 =	simm.s32 $0x1BC00  }
0x98: {  	[tilespmem:s6], [sflag:$0x3] =	stream.indirect_vreg.gather [hbm4b:s9+s1], $0x80, v3, vm0, $0xb8;
	[tilespmem:$0x1E480] =	vst v63  }
0x99: {  	v3 =	vld.msk [tilespmem:$0x28], $0xff;
	_ =	sdelay $0x4  }
0x9a: {  	v63 =	vshll.u32 v3, $0x3  }
0x9b: {  	v3 =	vand.u32 $0x7, v3;
	v4 =	vand.u32 $0xFFFFFFC0, v63  }
0x9c: {  	v3 =	vor.u32 v3, v4  }
0x9d: {  	v3 =	vperm.xlane v3, v0;
	_ =	sdelay $0x1  }
0x9e: {  	v3 =	vadd.s32 v1, v3;
	_ =	sdelay $0x3  }
0x9f: {  	s12 =	simm.s32 $0x1C400  }
0xa0: {  	[tilespmem:s12], [sflag:$0x3] =	stream.indirect_vreg.gather [hbm4b:s2+s1], $0x80, v3, vm0, $0xb8;
	[tilespmem:$0x1E480] =	vst v63  }
0xa1: {  	s13 =	simm.s32 $0x1CC00  }
0xa2: {  	[tilespmem:s13], [sflag:$0x3] =	stream.indirect_vreg.gather [hbm4b:s7+s1], $0x80, v3, vm0, $0xb8;
	[tilespmem:$0x1E480] =	vst v63  }
0xa3: {  	s14 =	simm.s32 $0x1D400  }
0xa4: {  	[tilespmem:s14], [sflag:$0x3] =	stream.indirect_vreg.gather [hbm4b:s8+s1], $0x80, v3, vm0, $0xb8;
	[tilespmem:$0x1E480] =	vst v63  }
0xa5: {  	s15 =	simm.s32 $0x1DC00  }
0xa6: {  	[tilespmem:s15], [sflag:$0x3] =	stream.indirect_vreg.gather [hbm4b:s9+s1], $0x80, v3, vm0, $0xb8;
	[tilespmem:$0x1E480] =	vst v63  }
0xa7: {  	_ =	swait.ge [sflag:s25], $0x6000  }
0xa8: {  	[sflag:s25] =	ssyncset.done $0x0  }
0xa9: {  	s4 =	simm.s32 $0x0;
	s5 =	simm.s32 $0x0;
	[sflag:s25] =	ssyncadd.s32 $0xFFFFA000  }
.LBB2_6:
0xaa: {  	s6 =	sand.u32 $0x7, s4  }
0xab: {  	s6 =	sshll.u32 s6, $0x9  }
0xac: {  	s6 =	sshrl.u32 s6, $0x2  }
0xad: {  	v3 =	vmov s6;
	_ =	sdelay $0x2  }
0xae: {  	s12 =	sand.u32 $0x3FFFE000, s1  }
0xaf: {  	s14 =	sor.u32 $0x440, s12  }
0xb0: {  	v4 =	vld.idx.msk [tilespmem:v3+s14+$0x30 ss:$0x1], $0xffff  }
0xb1: {  	v5 =	vld.idx.msk [tilespmem:v3+s14+$0xFFFFFFD0 ss:$0x1], $0xffff  }
0xb2: {  	v6 =	vld.idx.msk [tilespmem:v3+s14+$0xFFFFFFE0 ss:$0x1], $0xffff  }
0xb3: {  	v7 =	vld.idx.msk [tilespmem:v3+s14+$0xFFFFFFF0 ss:$0x1], $0xffff  }
0xb4: {  	v8 =	vld.idx.msk [tilespmem:v3+s14+$0x0 ss:$0x1], $0xffff  }
0xb5: {  	s12 =	sadd.s32 $0xC400, s12;
	v9 =	vld.idx.msk [tilespmem:v3+s14+$0x10 ss:$0x1], $0xffff  }
0xb6: {  	s15 =	sadd.s32 s6, s12;
	v10 =	vld.idx.msk [tilespmem:v3+s14+$0xFFFFFFC0 ss:$0x1], $0xffff  }
0xb7: {  	[tilespmem:s15+$0x70] =	vst.add.f32.msk $0xffff, v4  }
0xb8: {  	v4 =	vld.idx.msk [tilespmem:v3+s14+$0x20 ss:$0x1], $0xffff  }
0xb9: {  	[tilespmem:s15+$0x10] =	vst.add.f32.msk $0xffff, v5  }
0xba: {  	[tilespmem:s15+$0x20] =	vst.add.f32.msk $0xffff, v6  }
0xbb: {  	[tilespmem:s15+$0x30] =	vst.add.f32.msk $0xffff, v7  }
0xbc: {  	[tilespmem:s15+$0x40] =	vst.add.f32.msk $0xffff, v8  }
0xbd: {  	[tilespmem:s15+$0x50] =	vst.add.f32.msk $0xffff, v9  }
0xbe: {  	[tilespmem:s15+$0x0] =	vst.add.f32.msk $0xffff, v10  }
0xbf: {  	s13 =	simm.s32 $0x0;
	s14 =	sadd.s32 $0x400, s14;
	[tilespmem:s15+$0x60] =	vst.add.f32.msk $0xffff, v4  }
.LBB2_7:
0xc0: {  	v4 =	vld.idx.msk [tilespmem:v3+s14+$0x30 ss:$0x1], $0xffff;
	s13 =	sadd.s32 $0x8, s13  }
0xc1: {  	v5 =	vld.idx.msk [tilespmem:v3+s14+$0xFFFFFFD0 ss:$0x1], $0xffff;
	p0 =	slt.u32 s13, $0x38  }
0xc2: {  	v6 =	vld.idx.msk [tilespmem:v3+s14+$0xFFFFFFE0 ss:$0x1], $0xffff  }
0xc3: {  	v7 =	vld.idx.msk [tilespmem:v3+s14+$0xFFFFFFF0 ss:$0x1], $0xffff  }
0xc4: {  	s12 =	sadd.s32 $0x400, s12;
	v8 =	vld.idx.msk [tilespmem:v3+s14+$0x0 ss:$0x1], $0xffff  }
0xc5: {  	s15 =	sadd.s32 s6, s12;
	v9 =	vld.idx.msk [tilespmem:v3+s14+$0x10 ss:$0x1], $0xffff  }
0xc6: {  	[tilespmem:s15+$0x70] =	vst.add.f32.msk $0xffff, v4  }
0xc7: {  	v4 =	vld.idx.msk [tilespmem:v3+s14+$0x20 ss:$0x1], $0xffff  }
0xc8: {  	v10 =	vld.idx.msk [tilespmem:v3+s14+$0xFFFFFFC0 ss:$0x1], $0xffff  }
0xc9: {  	[tilespmem:s15+$0x10] =	vst.add.f32.msk $0xffff, v5  }
0xca: {  	[tilespmem:s15+$0x20] =	vst.add.f32.msk $0xffff, v6  }
.Ltmp2:
0xcb: {  	[tilespmem:s15+$0x30] =	vst.add.f32.msk $0xffff, v7;
	(pc) =	sbr.rel @p0 .LBB2_7-.Ltmp2, $4  }
0xcc: {  	[tilespmem:s15+$0x40] =	vst.add.f32.msk $0xffff, v8  }
0xcd: {  	[tilespmem:s15+$0x50] =	vst.add.f32.msk $0xffff, v9  }
0xce: {  	[tilespmem:s15+$0x0] =	vst.add.f32.msk $0xffff, v10  }
0xcf: {  	s14 =	sadd.s32 $0x400, s14;
	[tilespmem:s15+$0x60] =	vst.add.f32.msk $0xffff, v4  }
0xd0: {  	s5 =	sadd.s32 $0x1, s5  }
0xd1: {  	p0 =	sne.s32 s5, $0x18  }
.Ltmp3:
0xd2: {  	_ = 	snop;
	(pc) =	sbr.rel @p0 .LBB2_6-.Ltmp3, $2  }
0xd3: {  	_ =	sdelay $0x2  }
0xd4: {  	s4 =	sadd.s32 $0x1, s4;
	s1 =	sadd.s32 $0x400, s1  }
0xd5: {  	s1 =	simm.s32 $0x0;
	s4 =	rddreg [dreg:$0x9]  }
0xd6: {  	[hbm4b:s4+s1] =	stream.linear.scatter [tilespmem:s11], [sflag:$0x4], $0x6000, $0x38;
	[tilespmem:$0x1E480] =	vst v63  }
0xd7: {  	_ =	swait.ge [sflag:s26], $0x6000  }
0xd8: {  	[sflag:s26] =	ssyncset.done $0x0  }
0xd9: {  	[sflag:s26] =	ssyncadd.s32 $0xFFFFA000  }
0xda: {  	v3 =	vld [tilespmem:$0x80];
	_ =	sdelay $0x4  }
0xdb: {  	v4 =	vshll.u32 v3, $0x3  }
0xdc: {  	v3 =	vand.u32 $0x7, v3;
	v4 =	vand.u32 $0xFFFFFFC0, v4  }
0xdd: {  	v3 =	vor.u32 v3, v4  }
0xde: {  	v4 =	vperm.xlane v3, v0;
	_ =	sdelay $0x1  }
0xdf: {  	v4 =	vadd.s32 v1, v4;
	_ =	sdelay $0x4  }
0xe0: {  	[tilespmem:s11], [sflag:$0x1] =	stream.indirect_vreg.gather [hbm4b:s2+s1], $0x80, v4, vm0, $0xb8;
	[tilespmem:$0x1E480] =	vst v63  }
0xe1: {  	s5 =	simm.s32 $0xCC00;
	v3 =	vperm.xlane v3, v2  }
0xe2: {  	[tilespmem:s5], [sflag:$0x1] =	stream.indirect_vreg.gather [hbm4b:s7+s1], $0x80, v4, vm0, $0xb8;
	[tilespmem:$0x1E480] =	vst v63  }
0xe3: {  	s6 =	simm.s32 $0xD400;
	v3 =	vadd.s32 v1, v3  }
0xe4: {  	[tilespmem:s6], [sflag:$0x1] =	stream.indirect_vreg.gather [hbm4b:s8+s1], $0x80, v4, vm0, $0xb8;
	[tilespmem:$0x1E480] =	vst v63  }
0xe5: {  	s12 =	simm.s32 $0xDC00  }
0xe6: {  	[tilespmem:s12], [sflag:$0x1] =	stream.indirect_vreg.gather [hbm4b:s9+s1], $0x80, v4, vm0, $0xb8;
	[tilespmem:$0x1E480] =	vst v63  }
0xe7: {  	s13 =	simm.s32 $0xE400  }
0xe8: {  	[tilespmem:s13], [sflag:$0x1] =	stream.indirect_vreg.gather [hbm4b:s2+s1], $0x80, v3, vm0, $0xb8;
	[tilespmem:$0x1E480] =	vst v63  }
0xe9: {  	_ = 	snop  }
0xea: {  	[tilespmem:s16], [sflag:$0x1] =	stream.indirect_vreg.gather [hbm4b:s7+s1], $0x80, v3, vm0, $0xb8;
	[tilespmem:$0x1E480] =	vst v63  }
0xeb: {  	_ = 	snop  }
0xec: {  	[tilespmem:s17], [sflag:$0x1] =	stream.indirect_vreg.gather [hbm4b:s8+s1], $0x80, v3, vm0, $0xb8;
	[tilespmem:$0x1E480] =	vst v63  }
0xed: {  	_ = 	snop  }
0xee: {  	[tilespmem:s18], [sflag:$0x1] =	stream.indirect_vreg.gather [hbm4b:s9+s1], $0x80, v3, vm0, $0xb8;
	[tilespmem:$0x1E480] =	vst v63  }
0xef: {  	v3 =	vld.msk [tilespmem:$0x90], $0xff;
	_ =	sdelay $0x4  }
0xf0: {  	v63 =	vshll.u32 v3, $0x3  }
0xf1: {  	v3 =	vand.u32 $0x7, v3;
	v4 =	vand.u32 $0xFFFFFFC0, v63  }
0xf2: {  	v3 =	vor.u32 v3, v4  }
0xf3: {  	v3 =	vperm.xlane v3, v0;
	_ =	sdelay $0x1  }
0xf4: {  	v3 =	vadd.s32 v1, v3;
	_ =	sdelay $0x4  }
0xf5: {  	[tilespmem:s19], [sflag:$0x1] =	stream.indirect_vreg.gather [hbm4b:s2+s1], $0x80, v3, vm0, $0xb8;
	[tilespmem:$0x1E480] =	vst v63  }
0xf6: {  	_ = 	snop  }
0xf7: {  	[tilespmem:s20], [sflag:$0x1] =	stream.indirect_vreg.gather [hbm4b:s7+s1], $0x80, v3, vm0, $0xb8;
	[tilespmem:$0x1E480] =	vst v63  }
0xf8: {  	_ = 	snop  }
0xf9: {  	[tilespmem:s21], [sflag:$0x1] =	stream.indirect_vreg.gather [hbm4b:s8+s1], $0x80, v3, vm0, $0xb8;
	[tilespmem:$0x1E480] =	vst v63  }
0xfa: {  	_ = 	snop  }
0xfb: {  	[tilespmem:s22], [sflag:$0x1] =	stream.indirect_vreg.gather [hbm4b:s9+s1], $0x80, v3, vm0, $0xb8;
	[tilespmem:$0x1E480] =	vst v63  }
0xfc: {  	_ =	swait.ge [sflag:s28], $0x6000  }
0xfd: {  	[sflag:s28] =	ssyncset.done $0x0  }
0xfe: {  	s14 =	rddreg [dreg:$0xa];
	[sflag:s28] =	ssyncadd.s32 $0xFFFFA000  }
0xff: {  	[hbm4b:s14+s1] =	stream.linear.scatter [tilespmem:s23], [sflag:$0x5], $0x6000, $0x38;
	[tilespmem:$0x1E480] =	vst v63  }
0x100: {  	_ =	swait.ge [sflag:s29], $0x6000  }
0x101: {  	[sflag:s29] =	ssyncset.done $0x0  }
0x102: {  	s15 =	rddreg [dreg:$0xb];
	[sflag:s29] =	ssyncadd.s32 $0xFFFFA000  }
0x103: {  	[tilespmem:s23], [sflag:$0x2] =	stream.linear.gather [hbm4b:s15+s1], $0x6000, $0x38;
	[tilespmem:$0x1E480] =	vst v63  }
0x104: {  	_ =	swait.ge [sflag:s30], $0x6000  }
0x105: {  	[sflag:s30] =	ssyncset.done $0x0  }
0x106: {  	s4 =	simm.s32 $0x0;
	s5 =	simm.s32 $0x0;
	[sflag:s30] =	ssyncadd.s32 $0xFFFFA000  }
.LBB2_10:
0x107: {  	s6 =	sand.u32 $0x7, s4  }
0x108: {  	s6 =	sshll.u32 s6, $0x9  }
0x109: {  	s6 =	sshrl.u32 s6, $0x2  }
0x10a: {  	v3 =	vmov s6;
	_ =	sdelay $0x2  }
0x10b: {  	s12 =	sand.u32 $0x3FFFE000, s1  }
0x10c: {  	s14 =	sor.u32 $0x400, s12  }
0x10d: {  	v4 =	vld.idx.msk [tilespmem:v3+s14+$0x6070 ss:$0x1], $0xffff  }
0x10e: {  	v5 =	vld.idx.msk [tilespmem:v3+s14+$0x6010 ss:$0x1], $0xffff  }
0x10f: {  	v6 =	vld.idx.msk [tilespmem:v3+s14+$0x6020 ss:$0x1], $0xffff  }
0x110: {  	v7 =	vld.idx.msk [tilespmem:v3+s14+$0x6030 ss:$0x1], $0xffff  }
0x111: {  	v8 =	vld.idx.msk [tilespmem:v3+s14+$0x6040 ss:$0x1], $0xffff  }
0x112: {  	s12 =	sadd.s32 $0x18400, s12;
	v9 =	vld.idx.msk [tilespmem:v3+s14+$0x6050 ss:$0x1], $0xffff  }
0x113: {  	s15 =	sadd.s32 s6, s12;
	v10 =	vld.idx.msk [tilespmem:v3+s14+$0x6000 ss:$0x1], $0xffff  }
0x114: {  	[tilespmem:s15+$0x70] =	vst.add.f32.msk $0xffff, v4  }
0x115: {  	v4 =	vld.idx.msk [tilespmem:v3+s14+$0x6060 ss:$0x1], $0xffff  }
0x116: {  	[tilespmem:s15+$0x10] =	vst.add.f32.msk $0xffff, v5  }
0x117: {  	[tilespmem:s15+$0x20] =	vst.add.f32.msk $0xffff, v6  }
0x118: {  	[tilespmem:s15+$0x30] =	vst.add.f32.msk $0xffff, v7  }
0x119: {  	[tilespmem:s15+$0x40] =	vst.add.f32.msk $0xffff, v8  }
0x11a: {  	[tilespmem:s15+$0x50] =	vst.add.f32.msk $0xffff, v9  }
0x11b: {  	[tilespmem:s15+$0x0] =	vst.add.f32.msk $0xffff, v10  }
0x11c: {  	s13 =	simm.s32 $0x0;
	s14 =	sadd.s32 $0x400, s14;
	[tilespmem:s15+$0x60] =	vst.add.f32.msk $0xffff, v4  }
.LBB2_11:
0x11d: {  	v4 =	vld.idx.msk [tilespmem:v3+s14+$0x6070 ss:$0x1], $0xffff;
	s13 =	sadd.s32 $0x8, s13  }
0x11e: {  	v5 =	vld.idx.msk [tilespmem:v3+s14+$0x6010 ss:$0x1], $0xffff;
	p0 =	slt.u32 s13, $0x38  }
0x11f: {  	v6 =	vld.idx.msk [tilespmem:v3+s14+$0x6020 ss:$0x1], $0xffff  }
0x120: {  	v7 =	vld.idx.msk [tilespmem:v3+s14+$0x6030 ss:$0x1], $0xffff  }
0x121: {  	s12 =	sadd.s32 $0x400, s12;
	v8 =	vld.idx.msk [tilespmem:v3+s14+$0x6040 ss:$0x1], $0xffff  }
0x122: {  	s15 =	sadd.s32 s6, s12;
	v9 =	vld.idx.msk [tilespmem:v3+s14+$0x6050 ss:$0x1], $0xffff  }
0x123: {  	[tilespmem:s15+$0x70] =	vst.add.f32.msk $0xffff, v4  }
0x124: {  	v4 =	vld.idx.msk [tilespmem:v3+s14+$0x6060 ss:$0x1], $0xffff  }
0x125: {  	v10 =	vld.idx.msk [tilespmem:v3+s14+$0x6000 ss:$0x1], $0xffff  }
0x126: {  	[tilespmem:s15+$0x10] =	vst.add.f32.msk $0xffff, v5  }
0x127: {  	[tilespmem:s15+$0x20] =	vst.add.f32.msk $0xffff, v6  }
.Ltmp4:
0x128: {  	[tilespmem:s15+$0x30] =	vst.add.f32.msk $0xffff, v7;
	(pc) =	sbr.rel @p0 .LBB2_11-.Ltmp4, $4  }
0x129: {  	[tilespmem:s15+$0x40] =	vst.add.f32.msk $0xffff, v8  }
0x12a: {  	[tilespmem:s15+$0x50] =	vst.add.f32.msk $0xffff, v9  }
0x12b: {  	[tilespmem:s15+$0x0] =	vst.add.f32.msk $0xffff, v10  }
0x12c: {  	s14 =	sadd.s32 $0x400, s14;
	[tilespmem:s15+$0x60] =	vst.add.f32.msk $0xffff, v4  }
0x12d: {  	s5 =	sadd.s32 $0x1, s5  }
0x12e: {  	p0 =	sne.s32 s5, $0x18  }
.Ltmp5:
0x12f: {  	_ = 	snop;
	(pc) =	sbr.rel @p0 .LBB2_10-.Ltmp5, $2  }
0x130: {  	_ =	sdelay $0x2  }
0x131: {  	s4 =	sadd.s32 $0x1, s4;
	s1 =	sadd.s32 $0x400, s1  }
0x132: {  	s1 =	simm.s32 $0x0;
	s4 =	rddreg [dreg:$0xc]  }
0x133: {  	[hbm4b:s4+s1] =	stream.linear.scatter [tilespmem:s24], [sflag:$0x6], $0x6000, $0x38;
	[tilespmem:$0x1E480] =	vst v63  }
0x134: {  	_ =	swait.ge [sflag:s31], $0x6000  }
0x135: {  	[sflag:s31] =	ssyncset.done $0x0  }
0x136: {  	[sflag:s31] =	ssyncadd.s32 $0xFFFFA000  }
0x137: {  	v3 =	vld [tilespmem:$0x98];
	_ =	sdelay $0x4  }
0x138: {  	v4 =	vshll.u32 v3, $0x3  }
0x139: {  	v3 =	vand.u32 $0x7, v3;
	v4 =	vand.u32 $0xFFFFFFC0, v4  }
0x13a: {  	v3 =	vor.u32 v3, v4  }
0x13b: {  	v4 =	vperm.xlane v3, v0;
	_ =	sdelay $0x1  }
0x13c: {  	v4 =	vadd.s32 v1, v4;
	_ =	sdelay $0x4  }
0x13d: {  	[tilespmem:s24], [sflag:$0x3] =	stream.indirect_vreg.gather [hbm4b:s2+s1], $0x80, v4, vm0, $0xb8;
	[tilespmem:$0x1E480] =	vst v63  }
0x13e: {  	s6 =	simm.s32 $0x18C00;
	v3 =	vperm.xlane v3, v2  }
0x13f: {  	[tilespmem:s6], [sflag:$0x3] =	stream.indirect_vreg.gather [hbm4b:s7+s1], $0x80, v4, vm0, $0xb8;
	[tilespmem:$0x1E480] =	vst v63  }
0x140: {  	s12 =	simm.s32 $0x19400;
	v3 =	vadd.s32 v1, v3  }
0x141: {  	[tilespmem:s12], [sflag:$0x3] =	stream.indirect_vreg.gather [hbm4b:s8+s1], $0x80, v4, vm0, $0xb8;
	[tilespmem:$0x1E480] =	vst v63  }
0x142: {  	s13 =	simm.s32 $0x19C00  }
0x143: {  	[tilespmem:s13], [sflag:$0x3] =	stream.indirect_vreg.gather [hbm4b:s9+s1], $0x80, v4, vm0, $0xb8;
	[tilespmem:$0x1E480] =	vst v63  }
0x144: {  	s14 =	simm.s32 $0x1A400  }
0x145: {  	[tilespmem:s14], [sflag:$0x3] =	stream.indirect_vreg.gather [hbm4b:s2+s1], $0x80, v3, vm0, $0xb8;
	[tilespmem:$0x1E480] =	vst v63  }
0x146: {  	s15 =	simm.s32 $0x1AC00  }
0x147: {  	[tilespmem:s15], [sflag:$0x3] =	stream.indirect_vreg.gather [hbm4b:s7+s1], $0x80, v3, vm0, $0xb8;
	[tilespmem:$0x1E480] =	vst v63  }
0x148: {  	s5 =	simm.s32 $0x1B400  }
0x149: {  	[tilespmem:s5], [sflag:$0x3] =	stream.indirect_vreg.gather [hbm4b:s8+s1], $0x80, v3, vm0, $0xb8;
	[tilespmem:$0x1E480] =	vst v63  }
0x14a: {  	s6 =	simm.s32 $0x1BC00  }
0x14b: {  	[tilespmem:s6], [sflag:$0x3] =	stream.indirect_vreg.gather [hbm4b:s9+s1], $0x80, v3, vm0, $0xb8;
	[tilespmem:$0x1E480] =	vst v63  }
0x14c: {  	v3 =	vld.msk [tilespmem:$0xA8], $0xff;
	_ =	sdelay $0x4  }
0x14d: {  	v63 =	vshll.u32 v3, $0x3  }
0x14e: {  	v3 =	vand.u32 $0x7, v3;
	v4 =	vand.u32 $0xFFFFFFC0, v63  }
0x14f: {  	v3 =	vor.u32 v3, v4  }
0x150: {  	v3 =	vperm.xlane v3, v0;
	_ =	sdelay $0x1  }
0x151: {  	v3 =	vadd.s32 v1, v3;
	_ =	sdelay $0x3  }
0x152: {  	s12 =	simm.s32 $0x1C400  }
0x153: {  	[tilespmem:s12], [sflag:$0x3] =	stream.indirect_vreg.gather [hbm4b:s2+s1], $0x80, v3, vm0, $0xb8;
	[tilespmem:$0x1E480] =	vst v63  }
0x154: {  	s13 =	simm.s32 $0x1CC00  }
0x155: {  	[tilespmem:s13], [sflag:$0x3] =	stream.indirect_vreg.gather [hbm4b:s7+s1], $0x80, v3, vm0, $0xb8;
	[tilespmem:$0x1E480] =	vst v63  }
0x156: {  	s14 =	simm.s32 $0x1D400  }
0x157: {  	[tilespmem:s14], [sflag:$0x3] =	stream.indirect_vreg.gather [hbm4b:s8+s1], $0x80, v3, vm0, $0xb8;
	[tilespmem:$0x1E480] =	vst v63  }
0x158: {  	s15 =	simm.s32 $0x1DC00  }
0x159: {  	[tilespmem:s15], [sflag:$0x3] =	stream.indirect_vreg.gather [hbm4b:s9+s1], $0x80, v3, vm0, $0xb8;
	[tilespmem:$0x1E480] =	vst v63  }
0x15a: {  	_ =	swait.ge [sflag:s25], $0x6000  }
0x15b: {  	[sflag:s25] =	ssyncset.done $0x0  }
0x15c: {  	s4 =	simm.s32 $0x0;
	s5 =	simm.s32 $0x0;
	[sflag:s25] =	ssyncadd.s32 $0xFFFFA000  }
.LBB2_14:
0x15d: {  	s6 =	sand.u32 $0x7, s4  }
0x15e: {  	s6 =	sshll.u32 s6, $0x9  }
0x15f: {  	s6 =	sshrl.u32 s6, $0x2  }
0x160: {  	v3 =	vmov s6;
	_ =	sdelay $0x2  }
0x161: {  	s12 =	sand.u32 $0x3FFFE000, s1  }
0x162: {  	s14 =	sor.u32 $0x440, s12  }
0x163: {  	v4 =	vld.idx.msk [tilespmem:v3+s14+$0x30 ss:$0x1], $0xffff  }
0x164: {  	v5 =	vld.idx.msk [tilespmem:v3+s14+$0xFFFFFFD0 ss:$0x1], $0xffff  }
0x165: {  	v6 =	vld.idx.msk [tilespmem:v3+s14+$0xFFFFFFE0 ss:$0x1], $0xffff  }
0x166: {  	v7 =	vld.idx.msk [tilespmem:v3+s14+$0xFFFFFFF0 ss:$0x1], $0xffff  }
0x167: {  	v8 =	vld.idx.msk [tilespmem:v3+s14+$0x0 ss:$0x1], $0xffff  }
0x168: {  	s12 =	sadd.s32 $0xC400, s12;
	v9 =	vld.idx.msk [tilespmem:v3+s14+$0x10 ss:$0x1], $0xffff  }
0x169: {  	s15 =	sadd.s32 s6, s12;
	v10 =	vld.idx.msk [tilespmem:v3+s14+$0xFFFFFFC0 ss:$0x1], $0xffff  }
0x16a: {  	[tilespmem:s15+$0x70] =	vst.add.f32.msk $0xffff, v4  }
0x16b: {  	v4 =	vld.idx.msk [tilespmem:v3+s14+$0x20 ss:$0x1], $0xffff  }
0x16c: {  	[tilespmem:s15+$0x10] =	vst.add.f32.msk $0xffff, v5  }
0x16d: {  	[tilespmem:s15+$0x20] =	vst.add.f32.msk $0xffff, v6  }
0x16e: {  	[tilespmem:s15+$0x30] =	vst.add.f32.msk $0xffff, v7  }
0x16f: {  	[tilespmem:s15+$0x40] =	vst.add.f32.msk $0xffff, v8  }
0x170: {  	[tilespmem:s15+$0x50] =	vst.add.f32.msk $0xffff, v9  }
0x171: {  	[tilespmem:s15+$0x0] =	vst.add.f32.msk $0xffff, v10  }
0x172: {  	s13 =	simm.s32 $0x0;
	s14 =	sadd.s32 $0x400, s14;
	[tilespmem:s15+$0x60] =	vst.add.f32.msk $0xffff, v4  }
.LBB2_15:
0x173: {  	v4 =	vld.idx.msk [tilespmem:v3+s14+$0x30 ss:$0x1], $0xffff;
	s13 =	sadd.s32 $0x8, s13  }
0x174: {  	v5 =	vld.idx.msk [tilespmem:v3+s14+$0xFFFFFFD0 ss:$0x1], $0xffff;
	p0 =	slt.u32 s13, $0x38  }
0x175: {  	v6 =	vld.idx.msk [tilespmem:v3+s14+$0xFFFFFFE0 ss:$0x1], $0xffff  }
0x176: {  	v7 =	vld.idx.msk [tilespmem:v3+s14+$0xFFFFFFF0 ss:$0x1], $0xffff  }
0x177: {  	s12 =	sadd.s32 $0x400, s12;
	v8 =	vld.idx.msk [tilespmem:v3+s14+$0x0 ss:$0x1], $0xffff  }
0x178: {  	s15 =	sadd.s32 s6, s12;
	v9 =	vld.idx.msk [tilespmem:v3+s14+$0x10 ss:$0x1], $0xffff  }
0x179: {  	[tilespmem:s15+$0x70] =	vst.add.f32.msk $0xffff, v4  }
0x17a: {  	v4 =	vld.idx.msk [tilespmem:v3+s14+$0x20 ss:$0x1], $0xffff  }
0x17b: {  	v10 =	vld.idx.msk [tilespmem:v3+s14+$0xFFFFFFC0 ss:$0x1], $0xffff  }
0x17c: {  	[tilespmem:s15+$0x10] =	vst.add.f32.msk $0xffff, v5  }
0x17d: {  	[tilespmem:s15+$0x20] =	vst.add.f32.msk $0xffff, v6  }
.Ltmp6:
0x17e: {  	[tilespmem:s15+$0x30] =	vst.add.f32.msk $0xffff, v7;
	(pc) =	sbr.rel @p0 .LBB2_15-.Ltmp6, $4  }
0x17f: {  	[tilespmem:s15+$0x40] =	vst.add.f32.msk $0xffff, v8  }
0x180: {  	[tilespmem:s15+$0x50] =	vst.add.f32.msk $0xffff, v9  }
0x181: {  	[tilespmem:s15+$0x0] =	vst.add.f32.msk $0xffff, v10  }
0x182: {  	s14 =	sadd.s32 $0x400, s14;
	[tilespmem:s15+$0x60] =	vst.add.f32.msk $0xffff, v4  }
0x183: {  	s5 =	sadd.s32 $0x1, s5  }
0x184: {  	p0 =	sne.s32 s5, $0x18  }
.Ltmp7:
0x185: {  	_ = 	snop;
	(pc) =	sbr.rel @p0 .LBB2_14-.Ltmp7, $2  }
0x186: {  	_ =	sdelay $0x2  }
0x187: {  	s4 =	sadd.s32 $0x1, s4;
	s1 =	sadd.s32 $0x400, s1  }
0x188: {  	s1 =	simm.s32 $0x0;
	s4 =	rddreg [dreg:$0x11]  }
0x189: {  	[hbm4b:s4+s1] =	stream.linear.scatter [tilespmem:s11], [sflag:$0x4], $0x6000, $0x38;
	[tilespmem:$0x1E480] =	vst v63  }
0x18a: {  	_ =	swait.ge [sflag:s26], $0x6000  }
0x18b: {  	[sflag:s26] =	ssyncset.done $0x0  }
0x18c: {  	[sflag:s26] =	ssyncadd.s32 $0xFFFFA000  }
0x18d: {  	v3 =	vld [tilespmem:$0x100];
	_ =	sdelay $0x4  }
0x18e: {  	v4 =	vshll.u32 v3, $0x3  }
0x18f: {  	v3 =	vand.u32 $0x7, v3;
	v4 =	vand.u32 $0xFFFFFFC0, v4  }
0x190: {  	v3 =	vor.u32 v3, v4  }
0x191: {  	v4 =	vperm.xlane v3, v0;
	_ =	sdelay $0x1  }
0x192: {  	v4 =	vadd.s32 v1, v4;
	_ =	sdelay $0x4  }
0x193: {  	[tilespmem:s11], [sflag:$0x1] =	stream.indirect_vreg.gather [hbm4b:s2+s1], $0x80, v4, vm0, $0xb8;
	[tilespmem:$0x1E480] =	vst v63  }
0x194: {  	s5 =	simm.s32 $0xCC00;
	v3 =	vperm.xlane v3, v2  }
0x195: {  	[tilespmem:s5], [sflag:$0x1] =	stream.indirect_vreg.gather [hbm4b:s7+s1], $0x80, v4, vm0, $0xb8;
	[tilespmem:$0x1E480] =	vst v63  }
0x196: {  	s6 =	simm.s32 $0xD400;
	v3 =	vadd.s32 v1, v3  }
0x197: {  	[tilespmem:s6], [sflag:$0x1] =	stream.indirect_vreg.gather [hbm4b:s8+s1], $0x80, v4, vm0, $0xb8;
	[tilespmem:$0x1E480] =	vst v63  }
0x198: {  	s12 =	simm.s32 $0xDC00  }
0x199: {  	[tilespmem:s12], [sflag:$0x1] =	stream.indirect_vreg.gather [hbm4b:s9+s1], $0x80, v4, vm0, $0xb8;
	[tilespmem:$0x1E480] =	vst v63  }
0x19a: {  	s13 =	simm.s32 $0xE400  }
0x19b: {  	[tilespmem:s13], [sflag:$0x1] =	stream.indirect_vreg.gather [hbm4b:s2+s1], $0x80, v3, vm0, $0xb8;
	[tilespmem:$0x1E480] =	vst v63  }
0x19c: {  	_ = 	snop  }
0x19d: {  	[tilespmem:s16], [sflag:$0x1] =	stream.indirect_vreg.gather [hbm4b:s7+s1], $0x80, v3, vm0, $0xb8;
	[tilespmem:$0x1E480] =	vst v63  }
0x19e: {  	_ = 	snop  }
0x19f: {  	[tilespmem:s17], [sflag:$0x1] =	stream.indirect_vreg.gather [hbm4b:s8+s1], $0x80, v3, vm0, $0xb8;
	[tilespmem:$0x1E480] =	vst v63  }
0x1a0: {  	_ = 	snop  }
0x1a1: {  	[tilespmem:s18], [sflag:$0x1] =	stream.indirect_vreg.gather [hbm4b:s9+s1], $0x80, v3, vm0, $0xb8;
	[tilespmem:$0x1E480] =	vst v63  }
0x1a2: {  	v3 =	vld.msk [tilespmem:$0x110], $0xff;
	_ =	sdelay $0x4  }
0x1a3: {  	v63 =	vshll.u32 v3, $0x3  }
0x1a4: {  	v3 =	vand.u32 $0x7, v3;
	v4 =	vand.u32 $0xFFFFFFC0, v63  }
0x1a5: {  	v3 =	vor.u32 v3, v4  }
0x1a6: {  	v3 =	vperm.xlane v3, v0;
	_ =	sdelay $0x1  }
0x1a7: {  	v3 =	vadd.s32 v1, v3;
	_ =	sdelay $0x4  }
0x1a8: {  	[tilespmem:s19], [sflag:$0x1] =	stream.indirect_vreg.gather [hbm4b:s2+s1], $0x80, v3, vm0, $0xb8;
	[tilespmem:$0x1E480] =	vst v63  }
0x1a9: {  	_ = 	snop  }
0x1aa: {  	[tilespmem:s20], [sflag:$0x1] =	stream.indirect_vreg.gather [hbm4b:s7+s1], $0x80, v3, vm0, $0xb8;
	[tilespmem:$0x1E480] =	vst v63  }
0x1ab: {  	_ = 	snop  }
0x1ac: {  	[tilespmem:s21], [sflag:$0x1] =	stream.indirect_vreg.gather [hbm4b:s8+s1], $0x80, v3, vm0, $0xb8;
	[tilespmem:$0x1E480] =	vst v63  }
0x1ad: {  	_ = 	snop  }
0x1ae: {  	[tilespmem:s22], [sflag:$0x1] =	stream.indirect_vreg.gather [hbm4b:s9+s1], $0x80, v3, vm0, $0xb8;
	[tilespmem:$0x1E480] =	vst v63  }
0x1af: {  	_ =	swait.ge [sflag:s28], $0x6000  }
0x1b0: {  	[sflag:s28] =	ssyncset.done $0x0  }
0x1b1: {  	s14 =	rddreg [dreg:$0x12];
	[sflag:s28] =	ssyncadd.s32 $0xFFFFA000  }
0x1b2: {  	[hbm4b:s14+s1] =	stream.linear.scatter [tilespmem:s23], [sflag:$0x5], $0x6000, $0x38;
	[tilespmem:$0x1E480] =	vst v63  }
0x1b3: {  	_ =	swait.ge [sflag:s29], $0x6000  }
0x1b4: {  	[sflag:s29] =	ssyncset.done $0x0  }
0x1b5: {  	s15 =	rddreg [dreg:$0xd];
	[sflag:s29] =	ssyncadd.s32 $0xFFFFA000  }
0x1b6: {  	[tilespmem:s23], [sflag:$0x2] =	stream.linear.gather [hbm4b:s15+s1], $0x6000, $0x38;
	[tilespmem:$0x1E480] =	vst v63  }
0x1b7: {  	_ =	swait.ge [sflag:s30], $0x6000  }
0x1b8: {  	[sflag:s30] =	ssyncset.done $0x0  }
0x1b9: {  	s4 =	simm.s32 $0x0;
	s5 =	simm.s32 $0x0;
	[sflag:s30] =	ssyncadd.s32 $0xFFFFA000  }
.LBB2_18:
0x1ba: {  	s6 =	sand.u32 $0x7, s4  }
0x1bb: {  	s6 =	sshll.u32 s6, $0x9  }
0x1bc: {  	s6 =	sshrl.u32 s6, $0x2  }
0x1bd: {  	v3 =	vmov s6;
	_ =	sdelay $0x2  }
0x1be: {  	s12 =	sand.u32 $0x3FFFE000, s1  }
0x1bf: {  	s14 =	sor.u32 $0x400, s12  }
0x1c0: {  	v4 =	vld.idx.msk [tilespmem:v3+s14+$0x6070 ss:$0x1], $0xffff  }
0x1c1: {  	v5 =	vld.idx.msk [tilespmem:v3+s14+$0x6010 ss:$0x1], $0xffff  }
0x1c2: {  	v6 =	vld.idx.msk [tilespmem:v3+s14+$0x6020 ss:$0x1], $0xffff  }
0x1c3: {  	v7 =	vld.idx.msk [tilespmem:v3+s14+$0x6030 ss:$0x1], $0xffff  }
0x1c4: {  	v8 =	vld.idx.msk [tilespmem:v3+s14+$0x6040 ss:$0x1], $0xffff  }
0x1c5: {  	s12 =	sadd.s32 $0x18400, s12;
	v9 =	vld.idx.msk [tilespmem:v3+s14+$0x6050 ss:$0x1], $0xffff  }
0x1c6: {  	s15 =	sadd.s32 s6, s12;
	v10 =	vld.idx.msk [tilespmem:v3+s14+$0x6000 ss:$0x1], $0xffff  }
0x1c7: {  	[tilespmem:s15+$0x70] =	vst.add.f32.msk $0xffff, v4  }
0x1c8: {  	v4 =	vld.idx.msk [tilespmem:v3+s14+$0x6060 ss:$0x1], $0xffff  }
0x1c9: {  	[tilespmem:s15+$0x10] =	vst.add.f32.msk $0xffff, v5  }
0x1ca: {  	[tilespmem:s15+$0x20] =	vst.add.f32.msk $0xffff, v6  }
0x1cb: {  	[tilespmem:s15+$0x30] =	vst.add.f32.msk $0xffff, v7  }
0x1cc: {  	[tilespmem:s15+$0x40] =	vst.add.f32.msk $0xffff, v8  }
0x1cd: {  	[tilespmem:s15+$0x50] =	vst.add.f32.msk $0xffff, v9  }
0x1ce: {  	[tilespmem:s15+$0x0] =	vst.add.f32.msk $0xffff, v10  }
0x1cf: {  	s13 =	simm.s32 $0x0;
	s14 =	sadd.s32 $0x400, s14;
	[tilespmem:s15+$0x60] =	vst.add.f32.msk $0xffff, v4  }
.LBB2_19:
0x1d0: {  	v4 =	vld.idx.msk [tilespmem:v3+s14+$0x6070 ss:$0x1], $0xffff;
	s13 =	sadd.s32 $0x8, s13  }
0x1d1: {  	v5 =	vld.idx.msk [tilespmem:v3+s14+$0x6010 ss:$0x1], $0xffff;
	p0 =	slt.u32 s13, $0x38  }
0x1d2: {  	v6 =	vld.idx.msk [tilespmem:v3+s14+$0x6020 ss:$0x1], $0xffff  }
0x1d3: {  	v7 =	vld.idx.msk [tilespmem:v3+s14+$0x6030 ss:$0x1], $0xffff  }
0x1d4: {  	s12 =	sadd.s32 $0x400, s12;
	v8 =	vld.idx.msk [tilespmem:v3+s14+$0x6040 ss:$0x1], $0xffff  }
0x1d5: {  	s15 =	sadd.s32 s6, s12;
	v9 =	vld.idx.msk [tilespmem:v3+s14+$0x6050 ss:$0x1], $0xffff  }
0x1d6: {  	[tilespmem:s15+$0x70] =	vst.add.f32.msk $0xffff, v4  }
0x1d7: {  	v4 =	vld.idx.msk [tilespmem:v3+s14+$0x6060 ss:$0x1], $0xffff  }
0x1d8: {  	v10 =	vld.idx.msk [tilespmem:v3+s14+$0x6000 ss:$0x1], $0xffff  }
0x1d9: {  	[tilespmem:s15+$0x10] =	vst.add.f32.msk $0xffff, v5  }
0x1da: {  	[tilespmem:s15+$0x20] =	vst.add.f32.msk $0xffff, v6  }
.Ltmp8:
0x1db: {  	[tilespmem:s15+$0x30] =	vst.add.f32.msk $0xffff, v7;
	(pc) =	sbr.rel @p0 .LBB2_19-.Ltmp8, $4  }
0x1dc: {  	[tilespmem:s15+$0x40] =	vst.add.f32.msk $0xffff, v8  }
0x1dd: {  	[tilespmem:s15+$0x50] =	vst.add.f32.msk $0xffff, v9  }
0x1de: {  	[tilespmem:s15+$0x0] =	vst.add.f32.msk $0xffff, v10  }
0x1df: {  	s14 =	sadd.s32 $0x400, s14;
	[tilespmem:s15+$0x60] =	vst.add.f32.msk $0xffff, v4  }
0x1e0: {  	s5 =	sadd.s32 $0x1, s5  }
0x1e1: {  	p0 =	sne.s32 s5, $0x18  }
.Ltmp9:
0x1e2: {  	_ = 	snop;
	(pc) =	sbr.rel @p0 .LBB2_18-.Ltmp9, $2  }
0x1e3: {  	_ =	sdelay $0x2  }
0x1e4: {  	s4 =	sadd.s32 $0x1, s4;
	s1 =	sadd.s32 $0x400, s1  }
0x1e5: {  	s1 =	simm.s32 $0x0;
	s4 =	rddreg [dreg:$0x13]  }
0x1e6: {  	[hbm4b:s4+s1] =	stream.linear.scatter [tilespmem:s24], [sflag:$0x6], $0x6000, $0x38;
	[tilespmem:$0x1E480] =	vst v63  }
0x1e7: {  	_ =	swait.ge [sflag:s31], $0x6000  }
0x1e8: {  	[sflag:s31] =	ssyncset.done $0x0  }
0x1e9: {  	[sflag:s31] =	ssyncadd.s32 $0xFFFFA000  }
0x1ea: {  	v3 =	vld [tilespmem:$0x118];
	_ =	sdelay $0x4  }
0x1eb: {  	v4 =	vshll.u32 v3, $0x3  }
0x1ec: {  	v3 =	vand.u32 $0x7, v3;
	v4 =	vand.u32 $0xFFFFFFC0, v4  }
0x1ed: {  	v3 =	vor.u32 v3, v4  }
0x1ee: {  	v4 =	vperm.xlane v3, v0;
	_ =	sdelay $0x1  }
0x1ef: {  	v4 =	vadd.s32 v1, v4;
	_ =	sdelay $0x4  }
0x1f0: {  	[tilespmem:s24], [sflag:$0x3] =	stream.indirect_vreg.gather [hbm4b:s2+s1], $0x80, v4, vm0, $0xb8;
	[tilespmem:$0x1E480] =	vst v63  }
0x1f1: {  	s6 =	simm.s32 $0x18C00;
	v3 =	vperm.xlane v3, v2  }
0x1f2: {  	[tilespmem:s6], [sflag:$0x3] =	stream.indirect_vreg.gather [hbm4b:s7+s1], $0x80, v4, vm0, $0xb8;
	[tilespmem:$0x1E480] =	vst v63  }
0x1f3: {  	s12 =	simm.s32 $0x19400;
	v3 =	vadd.s32 v1, v3  }
0x1f4: {  	[tilespmem:s12], [sflag:$0x3] =	stream.indirect_vreg.gather [hbm4b:s8+s1], $0x80, v4, vm0, $0xb8;
	[tilespmem:$0x1E480] =	vst v63  }
0x1f5: {  	s13 =	simm.s32 $0x19C00  }
0x1f6: {  	[tilespmem:s13], [sflag:$0x3] =	stream.indirect_vreg.gather [hbm4b:s9+s1], $0x80, v4, vm0, $0xb8;
	[tilespmem:$0x1E480] =	vst v63  }
0x1f7: {  	s14 =	simm.s32 $0x1A400  }
0x1f8: {  	[tilespmem:s14], [sflag:$0x3] =	stream.indirect_vreg.gather [hbm4b:s2+s1], $0x80, v3, vm0, $0xb8;
	[tilespmem:$0x1E480] =	vst v63  }
0x1f9: {  	s15 =	simm.s32 $0x1AC00  }
0x1fa: {  	[tilespmem:s15], [sflag:$0x3] =	stream.indirect_vreg.gather [hbm4b:s7+s1], $0x80, v3, vm0, $0xb8;
	[tilespmem:$0x1E480] =	vst v63  }
0x1fb: {  	s5 =	simm.s32 $0x1B400  }
0x1fc: {  	[tilespmem:s5], [sflag:$0x3] =	stream.indirect_vreg.gather [hbm4b:s8+s1], $0x80, v3, vm0, $0xb8;
	[tilespmem:$0x1E480] =	vst v63  }
0x1fd: {  	s6 =	simm.s32 $0x1BC00  }
0x1fe: {  	[tilespmem:s6], [sflag:$0x3] =	stream.indirect_vreg.gather [hbm4b:s9+s1], $0x80, v3, vm0, $0xb8;
	[tilespmem:$0x1E480] =	vst v63  }
0x1ff: {  	v3 =	vld.msk [tilespmem:$0x128], $0xff;
	_ =	sdelay $0x4  }
0x200: {  	v63 =	vshll.u32 v3, $0x3  }
0x201: {  	v3 =	vand.u32 $0x7, v3;
	v4 =	vand.u32 $0xFFFFFFC0, v63  }
0x202: {  	v3 =	vor.u32 v3, v4  }
0x203: {  	v3 =	vperm.xlane v3, v0;
	_ =	sdelay $0x1  }
0x204: {  	v3 =	vadd.s32 v1, v3;
	_ =	sdelay $0x3  }
0x205: {  	s12 =	simm.s32 $0x1C400  }
0x206: {  	[tilespmem:s12], [sflag:$0x3] =	stream.indirect_vreg.gather [hbm4b:s2+s1], $0x80, v3, vm0, $0xb8;
	[tilespmem:$0x1E480] =	vst v63  }
0x207: {  	s13 =	simm.s32 $0x1CC00  }
0x208: {  	[tilespmem:s13], [sflag:$0x3] =	stream.indirect_vreg.gather [hbm4b:s7+s1], $0x80, v3, vm0, $0xb8;
	[tilespmem:$0x1E480] =	vst v63  }
0x209: {  	s14 =	simm.s32 $0x1D400  }
0x20a: {  	[tilespmem:s14], [sflag:$0x3] =	stream.indirect_vreg.gather [hbm4b:s8+s1], $0x80, v3, vm0, $0xb8;
	[tilespmem:$0x1E480] =	vst v63  }
0x20b: {  	s15 =	simm.s32 $0x1DC00  }
0x20c: {  	[tilespmem:s15], [sflag:$0x3] =	stream.indirect_vreg.gather [hbm4b:s9+s1], $0x80, v3, vm0, $0xb8;
	[tilespmem:$0x1E480] =	vst v63  }
0x20d: {  	_ =	swait.ge [sflag:s25], $0x6000  }
0x20e: {  	[sflag:s25] =	ssyncset.done $0x0  }
0x20f: {  	s4 =	simm.s32 $0x0;
	s5 =	simm.s32 $0x0;
	[sflag:s25] =	ssyncadd.s32 $0xFFFFA000  }
.LBB2_22:
0x210: {  	s6 =	sand.u32 $0x7, s4  }
0x211: {  	s6 =	sshll.u32 s6, $0x9  }
0x212: {  	s6 =	sshrl.u32 s6, $0x2  }
0x213: {  	v3 =	vmov s6;
	_ =	sdelay $0x2  }
0x214: {  	s12 =	sand.u32 $0x3FFFE000, s1  }
0x215: {  	s14 =	sor.u32 $0x440, s12  }
0x216: {  	v4 =	vld.idx.msk [tilespmem:v3+s14+$0x30 ss:$0x1], $0xffff  }
0x217: {  	v5 =	vld.idx.msk [tilespmem:v3+s14+$0xFFFFFFD0 ss:$0x1], $0xffff  }
0x218: {  	v6 =	vld.idx.msk [tilespmem:v3+s14+$0xFFFFFFE0 ss:$0x1], $0xffff  }
0x219: {  	v7 =	vld.idx.msk [tilespmem:v3+s14+$0xFFFFFFF0 ss:$0x1], $0xffff  }
0x21a: {  	v8 =	vld.idx.msk [tilespmem:v3+s14+$0x0 ss:$0x1], $0xffff  }
0x21b: {  	s12 =	sadd.s32 $0xC400, s12;
	v9 =	vld.idx.msk [tilespmem:v3+s14+$0x10 ss:$0x1], $0xffff  }
0x21c: {  	s15 =	sadd.s32 s6, s12;
	v10 =	vld.idx.msk [tilespmem:v3+s14+$0xFFFFFFC0 ss:$0x1], $0xffff  }
0x21d: {  	[tilespmem:s15+$0x70] =	vst.add.f32.msk $0xffff, v4  }
0x21e: {  	v4 =	vld.idx.msk [tilespmem:v3+s14+$0x20 ss:$0x1], $0xffff  }
0x21f: {  	[tilespmem:s15+$0x10] =	vst.add.f32.msk $0xffff, v5  }
0x220: {  	[tilespmem:s15+$0x20] =	vst.add.f32.msk $0xffff, v6  }
0x221: {  	[tilespmem:s15+$0x30] =	vst.add.f32.msk $0xffff, v7  }
0x222: {  	[tilespmem:s15+$0x40] =	vst.add.f32.msk $0xffff, v8  }
0x223: {  	[tilespmem:s15+$0x50] =	vst.add.f32.msk $0xffff, v9  }
0x224: {  	[tilespmem:s15+$0x0] =	vst.add.f32.msk $0xffff, v10  }
0x225: {  	s13 =	simm.s32 $0x0;
	s14 =	sadd.s32 $0x400, s14;
	[tilespmem:s15+$0x60] =	vst.add.f32.msk $0xffff, v4  }
.LBB2_23:
0x226: {  	v4 =	vld.idx.msk [tilespmem:v3+s14+$0x30 ss:$0x1], $0xffff;
	s13 =	sadd.s32 $0x8, s13  }
0x227: {  	v5 =	vld.idx.msk [tilespmem:v3+s14+$0xFFFFFFD0 ss:$0x1], $0xffff;
	p0 =	slt.u32 s13, $0x38  }
0x228: {  	v6 =	vld.idx.msk [tilespmem:v3+s14+$0xFFFFFFE0 ss:$0x1], $0xffff  }
0x229: {  	v7 =	vld.idx.msk [tilespmem:v3+s14+$0xFFFFFFF0 ss:$0x1], $0xffff  }
0x22a: {  	s12 =	sadd.s32 $0x400, s12;
	v8 =	vld.idx.msk [tilespmem:v3+s14+$0x0 ss:$0x1], $0xffff  }
0x22b: {  	s15 =	sadd.s32 s6, s12;
	v9 =	vld.idx.msk [tilespmem:v3+s14+$0x10 ss:$0x1], $0xffff  }
0x22c: {  	[tilespmem:s15+$0x70] =	vst.add.f32.msk $0xffff, v4  }
0x22d: {  	v4 =	vld.idx.msk [tilespmem:v3+s14+$0x20 ss:$0x1], $0xffff  }
0x22e: {  	v10 =	vld.idx.msk [tilespmem:v3+s14+$0xFFFFFFC0 ss:$0x1], $0xffff  }
0x22f: {  	[tilespmem:s15+$0x10] =	vst.add.f32.msk $0xffff, v5  }
0x230: {  	[tilespmem:s15+$0x20] =	vst.add.f32.msk $0xffff, v6  }
.Ltmp10:
0x231: {  	[tilespmem:s15+$0x30] =	vst.add.f32.msk $0xffff, v7;
	(pc) =	sbr.rel @p0 .LBB2_23-.Ltmp10, $4  }
0x232: {  	[tilespmem:s15+$0x40] =	vst.add.f32.msk $0xffff, v8  }
0x233: {  	[tilespmem:s15+$0x50] =	vst.add.f32.msk $0xffff, v9  }
0x234: {  	[tilespmem:s15+$0x0] =	vst.add.f32.msk $0xffff, v10  }
0x235: {  	s14 =	sadd.s32 $0x400, s14;
	[tilespmem:s15+$0x60] =	vst.add.f32.msk $0xffff, v4  }
0x236: {  	s5 =	sadd.s32 $0x1, s5  }
0x237: {  	p0 =	sne.s32 s5, $0x18  }
.Ltmp11:
0x238: {  	_ = 	snop;
	(pc) =	sbr.rel @p0 .LBB2_22-.Ltmp11, $2  }
0x239: {  	_ =	sdelay $0x2  }
0x23a: {  	s4 =	sadd.s32 $0x1, s4;
	s1 =	sadd.s32 $0x400, s1  }
0x23b: {  	s1 =	simm.s32 $0x0;
	s4 =	rddreg [dreg:$0x18]  }
0x23c: {  	[hbm4b:s4+s1] =	stream.linear.scatter [tilespmem:s11], [sflag:$0x4], $0x6000, $0x38;
	[tilespmem:$0x1E480] =	vst v63  }
0x23d: {  	_ =	swait.ge [sflag:s26], $0x6000  }
0x23e: {  	[sflag:s26] =	ssyncset.done $0x0  }
0x23f: {  	[sflag:s26] =	ssyncadd.s32 $0xFFFFA000  }
0x240: {  	v3 =	vld [tilespmem:$0x180];
	_ =	sdelay $0x4  }
0x241: {  	v4 =	vshll.u32 v3, $0x3  }
0x242: {  	v3 =	vand.u32 $0x7, v3;
	v4 =	vand.u32 $0xFFFFFFC0, v4  }
0x243: {  	v3 =	vor.u32 v3, v4  }
0x244: {  	v4 =	vperm.xlane v3, v0;
	_ =	sdelay $0x1  }
0x245: {  	v4 =	vadd.s32 v1, v4;
	_ =	sdelay $0x4  }
0x246: {  	[tilespmem:s11], [sflag:$0x1] =	stream.indirect_vreg.gather [hbm4b:s2+s1], $0x80, v4, vm0, $0xb8;
	[tilespmem:$0x1E480] =	vst v63  }
0x247: {  	s5 =	simm.s32 $0xCC00;
	v3 =	vperm.xlane v3, v2  }
0x248: {  	[tilespmem:s5], [sflag:$0x1] =	stream.indirect_vreg.gather [hbm4b:s7+s1], $0x80, v4, vm0, $0xb8;
	[tilespmem:$0x1E480] =	vst v63  }
0x249: {  	s6 =	simm.s32 $0xD400;
	v3 =	vadd.s32 v1, v3  }
0x24a: {  	[tilespmem:s6], [sflag:$0x1] =	stream.indirect_vreg.gather [hbm4b:s8+s1], $0x80, v4, vm0, $0xb8;
	[tilespmem:$0x1E480] =	vst v63  }
0x24b: {  	s12 =	simm.s32 $0xDC00  }
0x24c: {  	[tilespmem:s12], [sflag:$0x1] =	stream.indirect_vreg.gather [hbm4b:s9+s1], $0x80, v4, vm0, $0xb8;
	[tilespmem:$0x1E480] =	vst v63  }
0x24d: {  	s13 =	simm.s32 $0xE400  }
0x24e: {  	[tilespmem:s13], [sflag:$0x1] =	stream.indirect_vreg.gather [hbm4b:s2+s1], $0x80, v3, vm0, $0xb8;
	[tilespmem:$0x1E480] =	vst v63  }
0x24f: {  	_ = 	snop  }
0x250: {  	[tilespmem:s16], [sflag:$0x1] =	stream.indirect_vreg.gather [hbm4b:s7+s1], $0x80, v3, vm0, $0xb8;
	[tilespmem:$0x1E480] =	vst v63  }
0x251: {  	_ = 	snop  }
0x252: {  	[tilespmem:s17], [sflag:$0x1] =	stream.indirect_vreg.gather [hbm4b:s8+s1], $0x80, v3, vm0, $0xb8;
	[tilespmem:$0x1E480] =	vst v63  }
0x253: {  	_ = 	snop  }
0x254: {  	[tilespmem:s18], [sflag:$0x1] =	stream.indirect_vreg.gather [hbm4b:s9+s1], $0x80, v3, vm0, $0xb8;
	[tilespmem:$0x1E480] =	vst v63  }
0x255: {  	v3 =	vld.msk [tilespmem:$0x190], $0xff;
	_ =	sdelay $0x4  }
0x256: {  	v63 =	vshll.u32 v3, $0x3  }
0x257: {  	v3 =	vand.u32 $0x7, v3;
	v4 =	vand.u32 $0xFFFFFFC0, v63  }
0x258: {  	v3 =	vor.u32 v3, v4  }
0x259: {  	v3 =	vperm.xlane v3, v0;
	_ =	sdelay $0x1  }
0x25a: {  	v3 =	vadd.s32 v1, v3;
	_ =	sdelay $0x4  }
0x25b: {  	[tilespmem:s19], [sflag:$0x1] =	stream.indirect_vreg.gather [hbm4b:s2+s1], $0x80, v3, vm0, $0xb8;
	[tilespmem:$0x1E480] =	vst v63  }
0x25c: {  	_ = 	snop  }
0x25d: {  	[tilespmem:s20], [sflag:$0x1] =	stream.indirect_vreg.gather [hbm4b:s7+s1], $0x80, v3, vm0, $0xb8;
	[tilespmem:$0x1E480] =	vst v63  }
0x25e: {  	_ = 	snop  }
0x25f: {  	[tilespmem:s21], [sflag:$0x1] =	stream.indirect_vreg.gather [hbm4b:s8+s1], $0x80, v3, vm0, $0xb8;
	[tilespmem:$0x1E480] =	vst v63  }
0x260: {  	_ = 	snop  }
0x261: {  	[tilespmem:s22], [sflag:$0x1] =	stream.indirect_vreg.gather [hbm4b:s9+s1], $0x80, v3, vm0, $0xb8;
	[tilespmem:$0x1E480] =	vst v63  }
0x262: {  	_ =	swait.ge [sflag:s28], $0x6000  }
0x263: {  	[sflag:s28] =	ssyncset.done $0x0  }
0x264: {  	s14 =	rddreg [dreg:$0x14];
	[sflag:s28] =	ssyncadd.s32 $0xFFFFA000  }
0x265: {  	[hbm4b:s14+s1] =	stream.linear.scatter [tilespmem:s23], [sflag:$0x5], $0x6000, $0x38;
	[tilespmem:$0x1E480] =	vst v63  }
0x266: {  	_ =	swait.ge [sflag:s29], $0x6000  }
0x267: {  	[sflag:s29] =	ssyncset.done $0x0  }
0x268: {  	s15 =	rddreg [dreg:$0xe];
	[sflag:s29] =	ssyncadd.s32 $0xFFFFA000  }
0x269: {  	[tilespmem:s23], [sflag:$0x2] =	stream.linear.gather [hbm4b:s15+s1], $0x6000, $0x38;
	[tilespmem:$0x1E480] =	vst v63  }
0x26a: {  	_ =	swait.ge [sflag:s30], $0x6000  }
0x26b: {  	[sflag:s30] =	ssyncset.done $0x0  }
0x26c: {  	s4 =	simm.s32 $0x0;
	s5 =	simm.s32 $0x0;
	[sflag:s30] =	ssyncadd.s32 $0xFFFFA000  }
.LBB2_26:
0x26d: {  	s6 =	sand.u32 $0x7, s4  }
0x26e: {  	s6 =	sshll.u32 s6, $0x9  }
0x26f: {  	s6 =	sshrl.u32 s6, $0x2  }
0x270: {  	v3 =	vmov s6;
	_ =	sdelay $0x2  }
0x271: {  	s12 =	sand.u32 $0x3FFFE000, s1  }
0x272: {  	s14 =	sor.u32 $0x400, s12  }
0x273: {  	v4 =	vld.idx.msk [tilespmem:v3+s14+$0x6070 ss:$0x1], $0xffff  }
0x274: {  	v5 =	vld.idx.msk [tilespmem:v3+s14+$0x6010 ss:$0x1], $0xffff  }
0x275: {  	v6 =	vld.idx.msk [tilespmem:v3+s14+$0x6020 ss:$0x1], $0xffff  }
0x276: {  	v7 =	vld.idx.msk [tilespmem:v3+s14+$0x6030 ss:$0x1], $0xffff  }
0x277: {  	v8 =	vld.idx.msk [tilespmem:v3+s14+$0x6040 ss:$0x1], $0xffff  }
0x278: {  	s12 =	sadd.s32 $0x18400, s12;
	v9 =	vld.idx.msk [tilespmem:v3+s14+$0x6050 ss:$0x1], $0xffff  }
0x279: {  	s15 =	sadd.s32 s6, s12;
	v10 =	vld.idx.msk [tilespmem:v3+s14+$0x6000 ss:$0x1], $0xffff  }
0x27a: {  	[tilespmem:s15+$0x70] =	vst.add.f32.msk $0xffff, v4  }
0x27b: {  	v4 =	vld.idx.msk [tilespmem:v3+s14+$0x6060 ss:$0x1], $0xffff  }
0x27c: {  	[tilespmem:s15+$0x10] =	vst.add.f32.msk $0xffff, v5  }
0x27d: {  	[tilespmem:s15+$0x20] =	vst.add.f32.msk $0xffff, v6  }
0x27e: {  	[tilespmem:s15+$0x30] =	vst.add.f32.msk $0xffff, v7  }
0x27f: {  	[tilespmem:s15+$0x40] =	vst.add.f32.msk $0xffff, v8  }
0x280: {  	[tilespmem:s15+$0x50] =	vst.add.f32.msk $0xffff, v9  }
0x281: {  	[tilespmem:s15+$0x0] =	vst.add.f32.msk $0xffff, v10  }
0x282: {  	s13 =	simm.s32 $0x0;
	s14 =	sadd.s32 $0x400, s14;
	[tilespmem:s15+$0x60] =	vst.add.f32.msk $0xffff, v4  }
.LBB2_27:
0x283: {  	v4 =	vld.idx.msk [tilespmem:v3+s14+$0x6070 ss:$0x1], $0xffff;
	s13 =	sadd.s32 $0x8, s13  }
0x284: {  	v5 =	vld.idx.msk [tilespmem:v3+s14+$0x6010 ss:$0x1], $0xffff;
	p0 =	slt.u32 s13, $0x38  }
0x285: {  	v6 =	vld.idx.msk [tilespmem:v3+s14+$0x6020 ss:$0x1], $0xffff  }
0x286: {  	v7 =	vld.idx.msk [tilespmem:v3+s14+$0x6030 ss:$0x1], $0xffff  }
0x287: {  	s12 =	sadd.s32 $0x400, s12;
	v8 =	vld.idx.msk [tilespmem:v3+s14+$0x6040 ss:$0x1], $0xffff  }
0x288: {  	s15 =	sadd.s32 s6, s12;
	v9 =	vld.idx.msk [tilespmem:v3+s14+$0x6050 ss:$0x1], $0xffff  }
0x289: {  	[tilespmem:s15+$0x70] =	vst.add.f32.msk $0xffff, v4  }
0x28a: {  	v4 =	vld.idx.msk [tilespmem:v3+s14+$0x6060 ss:$0x1], $0xffff  }
0x28b: {  	v10 =	vld.idx.msk [tilespmem:v3+s14+$0x6000 ss:$0x1], $0xffff  }
0x28c: {  	[tilespmem:s15+$0x10] =	vst.add.f32.msk $0xffff, v5  }
0x28d: {  	[tilespmem:s15+$0x20] =	vst.add.f32.msk $0xffff, v6  }
.Ltmp12:
0x28e: {  	[tilespmem:s15+$0x30] =	vst.add.f32.msk $0xffff, v7;
	(pc) =	sbr.rel @p0 .LBB2_27-.Ltmp12, $4  }
0x28f: {  	[tilespmem:s15+$0x40] =	vst.add.f32.msk $0xffff, v8  }
0x290: {  	[tilespmem:s15+$0x50] =	vst.add.f32.msk $0xffff, v9  }
0x291: {  	[tilespmem:s15+$0x0] =	vst.add.f32.msk $0xffff, v10  }
0x292: {  	s14 =	sadd.s32 $0x400, s14;
	[tilespmem:s15+$0x60] =	vst.add.f32.msk $0xffff, v4  }
0x293: {  	s5 =	sadd.s32 $0x1, s5  }
0x294: {  	p0 =	sne.s32 s5, $0x18  }
.Ltmp13:
0x295: {  	_ = 	snop;
	(pc) =	sbr.rel @p0 .LBB2_26-.Ltmp13, $2  }
0x296: {  	_ =	sdelay $0x2  }
0x297: {  	s4 =	sadd.s32 $0x1, s4;
	s1 =	sadd.s32 $0x400, s1  }
0x298: {  	s1 =	simm.s32 $0x0;
	s4 =	rddreg [dreg:$0x19]  }
0x299: {  	[hbm4b:s4+s1] =	stream.linear.scatter [tilespmem:s24], [sflag:$0x6], $0x6000, $0x38;
	[tilespmem:$0x1E480] =	vst v63  }
0x29a: {  	_ =	swait.ge [sflag:s31], $0x6000  }
0x29b: {  	[sflag:s31] =	ssyncset.done $0x0  }
0x29c: {  	[sflag:s31] =	ssyncadd.s32 $0xFFFFA000  }
0x29d: {  	v3 =	vld [tilespmem:$0x198];
	_ =	sdelay $0x4  }
0x29e: {  	v4 =	vshll.u32 v3, $0x3  }
0x29f: {  	v3 =	vand.u32 $0x7, v3;
	v4 =	vand.u32 $0xFFFFFFC0, v4  }
0x2a0: {  	v3 =	vor.u32 v3, v4  }
0x2a1: {  	v4 =	vperm.xlane v3, v0;
	_ =	sdelay $0x1  }
0x2a2: {  	v4 =	vadd.s32 v1, v4;
	_ =	sdelay $0x4  }
0x2a3: {  	[tilespmem:s24], [sflag:$0x3] =	stream.indirect_vreg.gather [hbm4b:s2+s1], $0x80, v4, vm0, $0xb8;
	[tilespmem:$0x1E480] =	vst v63  }
0x2a4: {  	s6 =	simm.s32 $0x18C00;
	v3 =	vperm.xlane v3, v2  }
0x2a5: {  	[tilespmem:s6], [sflag:$0x3] =	stream.indirect_vreg.gather [hbm4b:s7+s1], $0x80, v4, vm0, $0xb8;
	[tilespmem:$0x1E480] =	vst v63  }
0x2a6: {  	s12 =	simm.s32 $0x19400;
	v3 =	vadd.s32 v1, v3  }
0x2a7: {  	[tilespmem:s12], [sflag:$0x3] =	stream.indirect_vreg.gather [hbm4b:s8+s1], $0x80, v4, vm0, $0xb8;
	[tilespmem:$0x1E480] =	vst v63  }
0x2a8: {  	s13 =	simm.s32 $0x19C00  }
0x2a9: {  	[tilespmem:s13], [sflag:$0x3] =	stream.indirect_vreg.gather [hbm4b:s9+s1], $0x80, v4, vm0, $0xb8;
	[tilespmem:$0x1E480] =	vst v63  }
0x2aa: {  	s14 =	simm.s32 $0x1A400  }
0x2ab: {  	[tilespmem:s14], [sflag:$0x3] =	stream.indirect_vreg.gather [hbm4b:s2+s1], $0x80, v3, vm0, $0xb8;
	[tilespmem:$0x1E480] =	vst v63  }
0x2ac: {  	s15 =	simm.s32 $0x1AC00  }
0x2ad: {  	[tilespmem:s15], [sflag:$0x3] =	stream.indirect_vreg.gather [hbm4b:s7+s1], $0x80, v3, vm0, $0xb8;
	[tilespmem:$0x1E480] =	vst v63  }
0x2ae: {  	s5 =	simm.s32 $0x1B400  }
0x2af: {  	[tilespmem:s5], [sflag:$0x3] =	stream.indirect_vreg.gather [hbm4b:s8+s1], $0x80, v3, vm0, $0xb8;
	[tilespmem:$0x1E480] =	vst v63  }
0x2b0: {  	s6 =	simm.s32 $0x1BC00  }
0x2b1: {  	[tilespmem:s6], [sflag:$0x3] =	stream.indirect_vreg.gather [hbm4b:s9+s1], $0x80, v3, vm0, $0xb8;
	[tilespmem:$0x1E480] =	vst v63  }
0x2b2: {  	v3 =	vld.msk [tilespmem:$0x1A8], $0xff;
	_ =	sdelay $0x4  }
0x2b3: {  	v63 =	vshll.u32 v3, $0x3  }
0x2b4: {  	v3 =	vand.u32 $0x7, v3;
	v4 =	vand.u32 $0xFFFFFFC0, v63  }
0x2b5: {  	v3 =	vor.u32 v3, v4  }
0x2b6: {  	v3 =	vperm.xlane v3, v0;
	_ =	sdelay $0x1  }
0x2b7: {  	v3 =	vadd.s32 v1, v3;
	_ =	sdelay $0x3  }
0x2b8: {  	s12 =	simm.s32 $0x1C400  }
0x2b9: {  	[tilespmem:s12], [sflag:$0x3] =	stream.indirect_vreg.gather [hbm4b:s2+s1], $0x80, v3, vm0, $0xb8;
	[tilespmem:$0x1E480] =	vst v63  }
0x2ba: {  	s13 =	simm.s32 $0x1CC00  }
0x2bb: {  	[tilespmem:s13], [sflag:$0x3] =	stream.indirect_vreg.gather [hbm4b:s7+s1], $0x80, v3, vm0, $0xb8;
	[tilespmem:$0x1E480] =	vst v63  }
0x2bc: {  	s14 =	simm.s32 $0x1D400  }
0x2bd: {  	[tilespmem:s14], [sflag:$0x3] =	stream.indirect_vreg.gather [hbm4b:s8+s1], $0x80, v3, vm0, $0xb8;
	[tilespmem:$0x1E480] =	vst v63  }
0x2be: {  	s15 =	simm.s32 $0x1DC00  }
0x2bf: {  	[tilespmem:s15], [sflag:$0x3] =	stream.indirect_vreg.gather [hbm4b:s9+s1], $0x80, v3, vm0, $0xb8;
	[tilespmem:$0x1E480] =	vst v63  }
0x2c0: {  	_ =	swait.ge [sflag:s25], $0x6000  }
0x2c1: {  	[sflag:s25] =	ssyncset.done $0x0  }
0x2c2: {  	s4 =	simm.s32 $0x0;
	s5 =	simm.s32 $0x0;
	[sflag:s25] =	ssyncadd.s32 $0xFFFFA000  }
.LBB2_30:
0x2c3: {  	s6 =	sand.u32 $0x7, s4  }
0x2c4: {  	s6 =	sshll.u32 s6, $0x9  }
0x2c5: {  	s6 =	sshrl.u32 s6, $0x2  }
0x2c6: {  	v3 =	vmov s6;
	_ =	sdelay $0x2  }
0x2c7: {  	s12 =	sand.u32 $0x3FFFE000, s1  }
0x2c8: {  	s14 =	sor.u32 $0x440, s12  }
0x2c9: {  	v4 =	vld.idx.msk [tilespmem:v3+s14+$0x30 ss:$0x1], $0xffff  }
0x2ca: {  	v5 =	vld.idx.msk [tilespmem:v3+s14+$0xFFFFFFD0 ss:$0x1], $0xffff  }
0x2cb: {  	v6 =	vld.idx.msk [tilespmem:v3+s14+$0xFFFFFFE0 ss:$0x1], $0xffff  }
0x2cc: {  	v7 =	vld.idx.msk [tilespmem:v3+s14+$0xFFFFFFF0 ss:$0x1], $0xffff  }
0x2cd: {  	v8 =	vld.idx.msk [tilespmem:v3+s14+$0x0 ss:$0x1], $0xffff  }
0x2ce: {  	s12 =	sadd.s32 $0xC400, s12;
	v9 =	vld.idx.msk [tilespmem:v3+s14+$0x10 ss:$0x1], $0xffff  }
0x2cf: {  	s15 =	sadd.s32 s6, s12;
	v10 =	vld.idx.msk [tilespmem:v3+s14+$0xFFFFFFC0 ss:$0x1], $0xffff  }
0x2d0: {  	[tilespmem:s15+$0x70] =	vst.add.f32.msk $0xffff, v4  }
0x2d1: {  	v4 =	vld.idx.msk [tilespmem:v3+s14+$0x20 ss:$0x1], $0xffff  }
0x2d2: {  	[tilespmem:s15+$0x10] =	vst.add.f32.msk $0xffff, v5  }
0x2d3: {  	[tilespmem:s15+$0x20] =	vst.add.f32.msk $0xffff, v6  }
0x2d4: {  	[tilespmem:s15+$0x30] =	vst.add.f32.msk $0xffff, v7  }
0x2d5: {  	[tilespmem:s15+$0x40] =	vst.add.f32.msk $0xffff, v8  }
0x2d6: {  	[tilespmem:s15+$0x50] =	vst.add.f32.msk $0xffff, v9  }
0x2d7: {  	[tilespmem:s15+$0x0] =	vst.add.f32.msk $0xffff, v10  }
0x2d8: {  	s13 =	simm.s32 $0x0;
	s14 =	sadd.s32 $0x400, s14;
	[tilespmem:s15+$0x60] =	vst.add.f32.msk $0xffff, v4  }
.LBB2_31:
0x2d9: {  	v4 =	vld.idx.msk [tilespmem:v3+s14+$0x30 ss:$0x1], $0xffff;
	s13 =	sadd.s32 $0x8, s13  }
0x2da: {  	v5 =	vld.idx.msk [tilespmem:v3+s14+$0xFFFFFFD0 ss:$0x1], $0xffff;
	p0 =	slt.u32 s13, $0x38  }
0x2db: {  	v6 =	vld.idx.msk [tilespmem:v3+s14+$0xFFFFFFE0 ss:$0x1], $0xffff  }
0x2dc: {  	v7 =	vld.idx.msk [tilespmem:v3+s14+$0xFFFFFFF0 ss:$0x1], $0xffff  }
0x2dd: {  	s12 =	sadd.s32 $0x400, s12;
	v8 =	vld.idx.msk [tilespmem:v3+s14+$0x0 ss:$0x1], $0xffff  }
0x2de: {  	s15 =	sadd.s32 s6, s12;
	v9 =	vld.idx.msk [tilespmem:v3+s14+$0x10 ss:$0x1], $0xffff  }
0x2df: {  	[tilespmem:s15+$0x70] =	vst.add.f32.msk $0xffff, v4  }
0x2e0: {  	v4 =	vld.idx.msk [tilespmem:v3+s14+$0x20 ss:$0x1], $0xffff  }
0x2e1: {  	v10 =	vld.idx.msk [tilespmem:v3+s14+$0xFFFFFFC0 ss:$0x1], $0xffff  }
0x2e2: {  	[tilespmem:s15+$0x10] =	vst.add.f32.msk $0xffff, v5  }
0x2e3: {  	[tilespmem:s15+$0x20] =	vst.add.f32.msk $0xffff, v6  }
.Ltmp14:
0x2e4: {  	[tilespmem:s15+$0x30] =	vst.add.f32.msk $0xffff, v7;
	(pc) =	sbr.rel @p0 .LBB2_31-.Ltmp14, $4  }
0x2e5: {  	[tilespmem:s15+$0x40] =	vst.add.f32.msk $0xffff, v8  }
0x2e6: {  	[tilespmem:s15+$0x50] =	vst.add.f32.msk $0xffff, v9  }
0x2e7: {  	[tilespmem:s15+$0x0] =	vst.add.f32.msk $0xffff, v10  }
0x2e8: {  	s14 =	sadd.s32 $0x400, s14;
	[tilespmem:s15+$0x60] =	vst.add.f32.msk $0xffff, v4  }
0x2e9: {  	s5 =	sadd.s32 $0x1, s5  }
0x2ea: {  	p0 =	sne.s32 s5, $0x18  }
.Ltmp15:
0x2eb: {  	_ = 	snop;
	(pc) =	sbr.rel @p0 .LBB2_30-.Ltmp15, $2  }
0x2ec: {  	_ =	sdelay $0x2  }
0x2ed: {  	s4 =	sadd.s32 $0x1, s4;
	s1 =	sadd.s32 $0x400, s1  }
0x2ee: {  	s1 =	simm.s32 $0x0;
	s4 =	rddreg [dreg:$0x1a]  }
0x2ef: {  	[hbm4b:s4+s1] =	stream.linear.scatter [tilespmem:s11], [sflag:$0x4], $0x6000, $0x38;
	[tilespmem:$0x1E480] =	vst v63  }
0x2f0: {  	_ =	swait.ge [sflag:s26], $0x6000  }
0x2f1: {  	[sflag:s26] =	ssyncset.done $0x0  }
0x2f2: {  	[sflag:s26] =	ssyncadd.s32 $0xFFFFA000  }
0x2f3: {  	v3 =	vld [tilespmem:$0x200];
	_ =	sdelay $0x4  }
0x2f4: {  	v4 =	vshll.u32 v3, $0x3  }
0x2f5: {  	v3 =	vand.u32 $0x7, v3;
	v4 =	vand.u32 $0xFFFFFFC0, v4  }
0x2f6: {  	v3 =	vor.u32 v3, v4  }
0x2f7: {  	v4 =	vperm.xlane v3, v0;
	_ =	sdelay $0x1  }
0x2f8: {  	v4 =	vadd.s32 v1, v4;
	_ =	sdelay $0x4  }
0x2f9: {  	[tilespmem:s11], [sflag:$0x1] =	stream.indirect_vreg.gather [hbm4b:s2+s1], $0x80, v4, vm0, $0xb8;
	[tilespmem:$0x1E480] =	vst v63  }
0x2fa: {  	s5 =	simm.s32 $0xCC00;
	v3 =	vperm.xlane v3, v2  }
0x2fb: {  	[tilespmem:s5], [sflag:$0x1] =	stream.indirect_vreg.gather [hbm4b:s7+s1], $0x80, v4, vm0, $0xb8;
	[tilespmem:$0x1E480] =	vst v63  }
0x2fc: {  	s6 =	simm.s32 $0xD400;
	v3 =	vadd.s32 v1, v3  }
0x2fd: {  	[tilespmem:s6], [sflag:$0x1] =	stream.indirect_vreg.gather [hbm4b:s8+s1], $0x80, v4, vm0, $0xb8;
	[tilespmem:$0x1E480] =	vst v63  }
0x2fe: {  	s12 =	simm.s32 $0xDC00  }
0x2ff: {  	[tilespmem:s12], [sflag:$0x1] =	stream.indirect_vreg.gather [hbm4b:s9+s1], $0x80, v4, vm0, $0xb8;
	[tilespmem:$0x1E480] =	vst v63  }
0x300: {  	s13 =	simm.s32 $0xE400  }
0x301: {  	[tilespmem:s13], [sflag:$0x1] =	stream.indirect_vreg.gather [hbm4b:s2+s1], $0x80, v3, vm0, $0xb8;
	[tilespmem:$0x1E480] =	vst v63  }
0x302: {  	_ = 	snop  }
0x303: {  	[tilespmem:s16], [sflag:$0x1] =	stream.indirect_vreg.gather [hbm4b:s7+s1], $0x80, v3, vm0, $0xb8;
	[tilespmem:$0x1E480] =	vst v63  }
0x304: {  	_ = 	snop  }
0x305: {  	[tilespmem:s17], [sflag:$0x1] =	stream.indirect_vreg.gather [hbm4b:s8+s1], $0x80, v3, vm0, $0xb8;
	[tilespmem:$0x1E480] =	vst v63  }
0x306: {  	_ = 	snop  }
0x307: {  	[tilespmem:s18], [sflag:$0x1] =	stream.indirect_vreg.gather [hbm4b:s9+s1], $0x80, v3, vm0, $0xb8;
	[tilespmem:$0x1E480] =	vst v63  }
0x308: {  	v3 =	vld.msk [tilespmem:$0x210], $0xff;
	_ =	sdelay $0x4  }
0x309: {  	v63 =	vshll.u32 v3, $0x3  }
0x30a: {  	v3 =	vand.u32 $0x7, v3;
	v4 =	vand.u32 $0xFFFFFFC0, v63  }
0x30b: {  	v3 =	vor.u32 v3, v4  }
0x30c: {  	v3 =	vperm.xlane v3, v0;
	_ =	sdelay $0x1  }
0x30d: {  	v3 =	vadd.s32 v1, v3;
	_ =	sdelay $0x4  }
0x30e: {  	[tilespmem:s19], [sflag:$0x1] =	stream.indirect_vreg.gather [hbm4b:s2+s1], $0x80, v3, vm0, $0xb8;
	[tilespmem:$0x1E480] =	vst v63  }
0x30f: {  	_ = 	snop  }
0x310: {  	[tilespmem:s20], [sflag:$0x1] =	stream.indirect_vreg.gather [hbm4b:s7+s1], $0x80, v3, vm0, $0xb8;
	[tilespmem:$0x1E480] =	vst v63  }
0x311: {  	_ = 	snop  }
0x312: {  	[tilespmem:s21], [sflag:$0x1] =	stream.indirect_vreg.gather [hbm4b:s8+s1], $0x80, v3, vm0, $0xb8;
	[tilespmem:$0x1E480] =	vst v63  }
0x313: {  	_ = 	snop  }
0x314: {  	[tilespmem:s22], [sflag:$0x1] =	stream.indirect_vreg.gather [hbm4b:s9+s1], $0x80, v3, vm0, $0xb8;
	[tilespmem:$0x1E480] =	vst v63  }
0x315: {  	_ =	swait.ge [sflag:s28], $0x6000  }
0x316: {  	[sflag:s28] =	ssyncset.done $0x0  }
0x317: {  	s14 =	rddreg [dreg:$0x15];
	[sflag:s28] =	ssyncadd.s32 $0xFFFFA000  }
0x318: {  	[hbm4b:s14+s1] =	stream.linear.scatter [tilespmem:s23], [sflag:$0x5], $0x6000, $0x38;
	[tilespmem:$0x1E480] =	vst v63  }
0x319: {  	_ =	swait.ge [sflag:s29], $0x6000  }
0x31a: {  	[sflag:s29] =	ssyncset.done $0x0  }
0x31b: {  	s15 =	rddreg [dreg:$0xf];
	[sflag:s29] =	ssyncadd.s32 $0xFFFFA000  }
0x31c: {  	[tilespmem:s23], [sflag:$0x2] =	stream.linear.gather [hbm4b:s15+s1], $0x6000, $0x38;
	[tilespmem:$0x1E480] =	vst v63  }
0x31d: {  	_ =	swait.ge [sflag:s30], $0x6000  }
0x31e: {  	[sflag:s30] =	ssyncset.done $0x0  }
0x31f: {  	s4 =	simm.s32 $0x0;
	s5 =	simm.s32 $0x0;
	[sflag:s30] =	ssyncadd.s32 $0xFFFFA000  }
.LBB2_34:
0x320: {  	s6 =	sand.u32 $0x7, s4  }
0x321: {  	s6 =	sshll.u32 s6, $0x9  }
0x322: {  	s6 =	sshrl.u32 s6, $0x2  }
0x323: {  	v3 =	vmov s6;
	_ =	sdelay $0x2  }
0x324: {  	s12 =	sand.u32 $0x3FFFE000, s1  }
0x325: {  	s14 =	sor.u32 $0x400, s12  }
0x326: {  	v4 =	vld.idx.msk [tilespmem:v3+s14+$0x6070 ss:$0x1], $0xffff  }
0x327: {  	v5 =	vld.idx.msk [tilespmem:v3+s14+$0x6010 ss:$0x1], $0xffff  }
0x328: {  	v6 =	vld.idx.msk [tilespmem:v3+s14+$0x6020 ss:$0x1], $0xffff  }
0x329: {  	v7 =	vld.idx.msk [tilespmem:v3+s14+$0x6030 ss:$0x1], $0xffff  }
0x32a: {  	v8 =	vld.idx.msk [tilespmem:v3+s14+$0x6040 ss:$0x1], $0xffff  }
0x32b: {  	s12 =	sadd.s32 $0x18400, s12;
	v9 =	vld.idx.msk [tilespmem:v3+s14+$0x6050 ss:$0x1], $0xffff  }
0x32c: {  	s15 =	sadd.s32 s6, s12;
	v10 =	vld.idx.msk [tilespmem:v3+s14+$0x6000 ss:$0x1], $0xffff  }
0x32d: {  	[tilespmem:s15+$0x70] =	vst.add.f32.msk $0xffff, v4  }
0x32e: {  	v4 =	vld.idx.msk [tilespmem:v3+s14+$0x6060 ss:$0x1], $0xffff  }
0x32f: {  	[tilespmem:s15+$0x10] =	vst.add.f32.msk $0xffff, v5  }
0x330: {  	[tilespmem:s15+$0x20] =	vst.add.f32.msk $0xffff, v6  }
0x331: {  	[tilespmem:s15+$0x30] =	vst.add.f32.msk $0xffff, v7  }
0x332: {  	[tilespmem:s15+$0x40] =	vst.add.f32.msk $0xffff, v8  }
0x333: {  	[tilespmem:s15+$0x50] =	vst.add.f32.msk $0xffff, v9  }
0x334: {  	[tilespmem:s15+$0x0] =	vst.add.f32.msk $0xffff, v10  }
0x335: {  	s13 =	simm.s32 $0x0;
	s14 =	sadd.s32 $0x400, s14;
	[tilespmem:s15+$0x60] =	vst.add.f32.msk $0xffff, v4  }
.LBB2_35:
0x336: {  	v4 =	vld.idx.msk [tilespmem:v3+s14+$0x6070 ss:$0x1], $0xffff;
	s13 =	sadd.s32 $0x8, s13  }
0x337: {  	v5 =	vld.idx.msk [tilespmem:v3+s14+$0x6010 ss:$0x1], $0xffff;
	p0 =	slt.u32 s13, $0x38  }
0x338: {  	v6 =	vld.idx.msk [tilespmem:v3+s14+$0x6020 ss:$0x1], $0xffff  }
0x339: {  	v7 =	vld.idx.msk [tilespmem:v3+s14+$0x6030 ss:$0x1], $0xffff  }
0x33a: {  	s12 =	sadd.s32 $0x400, s12;
	v8 =	vld.idx.msk [tilespmem:v3+s14+$0x6040 ss:$0x1], $0xffff  }
0x33b: {  	s15 =	sadd.s32 s6, s12;
	v9 =	vld.idx.msk [tilespmem:v3+s14+$0x6050 ss:$0x1], $0xffff  }
0x33c: {  	[tilespmem:s15+$0x70] =	vst.add.f32.msk $0xffff, v4  }
0x33d: {  	v4 =	vld.idx.msk [tilespmem:v3+s14+$0x6060 ss:$0x1], $0xffff  }
0x33e: {  	v10 =	vld.idx.msk [tilespmem:v3+s14+$0x6000 ss:$0x1], $0xffff  }
0x33f: {  	[tilespmem:s15+$0x10] =	vst.add.f32.msk $0xffff, v5  }
0x340: {  	[tilespmem:s15+$0x20] =	vst.add.f32.msk $0xffff, v6  }
.Ltmp16:
0x341: {  	[tilespmem:s15+$0x30] =	vst.add.f32.msk $0xffff, v7;
	(pc) =	sbr.rel @p0 .LBB2_35-.Ltmp16, $4  }
0x342: {  	[tilespmem:s15+$0x40] =	vst.add.f32.msk $0xffff, v8  }
0x343: {  	[tilespmem:s15+$0x50] =	vst.add.f32.msk $0xffff, v9  }
0x344: {  	[tilespmem:s15+$0x0] =	vst.add.f32.msk $0xffff, v10  }
0x345: {  	s14 =	sadd.s32 $0x400, s14;
	[tilespmem:s15+$0x60] =	vst.add.f32.msk $0xffff, v4  }
0x346: {  	s5 =	sadd.s32 $0x1, s5  }
0x347: {  	p0 =	sne.s32 s5, $0x18  }
.Ltmp17:
0x348: {  	_ = 	snop;
	(pc) =	sbr.rel @p0 .LBB2_34-.Ltmp17, $2  }
0x349: {  	_ =	sdelay $0x2  }
0x34a: {  	s4 =	sadd.s32 $0x1, s4;
	s1 =	sadd.s32 $0x400, s1  }
0x34b: {  	s1 =	simm.s32 $0x0;
	s4 =	rddreg [dreg:$0x1b]  }
0x34c: {  	[hbm4b:s4+s1] =	stream.linear.scatter [tilespmem:s24], [sflag:$0x6], $0x6000, $0x38;
	[tilespmem:$0x1E480] =	vst v63  }
0x34d: {  	_ =	swait.ge [sflag:s31], $0x6000  }
0x34e: {  	[sflag:s31] =	ssyncset.done $0x0  }
0x34f: {  	[sflag:s31] =	ssyncadd.s32 $0xFFFFA000  }
0x350: {  	v3 =	vld [tilespmem:$0x218];
	_ =	sdelay $0x4  }
0x351: {  	v4 =	vshll.u32 v3, $0x3  }
0x352: {  	v3 =	vand.u32 $0x7, v3;
	v4 =	vand.u32 $0xFFFFFFC0, v4  }
0x353: {  	v3 =	vor.u32 v3, v4  }
0x354: {  	v4 =	vperm.xlane v3, v0;
	_ =	sdelay $0x1  }
0x355: {  	v4 =	vadd.s32 v1, v4;
	_ =	sdelay $0x4  }
0x356: {  	[tilespmem:s24], [sflag:$0x3] =	stream.indirect_vreg.gather [hbm4b:s2+s1], $0x80, v4, vm0, $0xb8;
	[tilespmem:$0x1E480] =	vst v63  }
0x357: {  	s6 =	simm.s32 $0x18C00;
	v3 =	vperm.xlane v3, v2  }
0x358: {  	[tilespmem:s6], [sflag:$0x3] =	stream.indirect_vreg.gather [hbm4b:s7+s1], $0x80, v4, vm0, $0xb8;
	[tilespmem:$0x1E480] =	vst v63  }
0x359: {  	s12 =	simm.s32 $0x19400;
	v3 =	vadd.s32 v1, v3  }
0x35a: {  	[tilespmem:s12], [sflag:$0x3] =	stream.indirect_vreg.gather [hbm4b:s8+s1], $0x80, v4, vm0, $0xb8;
	[tilespmem:$0x1E480] =	vst v63  }
0x35b: {  	s13 =	simm.s32 $0x19C00  }
0x35c: {  	[tilespmem:s13], [sflag:$0x3] =	stream.indirect_vreg.gather [hbm4b:s9+s1], $0x80, v4, vm0, $0xb8;
	[tilespmem:$0x1E480] =	vst v63  }
0x35d: {  	s14 =	simm.s32 $0x1A400  }
0x35e: {  	[tilespmem:s14], [sflag:$0x3] =	stream.indirect_vreg.gather [hbm4b:s2+s1], $0x80, v3, vm0, $0xb8;
	[tilespmem:$0x1E480] =	vst v63  }
0x35f: {  	s15 =	simm.s32 $0x1AC00  }
0x360: {  	[tilespmem:s15], [sflag:$0x3] =	stream.indirect_vreg.gather [hbm4b:s7+s1], $0x80, v3, vm0, $0xb8;
	[tilespmem:$0x1E480] =	vst v63  }
0x361: {  	s5 =	simm.s32 $0x1B400  }
0x362: {  	[tilespmem:s5], [sflag:$0x3] =	stream.indirect_vreg.gather [hbm4b:s8+s1], $0x80, v3, vm0, $0xb8;
	[tilespmem:$0x1E480] =	vst v63  }
0x363: {  	s6 =	simm.s32 $0x1BC00  }
0x364: {  	[tilespmem:s6], [sflag:$0x3] =	stream.indirect_vreg.gather [hbm4b:s9+s1], $0x80, v3, vm0, $0xb8;
	[tilespmem:$0x1E480] =	vst v63  }
0x365: {  	v3 =	vld.msk [tilespmem:$0x228], $0xff;
	_ =	sdelay $0x4  }
0x366: {  	v63 =	vshll.u32 v3, $0x3  }
0x367: {  	v3 =	vand.u32 $0x7, v3;
	v4 =	vand.u32 $0xFFFFFFC0, v63  }
0x368: {  	v3 =	vor.u32 v3, v4  }
0x369: {  	v3 =	vperm.xlane v3, v0;
	_ =	sdelay $0x1  }
0x36a: {  	v3 =	vadd.s32 v1, v3;
	_ =	sdelay $0x3  }
0x36b: {  	s12 =	simm.s32 $0x1C400  }
0x36c: {  	[tilespmem:s12], [sflag:$0x3] =	stream.indirect_vreg.gather [hbm4b:s2+s1], $0x80, v3, vm0, $0xb8;
	[tilespmem:$0x1E480] =	vst v63  }
0x36d: {  	s13 =	simm.s32 $0x1CC00  }
0x36e: {  	[tilespmem:s13], [sflag:$0x3] =	stream.indirect_vreg.gather [hbm4b:s7+s1], $0x80, v3, vm0, $0xb8;
	[tilespmem:$0x1E480] =	vst v63  }
0x36f: {  	s14 =	simm.s32 $0x1D400  }
0x370: {  	[tilespmem:s14], [sflag:$0x3] =	stream.indirect_vreg.gather [hbm4b:s8+s1], $0x80, v3, vm0, $0xb8;
	[tilespmem:$0x1E480] =	vst v63  }
0x371: {  	s15 =	simm.s32 $0x1DC00  }
0x372: {  	[tilespmem:s15], [sflag:$0x3] =	stream.indirect_vreg.gather [hbm4b:s9+s1], $0x80, v3, vm0, $0xb8;
	[tilespmem:$0x1E480] =	vst v63  }
0x373: {  	_ =	swait.ge [sflag:s25], $0x6000  }
0x374: {  	[sflag:s25] =	ssyncset.done $0x0  }
0x375: {  	s4 =	simm.s32 $0x0;
	s5 =	simm.s32 $0x0;
	[sflag:s25] =	ssyncadd.s32 $0xFFFFA000  }
.LBB2_38:
0x376: {  	s6 =	sand.u32 $0x7, s4  }
0x377: {  	s6 =	sshll.u32 s6, $0x9  }
0x378: {  	s6 =	sshrl.u32 s6, $0x2  }
0x379: {  	v3 =	vmov s6;
	_ =	sdelay $0x2  }
0x37a: {  	s12 =	sand.u32 $0x3FFFE000, s1  }
0x37b: {  	s14 =	sor.u32 $0x440, s12  }
0x37c: {  	v4 =	vld.idx.msk [tilespmem:v3+s14+$0x30 ss:$0x1], $0xffff  }
0x37d: {  	v5 =	vld.idx.msk [tilespmem:v3+s14+$0xFFFFFFD0 ss:$0x1], $0xffff  }
0x37e: {  	v6 =	vld.idx.msk [tilespmem:v3+s14+$0xFFFFFFE0 ss:$0x1], $0xffff  }
0x37f: {  	v7 =	vld.idx.msk [tilespmem:v3+s14+$0xFFFFFFF0 ss:$0x1], $0xffff  }
0x380: {  	v8 =	vld.idx.msk [tilespmem:v3+s14+$0x0 ss:$0x1], $0xffff  }
0x381: {  	s12 =	sadd.s32 $0xC400, s12;
	v9 =	vld.idx.msk [tilespmem:v3+s14+$0x10 ss:$0x1], $0xffff  }
0x382: {  	s15 =	sadd.s32 s6, s12;
	v10 =	vld.idx.msk [tilespmem:v3+s14+$0xFFFFFFC0 ss:$0x1], $0xffff  }
0x383: {  	[tilespmem:s15+$0x70] =	vst.add.f32.msk $0xffff, v4  }
0x384: {  	v4 =	vld.idx.msk [tilespmem:v3+s14+$0x20 ss:$0x1], $0xffff  }
0x385: {  	[tilespmem:s15+$0x10] =	vst.add.f32.msk $0xffff, v5  }
0x386: {  	[tilespmem:s15+$0x20] =	vst.add.f32.msk $0xffff, v6  }
0x387: {  	[tilespmem:s15+$0x30] =	vst.add.f32.msk $0xffff, v7  }
0x388: {  	[tilespmem:s15+$0x40] =	vst.add.f32.msk $0xffff, v8  }
0x389: {  	[tilespmem:s15+$0x50] =	vst.add.f32.msk $0xffff, v9  }
0x38a: {  	[tilespmem:s15+$0x0] =	vst.add.f32.msk $0xffff, v10  }
0x38b: {  	s13 =	simm.s32 $0x0;
	s14 =	sadd.s32 $0x400, s14;
	[tilespmem:s15+$0x60] =	vst.add.f32.msk $0xffff, v4  }
.LBB2_39:
0x38c: {  	v4 =	vld.idx.msk [tilespmem:v3+s14+$0x30 ss:$0x1], $0xffff;
	s13 =	sadd.s32 $0x8, s13  }
0x38d: {  	v5 =	vld.idx.msk [tilespmem:v3+s14+$0xFFFFFFD0 ss:$0x1], $0xffff;
	p0 =	slt.u32 s13, $0x38  }
0x38e: {  	v6 =	vld.idx.msk [tilespmem:v3+s14+$0xFFFFFFE0 ss:$0x1], $0xffff  }
0x38f: {  	v7 =	vld.idx.msk [tilespmem:v3+s14+$0xFFFFFFF0 ss:$0x1], $0xffff  }
0x390: {  	s12 =	sadd.s32 $0x400, s12;
	v8 =	vld.idx.msk [tilespmem:v3+s14+$0x0 ss:$0x1], $0xffff  }
0x391: {  	s15 =	sadd.s32 s6, s12;
	v9 =	vld.idx.msk [tilespmem:v3+s14+$0x10 ss:$0x1], $0xffff  }
0x392: {  	[tilespmem:s15+$0x70] =	vst.add.f32.msk $0xffff, v4  }
0x393: {  	v4 =	vld.idx.msk [tilespmem:v3+s14+$0x20 ss:$0x1], $0xffff  }
0x394: {  	v10 =	vld.idx.msk [tilespmem:v3+s14+$0xFFFFFFC0 ss:$0x1], $0xffff  }
0x395: {  	[tilespmem:s15+$0x10] =	vst.add.f32.msk $0xffff, v5  }
0x396: {  	[tilespmem:s15+$0x20] =	vst.add.f32.msk $0xffff, v6  }
.Ltmp18:
0x397: {  	[tilespmem:s15+$0x30] =	vst.add.f32.msk $0xffff, v7;
	(pc) =	sbr.rel @p0 .LBB2_39-.Ltmp18, $4  }
0x398: {  	[tilespmem:s15+$0x40] =	vst.add.f32.msk $0xffff, v8  }
0x399: {  	[tilespmem:s15+$0x50] =	vst.add.f32.msk $0xffff, v9  }
0x39a: {  	[tilespmem:s15+$0x0] =	vst.add.f32.msk $0xffff, v10  }
0x39b: {  	s14 =	sadd.s32 $0x400, s14;
	[tilespmem:s15+$0x60] =	vst.add.f32.msk $0xffff, v4  }
0x39c: {  	s5 =	sadd.s32 $0x1, s5  }
0x39d: {  	p0 =	sne.s32 s5, $0x18  }
.Ltmp19:
0x39e: {  	_ = 	snop;
	(pc) =	sbr.rel @p0 .LBB2_38-.Ltmp19, $2  }
0x39f: {  	_ =	sdelay $0x2  }
0x3a0: {  	s4 =	sadd.s32 $0x1, s4;
	s1 =	sadd.s32 $0x400, s1  }
0x3a1: {  	s1 =	simm.s32 $0x0;
	s4 =	rddreg [dreg:$0x1d]  }
0x3a2: {  	[hbm4b:s4+s1] =	stream.linear.scatter [tilespmem:s11], [sflag:$0x4], $0x6000, $0x38;
	[tilespmem:$0x1E480] =	vst v63  }
0x3a3: {  	_ =	swait.ge [sflag:s26], $0x6000  }
0x3a4: {  	[sflag:s26] =	ssyncset.done $0x0  }
0x3a5: {  	[sflag:s26] =	ssyncadd.s32 $0xFFFFA000  }
0x3a6: {  	v3 =	vld [tilespmem:$0x280];
	_ =	sdelay $0x4  }
0x3a7: {  	v4 =	vshll.u32 v3, $0x3  }
0x3a8: {  	v3 =	vand.u32 $0x7, v3;
	v4 =	vand.u32 $0xFFFFFFC0, v4  }
0x3a9: {  	v3 =	vor.u32 v3, v4  }
0x3aa: {  	v4 =	vperm.xlane v3, v0;
	_ =	sdelay $0x1  }
0x3ab: {  	v4 =	vadd.s32 v1, v4;
	_ =	sdelay $0x4  }
0x3ac: {  	[tilespmem:s11], [sflag:$0x1] =	stream.indirect_vreg.gather [hbm4b:s2+s1], $0x80, v4, vm0, $0xb8;
	[tilespmem:$0x1E480] =	vst v63  }
0x3ad: {  	s5 =	simm.s32 $0xCC00;
	v3 =	vperm.xlane v3, v2  }
0x3ae: {  	[tilespmem:s5], [sflag:$0x1] =	stream.indirect_vreg.gather [hbm4b:s7+s1], $0x80, v4, vm0, $0xb8;
	[tilespmem:$0x1E480] =	vst v63  }
0x3af: {  	s6 =	simm.s32 $0xD400;
	v3 =	vadd.s32 v1, v3  }
0x3b0: {  	[tilespmem:s6], [sflag:$0x1] =	stream.indirect_vreg.gather [hbm4b:s8+s1], $0x80, v4, vm0, $0xb8;
	[tilespmem:$0x1E480] =	vst v63  }
0x3b1: {  	s12 =	simm.s32 $0xDC00  }
0x3b2: {  	[tilespmem:s12], [sflag:$0x1] =	stream.indirect_vreg.gather [hbm4b:s9+s1], $0x80, v4, vm0, $0xb8;
	[tilespmem:$0x1E480] =	vst v63  }
0x3b3: {  	s13 =	simm.s32 $0xE400  }
0x3b4: {  	[tilespmem:s13], [sflag:$0x1] =	stream.indirect_vreg.gather [hbm4b:s2+s1], $0x80, v3, vm0, $0xb8;
	[tilespmem:$0x1E480] =	vst v63  }
0x3b5: {  	_ = 	snop  }
0x3b6: {  	[tilespmem:s16], [sflag:$0x1] =	stream.indirect_vreg.gather [hbm4b:s7+s1], $0x80, v3, vm0, $0xb8;
	[tilespmem:$0x1E480] =	vst v63  }
0x3b7: {  	_ = 	snop  }
0x3b8: {  	[tilespmem:s17], [sflag:$0x1] =	stream.indirect_vreg.gather [hbm4b:s8+s1], $0x80, v3, vm0, $0xb8;
	[tilespmem:$0x1E480] =	vst v63  }
0x3b9: {  	_ = 	snop  }
0x3ba: {  	[tilespmem:s18], [sflag:$0x1] =	stream.indirect_vreg.gather [hbm4b:s9+s1], $0x80, v3, vm0, $0xb8;
	[tilespmem:$0x1E480] =	vst v63  }
0x3bb: {  	v3 =	vld.msk [tilespmem:$0x290], $0xff;
	_ =	sdelay $0x4  }
0x3bc: {  	v63 =	vshll.u32 v3, $0x3  }
0x3bd: {  	v3 =	vand.u32 $0x7, v3;
	v4 =	vand.u32 $0xFFFFFFC0, v63  }
0x3be: {  	v3 =	vor.u32 v3, v4  }
0x3bf: {  	v3 =	vperm.xlane v3, v0;
	_ =	sdelay $0x1  }
0x3c0: {  	v3 =	vadd.s32 v1, v3;
	_ =	sdelay $0x4  }
0x3c1: {  	[tilespmem:s19], [sflag:$0x1] =	stream.indirect_vreg.gather [hbm4b:s2+s1], $0x80, v3, vm0, $0xb8;
	[tilespmem:$0x1E480] =	vst v63  }
0x3c2: {  	_ = 	snop  }
0x3c3: {  	[tilespmem:s20], [sflag:$0x1] =	stream.indirect_vreg.gather [hbm4b:s7+s1], $0x80, v3, vm0, $0xb8;
	[tilespmem:$0x1E480] =	vst v63  }
0x3c4: {  	_ = 	snop  }
0x3c5: {  	[tilespmem:s21], [sflag:$0x1] =	stream.indirect_vreg.gather [hbm4b:s8+s1], $0x80, v3, vm0, $0xb8;
	[tilespmem:$0x1E480] =	vst v63  }
0x3c6: {  	_ = 	snop  }
0x3c7: {  	[tilespmem:s22], [sflag:$0x1] =	stream.indirect_vreg.gather [hbm4b:s9+s1], $0x80, v3, vm0, $0xb8;
	[tilespmem:$0x1E480] =	vst v63  }
0x3c8: {  	_ =	swait.ge [sflag:s28], $0x6000  }
0x3c9: {  	[sflag:s28] =	ssyncset.done $0x0  }
0x3ca: {  	s14 =	rddreg [dreg:$0x16];
	[sflag:s28] =	ssyncadd.s32 $0xFFFFA000  }
0x3cb: {  	[hbm4b:s14+s1] =	stream.linear.scatter [tilespmem:s23], [sflag:$0x5], $0x6000, $0x38;
	[tilespmem:$0x1E480] =	vst v63  }
0x3cc: {  	_ =	swait.ge [sflag:s29], $0x6000  }
0x3cd: {  	[sflag:s29] =	ssyncset.done $0x0  }
0x3ce: {  	s15 =	rddreg [dreg:$0x10];
	[sflag:s29] =	ssyncadd.s32 $0xFFFFA000  }
0x3cf: {  	[tilespmem:s23], [sflag:$0x2] =	stream.linear.gather [hbm4b:s15+s1], $0x2000, $0x38;
	[tilespmem:$0x1E480] =	vst v63  }
0x3d0: {  	_ =	swait.ge [sflag:s30], $0x6000  }
0x3d1: {  	[sflag:s30] =	ssyncset.done $0x0  }
0x3d2: {  	s4 =	simm.s32 $0x0;
	s5 =	simm.s32 $0x0;
	[sflag:s30] =	ssyncadd.s32 $0xFFFFA000  }
.LBB2_42:
0x3d3: {  	s6 =	sand.u32 $0x7, s4  }
0x3d4: {  	s6 =	sshll.u32 s6, $0x9  }
0x3d5: {  	s6 =	sshrl.u32 s6, $0x2  }
0x3d6: {  	v3 =	vmov s6;
	_ =	sdelay $0x2  }
0x3d7: {  	s12 =	sand.u32 $0x3FFFE000, s1  }
0x3d8: {  	s14 =	sor.u32 $0x400, s12  }
0x3d9: {  	v4 =	vld.idx.msk [tilespmem:v3+s14+$0x6070 ss:$0x1], $0xffff  }
0x3da: {  	v5 =	vld.idx.msk [tilespmem:v3+s14+$0x6010 ss:$0x1], $0xffff  }
0x3db: {  	v6 =	vld.idx.msk [tilespmem:v3+s14+$0x6020 ss:$0x1], $0xffff  }
0x3dc: {  	v7 =	vld.idx.msk [tilespmem:v3+s14+$0x6030 ss:$0x1], $0xffff  }
0x3dd: {  	v8 =	vld.idx.msk [tilespmem:v3+s14+$0x6040 ss:$0x1], $0xffff  }
0x3de: {  	s12 =	sadd.s32 $0x18400, s12;
	v9 =	vld.idx.msk [tilespmem:v3+s14+$0x6050 ss:$0x1], $0xffff  }
0x3df: {  	s15 =	sadd.s32 s6, s12;
	v10 =	vld.idx.msk [tilespmem:v3+s14+$0x6000 ss:$0x1], $0xffff  }
0x3e0: {  	[tilespmem:s15+$0x70] =	vst.add.f32.msk $0xffff, v4  }
0x3e1: {  	v4 =	vld.idx.msk [tilespmem:v3+s14+$0x6060 ss:$0x1], $0xffff  }
0x3e2: {  	[tilespmem:s15+$0x10] =	vst.add.f32.msk $0xffff, v5  }
0x3e3: {  	[tilespmem:s15+$0x20] =	vst.add.f32.msk $0xffff, v6  }
0x3e4: {  	[tilespmem:s15+$0x30] =	vst.add.f32.msk $0xffff, v7  }
0x3e5: {  	[tilespmem:s15+$0x40] =	vst.add.f32.msk $0xffff, v8  }
0x3e6: {  	[tilespmem:s15+$0x50] =	vst.add.f32.msk $0xffff, v9  }
0x3e7: {  	[tilespmem:s15+$0x0] =	vst.add.f32.msk $0xffff, v10  }
0x3e8: {  	s13 =	simm.s32 $0x0;
	s14 =	sadd.s32 $0x400, s14;
	[tilespmem:s15+$0x60] =	vst.add.f32.msk $0xffff, v4  }
.LBB2_43:
0x3e9: {  	v4 =	vld.idx.msk [tilespmem:v3+s14+$0x6070 ss:$0x1], $0xffff;
	s13 =	sadd.s32 $0x8, s13  }
0x3ea: {  	v5 =	vld.idx.msk [tilespmem:v3+s14+$0x6010 ss:$0x1], $0xffff;
	p0 =	slt.u32 s13, $0x38  }
0x3eb: {  	v6 =	vld.idx.msk [tilespmem:v3+s14+$0x6020 ss:$0x1], $0xffff  }
0x3ec: {  	v7 =	vld.idx.msk [tilespmem:v3+s14+$0x6030 ss:$0x1], $0xffff  }
0x3ed: {  	s12 =	sadd.s32 $0x400, s12;
	v8 =	vld.idx.msk [tilespmem:v3+s14+$0x6040 ss:$0x1], $0xffff  }
0x3ee: {  	s15 =	sadd.s32 s6, s12;
	v9 =	vld.idx.msk [tilespmem:v3+s14+$0x6050 ss:$0x1], $0xffff  }
0x3ef: {  	[tilespmem:s15+$0x70] =	vst.add.f32.msk $0xffff, v4  }
0x3f0: {  	v4 =	vld.idx.msk [tilespmem:v3+s14+$0x6060 ss:$0x1], $0xffff  }
0x3f1: {  	v10 =	vld.idx.msk [tilespmem:v3+s14+$0x6000 ss:$0x1], $0xffff  }
0x3f2: {  	[tilespmem:s15+$0x10] =	vst.add.f32.msk $0xffff, v5  }
0x3f3: {  	[tilespmem:s15+$0x20] =	vst.add.f32.msk $0xffff, v6  }
.Ltmp20:
0x3f4: {  	[tilespmem:s15+$0x30] =	vst.add.f32.msk $0xffff, v7;
	(pc) =	sbr.rel @p0 .LBB2_43-.Ltmp20, $4  }
0x3f5: {  	[tilespmem:s15+$0x40] =	vst.add.f32.msk $0xffff, v8  }
0x3f6: {  	[tilespmem:s15+$0x50] =	vst.add.f32.msk $0xffff, v9  }
0x3f7: {  	[tilespmem:s15+$0x0] =	vst.add.f32.msk $0xffff, v10  }
0x3f8: {  	s14 =	sadd.s32 $0x400, s14;
	[tilespmem:s15+$0x60] =	vst.add.f32.msk $0xffff, v4  }
0x3f9: {  	s5 =	sadd.s32 $0x1, s5  }
0x3fa: {  	p0 =	sne.s32 s5, $0x18  }
.Ltmp21:
0x3fb: {  	_ = 	snop;
	(pc) =	sbr.rel @p0 .LBB2_42-.Ltmp21, $2  }
0x3fc: {  	_ =	sdelay $0x2  }
0x3fd: {  	s4 =	sadd.s32 $0x1, s4;
	s1 =	sadd.s32 $0x400, s1  }
0x3fe: {  	s1 =	simm.s32 $0x0;
	s4 =	rddreg [dreg:$0x1c]  }
0x3ff: {  	[hbm4b:s4+s1] =	stream.linear.scatter [tilespmem:s24], [sflag:$0x6], $0x6000, $0x38;
	[tilespmem:$0x1E480] =	vst v63  }
0x400: {  	_ =	swait.ge [sflag:s31], $0x6000  }
0x401: {  	[sflag:s31] =	ssyncset.done $0x0  }
0x402: {  	[sflag:s31] =	ssyncadd.s32 $0xFFFFA000  }
0x403: {  	v3 =	vld [tilespmem:$0x298];
	_ =	sdelay $0x4  }
0x404: {  	v4 =	vshll.u32 v3, $0x3  }
0x405: {  	v3 =	vand.u32 $0x7, v3;
	v4 =	vand.u32 $0xFFFFFFC0, v4  }
0x406: {  	v3 =	vor.u32 v3, v4  }
0x407: {  	v4 =	vperm.xlane v3, v0;
	_ =	sdelay $0x1  }
0x408: {  	v4 =	vadd.s32 v1, v4;
	_ =	sdelay $0x4  }
0x409: {  	[tilespmem:s24], [sflag:$0x3] =	stream.indirect_vreg.gather [hbm4b:s2+s1], $0x80, v4, vm0, $0xb8;
	[tilespmem:$0x1E480] =	vst v63  }
0x40a: {  	s6 =	simm.s32 $0x18C00;
	v3 =	vperm.xlane v3, v2  }
0x40b: {  	[tilespmem:s6], [sflag:$0x3] =	stream.indirect_vreg.gather [hbm4b:s7+s1], $0x80, v4, vm0, $0xb8;
	[tilespmem:$0x1E480] =	vst v63  }
0x40c: {  	s12 =	simm.s32 $0x19400;
	v3 =	vadd.s32 v1, v3  }
0x40d: {  	[tilespmem:s12], [sflag:$0x3] =	stream.indirect_vreg.gather [hbm4b:s8+s1], $0x80, v4, vm0, $0xb8;
	[tilespmem:$0x1E480] =	vst v63  }
0x40e: {  	s13 =	simm.s32 $0x19C00  }
0x40f: {  	[tilespmem:s13], [sflag:$0x3] =	stream.indirect_vreg.gather [hbm4b:s9+s1], $0x80, v4, vm0, $0xb8;
	[tilespmem:$0x1E480] =	vst v63  }
0x410: {  	s14 =	simm.s32 $0x1A400  }
0x411: {  	[tilespmem:s14], [sflag:$0x3] =	stream.indirect_vreg.gather [hbm4b:s2+s1], $0x80, v3, vm0, $0xb8;
	[tilespmem:$0x1E480] =	vst v63  }
0x412: {  	s15 =	simm.s32 $0x1AC00  }
0x413: {  	[tilespmem:s15], [sflag:$0x3] =	stream.indirect_vreg.gather [hbm4b:s7+s1], $0x80, v3, vm0, $0xb8;
	[tilespmem:$0x1E480] =	vst v63  }
0x414: {  	s5 =	simm.s32 $0x1B400  }
0x415: {  	[tilespmem:s5], [sflag:$0x3] =	stream.indirect_vreg.gather [hbm4b:s8+s1], $0x80, v3, vm0, $0xb8;
	[tilespmem:$0x1E480] =	vst v63  }
0x416: {  	s6 =	simm.s32 $0x1BC00  }
0x417: {  	[tilespmem:s6], [sflag:$0x3] =	stream.indirect_vreg.gather [hbm4b:s9+s1], $0x80, v3, vm0, $0xb8;
	[tilespmem:$0x1E480] =	vst v63  }
0x418: {  	v3 =	vld.msk [tilespmem:$0x2A8], $0xff;
	_ =	sdelay $0x4  }
0x419: {  	v63 =	vshll.u32 v3, $0x3  }
0x41a: {  	v3 =	vand.u32 $0x7, v3;
	v4 =	vand.u32 $0xFFFFFFC0, v63  }
0x41b: {  	v3 =	vor.u32 v3, v4  }
0x41c: {  	v3 =	vperm.xlane v3, v0;
	_ =	sdelay $0x1  }
0x41d: {  	v3 =	vadd.s32 v1, v3;
	_ =	sdelay $0x3  }
0x41e: {  	s12 =	simm.s32 $0x1C400  }
0x41f: {  	[tilespmem:s12], [sflag:$0x3] =	stream.indirect_vreg.gather [hbm4b:s2+s1], $0x80, v3, vm0, $0xb8;
	[tilespmem:$0x1E480] =	vst v63  }
0x420: {  	s13 =	simm.s32 $0x1CC00  }
0x421: {  	[tilespmem:s13], [sflag:$0x3] =	stream.indirect_vreg.gather [hbm4b:s7+s1], $0x80, v3, vm0, $0xb8;
	[tilespmem:$0x1E480] =	vst v63  }
0x422: {  	s14 =	simm.s32 $0x1D400  }
0x423: {  	[tilespmem:s14], [sflag:$0x3] =	stream.indirect_vreg.gather [hbm4b:s8+s1], $0x80, v3, vm0, $0xb8;
	[tilespmem:$0x1E480] =	vst v63  }
0x424: {  	s15 =	simm.s32 $0x1DC00  }
0x425: {  	[tilespmem:s15], [sflag:$0x3] =	stream.indirect_vreg.gather [hbm4b:s9+s1], $0x80, v3, vm0, $0xb8;
	[tilespmem:$0x1E480] =	vst v63  }
0x426: {  	_ =	swait.ge [sflag:s25], $0x6000  }
0x427: {  	[sflag:s25] =	ssyncset.done $0x0  }
0x428: {  	s4 =	simm.s32 $0x0;
	s5 =	simm.s32 $0x0;
	[sflag:s25] =	ssyncadd.s32 $0xFFFFA000  }
.LBB2_46:
0x429: {  	s6 =	sand.u32 $0x7, s4  }
0x42a: {  	s6 =	sshll.u32 s6, $0x9  }
0x42b: {  	s6 =	sshrl.u32 s6, $0x2  }
0x42c: {  	v3 =	vmov s6;
	_ =	sdelay $0x2  }
0x42d: {  	s12 =	sand.u32 $0x3FFFE000, s1  }
0x42e: {  	s14 =	sor.u32 $0x440, s12  }
0x42f: {  	v4 =	vld.idx.msk [tilespmem:v3+s14+$0x30 ss:$0x1], $0xffff  }
0x430: {  	v5 =	vld.idx.msk [tilespmem:v3+s14+$0xFFFFFFD0 ss:$0x1], $0xffff  }
0x431: {  	v6 =	vld.idx.msk [tilespmem:v3+s14+$0xFFFFFFE0 ss:$0x1], $0xffff  }
0x432: {  	v7 =	vld.idx.msk [tilespmem:v3+s14+$0xFFFFFFF0 ss:$0x1], $0xffff  }
0x433: {  	v8 =	vld.idx.msk [tilespmem:v3+s14+$0x0 ss:$0x1], $0xffff  }
0x434: {  	s12 =	sadd.s32 $0xC400, s12;
	v9 =	vld.idx.msk [tilespmem:v3+s14+$0x10 ss:$0x1], $0xffff  }
0x435: {  	s15 =	sadd.s32 s6, s12;
	v10 =	vld.idx.msk [tilespmem:v3+s14+$0xFFFFFFC0 ss:$0x1], $0xffff  }
0x436: {  	[tilespmem:s15+$0x70] =	vst.add.f32.msk $0xffff, v4  }
0x437: {  	v4 =	vld.idx.msk [tilespmem:v3+s14+$0x20 ss:$0x1], $0xffff  }
0x438: {  	[tilespmem:s15+$0x10] =	vst.add.f32.msk $0xffff, v5  }
0x439: {  	[tilespmem:s15+$0x20] =	vst.add.f32.msk $0xffff, v6  }
0x43a: {  	[tilespmem:s15+$0x30] =	vst.add.f32.msk $0xffff, v7  }
0x43b: {  	[tilespmem:s15+$0x40] =	vst.add.f32.msk $0xffff, v8  }
0x43c: {  	[tilespmem:s15+$0x50] =	vst.add.f32.msk $0xffff, v9  }
0x43d: {  	[tilespmem:s15+$0x0] =	vst.add.f32.msk $0xffff, v10  }
0x43e: {  	s13 =	simm.s32 $0x0;
	s14 =	sadd.s32 $0x400, s14;
	[tilespmem:s15+$0x60] =	vst.add.f32.msk $0xffff, v4  }
.LBB2_47:
0x43f: {  	v4 =	vld.idx.msk [tilespmem:v3+s14+$0x30 ss:$0x1], $0xffff;
	s13 =	sadd.s32 $0x8, s13  }
0x440: {  	v5 =	vld.idx.msk [tilespmem:v3+s14+$0xFFFFFFD0 ss:$0x1], $0xffff;
	p0 =	slt.u32 s13, $0x38  }
0x441: {  	v6 =	vld.idx.msk [tilespmem:v3+s14+$0xFFFFFFE0 ss:$0x1], $0xffff  }
0x442: {  	v7 =	vld.idx.msk [tilespmem:v3+s14+$0xFFFFFFF0 ss:$0x1], $0xffff  }
0x443: {  	s12 =	sadd.s32 $0x400, s12;
	v8 =	vld.idx.msk [tilespmem:v3+s14+$0x0 ss:$0x1], $0xffff  }
0x444: {  	s15 =	sadd.s32 s6, s12;
	v9 =	vld.idx.msk [tilespmem:v3+s14+$0x10 ss:$0x1], $0xffff  }
0x445: {  	[tilespmem:s15+$0x70] =	vst.add.f32.msk $0xffff, v4  }
0x446: {  	v4 =	vld.idx.msk [tilespmem:v3+s14+$0x20 ss:$0x1], $0xffff  }
0x447: {  	v10 =	vld.idx.msk [tilespmem:v3+s14+$0xFFFFFFC0 ss:$0x1], $0xffff  }
0x448: {  	[tilespmem:s15+$0x10] =	vst.add.f32.msk $0xffff, v5  }
0x449: {  	[tilespmem:s15+$0x20] =	vst.add.f32.msk $0xffff, v6  }
.Ltmp22:
0x44a: {  	[tilespmem:s15+$0x30] =	vst.add.f32.msk $0xffff, v7;
	(pc) =	sbr.rel @p0 .LBB2_47-.Ltmp22, $4  }
0x44b: {  	[tilespmem:s15+$0x40] =	vst.add.f32.msk $0xffff, v8  }
0x44c: {  	[tilespmem:s15+$0x50] =	vst.add.f32.msk $0xffff, v9  }
0x44d: {  	[tilespmem:s15+$0x0] =	vst.add.f32.msk $0xffff, v10  }
0x44e: {  	s14 =	sadd.s32 $0x400, s14;
	[tilespmem:s15+$0x60] =	vst.add.f32.msk $0xffff, v4  }
0x44f: {  	s5 =	sadd.s32 $0x1, s5  }
0x450: {  	p0 =	sne.s32 s5, $0x18  }
.Ltmp23:
0x451: {  	_ = 	snop;
	(pc) =	sbr.rel @p0 .LBB2_46-.Ltmp23, $2  }
0x452: {  	_ =	sdelay $0x2  }
0x453: {  	s4 =	sadd.s32 $0x1, s4;
	s1 =	sadd.s32 $0x400, s1  }
0x454: {  	s1 =	simm.s32 $0x0;
	s4 =	rddreg [dreg:$0x1e]  }
0x455: {  	[hbm4b:s4+s1] =	stream.linear.scatter [tilespmem:s11], [sflag:$0x4], $0x6000, $0x38;
	[tilespmem:$0x1E480] =	vst v63  }
0x456: {  	_ =	swait.ge [sflag:s26], $0x6000  }
0x457: {  	[sflag:s26] =	ssyncset.done $0x0  }
0x458: {  	[sflag:s26] =	ssyncadd.s32 $0xFFFFA000  }
0x459: {  	v3 =	vld [tilespmem:$0x300];
	_ =	sdelay $0x4  }
0x45a: {  	v4 =	vshll.u32 v3, $0x3  }
0x45b: {  	v3 =	vand.u32 $0x7, v3;
	v4 =	vand.u32 $0xFFFFFFC0, v4  }
0x45c: {  	v3 =	vor.u32 v3, v4  }
0x45d: {  	v4 =	vperm.xlane v3, v0;
	_ =	sdelay $0x1  }
0x45e: {  	v4 =	vadd.s32 v1, v4;
	_ =	sdelay $0x4  }
0x45f: {  	[tilespmem:s11], [sflag:$0x1] =	stream.indirect_vreg.gather [hbm4b:s2+s1], $0x80, v4, vm0, $0xb8;
	[tilespmem:$0x1E480] =	vst v63  }
0x460: {  	s12 =	simm.s32 $0xCC00;
	v3 =	vperm.xlane v3, v2  }
0x461: {  	[tilespmem:s12], [sflag:$0x1] =	stream.indirect_vreg.gather [hbm4b:s7+s1], $0x80, v4, vm0, $0xb8;
	[tilespmem:$0x1E480] =	vst v63  }
0x462: {  	s13 =	simm.s32 $0xD400;
	v3 =	vadd.s32 v1, v3  }
0x463: {  	[tilespmem:s13], [sflag:$0x1] =	stream.indirect_vreg.gather [hbm4b:s8+s1], $0x80, v4, vm0, $0xb8;
	[tilespmem:$0x1E480] =	vst v63  }
0x464: {  	s14 =	simm.s32 $0xDC00  }
0x465: {  	[tilespmem:s14], [sflag:$0x1] =	stream.indirect_vreg.gather [hbm4b:s9+s1], $0x80, v4, vm0, $0xb8;
	[tilespmem:$0x1E480] =	vst v63  }
0x466: {  	s15 =	simm.s32 $0xE400  }
0x467: {  	[tilespmem:s15], [sflag:$0x1] =	stream.indirect_vreg.gather [hbm4b:s2+s1], $0x80, v3, vm0, $0xb8;
	[tilespmem:$0x1E480] =	vst v63  }
0x468: {  	_ = 	snop  }
0x469: {  	[tilespmem:s16], [sflag:$0x1] =	stream.indirect_vreg.gather [hbm4b:s7+s1], $0x80, v3, vm0, $0xb8;
	[tilespmem:$0x1E480] =	vst v63  }
0x46a: {  	_ = 	snop  }
0x46b: {  	[tilespmem:s17], [sflag:$0x1] =	stream.indirect_vreg.gather [hbm4b:s8+s1], $0x80, v3, vm0, $0xb8;
	[tilespmem:$0x1E480] =	vst v63  }
0x46c: {  	_ = 	snop  }
0x46d: {  	[tilespmem:s18], [sflag:$0x1] =	stream.indirect_vreg.gather [hbm4b:s9+s1], $0x80, v3, vm0, $0xb8;
	[tilespmem:$0x1E480] =	vst v63  }
0x46e: {  	v3 =	vld.msk [tilespmem:$0x310], $0xff;
	_ =	sdelay $0x4  }
0x46f: {  	v61 =	vshll.u32 v3, $0x3  }
0x470: {  	v3 =	vand.u32 $0x7, v3;
	v4 =	vand.u32 $0xFFFFFFC0, v61  }
0x471: {  	v3 =	vor.u32 v3, v4  }
0x472: {  	v3 =	vperm.xlane v3, v0;
	_ =	sdelay $0x1  }
0x473: {  	v3 =	vadd.s32 v1, v3;
	_ =	sdelay $0x4  }
0x474: {  	[tilespmem:s19], [sflag:$0x1] =	stream.indirect_vreg.gather [hbm4b:s2+s1], $0x80, v3, vm0, $0xb8;
	[tilespmem:$0x1E480] =	vst v63  }
0x475: {  	_ = 	snop  }
0x476: {  	[tilespmem:s20], [sflag:$0x1] =	stream.indirect_vreg.gather [hbm4b:s7+s1], $0x80, v3, vm0, $0xb8;
	[tilespmem:$0x1E480] =	vst v63  }
0x477: {  	_ = 	snop  }
0x478: {  	[tilespmem:s21], [sflag:$0x1] =	stream.indirect_vreg.gather [hbm4b:s8+s1], $0x80, v3, vm0, $0xb8;
	[tilespmem:$0x1E480] =	vst v63  }
0x479: {  	_ = 	snop  }
0x47a: {  	[tilespmem:s22], [sflag:$0x1] =	stream.indirect_vreg.gather [hbm4b:s9+s1], $0x80, v3, vm0, $0xb8;
	[tilespmem:$0x1E480] =	vst v63  }
0x47b: {  	_ =	swait.ge [sflag:s28], $0x2000  }
0x47c: {  	[sflag:s28] =	ssyncset.done $0x0  }
0x47d: {  	s5 =	rddreg [dreg:$0x17];
	[sflag:s28] =	ssyncadd.s32 $0xFFFFE000  }
0x47e: {  	[hbm4b:s5+s1] =	stream.linear.scatter [tilespmem:s23], [sflag:$0x5], $0x2000, $0x38;
	[tilespmem:$0x1E480] =	vst v63  }
0x47f: {  	_ =	swait.ge [sflag:s29], $0x2000  }
0x480: {  	[sflag:s29] =	ssyncset.done $0x0  }
0x481: {  	[sflag:s29] =	ssyncadd.s32 $0xFFFFE000  }
0x482: {  	v3 =	vld [tilespmem:$0x318];
	_ =	sdelay $0x4  }
0x483: {  	v62 =	vshll.u32 v3, $0x3  }
0x484: {  	v3 =	vand.u32 $0x7, v3;
	v4 =	vand.u32 $0xFFFFFFC0, v62  }
0x485: {  	v3 =	vor.u32 v3, v4  }
0x486: {  	v4 =	vperm.xlane v3, v0;
	_ =	sdelay $0x1  }
0x487: {  	v4 =	vadd.s32 v1, v4;
	_ =	sdelay $0x4  }
0x488: {  	[tilespmem:s23], [sflag:$0x2] =	stream.indirect_vreg.gather [hbm4b:s2+s1], $0x80, v4, vm0, $0xb8;
	[tilespmem:$0x1E480] =	vst v63  }
0x489: {  	s6 =	simm.s32 $0x12C00;
	v3 =	vperm.xlane v3, v2  }
0x48a: {  	[tilespmem:s6], [sflag:$0x2] =	stream.indirect_vreg.gather [hbm4b:s7+s1], $0x80, v4, vm0, $0xb8;
	[tilespmem:$0x1E480] =	vst v63  }
0x48b: {  	s12 =	simm.s32 $0x13400;
	v3 =	vadd.s32 v1, v3  }
0x48c: {  	[tilespmem:s12], [sflag:$0x2] =	stream.indirect_vreg.gather [hbm4b:s8+s1], $0x80, v4, vm0, $0xb8;
	[tilespmem:$0x1E480] =	vst v63  }
0x48d: {  	s13 =	simm.s32 $0x13C00  }
0x48e: {  	[tilespmem:s13], [sflag:$0x2] =	stream.indirect_vreg.gather [hbm4b:s9+s1], $0x80, v4, vm0, $0xb8;
	[tilespmem:$0x1E480] =	vst v63  }
0x48f: {  	s14 =	simm.s32 $0x14400  }
0x490: {  	[tilespmem:s14], [sflag:$0x2] =	stream.indirect_vreg.gather [hbm4b:s2+s1], $0x80, v3, vm0, $0xb8;
	[tilespmem:$0x1E480] =	vst v63  }
0x491: {  	s15 =	simm.s32 $0x14C00  }
0x492: {  	[tilespmem:s15], [sflag:$0x2] =	stream.indirect_vreg.gather [hbm4b:s7+s1], $0x80, v3, vm0, $0xb8;
	[tilespmem:$0x1E480] =	vst v63  }
0x493: {  	s5 =	simm.s32 $0x15400  }
0x494: {  	[tilespmem:s5], [sflag:$0x2] =	stream.indirect_vreg.gather [hbm4b:s8+s1], $0x80, v3, vm0, $0xb8;
	[tilespmem:$0x1E480] =	vst v63  }
0x495: {  	s6 =	simm.s32 $0x15C00  }
0x496: {  	[tilespmem:s6], [sflag:$0x2] =	stream.indirect_vreg.gather [hbm4b:s9+s1], $0x80, v3, vm0, $0xb8;
	[tilespmem:$0x1E480] =	vst v63  }
0x497: {  	v3 =	vld.msk [tilespmem:$0x328], $0xff;
	_ =	sdelay $0x4  }
0x498: {  	v63 =	vshll.u32 v3, $0x3  }
0x499: {  	v3 =	vand.u32 $0x7, v3;
	v4 =	vand.u32 $0xFFFFFFC0, v63  }
0x49a: {  	v3 =	vor.u32 v3, v4  }
0x49b: {  	v3 =	vperm.xlane v3, v0;
	_ =	sdelay $0x1  }
0x49c: {  	v3 =	vadd.s32 v1, v3;
	_ =	sdelay $0x3  }
0x49d: {  	s12 =	simm.s32 $0x16400  }
0x49e: {  	[tilespmem:s12], [sflag:$0x2] =	stream.indirect_vreg.gather [hbm4b:s2+s1], $0x80, v3, vm0, $0xb8;
	[tilespmem:$0x1E480] =	vst v63  }
0x49f: {  	s13 =	simm.s32 $0x16C00  }
0x4a0: {  	[tilespmem:s13], [sflag:$0x2] =	stream.indirect_vreg.gather [hbm4b:s7+s1], $0x80, v3, vm0, $0xb8;
	[tilespmem:$0x1E480] =	vst v63  }
0x4a1: {  	s14 =	simm.s32 $0x17400  }
0x4a2: {  	[tilespmem:s14], [sflag:$0x2] =	stream.indirect_vreg.gather [hbm4b:s8+s1], $0x80, v3, vm0, $0xb8;
	[tilespmem:$0x1E480] =	vst v63  }
0x4a3: {  	s15 =	simm.s32 $0x17C00  }
0x4a4: {  	[tilespmem:s15], [sflag:$0x2] =	stream.indirect_vreg.gather [hbm4b:s9+s1], $0x80, v3, vm0, $0xb8;
	[tilespmem:$0x1E480] =	vst v63  }
0x4a5: {  	_ =	swait.ge [sflag:s30], $0x6000  }
0x4a6: {  	[sflag:s30] =	ssyncset.done $0x0  }
0x4a7: {  	s4 =	simm.s32 $0x0;
	s5 =	simm.s32 $0x0;
	[sflag:s30] =	ssyncadd.s32 $0xFFFFA000  }
.LBB2_50:
0x4a8: {  	s6 =	sand.u32 $0x7, s4  }
0x4a9: {  	s6 =	sshll.u32 s6, $0x9  }
0x4aa: {  	s6 =	sshrl.u32 s6, $0x2  }
0x4ab: {  	v3 =	vmov s6;
	_ =	sdelay $0x2  }
0x4ac: {  	s12 =	sand.u32 $0x3FFFE000, s1  }
0x4ad: {  	s14 =	sor.u32 $0x400, s12  }
0x4ae: {  	v4 =	vld.idx.msk [tilespmem:v3+s14+$0x6070 ss:$0x1], $0xffff  }
0x4af: {  	v5 =	vld.idx.msk [tilespmem:v3+s14+$0x6010 ss:$0x1], $0xffff  }
0x4b0: {  	v6 =	vld.idx.msk [tilespmem:v3+s14+$0x6020 ss:$0x1], $0xffff  }
0x4b1: {  	v7 =	vld.idx.msk [tilespmem:v3+s14+$0x6030 ss:$0x1], $0xffff  }
0x4b2: {  	v8 =	vld.idx.msk [tilespmem:v3+s14+$0x6040 ss:$0x1], $0xffff  }
0x4b3: {  	s12 =	sadd.s32 $0x18400, s12;
	v9 =	vld.idx.msk [tilespmem:v3+s14+$0x6050 ss:$0x1], $0xffff  }
0x4b4: {  	s15 =	sadd.s32 s6, s12;
	v10 =	vld.idx.msk [tilespmem:v3+s14+$0x6000 ss:$0x1], $0xffff  }
0x4b5: {  	[tilespmem:s15+$0x70] =	vst.add.f32.msk $0xffff, v4  }
0x4b6: {  	v4 =	vld.idx.msk [tilespmem:v3+s14+$0x6060 ss:$0x1], $0xffff  }
0x4b7: {  	[tilespmem:s15+$0x10] =	vst.add.f32.msk $0xffff, v5  }
0x4b8: {  	[tilespmem:s15+$0x20] =	vst.add.f32.msk $0xffff, v6  }
0x4b9: {  	[tilespmem:s15+$0x30] =	vst.add.f32.msk $0xffff, v7  }
0x4ba: {  	[tilespmem:s15+$0x40] =	vst.add.f32.msk $0xffff, v8  }
0x4bb: {  	[tilespmem:s15+$0x50] =	vst.add.f32.msk $0xffff, v9  }
0x4bc: {  	[tilespmem:s15+$0x0] =	vst.add.f32.msk $0xffff, v10  }
0x4bd: {  	s13 =	simm.s32 $0x0;
	s14 =	sadd.s32 $0x400, s14;
	[tilespmem:s15+$0x60] =	vst.add.f32.msk $0xffff, v4  }
.LBB2_51:
0x4be: {  	v4 =	vld.idx.msk [tilespmem:v3+s14+$0x6070 ss:$0x1], $0xffff;
	s13 =	sadd.s32 $0x8, s13  }
0x4bf: {  	v5 =	vld.idx.msk [tilespmem:v3+s14+$0x6010 ss:$0x1], $0xffff;
	p0 =	slt.u32 s13, $0x38  }
0x4c0: {  	v6 =	vld.idx.msk [tilespmem:v3+s14+$0x6020 ss:$0x1], $0xffff  }
0x4c1: {  	v7 =	vld.idx.msk [tilespmem:v3+s14+$0x6030 ss:$0x1], $0xffff  }
0x4c2: {  	s12 =	sadd.s32 $0x400, s12;
	v8 =	vld.idx.msk [tilespmem:v3+s14+$0x6040 ss:$0x1], $0xffff  }
0x4c3: {  	s15 =	sadd.s32 s6, s12;
	v9 =	vld.idx.msk [tilespmem:v3+s14+$0x6050 ss:$0x1], $0xffff  }
0x4c4: {  	[tilespmem:s15+$0x70] =	vst.add.f32.msk $0xffff, v4  }
0x4c5: {  	v4 =	vld.idx.msk [tilespmem:v3+s14+$0x6060 ss:$0x1], $0xffff  }
0x4c6: {  	v10 =	vld.idx.msk [tilespmem:v3+s14+$0x6000 ss:$0x1], $0xffff  }
0x4c7: {  	[tilespmem:s15+$0x10] =	vst.add.f32.msk $0xffff, v5  }
0x4c8: {  	[tilespmem:s15+$0x20] =	vst.add.f32.msk $0xffff, v6  }
.Ltmp24:
0x4c9: {  	[tilespmem:s15+$0x30] =	vst.add.f32.msk $0xffff, v7;
	(pc) =	sbr.rel @p0 .LBB2_51-.Ltmp24, $4  }
0x4ca: {  	[tilespmem:s15+$0x40] =	vst.add.f32.msk $0xffff, v8  }
0x4cb: {  	[tilespmem:s15+$0x50] =	vst.add.f32.msk $0xffff, v9  }
0x4cc: {  	[tilespmem:s15+$0x0] =	vst.add.f32.msk $0xffff, v10  }
0x4cd: {  	s14 =	sadd.s32 $0x400, s14;
	[tilespmem:s15+$0x60] =	vst.add.f32.msk $0xffff, v4  }
0x4ce: {  	s5 =	sadd.s32 $0x1, s5  }
0x4cf: {  	p0 =	sne.s32 s5, $0x18  }
.Ltmp25:
0x4d0: {  	_ = 	snop;
	(pc) =	sbr.rel @p0 .LBB2_50-.Ltmp25, $2  }
0x4d1: {  	_ =	sdelay $0x2  }
0x4d2: {  	s4 =	sadd.s32 $0x1, s4;
	s1 =	sadd.s32 $0x400, s1  }
0x4d3: {  	s1 =	simm.s32 $0x0;
	s4 =	rddreg [dreg:$0x1f]  }
0x4d4: {  	[hbm4b:s4+s1] =	stream.linear.scatter [tilespmem:s24], [sflag:$0x6], $0x6000, $0x38;
	[tilespmem:$0x1E480] =	vst v63  }
0x4d5: {  	_ =	swait.ge [sflag:s31], $0x6000  }
0x4d6: {  	[sflag:s31] =	ssyncset.done $0x0  }
0x4d7: {  	[sflag:s31] =	ssyncadd.s32 $0xFFFFA000  }
0x4d8: {  	v3 =	vld [tilespmem:$0x380];
	_ =	sdelay $0x4  }
0x4d9: {  	v4 =	vshll.u32 v3, $0x3  }
0x4da: {  	v3 =	vand.u32 $0x7, v3;
	v4 =	vand.u32 $0xFFFFFFC0, v4  }
0x4db: {  	v3 =	vor.u32 v3, v4  }
0x4dc: {  	v4 =	vperm.xlane v3, v0;
	_ =	sdelay $0x1  }
0x4dd: {  	v4 =	vadd.s32 v1, v4;
	_ =	sdelay $0x4  }
0x4de: {  	[tilespmem:s24], [sflag:$0x3] =	stream.indirect_vreg.gather [hbm4b:s2+s1], $0x80, v4, vm0, $0xb8;
	[tilespmem:$0x1E480] =	vst v63  }
0x4df: {  	s6 =	simm.s32 $0x18C00;
	v3 =	vperm.xlane v3, v2  }
0x4e0: {  	[tilespmem:s6], [sflag:$0x3] =	stream.indirect_vreg.gather [hbm4b:s7+s1], $0x80, v4, vm0, $0xb8;
	[tilespmem:$0x1E480] =	vst v63  }
0x4e1: {  	s12 =	simm.s32 $0x19400;
	v3 =	vadd.s32 v1, v3  }
0x4e2: {  	[tilespmem:s12], [sflag:$0x3] =	stream.indirect_vreg.gather [hbm4b:s8+s1], $0x80, v4, vm0, $0xb8;
	[tilespmem:$0x1E480] =	vst v63  }
0x4e3: {  	s13 =	simm.s32 $0x19C00  }
0x4e4: {  	[tilespmem:s13], [sflag:$0x3] =	stream.indirect_vreg.gather [hbm4b:s9+s1], $0x80, v4, vm0, $0xb8;
	[tilespmem:$0x1E480] =	vst v63  }
0x4e5: {  	s14 =	simm.s32 $0x1A400  }
0x4e6: {  	[tilespmem:s14], [sflag:$0x3] =	stream.indirect_vreg.gather [hbm4b:s2+s1], $0x80, v3, vm0, $0xb8;
	[tilespmem:$0x1E480] =	vst v63  }
0x4e7: {  	s15 =	simm.s32 $0x1AC00  }
0x4e8: {  	[tilespmem:s15], [sflag:$0x3] =	stream.indirect_vreg.gather [hbm4b:s7+s1], $0x80, v3, vm0, $0xb8;
	[tilespmem:$0x1E480] =	vst v63  }
0x4e9: {  	s5 =	simm.s32 $0x1B400  }
0x4ea: {  	[tilespmem:s5], [sflag:$0x3] =	stream.indirect_vreg.gather [hbm4b:s8+s1], $0x80, v3, vm0, $0xb8;
	[tilespmem:$0x1E480] =	vst v63  }
0x4eb: {  	s6 =	simm.s32 $0x1BC00  }
0x4ec: {  	[tilespmem:s6], [sflag:$0x3] =	stream.indirect_vreg.gather [hbm4b:s9+s1], $0x80, v3, vm0, $0xb8;
	[tilespmem:$0x1E480] =	vst v63  }
0x4ed: {  	v3 =	vld.msk [tilespmem:$0x390], $0xff;
	_ =	sdelay $0x4  }
0x4ee: {  	v63 =	vshll.u32 v3, $0x3  }
0x4ef: {  	v3 =	vand.u32 $0x7, v3;
	v4 =	vand.u32 $0xFFFFFFC0, v63  }
0x4f0: {  	v3 =	vor.u32 v3, v4  }
0x4f1: {  	v3 =	vperm.xlane v3, v0;
	_ =	sdelay $0x1  }
0x4f2: {  	v3 =	vadd.s32 v1, v3;
	_ =	sdelay $0x3  }
0x4f3: {  	s12 =	simm.s32 $0x1C400  }
0x4f4: {  	[tilespmem:s12], [sflag:$0x3] =	stream.indirect_vreg.gather [hbm4b:s2+s1], $0x80, v3, vm0, $0xb8;
	[tilespmem:$0x1E480] =	vst v63  }
0x4f5: {  	s13 =	simm.s32 $0x1CC00  }
0x4f6: {  	[tilespmem:s13], [sflag:$0x3] =	stream.indirect_vreg.gather [hbm4b:s7+s1], $0x80, v3, vm0, $0xb8;
	[tilespmem:$0x1E480] =	vst v63  }
0x4f7: {  	s14 =	simm.s32 $0x1D400  }
0x4f8: {  	[tilespmem:s14], [sflag:$0x3] =	stream.indirect_vreg.gather [hbm4b:s8+s1], $0x80, v3, vm0, $0xb8;
	[tilespmem:$0x1E480] =	vst v63  }
0x4f9: {  	s15 =	simm.s32 $0x1DC00  }
0x4fa: {  	[tilespmem:s15], [sflag:$0x3] =	stream.indirect_vreg.gather [hbm4b:s9+s1], $0x80, v3, vm0, $0xb8;
	[tilespmem:$0x1E480] =	vst v63  }
0x4fb: {  	_ =	swait.ge [sflag:s25], $0x6000  }
0x4fc: {  	[sflag:s25] =	ssyncset.done $0x0  }
0x4fd: {  	s4 =	simm.s32 $0x0;
	s5 =	simm.s32 $0x0;
	[sflag:s25] =	ssyncadd.s32 $0xFFFFA000  }
.LBB2_54:
0x4fe: {  	s6 =	sand.u32 $0x7, s4  }
0x4ff: {  	s6 =	sshll.u32 s6, $0x9  }
0x500: {  	s6 =	sshrl.u32 s6, $0x2  }
0x501: {  	v3 =	vmov s6;
	_ =	sdelay $0x2  }
0x502: {  	s12 =	sand.u32 $0x3FFFE000, s1  }
0x503: {  	s14 =	sor.u32 $0x440, s12  }
0x504: {  	v4 =	vld.idx.msk [tilespmem:v3+s14+$0x30 ss:$0x1], $0xffff  }
0x505: {  	v5 =	vld.idx.msk [tilespmem:v3+s14+$0xFFFFFFD0 ss:$0x1], $0xffff  }
0x506: {  	v6 =	vld.idx.msk [tilespmem:v3+s14+$0xFFFFFFE0 ss:$0x1], $0xffff  }
0x507: {  	v7 =	vld.idx.msk [tilespmem:v3+s14+$0xFFFFFFF0 ss:$0x1], $0xffff  }
0x508: {  	v8 =	vld.idx.msk [tilespmem:v3+s14+$0x0 ss:$0x1], $0xffff  }
0x509: {  	s12 =	sadd.s32 $0xC400, s12;
	v9 =	vld.idx.msk [tilespmem:v3+s14+$0x10 ss:$0x1], $0xffff  }
0x50a: {  	s15 =	sadd.s32 s6, s12;
	v10 =	vld.idx.msk [tilespmem:v3+s14+$0xFFFFFFC0 ss:$0x1], $0xffff  }
0x50b: {  	[tilespmem:s15+$0x70] =	vst.add.f32.msk $0xffff, v4  }
0x50c: {  	v4 =	vld.idx.msk [tilespmem:v3+s14+$0x20 ss:$0x1], $0xffff  }
0x50d: {  	[tilespmem:s15+$0x10] =	vst.add.f32.msk $0xffff, v5  }
0x50e: {  	[tilespmem:s15+$0x20] =	vst.add.f32.msk $0xffff, v6  }
0x50f: {  	[tilespmem:s15+$0x30] =	vst.add.f32.msk $0xffff, v7  }
0x510: {  	[tilespmem:s15+$0x40] =	vst.add.f32.msk $0xffff, v8  }
0x511: {  	[tilespmem:s15+$0x50] =	vst.add.f32.msk $0xffff, v9  }
0x512: {  	[tilespmem:s15+$0x0] =	vst.add.f32.msk $0xffff, v10  }
0x513: {  	s13 =	simm.s32 $0x0;
	s14 =	sadd.s32 $0x400, s14;
	[tilespmem:s15+$0x60] =	vst.add.f32.msk $0xffff, v4  }
.LBB2_55:
0x514: {  	v4 =	vld.idx.msk [tilespmem:v3+s14+$0x30 ss:$0x1], $0xffff;
	s13 =	sadd.s32 $0x8, s13  }
0x515: {  	v5 =	vld.idx.msk [tilespmem:v3+s14+$0xFFFFFFD0 ss:$0x1], $0xffff;
	p0 =	slt.u32 s13, $0x38  }
0x516: {  	v6 =	vld.idx.msk [tilespmem:v3+s14+$0xFFFFFFE0 ss:$0x1], $0xffff  }
0x517: {  	v7 =	vld.idx.msk [tilespmem:v3+s14+$0xFFFFFFF0 ss:$0x1], $0xffff  }
0x518: {  	s12 =	sadd.s32 $0x400, s12;
	v8 =	vld.idx.msk [tilespmem:v3+s14+$0x0 ss:$0x1], $0xffff  }
0x519: {  	s15 =	sadd.s32 s6, s12;
	v9 =	vld.idx.msk [tilespmem:v3+s14+$0x10 ss:$0x1], $0xffff  }
0x51a: {  	[tilespmem:s15+$0x70] =	vst.add.f32.msk $0xffff, v4  }
0x51b: {  	v4 =	vld.idx.msk [tilespmem:v3+s14+$0x20 ss:$0x1], $0xffff  }
0x51c: {  	v10 =	vld.idx.msk [tilespmem:v3+s14+$0xFFFFFFC0 ss:$0x1], $0xffff  }
0x51d: {  	[tilespmem:s15+$0x10] =	vst.add.f32.msk $0xffff, v5  }
0x51e: {  	[tilespmem:s15+$0x20] =	vst.add.f32.msk $0xffff, v6  }
.Ltmp26:
0x51f: {  	[tilespmem:s15+$0x30] =	vst.add.f32.msk $0xffff, v7;
	(pc) =	sbr.rel @p0 .LBB2_55-.Ltmp26, $4  }
0x520: {  	[tilespmem:s15+$0x40] =	vst.add.f32.msk $0xffff, v8  }
0x521: {  	[tilespmem:s15+$0x50] =	vst.add.f32.msk $0xffff, v9  }
0x522: {  	[tilespmem:s15+$0x0] =	vst.add.f32.msk $0xffff, v10  }
0x523: {  	s14 =	sadd.s32 $0x400, s14;
	[tilespmem:s15+$0x60] =	vst.add.f32.msk $0xffff, v4  }
0x524: {  	s5 =	sadd.s32 $0x1, s5  }
0x525: {  	p0 =	sne.s32 s5, $0x18  }
.Ltmp27:
0x526: {  	_ = 	snop;
	(pc) =	sbr.rel @p0 .LBB2_54-.Ltmp27, $2  }
0x527: {  	_ =	sdelay $0x2  }
0x528: {  	s4 =	sadd.s32 $0x1, s4;
	s1 =	sadd.s32 $0x400, s1  }
0x529: {  	s4 =	sld [smem:$0x7F9];
	_ =	sdelay $0x1  }
0x52a: {  	s1 =	simm.s32 $0x0  }
0x52b: {  	[hbm4b:s4+s1] =	stream.linear.scatter [tilespmem:s11], [sflag:$0x4], $0x6000, $0x38;
	[tilespmem:$0x1E480] =	vst v63  }
0x52c: {  	_ =	swait.ge [sflag:s26], $0x6000  }
0x52d: {  	[sflag:s26] =	ssyncset.done $0x0  }
0x52e: {  	[sflag:s26] =	ssyncadd.s32 $0xFFFFA000  }
0x52f: {  	v3 =	vld [tilespmem:$0x398];
	_ =	sdelay $0x4  }
0x530: {  	v4 =	vshll.u32 v3, $0x3  }
0x531: {  	v3 =	vand.u32 $0x7, v3;
	v4 =	vand.u32 $0xFFFFFFC0, v4  }
0x532: {  	v3 =	vor.u32 v3, v4  }
0x533: {  	v4 =	vperm.xlane v3, v0;
	_ =	sdelay $0x1  }
0x534: {  	v4 =	vadd.s32 v1, v4;
	_ =	sdelay $0x4  }
0x535: {  	[tilespmem:s11], [sflag:$0x1] =	stream.indirect_vreg.gather [hbm4b:s2+s1], $0x80, v4, vm0, $0xb8;
	[tilespmem:$0x1E480] =	vst v63  }
0x536: {  	s12 =	simm.s32 $0xCC00;
	v3 =	vperm.xlane v3, v2  }
0x537: {  	[tilespmem:s12], [sflag:$0x1] =	stream.indirect_vreg.gather [hbm4b:s7+s1], $0x80, v4, vm0, $0xb8;
	[tilespmem:$0x1E480] =	vst v63  }
0x538: {  	s13 =	simm.s32 $0xD400;
	v3 =	vadd.s32 v1, v3  }
0x539: {  	[tilespmem:s13], [sflag:$0x1] =	stream.indirect_vreg.gather [hbm4b:s8+s1], $0x80, v4, vm0, $0xb8;
	[tilespmem:$0x1E480] =	vst v63  }
0x53a: {  	s14 =	simm.s32 $0xDC00  }
0x53b: {  	[tilespmem:s14], [sflag:$0x1] =	stream.indirect_vreg.gather [hbm4b:s9+s1], $0x80, v4, vm0, $0xb8;
	[tilespmem:$0x1E480] =	vst v63  }
0x53c: {  	s15 =	simm.s32 $0xE400  }
0x53d: {  	[tilespmem:s15], [sflag:$0x1] =	stream.indirect_vreg.gather [hbm4b:s2+s1], $0x80, v3, vm0, $0xb8;
	[tilespmem:$0x1E480] =	vst v63  }
0x53e: {  	_ = 	snop  }
0x53f: {  	[tilespmem:s16], [sflag:$0x1] =	stream.indirect_vreg.gather [hbm4b:s7+s1], $0x80, v3, vm0, $0xb8;
	[tilespmem:$0x1E480] =	vst v63  }
0x540: {  	_ = 	snop  }
0x541: {  	[tilespmem:s17], [sflag:$0x1] =	stream.indirect_vreg.gather [hbm4b:s8+s1], $0x80, v3, vm0, $0xb8;
	[tilespmem:$0x1E480] =	vst v63  }
0x542: {  	_ = 	snop  }
0x543: {  	[tilespmem:s18], [sflag:$0x1] =	stream.indirect_vreg.gather [hbm4b:s9+s1], $0x80, v3, vm0, $0xb8;
	[tilespmem:$0x1E480] =	vst v63  }
0x544: {  	v3 =	vld.msk [tilespmem:$0x3A8], $0xff;
	_ =	sdelay $0x4  }
0x545: {  	v63 =	vshll.u32 v3, $0x3  }
0x546: {  	v3 =	vand.u32 $0x7, v3;
	v4 =	vand.u32 $0xFFFFFFC0, v63  }
0x547: {  	v3 =	vor.u32 v3, v4  }
0x548: {  	v3 =	vperm.xlane v3, v0;
	_ =	sdelay $0x1  }
0x549: {  	v3 =	vadd.s32 v1, v3;
	_ =	sdelay $0x4  }
0x54a: {  	[tilespmem:s19], [sflag:$0x1] =	stream.indirect_vreg.gather [hbm4b:s2+s1], $0x80, v3, vm0, $0xb8;
	[tilespmem:$0x1E480] =	vst v63  }
0x54b: {  	_ = 	snop  }
0x54c: {  	[tilespmem:s20], [sflag:$0x1] =	stream.indirect_vreg.gather [hbm4b:s7+s1], $0x80, v3, vm0, $0xb8;
	[tilespmem:$0x1E480] =	vst v63  }
0x54d: {  	_ = 	snop  }
0x54e: {  	[tilespmem:s21], [sflag:$0x1] =	stream.indirect_vreg.gather [hbm4b:s8+s1], $0x80, v3, vm0, $0xb8;
	[tilespmem:$0x1E480] =	vst v63  }
0x54f: {  	_ = 	snop  }
0x550: {  	[tilespmem:s22], [sflag:$0x1] =	stream.indirect_vreg.gather [hbm4b:s9+s1], $0x80, v3, vm0, $0xb8;
	[tilespmem:$0x1E480] =	vst v63  }
0x551: {  	_ =	swait.ge [sflag:s28], $0x6000  }
0x552: {  	[sflag:s28] =	ssyncset.done $0x0  }
0x553: {  	s5 =	simm.s32 $0x0;
	s4 =	simm.s32 $0x0;
	[sflag:s28] =	ssyncadd.s32 $0xFFFFA000  }
.LBB2_58:
0x554: {  	s6 =	sand.u32 $0x7, s4  }
0x555: {  	s6 =	sshll.u32 s6, $0x9  }
0x556: {  	s6 =	sshrl.u32 s6, $0x2  }
0x557: {  	v3 =	vmov s6;
	_ =	sdelay $0x2  }
0x558: {  	s12 =	sand.u32 $0x3FFFE000, s1  }
0x559: {  	s14 =	sor.u32 $0x400, s12  }
0x55a: {  	v4 =	vld.idx.msk [tilespmem:v3+s14+$0x6070 ss:$0x1], $0xffff  }
0x55b: {  	v5 =	vld.idx.msk [tilespmem:v3+s14+$0x6010 ss:$0x1], $0xffff  }
0x55c: {  	v6 =	vld.idx.msk [tilespmem:v3+s14+$0x6020 ss:$0x1], $0xffff  }
0x55d: {  	v7 =	vld.idx.msk [tilespmem:v3+s14+$0x6030 ss:$0x1], $0xffff  }
0x55e: {  	v8 =	vld.idx.msk [tilespmem:v3+s14+$0x6040 ss:$0x1], $0xffff  }
0x55f: {  	s12 =	sadd.s32 $0x12400, s12;
	v9 =	vld.idx.msk [tilespmem:v3+s14+$0x6050 ss:$0x1], $0xffff  }
0x560: {  	s15 =	sadd.s32 s6, s12;
	v10 =	vld.idx.msk [tilespmem:v3+s14+$0x6000 ss:$0x1], $0xffff  }
0x561: {  	[tilespmem:s15+$0x70] =	vst.add.f32.msk $0xffff, v4  }
0x562: {  	v4 =	vld.idx.msk [tilespmem:v3+s14+$0x6060 ss:$0x1], $0xffff  }
0x563: {  	[tilespmem:s15+$0x10] =	vst.add.f32.msk $0xffff, v5  }
0x564: {  	[tilespmem:s15+$0x20] =	vst.add.f32.msk $0xffff, v6  }
0x565: {  	[tilespmem:s15+$0x30] =	vst.add.f32.msk $0xffff, v7  }
0x566: {  	[tilespmem:s15+$0x40] =	vst.add.f32.msk $0xffff, v8  }
0x567: {  	[tilespmem:s15+$0x50] =	vst.add.f32.msk $0xffff, v9  }
0x568: {  	[tilespmem:s15+$0x0] =	vst.add.f32.msk $0xffff, v10  }
0x569: {  	s13 =	simm.s32 $0x0;
	s14 =	sadd.s32 $0x400, s14;
	[tilespmem:s15+$0x60] =	vst.add.f32.msk $0xffff, v4  }
.LBB2_59:
0x56a: {  	v4 =	vld.idx.msk [tilespmem:v3+s14+$0x6070 ss:$0x1], $0xffff;
	s13 =	sadd.s32 $0x8, s13  }
0x56b: {  	v5 =	vld.idx.msk [tilespmem:v3+s14+$0x6010 ss:$0x1], $0xffff;
	p0 =	slt.u32 s13, $0x38  }
0x56c: {  	v6 =	vld.idx.msk [tilespmem:v3+s14+$0x6020 ss:$0x1], $0xffff  }
0x56d: {  	v7 =	vld.idx.msk [tilespmem:v3+s14+$0x6030 ss:$0x1], $0xffff  }
0x56e: {  	s12 =	sadd.s32 $0x400, s12;
	v8 =	vld.idx.msk [tilespmem:v3+s14+$0x6040 ss:$0x1], $0xffff  }
0x56f: {  	s15 =	sadd.s32 s6, s12;
	v9 =	vld.idx.msk [tilespmem:v3+s14+$0x6050 ss:$0x1], $0xffff  }
0x570: {  	[tilespmem:s15+$0x70] =	vst.add.f32.msk $0xffff, v4  }
0x571: {  	v4 =	vld.idx.msk [tilespmem:v3+s14+$0x6060 ss:$0x1], $0xffff  }
0x572: {  	v10 =	vld.idx.msk [tilespmem:v3+s14+$0x6000 ss:$0x1], $0xffff  }
0x573: {  	[tilespmem:s15+$0x10] =	vst.add.f32.msk $0xffff, v5  }
0x574: {  	[tilespmem:s15+$0x20] =	vst.add.f32.msk $0xffff, v6  }
.Ltmp28:
0x575: {  	[tilespmem:s15+$0x30] =	vst.add.f32.msk $0xffff, v7;
	(pc) =	sbr.rel @p0 .LBB2_59-.Ltmp28, $4  }
0x576: {  	[tilespmem:s15+$0x40] =	vst.add.f32.msk $0xffff, v8  }
0x577: {  	[tilespmem:s15+$0x50] =	vst.add.f32.msk $0xffff, v9  }
0x578: {  	[tilespmem:s15+$0x0] =	vst.add.f32.msk $0xffff, v10  }
0x579: {  	s14 =	sadd.s32 $0x400, s14;
	[tilespmem:s15+$0x60] =	vst.add.f32.msk $0xffff, v4  }
0x57a: {  	s5 =	sadd.s32 $0x1, s5  }
0x57b: {  	p0 =	sne.s32 s5, $0x18  }
.Ltmp29:
0x57c: {  	_ = 	snop;
	(pc) =	sbr.rel @p0 .LBB2_58-.Ltmp29, $2  }
0x57d: {  	_ =	sdelay $0x2  }
0x57e: {  	s4 =	sadd.s32 $0x1, s4;
	s1 =	sadd.s32 $0x400, s1  }
0x57f: {  	s4 =	sld [smem:$0x7FA];
	_ =	sdelay $0x1  }
0x580: {  	s1 =	simm.s32 $0x0  }
0x581: {  	[hbm4b:s4+s1] =	stream.linear.scatter [tilespmem:s23], [sflag:$0x5], $0x6000, $0x38;
	[tilespmem:$0x1E480] =	vst v63  }
0x582: {  	_ =	swait.ge [sflag:s30], $0x6000  }
0x583: {  	[sflag:s30] =	ssyncset.done $0x0  }
0x584: {  	s5 =	simm.s32 $0x0;
	s4 =	simm.s32 $0x0;
	[sflag:s30] =	ssyncadd.s32 $0xFFFFA000  }
.LBB2_62:
0x585: {  	s6 =	sand.u32 $0x7, s4  }
0x586: {  	s6 =	sshll.u32 s6, $0x9  }
0x587: {  	s6 =	sshrl.u32 s6, $0x2  }
0x588: {  	v3 =	vmov s6;
	_ =	sdelay $0x2  }
0x589: {  	s12 =	sand.u32 $0x3FFFE000, s1  }
0x58a: {  	s14 =	sor.u32 $0x440, s12  }
0x58b: {  	v4 =	vld.idx.msk [tilespmem:v3+s14+$0x30 ss:$0x1], $0xffff  }
0x58c: {  	v5 =	vld.idx.msk [tilespmem:v3+s14+$0xFFFFFFD0 ss:$0x1], $0xffff  }
0x58d: {  	v6 =	vld.idx.msk [tilespmem:v3+s14+$0xFFFFFFE0 ss:$0x1], $0xffff  }
0x58e: {  	v7 =	vld.idx.msk [tilespmem:v3+s14+$0xFFFFFFF0 ss:$0x1], $0xffff  }
0x58f: {  	v8 =	vld.idx.msk [tilespmem:v3+s14+$0x0 ss:$0x1], $0xffff  }
0x590: {  	s12 =	sadd.s32 $0x18400, s12;
	v9 =	vld.idx.msk [tilespmem:v3+s14+$0x10 ss:$0x1], $0xffff  }
0x591: {  	s15 =	sadd.s32 s6, s12;
	v10 =	vld.idx.msk [tilespmem:v3+s14+$0xFFFFFFC0 ss:$0x1], $0xffff  }
0x592: {  	[tilespmem:s15+$0x70] =	vst.add.f32.msk $0xffff, v4  }
0x593: {  	v4 =	vld.idx.msk [tilespmem:v3+s14+$0x20 ss:$0x1], $0xffff  }
0x594: {  	[tilespmem:s15+$0x10] =	vst.add.f32.msk $0xffff, v5  }
0x595: {  	[tilespmem:s15+$0x20] =	vst.add.f32.msk $0xffff, v6  }
0x596: {  	[tilespmem:s15+$0x30] =	vst.add.f32.msk $0xffff, v7  }
0x597: {  	[tilespmem:s15+$0x40] =	vst.add.f32.msk $0xffff, v8  }
0x598: {  	[tilespmem:s15+$0x50] =	vst.add.f32.msk $0xffff, v9  }
0x599: {  	[tilespmem:s15+$0x0] =	vst.add.f32.msk $0xffff, v10  }
0x59a: {  	s13 =	simm.s32 $0x0;
	s14 =	sadd.s32 $0x400, s14;
	[tilespmem:s15+$0x60] =	vst.add.f32.msk $0xffff, v4  }
.LBB2_63:
0x59b: {  	v4 =	vld.idx.msk [tilespmem:v3+s14+$0x30 ss:$0x1], $0xffff;
	s13 =	sadd.s32 $0x8, s13  }
0x59c: {  	v5 =	vld.idx.msk [tilespmem:v3+s14+$0xFFFFFFD0 ss:$0x1], $0xffff;
	p0 =	slt.u32 s13, $0x38  }
0x59d: {  	v6 =	vld.idx.msk [tilespmem:v3+s14+$0xFFFFFFE0 ss:$0x1], $0xffff  }
0x59e: {  	v7 =	vld.idx.msk [tilespmem:v3+s14+$0xFFFFFFF0 ss:$0x1], $0xffff  }
0x59f: {  	s12 =	sadd.s32 $0x400, s12;
	v8 =	vld.idx.msk [tilespmem:v3+s14+$0x0 ss:$0x1], $0xffff  }
0x5a0: {  	s15 =	sadd.s32 s6, s12;
	v9 =	vld.idx.msk [tilespmem:v3+s14+$0x10 ss:$0x1], $0xffff  }
0x5a1: {  	[tilespmem:s15+$0x70] =	vst.add.f32.msk $0xffff, v4  }
0x5a2: {  	v4 =	vld.idx.msk [tilespmem:v3+s14+$0x20 ss:$0x1], $0xffff  }
0x5a3: {  	v10 =	vld.idx.msk [tilespmem:v3+s14+$0xFFFFFFC0 ss:$0x1], $0xffff  }
0x5a4: {  	[tilespmem:s15+$0x10] =	vst.add.f32.msk $0xffff, v5  }
0x5a5: {  	[tilespmem:s15+$0x20] =	vst.add.f32.msk $0xffff, v6  }
.Ltmp30:
0x5a6: {  	[tilespmem:s15+$0x30] =	vst.add.f32.msk $0xffff, v7;
	(pc) =	sbr.rel @p0 .LBB2_63-.Ltmp30, $4  }
0x5a7: {  	[tilespmem:s15+$0x40] =	vst.add.f32.msk $0xffff, v8  }
0x5a8: {  	[tilespmem:s15+$0x50] =	vst.add.f32.msk $0xffff, v9  }
0x5a9: {  	[tilespmem:s15+$0x0] =	vst.add.f32.msk $0xffff, v10  }
0x5aa: {  	s14 =	sadd.s32 $0x400, s14;
	[tilespmem:s15+$0x60] =	vst.add.f32.msk $0xffff, v4  }
0x5ab: {  	s5 =	sadd.s32 $0x1, s5  }
0x5ac: {  	p0 =	sne.s32 s5, $0x18  }
.Ltmp31:
0x5ad: {  	_ = 	snop;
	(pc) =	sbr.rel @p0 .LBB2_62-.Ltmp31, $2  }
0x5ae: {  	_ =	sdelay $0x2  }
0x5af: {  	s4 =	sadd.s32 $0x1, s4;
	s1 =	sadd.s32 $0x400, s1  }
0x5b0: {  	s4 =	sld [smem:$0x7FB];
	_ =	sdelay $0x1  }
0x5b1: {  	s1 =	simm.s32 $0x0  }
0x5b2: {  	[hbm4b:s4+s1] =	stream.linear.scatter [tilespmem:s24], [sflag:$0x6], $0x6000, $0x38;
	[tilespmem:$0x1E480] =	vst v63  }
0x5b3: {  	_ =	swait.ge [sflag:s25], $0x6000  }
0x5b4: {  	[sflag:s25] =	ssyncset.done $0x0  }
0x5b5: {  	s5 =	simm.s32 $0x0;
	s4 =	simm.s32 $0x0;
	[sflag:s25] =	ssyncadd.s32 $0xFFFFA000  }
.LBB2_66:
0x5b6: {  	s6 =	sand.u32 $0x7, s4  }
0x5b7: {  	s6 =	sshll.u32 s6, $0x9  }
0x5b8: {  	s6 =	sshrl.u32 s6, $0x2  }
0x5b9: {  	v3 =	vmov s6;
	_ =	sdelay $0x2  }
0x5ba: {  	s12 =	sand.u32 $0x3FFFE000, s1  }
0x5bb: {  	s14 =	sor.u32 $0x400, s12  }
0x5bc: {  	v4 =	vld.idx.msk [tilespmem:v3+s14+$0x6070 ss:$0x1], $0xffff  }
0x5bd: {  	v5 =	vld.idx.msk [tilespmem:v3+s14+$0x6010 ss:$0x1], $0xffff  }
0x5be: {  	v6 =	vld.idx.msk [tilespmem:v3+s14+$0x6020 ss:$0x1], $0xffff  }
0x5bf: {  	v7 =	vld.idx.msk [tilespmem:v3+s14+$0x6030 ss:$0x1], $0xffff  }
0x5c0: {  	v8 =	vld.idx.msk [tilespmem:v3+s14+$0x6040 ss:$0x1], $0xffff  }
0x5c1: {  	s12 =	sadd.s32 $0xC400, s12;
	v9 =	vld.idx.msk [tilespmem:v3+s14+$0x6050 ss:$0x1], $0xffff  }
0x5c2: {  	s15 =	sadd.s32 s6, s12;
	v10 =	vld.idx.msk [tilespmem:v3+s14+$0x6000 ss:$0x1], $0xffff  }
0x5c3: {  	[tilespmem:s15+$0x70] =	vst.add.f32.msk $0xffff, v4  }
0x5c4: {  	v4 =	vld.idx.msk [tilespmem:v3+s14+$0x6060 ss:$0x1], $0xffff  }
0x5c5: {  	[tilespmem:s15+$0x10] =	vst.add.f32.msk $0xffff, v5  }
0x5c6: {  	[tilespmem:s15+$0x20] =	vst.add.f32.msk $0xffff, v6  }
0x5c7: {  	[tilespmem:s15+$0x30] =	vst.add.f32.msk $0xffff, v7  }
0x5c8: {  	[tilespmem:s15+$0x40] =	vst.add.f32.msk $0xffff, v8  }
0x5c9: {  	[tilespmem:s15+$0x50] =	vst.add.f32.msk $0xffff, v9  }
0x5ca: {  	[tilespmem:s15+$0x0] =	vst.add.f32.msk $0xffff, v10  }
0x5cb: {  	s13 =	simm.s32 $0x0;
	s14 =	sadd.s32 $0x400, s14;
	[tilespmem:s15+$0x60] =	vst.add.f32.msk $0xffff, v4  }
.LBB2_67:
0x5cc: {  	v4 =	vld.idx.msk [tilespmem:v3+s14+$0x6070 ss:$0x1], $0xffff;
	s13 =	sadd.s32 $0x8, s13  }
0x5cd: {  	v5 =	vld.idx.msk [tilespmem:v3+s14+$0x6010 ss:$0x1], $0xffff;
	p0 =	slt.u32 s13, $0x38  }
0x5ce: {  	v6 =	vld.idx.msk [tilespmem:v3+s14+$0x6020 ss:$0x1], $0xffff  }
0x5cf: {  	v7 =	vld.idx.msk [tilespmem:v3+s14+$0x6030 ss:$0x1], $0xffff  }
0x5d0: {  	s12 =	sadd.s32 $0x400, s12;
	v8 =	vld.idx.msk [tilespmem:v3+s14+$0x6040 ss:$0x1], $0xffff  }
0x5d1: {  	s15 =	sadd.s32 s6, s12;
	v9 =	vld.idx.msk [tilespmem:v3+s14+$0x6050 ss:$0x1], $0xffff  }
0x5d2: {  	[tilespmem:s15+$0x70] =	vst.add.f32.msk $0xffff, v4  }
0x5d3: {  	v4 =	vld.idx.msk [tilespmem:v3+s14+$0x6060 ss:$0x1], $0xffff  }
0x5d4: {  	v10 =	vld.idx.msk [tilespmem:v3+s14+$0x6000 ss:$0x1], $0xffff  }
0x5d5: {  	[tilespmem:s15+$0x10] =	vst.add.f32.msk $0xffff, v5  }
0x5d6: {  	[tilespmem:s15+$0x20] =	vst.add.f32.msk $0xffff, v6  }
.Ltmp32:
0x5d7: {  	[tilespmem:s15+$0x30] =	vst.add.f32.msk $0xffff, v7;
	(pc) =	sbr.rel @p0 .LBB2_67-.Ltmp32, $4  }
0x5d8: {  	[tilespmem:s15+$0x40] =	vst.add.f32.msk $0xffff, v8  }
0x5d9: {  	[tilespmem:s15+$0x50] =	vst.add.f32.msk $0xffff, v9  }
0x5da: {  	[tilespmem:s15+$0x0] =	vst.add.f32.msk $0xffff, v10  }
0x5db: {  	s14 =	sadd.s32 $0x400, s14;
	[tilespmem:s15+$0x60] =	vst.add.f32.msk $0xffff, v4  }
0x5dc: {  	s5 =	sadd.s32 $0x1, s5  }
0x5dd: {  	p0 =	sne.s32 s5, $0x18  }
.Ltmp33:
0x5de: {  	_ = 	snop;
	(pc) =	sbr.rel @p0 .LBB2_66-.Ltmp33, $2  }
0x5df: {  	_ =	sdelay $0x2  }
0x5e0: {  	s4 =	sadd.s32 $0x1, s4;
	s1 =	sadd.s32 $0x400, s1  }
0x5e1: {  	s1 =	sld [smem:$0x7FC];
	_ =	sdelay $0x2  }
0x5e2: {  	[hbm4b:s1+s3] =	stream.linear.scatter [tilespmem:s11], [sflag:$0x4], $0x6000, $0x38;
	[tilespmem:$0x1E480] =	vst v63  }
0x5e3: {  	_ =	swait.ge [sflag:s29], $0x6000  }
0x5e4: {  	[sflag:s29] =	ssyncset.done $0x0  }
0x5e5: {  	[sflag:s29] =	ssyncadd.s32 $0xFFFFA000  }
0x5e6: {  	_ =	swait.ge [sflag:s31], $0x6000  }
0x5e7: {  	[sflag:s31] =	ssyncset.done $0x0  }
0x5e8: {  	[sflag:s31] =	ssyncadd.s32 $0xFFFFA000  }
0x5e9: {  	_ =	swait.ge [sflag:s26], $0x6000  }
0x5ea: {  	s15 =	sld [smem:$0x7FD];
	_ =	sdelay $0x1  }
0x5eb: {  	s0 =	sadd.s32 $0x1, s0  }
0x5ec: {  	p0 =	sne.s32 s0, s15  }
.Ltmp34:
0x5ed: {  	_ = 	snop;
	(pc) =	sbr.rel @p0 .LBB2_1-.Ltmp34, $3  }
0x5ee: {  	_ =	sdelay $0x1  }
0x5ef: {  	[sflag:s26] =	ssyncset.done $0x0  }
0x5f0: {  	[sflag:s26] =	ssyncadd.s32 $0xFFFFA000  }
0x5f1: {  	_ =	sfence.sel $0x180000  }
0x5f2: {  	[bflag:$0x0] =	sbarrier.arrive $0xFFFF  }
0x5f3: {  	_ =	strace $0x90000047  }
0x5f4: {  	s0 =	stileid.u32;
	[bflag:$0x2] =	sbarrier.arrive $0xFFFF  }
0x5f5: {  	p0 =	sne.s32 s0, $0x0;
	s0 =	rddreg [dreg:$0x4]  }
0x5f6: {  	s0 =	sadd.s32 @!p0 $0x100000, s0  }
0x5f7: {  	[sflag:s0] =	ssyncadd.tile.s32 @!p0 $0x1;
	_ =	shalt  }
.Lfunc_end2:
_tile_overlayer_lowered:
.L_overlay_start_2:
0x5f8: {  	(tag) =	ssettag $0x2  }
0x5f9: {  	s0 =	rddreg [dreg:$0x0];
	s2 =	stileid.u32  }
0x5fa: {  	s1 =	rddreg [dreg:$0x1];
	p0 =	sne.s32 s2, $0x0  }
0x5fb: {  	s3 =	rddreg [dreg:$0x2];
	[bflag:$0x3] =	sbarrier.arrive $0xFFFF;
	s2 =	simm.s32 @!p0 $0x1C07  }
0x5fc: {  	[timem:s3], [sflag:s2] =	dma.local @!p0 [hbm:s0], s1  }
0x5fd: {  	s0 =	simm.s32 @!p0 $0x7  }
0x5fe: {  	_ =	swait.ge @!p0 [sflag:s0], s1  }
0x5ff: {  	s1 =	ssub.s32 @!p0 $0x0, s1;
	[sflag:s0] =	ssyncset.done @!p0 $0x0  }
0x600: {  	[sflag:s0] =	ssyncadd.s32 @!p0 s1  }
0x601: {  	[bflag:$0x3] =	sbarrier.arrive $0xFFFF  }
0x602: {  	_ =	shalt  }

</sc_bundles>
